<compile_context>
chip_gen: v7x
topology: tpu7x:2x2x1
jax: 0.10.2.dev20260603
libtpu: 0.0.44.dev20260713+nightly
codegen_flags: <defaults>
</compile_context>

<pallas_src>
import functools

import jax
import jax.numpy as jnp
from jax import lax
from jax.experimental import pallas as pl
from jax.experimental.pallas import tpu as pltpu
from jax.experimental.pallas import tpu_sc as plsc

NEG = -1e30
BIG = 2**30



def _head_body(h_ref, bi_ref, g_ref, w1_ref, b1_ref, lng_ref, lnb_ref,
               w2_ref, b2_ref, logits_ref, prob_ref, seed_ref):
    nblk = pl.num_programs(0)
    i = pl.program_id(0)
    R = h_ref.shape[0]
    GB = g_ref.shape[0]

    bi = bi_ref[pl.ds(i, 1)].reshape(1, R)
    one = (bi == lax.broadcasted_iota(jnp.int32, (GB, R), 0))
    onef = one.astype(jnp.float32)
    g_rep = lax.dot_general(onef, g_ref[...], (((0,), (0,)), ((), ())),
                            preferred_element_type=jnp.float32)
    z = h_ref[...] + g_rep
    u = jnp.dot(z, w1_ref[...], preferred_element_type=jnp.float32) + b1_ref[...]
    H2 = u.shape[1]
    mu = jnp.sum(u, axis=-1, keepdims=True) * (1.0 / H2)
    d = u - mu
    var = jnp.sum(d * d, axis=-1, keepdims=True) * (1.0 / H2)
    un = d * lax.rsqrt(var + 1e-5) * lng_ref[...] + lnb_ref[...]
    ur = jnp.maximum(un, 0.0)
    lrow = lax.dot_general(w2_ref[...], ur, (((1,), (1,)), ((), ())),
                           preferred_element_type=jnp.float32) + b2_ref[...]
    logits_ref[pl.ds(i, 1)] = lrow.reshape(1, 1, R)

    @pl.when(i == nblk - 1)
    def _segment_stage():
        def chunk(c):
            l = logits_ref[c].reshape(1, R)
            b = bi_ref[c].reshape(1, R)
            o = (b == lax.broadcasted_iota(jnp.int32, (GB, R), 0))
            return l, o, o.astype(jnp.float32)

        mx = jnp.full((GB, 1), NEG, jnp.float32)
        for c in range(nblk):
            l, o, _ = chunk(c)
            mx = jnp.maximum(mx, jnp.max(jnp.where(o, l, NEG), axis=1,
                                         keepdims=True))

        ss = jnp.zeros((GB, 1), jnp.float32)
        for c in range(nblk):
            l, o, of = chunk(c)
            mxr = lax.dot_general(mx, of, (((0,), (0,)), ((), ())),
                                  preferred_element_type=jnp.float32)
            ex = jnp.exp(l - mxr)
            ss = ss + jnp.sum(jnp.where(o, ex, 0.0), axis=1, keepdims=True)

        pm = jnp.full((GB, 1), NEG, jnp.float32)
        for c in range(nblk):
            l, o, of = chunk(c)
            mxr = lax.dot_general(mx, of, (((0,), (0,)), ((), ())),
                                  preferred_element_type=jnp.float32)
            ssr = lax.dot_general(ss, of, (((0,), (0,)), ((), ())),
                                  preferred_element_type=jnp.float32)
            p = jnp.exp(l - mxr) / ssr
            prob_ref[c] = p.reshape(1, R)
            pm = jnp.maximum(pm, jnp.max(jnp.where(o, p, NEG), axis=1,
                                         keepdims=True))

        im = jnp.full((GB, 1), BIG, jnp.int32)
        for c in range(nblk):
            _, o, _ = chunk(c)
            p = prob_ref[c].reshape(1, R)
            gidx = c * R + lax.broadcasted_iota(jnp.int32, (1, R), 1)
            cand = jnp.where(o & (p == pm), gidx, BIG)
            im = jnp.minimum(im, jnp.min(cand, axis=1, keepdims=True))

        for c in range(nblk):
            _, o, _ = chunk(c)
            gidx = c * R + lax.broadcasted_iota(jnp.int32, (1, R), 1)
            hit = jnp.where(o & (gidx == im), 1.0, 0.0)
            seed_ref[c] = jnp.max(hit, axis=0, keepdims=True).reshape(1, R)


def _head_call(h, g, batch_ids, W1, b1, ln_g, ln_b, W2, b2):
    N, HID = h.shape
    B = g.shape[0]
    H2 = W1.shape[1]
    R = 2000
    nblk = N // R
    GB = 128
    g_pad = jnp.zeros((GB, HID), jnp.float32).at[:B].set(g)
    bi3 = batch_ids.astype(jnp.int32).reshape(nblk, 1, R)

    full3 = lambda s: pl.BlockSpec(s, lambda i: (0, 0, 0))
    full2 = lambda s: pl.BlockSpec(s, lambda i: (0, 0))
    outs = pl.pallas_call(
        _head_body,
        grid=(nblk,),
        in_specs=[
            pl.BlockSpec((R, HID), lambda i: (i, 0)),
            full3((nblk, 1, R)),
            full2((GB, HID)),
            full2((HID, H2)),
            full2((1, H2)),
            full2((1, H2)),
            full2((1, H2)),
            full2((1, H2)),
            full2((1, 1)),
        ],
        out_specs=[full3((nblk, 1, R)), full3((nblk, 1, R)),
                   full3((nblk, 1, R))],
        out_shape=[jax.ShapeDtypeStruct((nblk, 1, R), jnp.float32)] * 3,
    )(h, bi3, g_pad, W1, b1.reshape(1, H2), ln_g.reshape(1, H2),
      ln_b.reshape(1, H2), W2.reshape(1, H2), b2.reshape(1, 1))
    logits3, prob3, seed3 = outs
    return logits3.reshape(N), prob3.reshape(N), seed3.reshape(N)



_NPAD = 10240
_SLC = _NPAD // 16


def _edge_body(EP, N, edge_hbm, seed_hbm, logits_hbm,
               ew_hbm, em_hbm, ni_hbm,
               src_v, dst_v, out_v, fr_v, nx_v, rc_v, lg_v, ni_v,
               sem, sh_all, sh_comb):
    sid = lax.axis_index("s")
    cid = lax.axis_index("c")
    E = EP * 16
    half = EP // 2
    zeros16 = jnp.zeros((16,), jnp.float32)
    ones16 = jnp.ones((16,), jnp.float32)

    cps = [pltpu.async_copy(edge_hbm.at[pl.ds(sid * EP, EP)], src_v, sem),
           pltpu.async_copy(edge_hbm.at[pl.ds(E + sid * EP, EP)], dst_v, sem),
           pltpu.async_copy(seed_hbm, fr_v.at[pl.ds(0, N)], sem),
           pltpu.async_copy(seed_hbm, rc_v.at[pl.ds(0, N)], sem),
           pltpu.async_copy(logits_hbm, lg_v.at[pl.ds(0, N)], sem)]

    @plsc.parallel_loop(0, _NPAD, 16, unroll=8)
    def _zero(t):
        t = pl.multiple_of(t, 16)
        nx_v[pl.ds(t, 16)] = zeros16
        ni_v[pl.ds(t, 16)] = zeros16

    @plsc.parallel_loop(N, _NPAD, 16)
    def _zero_tail(t):
        t = pl.multiple_of(t, 16)
        fr_v[pl.ds(t, 16)] = zeros16
        rc_v[pl.ds(t, 16)] = zeros16

    for cp in cps:
        cp.wait()

    def combine(part_v):
        pltpu.sync_copy(part_v, sh_all.at[pl.ds(sid * _NPAD, _NPAD)])
        plsc.subcore_barrier()
        rds = [pltpu.async_copy(
            sh_all.at[pl.ds(c * _NPAD + sid * _SLC, _SLC)],
            out_v.at[pl.ds(c * _SLC, _SLC)], sem) for c in range(16)]
        for cp in rds:
            cp.wait()

        @plsc.parallel_loop(0, _SLC, 16, unroll=4)
        def _sum(t):
            t = pl.multiple_of(t, 16)
            acc = out_v[pl.ds(t, 16)]
            for c in range(1, 16):
                acc = acc + out_v[pl.ds(c * _SLC + t, 16)]
            out_v[pl.ds(t, 16)] = acc

    def hop():
        @plsc.parallel_loop(0, EP, 16, unroll=8)
        def _scan(e):
            e = pl.multiple_of(e, 16)
            d = dst_v[pl.ds(e, 16)]
            fm = plsc.load_gather(fr_v, [d])
            s = src_v[pl.ds(e, 16)]
            plsc.store_scatter(nx_v, [s], ones16, mask=fm > 0.0)

        combine(nx_v)
        pltpu.sync_copy(out_v.at[pl.ds(0, _SLC)],
                        sh_comb.at[pl.ds(sid * _SLC, _SLC)])
        plsc.subcore_barrier()
        pltpu.sync_copy(sh_comb, fr_v)

        @plsc.parallel_loop(0, _NPAD, 16, unroll=8)
        def _upd(t):
            t = pl.multiple_of(t, 16)
            rc_v[pl.ds(t, 16)] = rc_v[pl.ds(t, 16)] + fr_v[pl.ds(t, 16)]
            nx_v[pl.ds(t, 16)] = zeros16

    hop()
    hop()

    def fin_scan(base, with_outputs):
        @plsc.parallel_loop(0, half, 16, unroll=4)
        def _fin(e):
            e = pl.multiple_of(e, 16)
            s = src_v[pl.ds(base + e, 16)]
            d = dst_v[pl.ds(base + e, 16)]
            rs = plsc.load_gather(rc_v, [s])
            rd = plsc.load_gather(rc_v, [d])
            m = (rs > 0.0) & (rd > 0.0)
            plsc.store_scatter(ni_v, [s], ones16, mask=m)
            plsc.store_scatter(ni_v, [d], ones16, mask=m)
            if with_outputs:
                ls = plsc.load_gather(lg_v, [s])
                ld = plsc.load_gather(lg_v, [d])
                out_v[pl.ds(e, 16)] = jnp.where(m, ls + ld, 0.0)
                out_v[pl.ds(half + e, 16)] = jnp.where(m, ones16, zeros16)

    base_mine = pl.multiple_of(cid * half, 16)
    base_other = pl.multiple_of((1 - cid) * half, 16)
    fin_scan(base_mine, True)
    wrs = [pltpu.async_copy(out_v.at[pl.ds(0, half)],
                            ew_hbm.at[pl.ds(sid * EP + base_mine, half)], sem),
           pltpu.async_copy(out_v.at[pl.ds(half, half)],
                            em_hbm.at[pl.ds(sid * EP + base_mine, half)], sem)]
    fin_scan(base_other, False)
    for cp in wrs:
        cp.wait()

    combine(ni_v)

    @pl.when(cid == 0)
    def _wr_ni():
        pltpu.sync_copy(out_v.at[pl.ds(0, _SLC)],
                        ni_hbm.at[pl.ds(sid * _SLC, _SLC)])


def _edge_call(edge_flat, seed, logits):
    E = edge_flat.shape[0] // 2
    N = seed.shape[0]
    EP = E // 16
    mesh = plsc.VectorSubcoreMesh(core_axis_name="c", subcore_axis_name="s",
                                  num_cores=2, num_subcores=16)
    f32 = jnp.float32
    kern = functools.partial(
        pl.kernel,
        out_type=[jax.ShapeDtypeStruct((E,), f32),
                  jax.ShapeDtypeStruct((E,), f32),
                  jax.ShapeDtypeStruct((_NPAD,), f32)],
        mesh=mesh,
        compiler_params=pltpu.CompilerParams(needs_layout_passes=False),
        scratch_types=[
            pltpu.VMEM((EP,), jnp.int32),
            pltpu.VMEM((EP,), jnp.int32),
            pltpu.VMEM((EP,), f32),
            pltpu.VMEM((_NPAD,), f32),
            pltpu.VMEM((_NPAD,), f32),
            pltpu.VMEM((_NPAD,), f32),
            pltpu.VMEM((_NPAD,), f32),
            pltpu.VMEM((_NPAD,), f32),
            pltpu.SemaphoreType.DMA,
            pltpu.VMEM_SHARED((16 * _NPAD,), f32),
            pltpu.VMEM_SHARED((_NPAD,), f32),
        ],
    )(functools.partial(_edge_body, EP, N))
    return kern(edge_flat, seed, logits)


def kernel(h, g, batch_ids, edge_index, W1, b1, ln_g, ln_b, W2, b2):
    N = h.shape[0]
    logits, node_prob, seed = _head_call(h, g, batch_ids, W1, b1,
                                         ln_g, ln_b, W2, b2)
    edge_flat = edge_index.astype(jnp.int32).reshape(-1)
    ew, emf, nic = _edge_call(edge_flat, seed, logits)
    edge_mask = emf > 0.0
    node_in_mask = nic[:N] > 0.0
    return ew, node_prob, edge_mask, node_in_mask

# --- scband reference (transcript-rebuilt; emitter-appended) ---
"""Pipeline reference for scband-subgraph-sampler-46033459479300 (READ-ONLY COPY).

The authoritative reference and input builder live on the scoring server;
editing this copy changes nothing except your own understanding.
"""

import jax, jax.numpy as jnp
import numpy as np

N = 10000
B = 100
E = 320000
HID = 128
N_HOPS = 2


def _segment_softmax(logits, seg, num_seg):
    m = jax.ops.segment_max(logits, seg, num_segments=num_seg)
    ex = jnp.exp(logits - m[seg])
    s = jax.ops.segment_sum(ex, seg, num_segments=num_seg)
    return ex / s[seg]


def _k_hop_edge_mask(seed_mask, edge_index, n_hops, n_nodes):
    # PyG k_hop_subgraph with flow='source_to_target': row = edge_index[1], col = edge_index[0]
    row = edge_index[1]
    col = edge_index[0]
    reached = seed_mask
    frontier = seed_mask
    for _ in range(n_hops):
        em = frontier[row]
        nxt = jax.ops.segment_max(em.astype(jnp.int32), col, num_segments=n_nodes) > 0
        reached = reached | nxt
        frontier = nxt
    return reached[row] & reached[col]


def setup_inputs(seed: int = 0):
    key = jax.random.key(seed)
    ks = jax.random.split(key, 8)
    h = jax.random.normal(ks[0], (N, HID), dtype=jnp.float32)
    g = jax.random.normal(ks[1], (B, HID), dtype=jnp.float32)
    batch_ids = jnp.sort(jax.random.randint(ks[2], (N,), 0, B))
    edge_index = jax.random.randint(ks[3], (2, E), 0, N)
    W1 = jax.random.normal(ks[4], (HID, 2 * HID), dtype=jnp.float32) * (1.0 / np.sqrt(HID))
    b1 = jnp.zeros((2 * HID,), jnp.float32)
    ln_g = jnp.ones((2 * HID,), jnp.float32)
    ln_b = jnp.zeros((2 * HID,), jnp.float32)
    W2 = jax.random.normal(ks[5], (2 * HID, 1), dtype=jnp.float32) * (1.0 / np.sqrt(2 * HID))
    b2 = jnp.zeros((1,), jnp.float32)
    return {"h": h, "g": g, "batch_ids": batch_ids, "edge_index": edge_index,
            "W1": W1, "b1": b1, "ln_g": ln_g, "ln_b": ln_b, "W2": W2, "b2": b2}


def reference(h, g, batch_ids, edge_index, W1, b1, ln_g, ln_b, W2, b2):
    n_nodes = h.shape[0]
    num_graphs = g.shape[0]
    counts = jnp.bincount(batch_ids, length=num_graphs)
    # h + repeat_interleave(g, n_nodes_per_graph)
    g_rep = jnp.repeat(g, counts, axis=0, total_repeat_length=n_nodes)
    z = h + g_rep
    # head: Linear -> LayerNorm -> ReLU -> Linear
    u = z @ W1 + b1
    mu = jnp.mean(u, axis=-1, keepdims=True)
    var = jnp.var(u, axis=-1, keepdims=True)
    u = (u - mu) / jnp.sqrt(var + 1e-5) * ln_g + ln_b
    u = jax.nn.relu(u)
    logits = (u @ W2 + b2).squeeze(-1)
    # per-graph softmax over nodes
    node_prob = _segment_softmax(logits, batch_ids, num_graphs)
    # sparse_to_dense (pad=0) + topk(k=1, dim=1) + one_hot + gather back == per-graph argmax indicator
    offsets = jnp.concatenate([jnp.zeros((1,), counts.dtype), jnp.cumsum(counts)])[:-1]
    pos = jnp.arange(n_nodes) - offsets[batch_ids]
    max_n = n_nodes
    dense = jnp.zeros((num_graphs, max_n), node_prob.dtype).at[batch_ids, pos].set(node_prob)
    arg = jnp.argmax(dense, axis=1)
    node_sample = pos == arg[batch_ids]
    # 2-hop subgraph edge mask around sampled seed nodes
    edge_mask = _k_hop_edge_mask(node_sample, edge_index, N_HOPS, n_nodes)
    # edge weights from endpoint logits
    edge_weight = logits[edge_index[0]] + logits[edge_index[1]]
    edge_weight_masked = jnp.where(edge_mask, edge_weight, 0.0)
    node_weight = node_prob
    # final node mask: nodes touched by surviving edges
    em_i = edge_mask.astype(jnp.int32)
    node_in = jnp.zeros((n_nodes,), jnp.int32)
    node_in = node_in.at[edge_index[0]].max(em_i).at[edge_index[1]].max(em_i)
    node_in_mask = node_in > 0
    return edge_weight_masked, node_weight, edge_mask, node_in_mask

if __name__ == "__main__":
    import jax
    _d = setup_inputs()
    print(jax.jit(kernel)(*tuple(_d.values())))

</pallas_src>

<mosaic_0001>
#map = affine_map<(d0, d1) -> (0)>
module attributes {stable_mosaic.version = 14 : i64} {
  func.func @_edge_body(%arg0: i32, %arg1: i32, %arg2: memref<640000xi32, #tpu.memory_space<hbm>>, %arg3: memref<10000xf32, #tpu.memory_space<hbm>>, %arg4: memref<10000xf32, #tpu.memory_space<hbm>>, %arg5: memref<320000xf32, #tpu.memory_space<hbm>>, %arg6: memref<320000xf32, #tpu.memory_space<hbm>>, %arg7: memref<10240xf32, #tpu.memory_space<hbm>>, %arg8: memref<20000xi32, #tpu.memory_space<vmem>>, %arg9: memref<20000xi32, #tpu.memory_space<vmem>>, %arg10: memref<20000xf32, #tpu.memory_space<vmem>>, %arg11: memref<10240xf32, #tpu.memory_space<vmem>>, %arg12: memref<10240xf32, #tpu.memory_space<vmem>>, %arg13: memref<10240xf32, #tpu.memory_space<vmem>>, %arg14: memref<10240xf32, #tpu.memory_space<vmem>>, %arg15: memref<10240xf32, #tpu.memory_space<vmem>>, %arg16: memref<!tpu.dma_semaphore, #tpu.memory_space<semaphore_mem>>, %arg17: memref<163840xf32, #tpu.memory_space<vmem_shared>>, %arg18: memref<10240xf32, #tpu.memory_space<vmem_shared>>) attributes {dimension_semantics = [#tpu.dimension_semantics<core_parallel>, #tpu.dimension_semantics<subcore_parallel>], iteration_bounds = array<i64: 2, 16>, scalar_prefetch = 0 : i64, scratch_operands = 11 : i64, tpu.core_type = #tpu.core_type<sc_vector_subcore>, window_params = [{transform_indices = #map}, {transform_indices = #map}, {transform_indices = #map}, {transform_indices = #map}, {transform_indices = #map}, {transform_indices = #map}]} {
    %broadcast_in_dim3A = arith.constant 0.000000e+00 : f32
    %broadcast_in_dim3A_0 = vector.broadcast %broadcast_in_dim3A : f32 to vector<16xf32>
    %broadcast_in_dim3A_1 = arith.constant 1.000000e+00 : f32
    %broadcast_in_dim3A_2 = vector.broadcast %broadcast_in_dim3A_1 : f32 to vector<16xf32>
    %mul3A = arith.constant 20000 : i32
    %mul3A_3 = arith.muli %arg1, %mul3A : i32
    %dma_start3A = tpu.memref_slice %arg2[%mul3A_3] : memref<640000xi32, #tpu.memory_space<hbm>> -> memref<20000xi32, #tpu.memory_space<hbm>>
    %dma_start3A_4 = tpu.memref_slice %arg2[%mul3A_3] : memref<640000xi32, #tpu.memory_space<hbm>> -> memref<20000xi32, #tpu.memory_space<hbm>>
    tpu.enqueue_dma source(%dma_start3A_4 : memref<20000xi32, #tpu.memory_space<hbm>>) target(%arg8 : memref<20000xi32, #tpu.memory_space<vmem>>) target_semaphore(%arg16 : memref<!tpu.dma_semaphore, #tpu.memory_space<semaphore_mem>>)
    %mul3A_5 = arith.constant 20000 : i32
    %mul3A_6 = arith.muli %arg1, %mul3A_5 : i32
    %add3A = arith.constant 320000 : i32
    %add3A_7 = arith.addi %add3A, %mul3A_6 : i32
    %dma_start3A_8 = tpu.memref_slice %arg2[%add3A_7] : memref<640000xi32, #tpu.memory_space<hbm>> -> memref<20000xi32, #tpu.memory_space<hbm>>
    %dma_start3A_9 = tpu.memref_slice %arg2[%add3A_7] : memref<640000xi32, #tpu.memory_space<hbm>> -> memref<20000xi32, #tpu.memory_space<hbm>>
    tpu.enqueue_dma source(%dma_start3A_9 : memref<20000xi32, #tpu.memory_space<hbm>>) target(%arg9 : memref<20000xi32, #tpu.memory_space<vmem>>) target_semaphore(%arg16 : memref<!tpu.dma_semaphore, #tpu.memory_space<semaphore_mem>>)
    %dma_start3A_10 = arith.constant 0 : i32
    %dma_start3A_11 = tpu.memref_slice %arg11[%dma_start3A_10] : memref<10240xf32, #tpu.memory_space<vmem>> -> memref<10000xf32, #tpu.memory_space<vmem>>
    %dma_start3A_12 = arith.constant 0 : i32
    %dma_start3A_13 = tpu.memref_slice %arg11[%dma_start3A_12] : memref<10240xf32, #tpu.memory_space<vmem>> -> memref<10000xf32, #tpu.memory_space<vmem>>
    tpu.enqueue_dma source(%arg3 : memref<10000xf32, #tpu.memory_space<hbm>>) target(%dma_start3A_13 : memref<10000xf32, #tpu.memory_space<vmem>>) target_semaphore(%arg16 : memref<!tpu.dma_semaphore, #tpu.memory_space<semaphore_mem>>)
    %dma_start3A_14 = arith.constant 0 : i32
    %dma_start3A_15 = tpu.memref_slice %arg13[%dma_start3A_14] : memref<10240xf32, #tpu.memory_space<vmem>> -> memref<10000xf32, #tpu.memory_space<vmem>>
    %dma_start3A_16 = arith.constant 0 : i32
    %dma_start3A_17 = tpu.memref_slice %arg13[%dma_start3A_16] : memref<10240xf32, #tpu.memory_space<vmem>> -> memref<10000xf32, #tpu.memory_space<vmem>>
    tpu.enqueue_dma source(%arg3 : memref<10000xf32, #tpu.memory_space<hbm>>) target(%dma_start3A_17 : memref<10000xf32, #tpu.memory_space<vmem>>) target_semaphore(%arg16 : memref<!tpu.dma_semaphore, #tpu.memory_space<semaphore_mem>>)
    %dma_start3A_18 = arith.constant 0 : i32
    %dma_start3A_19 = tpu.memref_slice %arg14[%dma_start3A_18] : memref<10240xf32, #tpu.memory_space<vmem>> -> memref<10000xf32, #tpu.memory_space<vmem>>
    %dma_start3A_20 = arith.constant 0 : i32
    %dma_start3A_21 = tpu.memref_slice %arg14[%dma_start3A_20] : memref<10240xf32, #tpu.memory_space<vmem>> -> memref<10000xf32, #tpu.memory_space<vmem>>
    tpu.enqueue_dma source(%arg4 : memref<10000xf32, #tpu.memory_space<hbm>>) target(%dma_start3A_21 : memref<10000xf32, #tpu.memory_space<vmem>>) target_semaphore(%arg16 : memref<!tpu.dma_semaphore, #tpu.memory_space<semaphore_mem>>)
    %parallel_loop3A = arith.constant 0 : i32
    %parallel_loop3A_22 = arith.constant 10240 : i32
    %parallel_loop3A_23 = arith.constant 16 : i32
    scf.for %parallel_loop3A_889 = %parallel_loop3A to %parallel_loop3A_22 step %parallel_loop3A_23  : i32 {
      %parallel_loop3A_890 = tpu.assume_multiple %parallel_loop3A_889, 16 : i32
      %parallel_loop3A_891 = arith.index_cast %parallel_loop3A_890 : i32 to index
      %parallel_loop3A_892 = tpu.vector_load %arg12[%parallel_loop3A_891] {strides = array<i32>} : memref<10240xf32, #tpu.memory_space<vmem>>, vector<16xf32>,
      tpu.vector_store %arg12[%parallel_loop3A_891], %broadcast_in_dim3A_0 {strides = array<i32>} : memref<10240xf32, #tpu.memory_space<vmem>>, vector<16xf32>,
      %parallel_loop3A_893 = arith.index_cast %parallel_loop3A_890 : i32 to index
      %parallel_loop3A_894 = tpu.vector_load %arg15[%parallel_loop3A_893] {strides = array<i32>} : memref<10240xf32, #tpu.memory_space<vmem>>, vector<16xf32>,
      tpu.vector_store %arg15[%parallel_loop3A_893], %broadcast_in_dim3A_0 {strides = array<i32>} : memref<10240xf32, #tpu.memory_space<vmem>>, vector<16xf32>,
    } {sc.loop_unroll_factor = 8 : i64, sc.parallel_access}
    %parallel_loop3A_24 = arith.constant 10000 : i32
    %parallel_loop3A_25 = arith.constant 10240 : i32
    %parallel_loop3A_26 = arith.constant 16 : i32
    scf.for %parallel_loop3A_889 = %parallel_loop3A_24 to %parallel_loop3A_25 step %parallel_loop3A_26  : i32 {
      %parallel_loop3A_890 = tpu.assume_multiple %parallel_loop3A_889, 16 : i32
      %parallel_loop3A_891 = arith.index_cast %parallel_loop3A_890 : i32 to index
      %parallel_loop3A_892 = tpu.vector_load %arg11[%parallel_loop3A_891] {strides = array<i32>} : memref<10240xf32, #tpu.memory_space<vmem>>, vector<16xf32>,
      tpu.vector_store %arg11[%parallel_loop3A_891], %broadcast_in_dim3A_0 {strides = array<i32>} : memref<10240xf32, #tpu.memory_space<vmem>>, vector<16xf32>,
      %parallel_loop3A_893 = arith.index_cast %parallel_loop3A_890 : i32 to index
      %parallel_loop3A_894 = tpu.vector_load %arg13[%parallel_loop3A_893] {strides = array<i32>} : memref<10240xf32, #tpu.memory_space<vmem>>, vector<16xf32>,
      tpu.vector_store %arg13[%parallel_loop3A_893], %broadcast_in_dim3A_0 {strides = array<i32>} : memref<10240xf32, #tpu.memory_space<vmem>>, vector<16xf32>,
    } {sc.loop_unroll_factor = 1 : i64, sc.parallel_access}
    %dma_wait3A = tpu.memref_slice %arg2[%mul3A_3] : memref<640000xi32, #tpu.memory_space<hbm>> -> memref<20000xi32, #tpu.memory_space<hbm>>
    %dma_wait3A_27 = tpu.memref_slice %arg2[%mul3A_3] : memref<640000xi32, #tpu.memory_space<hbm>> -> memref<20000xi32, #tpu.memory_space<hbm>>
    tpu.wait_dma2 semaphore(%arg16 : memref<!tpu.dma_semaphore, #tpu.memory_space<semaphore_mem>>) src(%dma_wait3A_27 : memref<20000xi32, #tpu.memory_space<hbm>>) dst(%arg8 : memref<20000xi32, #tpu.memory_space<vmem>>)
    %dma_wait3A_28 = tpu.memref_slice %arg2[%add3A_7] : memref<640000xi32, #tpu.memory_space<hbm>> -> memref<20000xi32, #tpu.memory_space<hbm>>
    %dma_wait3A_29 = tpu.memref_slice %arg2[%add3A_7] : memref<640000xi32, #tpu.memory_space<hbm>> -> memref<20000xi32, #tpu.memory_space<hbm>>
    tpu.wait_dma2 semaphore(%arg16 : memref<!tpu.dma_semaphore, #tpu.memory_space<semaphore_mem>>) src(%dma_wait3A_29 : memref<20000xi32, #tpu.memory_space<hbm>>) dst(%arg9 : memref<20000xi32, #tpu.memory_space<vmem>>)
    %dma_wait3A_30 = arith.constant 0 : i32
    %dma_wait3A_31 = tpu.memref_slice %arg11[%dma_wait3A_30] : memref<10240xf32, #tpu.memory_space<vmem>> -> memref<10000xf32, #tpu.memory_space<vmem>>
    %dma_wait3A_32 = arith.constant 0 : i32
    %dma_wait3A_33 = tpu.memref_slice %arg11[%dma_wait3A_32] : memref<10240xf32, #tpu.memory_space<vmem>> -> memref<10000xf32, #tpu.memory_space<vmem>>
    tpu.wait_dma2 semaphore(%arg16 : memref<!tpu.dma_semaphore, #tpu.memory_space<semaphore_mem>>) src(%arg3 : memref<10000xf32, #tpu.memory_space<hbm>>) dst(%dma_wait3A_33 : memref<10000xf32, #tpu.memory_space<vmem>>)
    %dma_wait3A_34 = arith.constant 0 : i32
    %dma_wait3A_35 = tpu.memref_slice %arg13[%dma_wait3A_34] : memref<10240xf32, #tpu.memory_space<vmem>> -> memref<10000xf32, #tpu.memory_space<vmem>>
    %dma_wait3A_36 = arith.constant 0 : i32
    %dma_wait3A_37 = tpu.memref_slice %arg13[%dma_wait3A_36] : memref<10240xf32, #tpu.memory_space<vmem>> -> memref<10000xf32, #tpu.memory_space<vmem>>
    tpu.wait_dma2 semaphore(%arg16 : memref<!tpu.dma_semaphore, #tpu.memory_space<semaphore_mem>>) src(%arg3 : memref<10000xf32, #tpu.memory_space<hbm>>) dst(%dma_wait3A_37 : memref<10000xf32, #tpu.memory_space<vmem>>)
    %dma_wait3A_38 = arith.constant 0 : i32
    %dma_wait3A_39 = tpu.memref_slice %arg14[%dma_wait3A_38] : memref<10240xf32, #tpu.memory_space<vmem>> -> memref<10000xf32, #tpu.memory_space<vmem>>
    %dma_wait3A_40 = arith.constant 0 : i32
    %dma_wait3A_41 = tpu.memref_slice %arg14[%dma_wait3A_40] : memref<10240xf32, #tpu.memory_space<vmem>> -> memref<10000xf32, #tpu.memory_space<vmem>>
    tpu.wait_dma2 semaphore(%arg16 : memref<!tpu.dma_semaphore, #tpu.memory_space<semaphore_mem>>) src(%arg4 : memref<10000xf32, #tpu.memory_space<hbm>>) dst(%dma_wait3A_41 : memref<10000xf32, #tpu.memory_space<vmem>>)
    %parallel_loop3A_42 = arith.constant 0 : i32
    %parallel_loop3A_43 = arith.constant 20000 : i32
    %parallel_loop3A_44 = arith.constant 16 : i32
    scf.for %parallel_loop3A_889 = %parallel_loop3A_42 to %parallel_loop3A_43 step %parallel_loop3A_44  : i32 {
      %parallel_loop3A_890 = tpu.assume_multiple %parallel_loop3A_889, 16 : i32
      %parallel_loop3A_891 = arith.index_cast %parallel_loop3A_890 : i32 to index
      %parallel_loop3A_892 = tpu.vector_load %arg9[%parallel_loop3A_891] {strides = array<i32>} : memref<20000xi32, #tpu.memory_space<vmem>>, vector<16xi32>,
      %parallel_loop3A_893 = tpu.vector_load_idx %arg11[%parallel_loop3A_892] : memref<10240xf32, #tpu.memory_space<vmem>>[vector<16xi32>], vector<16xf32>,
      %parallel_loop3A_894 = arith.index_cast %parallel_loop3A_890 : i32 to index
      %parallel_loop3A_895 = tpu.vector_load %arg8[%parallel_loop3A_894] {strides = array<i32>} : memref<20000xi32, #tpu.memory_space<vmem>>, vector<16xi32>,
      %parallel_loop3A_896 = arith.constant 0.000000e+00 : f32
      %parallel_loop3A_897 = vector.broadcast %parallel_loop3A_896 : f32 to vector<16xf32>
      %parallel_loop3A_898 = arith.cmpf ogt, %parallel_loop3A_893, %parallel_loop3A_897 : vector<16xf32>
      tpu.vector_store_idx %arg12[%parallel_loop3A_895], %broadcast_in_dim3A_2 masked %parallel_loop3A_898 : memref<10240xf32, #tpu.memory_space<vmem>>[vector<16xi32>], vector<16xf32>, vector<16xi1>
    } {sc.loop_unroll_factor = 8 : i64, sc.parallel_access}
    %mul3A_45 = arith.constant 10240 : i32
    %mul3A_46 = arith.muli %arg1, %mul3A_45 : i32
    "tpu.region"() ({
      %run_scoped3A = tpu.sem_alloc : memref<!tpu.dma_semaphore, #tpu.memory_space<semaphore_mem>>
      %dma_start3A_889 = tpu.memref_slice %arg17[%mul3A_46] : memref<163840xf32, #tpu.memory_space<vmem_shared>> -> memref<10240xf32, #tpu.memory_space<vmem_shared>>
      %dma_start3A_890 = tpu.memref_slice %arg17[%mul3A_46] : memref<163840xf32, #tpu.memory_space<vmem_shared>> -> memref<10240xf32, #tpu.memory_space<vmem_shared>>
      tpu.enqueue_dma source(%arg12 : memref<10240xf32, #tpu.memory_space<vmem>>) target(%dma_start3A_890 : memref<10240xf32, #tpu.memory_space<vmem_shared>>) target_semaphore(%run_scoped3A : memref<!tpu.dma_semaphore, #tpu.memory_space<semaphore_mem>>)
      %dma_wait3A_891 = tpu.memref_slice %arg17[%mul3A_46] : memref<163840xf32, #tpu.memory_space<vmem_shared>> -> memref<10240xf32, #tpu.memory_space<vmem_shared>>
      %dma_wait3A_892 = tpu.memref_slice %arg17[%mul3A_46] : memref<163840xf32, #tpu.memory_space<vmem_shared>> -> memref<10240xf32, #tpu.memory_space<vmem_shared>>
      tpu.wait_dma2 semaphore(%run_scoped3A : memref<!tpu.dma_semaphore, #tpu.memory_space<semaphore_mem>>) src(%arg12 : memref<10240xf32, #tpu.memory_space<vmem>>) dst(%dma_wait3A_892 : memref<10240xf32, #tpu.memory_space<vmem_shared>>)
      tpu.yield
    }) : () -> ()
    %barrier3A = arith.constant 0 : index
    tpu.barrier barrier_id(%barrier3A)
    %mul3A_47 = arith.constant 640 : i32
    %mul3A_48 = arith.muli %arg1, %mul3A_47 : i32
    %add3A_49 = arith.constant 0 : i32
    %add3A_50 = arith.addi %add3A_49, %mul3A_48 : i32
    %dma_start3A_51 = arith.constant 0 : i32
    %dma_start3A_52 = tpu.memref_slice %arg10[%dma_start3A_51] : memref<20000xf32, #tpu.memory_space<vmem>> -> memref<640xf32, #tpu.memory_space<vmem>>
    %dma_start3A_53 = tpu.memref_slice %arg17[%add3A_50] : memref<163840xf32, #tpu.memory_space<vmem_shared>> -> memref<640xf32, #tpu.memory_space<vmem_shared>>
    %dma_start3A_54 = arith.constant 0 : i32
    %dma_start3A_55 = tpu.memref_slice %arg10[%dma_start3A_54] : memref<20000xf32, #tpu.memory_space<vmem>> -> memref<640xf32, #tpu.memory_space<vmem>>
    %dma_start3A_56 = tpu.memref_slice %arg17[%add3A_50] : memref<163840xf32, #tpu.memory_space<vmem_shared>> -> memref<640xf32, #tpu.memory_space<vmem_shared>>
    tpu.enqueue_dma source(%dma_start3A_56 : memref<640xf32, #tpu.memory_space<vmem_shared>>) target(%dma_start3A_55 : memref<640xf32, #tpu.memory_space<vmem>>) target_semaphore(%arg16 : memref<!tpu.dma_semaphore, #tpu.memory_space<semaphore_mem>>)
    %mul3A_57 = arith.constant 640 : i32
    %mul3A_58 = arith.muli %arg1, %mul3A_57 : i32
    %add3A_59 = arith.constant 10240 : i32
    %add3A_60 = arith.addi %add3A_59, %mul3A_58 : i32
    %dma_start3A_61 = arith.constant 640 : i32
    %dma_start3A_62 = tpu.memref_slice %arg10[%dma_start3A_61] : memref<20000xf32, #tpu.memory_space<vmem>> -> memref<640xf32, #tpu.memory_space<vmem>>
    %dma_start3A_63 = tpu.memref_slice %arg17[%add3A_60] : memref<163840xf32, #tpu.memory_space<vmem_shared>> -> memref<640xf32, #tpu.memory_space<vmem_shared>>
    %dma_start3A_64 = arith.constant 640 : i32
    %dma_start3A_65 = tpu.memref_slice %arg10[%dma_start3A_64] : memref<20000xf32, #tpu.memory_space<vmem>> -> memref<640xf32, #tpu.memory_space<vmem>>
    %dma_start3A_66 = tpu.memref_slice %arg17[%add3A_60] : memref<163840xf32, #tpu.memory_space<vmem_shared>> -> memref<640xf32, #tpu.memory_space<vmem_shared>>
    tpu.enqueue_dma source(%dma_start3A_66 : memref<640xf32, #tpu.memory_space<vmem_shared>>) target(%dma_start3A_65 : memref<640xf32, #tpu.memory_space<vmem>>) target_semaphore(%arg16 : memref<!tpu.dma_semaphore, #tpu.memory_space<semaphore_mem>>)
    %mul3A_67 = arith.constant 640 : i32
    %mul3A_68 = arith.muli %arg1, %mul3A_67 : i32
    %add3A_69 = arith.constant 20480 : i32
    %add3A_70 = arith.addi %add3A_69, %mul3A_68 : i32
    %dma_start3A_71 = arith.constant 1280 : i32
    %dma_start3A_72 = tpu.memref_slice %arg10[%dma_start3A_71] : memref<20000xf32, #tpu.memory_space<vmem>> -> memref<640xf32, #tpu.memory_space<vmem>>
    %dma_start3A_73 = tpu.memref_slice %arg17[%add3A_70] : memref<163840xf32, #tpu.memory_space<vmem_shared>> -> memref<640xf32, #tpu.memory_space<vmem_shared>>
    %dma_start3A_74 = arith.constant 1280 : i32
    %dma_start3A_75 = tpu.memref_slice %arg10[%dma_start3A_74] : memref<20000xf32, #tpu.memory_space<vmem>> -> memref<640xf32, #tpu.memory_space<vmem>>
    %dma_start3A_76 = tpu.memref_slice %arg17[%add3A_70] : memref<163840xf32, #tpu.memory_space<vmem_shared>> -> memref<640xf32, #tpu.memory_space<vmem_shared>>
    tpu.enqueue_dma source(%dma_start3A_76 : memref<640xf32, #tpu.memory_space<vmem_shared>>) target(%dma_start3A_75 : memref<640xf32, #tpu.memory_space<vmem>>) target_semaphore(%arg16 : memref<!tpu.dma_semaphore, #tpu.memory_space<semaphore_mem>>)
    %mul3A_77 = arith.constant 640 : i32
    %mul3A_78 = arith.muli %arg1, %mul3A_77 : i32
    %add3A_79 = arith.constant 30720 : i32
    %add3A_80 = arith.addi %add3A_79, %mul3A_78 : i32
    %dma_start3A_81 = arith.constant 1920 : i32
    %dma_start3A_82 = tpu.memref_slice %arg10[%dma_start3A_81] : memref<20000xf32, #tpu.memory_space<vmem>> -> memref<640xf32, #tpu.memory_space<vmem>>
    %dma_start3A_83 = tpu.memref_slice %arg17[%add3A_80] : memref<163840xf32, #tpu.memory_space<vmem_shared>> -> memref<640xf32, #tpu.memory_space<vmem_shared>>
    %dma_start3A_84 = arith.constant 1920 : i32
    %dma_start3A_85 = tpu.memref_slice %arg10[%dma_start3A_84] : memref<20000xf32, #tpu.memory_space<vmem>> -> memref<640xf32, #tpu.memory_space<vmem>>
    %dma_start3A_86 = tpu.memref_slice %arg17[%add3A_80] : memref<163840xf32, #tpu.memory_space<vmem_shared>> -> memref<640xf32, #tpu.memory_space<vmem_shared>>
    tpu.enqueue_dma source(%dma_start3A_86 : memref<640xf32, #tpu.memory_space<vmem_shared>>) target(%dma_start3A_85 : memref<640xf32, #tpu.memory_space<vmem>>) target_semaphore(%arg16 : memref<!tpu.dma_semaphore, #tpu.memory_space<semaphore_mem>>)
    %mul3A_87 = arith.constant 640 : i32
    %mul3A_88 = arith.muli %arg1, %mul3A_87 : i32
    %add3A_89 = arith.constant 40960 : i32
    %add3A_90 = arith.addi %add3A_89, %mul3A_88 : i32
    %dma_start3A_91 = arith.constant 2560 : i32
    %dma_start3A_92 = tpu.memref_slice %arg10[%dma_start3A_91] : memref<20000xf32, #tpu.memory_space<vmem>> -> memref<640xf32, #tpu.memory_space<vmem>>
    %dma_start3A_93 = tpu.memref_slice %arg17[%add3A_90] : memref<163840xf32, #tpu.memory_space<vmem_shared>> -> memref<640xf32, #tpu.memory_space<vmem_shared>>
    %dma_start3A_94 = arith.constant 2560 : i32
    %dma_start3A_95 = tpu.memref_slice %arg10[%dma_start3A_94] : memref<20000xf32, #tpu.memory_space<vmem>> -> memref<640xf32, #tpu.memory_space<vmem>>
    %dma_start3A_96 = tpu.memref_slice %arg17[%add3A_90] : memref<163840xf32, #tpu.memory_space<vmem_shared>> -> memref<640xf32, #tpu.memory_space<vmem_shared>>
    tpu.enqueue_dma source(%dma_start3A_96 : memref<640xf32, #tpu.memory_space<vmem_shared>>) target(%dma_start3A_95 : memref<640xf32, #tpu.memory_space<vmem>>) target_semaphore(%arg16 : memref<!tpu.dma_semaphore, #tpu.memory_space<semaphore_mem>>)
    %mul3A_97 = arith.constant 640 : i32
    %mul3A_98 = arith.muli %arg1, %mul3A_97 : i32
    %add3A_99 = arith.constant 51200 : i32
    %add3A_100 = arith.addi %add3A_99, %mul3A_98 : i32
    %dma_start3A_101 = arith.constant 3200 : i32
    %dma_start3A_102 = tpu.memref_slice %arg10[%dma_start3A_101] : memref<20000xf32, #tpu.memory_space<vmem>> -> memref<640xf32, #tpu.memory_space<vmem>>
    %dma_start3A_103 = tpu.memref_slice %arg17[%add3A_100] : memref<163840xf32, #tpu.memory_space<vmem_shared>> -> memref<640xf32, #tpu.memory_space<vmem_shared>>
    %dma_start3A_104 = arith.constant 3200 : i32
    %dma_start3A_105 = tpu.memref_slice %arg10[%dma_start3A_104] : memref<20000xf32, #tpu.memory_space<vmem>> -> memref<640xf32, #tpu.memory_space<vmem>>
    %dma_start3A_106 = tpu.memref_slice %arg17[%add3A_100] : memref<163840xf32, #tpu.memory_space<vmem_shared>> -> memref<640xf32, #tpu.memory_space<vmem_shared>>
    tpu.enqueue_dma source(%dma_start3A_106 : memref<640xf32, #tpu.memory_space<vmem_shared>>) target(%dma_start3A_105 : memref<640xf32, #tpu.memory_space<vmem>>) target_semaphore(%arg16 : memref<!tpu.dma_semaphore, #tpu.memory_space<semaphore_mem>>)
    %mul3A_107 = arith.constant 640 : i32
    %mul3A_108 = arith.muli %arg1, %mul3A_107 : i32
    %add3A_109 = arith.constant 61440 : i32
    %add3A_110 = arith.addi %add3A_109, %mul3A_108 : i32
    %dma_start3A_111 = arith.constant 3840 : i32
    %dma_start3A_112 = tpu.memref_slice %arg10[%dma_start3A_111] : memref<20000xf32, #tpu.memory_space<vmem>> -> memref<640xf32, #tpu.memory_space<vmem>>
    %dma_start3A_113 = tpu.memref_slice %arg17[%add3A_110] : memref<163840xf32, #tpu.memory_space<vmem_shared>> -> memref<640xf32, #tpu.memory_space<vmem_shared>>
    %dma_start3A_114 = arith.constant 3840 : i32
    %dma_start3A_115 = tpu.memref_slice %arg10[%dma_start3A_114] : memref<20000xf32, #tpu.memory_space<vmem>> -> memref<640xf32, #tpu.memory_space<vmem>>
    %dma_start3A_116 = tpu.memref_slice %arg17[%add3A_110] : memref<163840xf32, #tpu.memory_space<vmem_shared>> -> memref<640xf32, #tpu.memory_space<vmem_shared>>
    tpu.enqueue_dma source(%dma_start3A_116 : memref<640xf32, #tpu.memory_space<vmem_shared>>) target(%dma_start3A_115 : memref<640xf32, #tpu.memory_space<vmem>>) target_semaphore(%arg16 : memref<!tpu.dma_semaphore, #tpu.memory_space<semaphore_mem>>)
    %mul3A_117 = arith.constant 640 : i32
    %mul3A_118 = arith.muli %arg1, %mul3A_117 : i32
    %add3A_119 = arith.constant 71680 : i32
    %add3A_120 = arith.addi %add3A_119, %mul3A_118 : i32
    %dma_start3A_121 = arith.constant 4480 : i32
    %dma_start3A_122 = tpu.memref_slice %arg10[%dma_start3A_121] : memref<20000xf32, #tpu.memory_space<vmem>> -> memref<640xf32, #tpu.memory_space<vmem>>
    %dma_start3A_123 = tpu.memref_slice %arg17[%add3A_120] : memref<163840xf32, #tpu.memory_space<vmem_shared>> -> memref<640xf32, #tpu.memory_space<vmem_shared>>
    %dma_start3A_124 = arith.constant 4480 : i32
    %dma_start3A_125 = tpu.memref_slice %arg10[%dma_start3A_124] : memref<20000xf32, #tpu.memory_space<vmem>> -> memref<640xf32, #tpu.memory_space<vmem>>
    %dma_start3A_126 = tpu.memref_slice %arg17[%add3A_120] : memref<163840xf32, #tpu.memory_space<vmem_shared>> -> memref<640xf32, #tpu.memory_space<vmem_shared>>
    tpu.enqueue_dma source(%dma_start3A_126 : memref<640xf32, #tpu.memory_space<vmem_shared>>) target(%dma_start3A_125 : memref<640xf32, #tpu.memory_space<vmem>>) target_semaphore(%arg16 : memref<!tpu.dma_semaphore, #tpu.memory_space<semaphore_mem>>)
    %mul3A_127 = arith.constant 640 : i32
    %mul3A_128 = arith.muli %arg1, %mul3A_127 : i32
    %add3A_129 = arith.constant 81920 : i32
    %add3A_130 = arith.addi %add3A_129, %mul3A_128 : i32
    %dma_start3A_131 = arith.constant 5120 : i32
    %dma_start3A_132 = tpu.memref_slice %arg10[%dma_start3A_131] : memref<20000xf32, #tpu.memory_space<vmem>> -> memref<640xf32, #tpu.memory_space<vmem>>
    %dma_start3A_133 = tpu.memref_slice %arg17[%add3A_130] : memref<163840xf32, #tpu.memory_space<vmem_shared>> -> memref<640xf32, #tpu.memory_space<vmem_shared>>
    %dma_start3A_134 = arith.constant 5120 : i32
    %dma_start3A_135 = tpu.memref_slice %arg10[%dma_start3A_134] : memref<20000xf32, #tpu.memory_space<vmem>> -> memref<640xf32, #tpu.memory_space<vmem>>
    %dma_start3A_136 = tpu.memref_slice %arg17[%add3A_130] : memref<163840xf32, #tpu.memory_space<vmem_shared>> -> memref<640xf32, #tpu.memory_space<vmem_shared>>
    tpu.enqueue_dma source(%dma_start3A_136 : memref<640xf32, #tpu.memory_space<vmem_shared>>) target(%dma_start3A_135 : memref<640xf32, #tpu.memory_space<vmem>>) target_semaphore(%arg16 : memref<!tpu.dma_semaphore, #tpu.memory_space<semaphore_mem>>)
    %mul3A_137 = arith.constant 640 : i32
    %mul3A_138 = arith.muli %arg1, %mul3A_137 : i32
    %add3A_139 = arith.constant 92160 : i32
    %add3A_140 = arith.addi %add3A_139, %mul3A_138 : i32
    %dma_start3A_141 = arith.constant 5760 : i32
    %dma_start3A_142 = tpu.memref_slice %arg10[%dma_start3A_141] : memref<20000xf32, #tpu.memory_space<vmem>> -> memref<640xf32, #tpu.memory_space<vmem>>
    %dma_start3A_143 = tpu.memref_slice %arg17[%add3A_140] : memref<163840xf32, #tpu.memory_space<vmem_shared>> -> memref<640xf32, #tpu.memory_space<vmem_shared>>
    %dma_start3A_144 = arith.constant 5760 : i32
    %dma_start3A_145 = tpu.memref_slice %arg10[%dma_start3A_144] : memref<20000xf32, #tpu.memory_space<vmem>> -> memref<640xf32, #tpu.memory_space<vmem>>
    %dma_start3A_146 = tpu.memref_slice %arg17[%add3A_140] : memref<163840xf32, #tpu.memory_space<vmem_shared>> -> memref<640xf32, #tpu.memory_space<vmem_shared>>
    tpu.enqueue_dma source(%dma_start3A_146 : memref<640xf32, #tpu.memory_space<vmem_shared>>) target(%dma_start3A_145 : memref<640xf32, #tpu.memory_space<vmem>>) target_semaphore(%arg16 : memref<!tpu.dma_semaphore, #tpu.memory_space<semaphore_mem>>)
    %mul3A_147 = arith.constant 640 : i32
    %mul3A_148 = arith.muli %arg1, %mul3A_147 : i32
    %add3A_149 = arith.constant 102400 : i32
    %add3A_150 = arith.addi %add3A_149, %mul3A_148 : i32
    %dma_start3A_151 = arith.constant 6400 : i32
    %dma_start3A_152 = tpu.memref_slice %arg10[%dma_start3A_151] : memref<20000xf32, #tpu.memory_space<vmem>> -> memref<640xf32, #tpu.memory_space<vmem>>
    %dma_start3A_153 = tpu.memref_slice %arg17[%add3A_150] : memref<163840xf32, #tpu.memory_space<vmem_shared>> -> memref<640xf32, #tpu.memory_space<vmem_shared>>
    %dma_start3A_154 = arith.constant 6400 : i32
    %dma_start3A_155 = tpu.memref_slice %arg10[%dma_start3A_154] : memref<20000xf32, #tpu.memory_space<vmem>> -> memref<640xf32, #tpu.memory_space<vmem>>
    %dma_start3A_156 = tpu.memref_slice %arg17[%add3A_150] : memref<163840xf32, #tpu.memory_space<vmem_shared>> -> memref<640xf32, #tpu.memory_space<vmem_shared>>
    tpu.enqueue_dma source(%dma_start3A_156 : memref<640xf32, #tpu.memory_space<vmem_shared>>) target(%dma_start3A_155 : memref<640xf32, #tpu.memory_space<vmem>>) target_semaphore(%arg16 : memref<!tpu.dma_semaphore, #tpu.memory_space<semaphore_mem>>)
    %mul3A_157 = arith.constant 640 : i32
    %mul3A_158 = arith.muli %arg1, %mul3A_157 : i32
    %add3A_159 = arith.constant 112640 : i32
    %add3A_160 = arith.addi %add3A_159, %mul3A_158 : i32
    %dma_start3A_161 = arith.constant 7040 : i32
    %dma_start3A_162 = tpu.memref_slice %arg10[%dma_start3A_161] : memref<20000xf32, #tpu.memory_space<vmem>> -> memref<640xf32, #tpu.memory_space<vmem>>
    %dma_start3A_163 = tpu.memref_slice %arg17[%add3A_160] : memref<163840xf32, #tpu.memory_space<vmem_shared>> -> memref<640xf32, #tpu.memory_space<vmem_shared>>
    %dma_start3A_164 = arith.constant 7040 : i32
    %dma_start3A_165 = tpu.memref_slice %arg10[%dma_start3A_164] : memref<20000xf32, #tpu.memory_space<vmem>> -> memref<640xf32, #tpu.memory_space<vmem>>
    %dma_start3A_166 = tpu.memref_slice %arg17[%add3A_160] : memref<163840xf32, #tpu.memory_space<vmem_shared>> -> memref<640xf32, #tpu.memory_space<vmem_shared>>
    tpu.enqueue_dma source(%dma_start3A_166 : memref<640xf32, #tpu.memory_space<vmem_shared>>) target(%dma_start3A_165 : memref<640xf32, #tpu.memory_space<vmem>>) target_semaphore(%arg16 : memref<!tpu.dma_semaphore, #tpu.memory_space<semaphore_mem>>)
    %mul3A_167 = arith.constant 640 : i32
    %mul3A_168 = arith.muli %arg1, %mul3A_167 : i32
    %add3A_169 = arith.constant 122880 : i32
    %add3A_170 = arith.addi %add3A_169, %mul3A_168 : i32
    %dma_start3A_171 = arith.constant 7680 : i32
    %dma_start3A_172 = tpu.memref_slice %arg10[%dma_start3A_171] : memref<20000xf32, #tpu.memory_space<vmem>> -> memref<640xf32, #tpu.memory_space<vmem>>
    %dma_start3A_173 = tpu.memref_slice %arg17[%add3A_170] : memref<163840xf32, #tpu.memory_space<vmem_shared>> -> memref<640xf32, #tpu.memory_space<vmem_shared>>
    %dma_start3A_174 = arith.constant 7680 : i32
    %dma_start3A_175 = tpu.memref_slice %arg10[%dma_start3A_174] : memref<20000xf32, #tpu.memory_space<vmem>> -> memref<640xf32, #tpu.memory_space<vmem>>
    %dma_start3A_176 = tpu.memref_slice %arg17[%add3A_170] : memref<163840xf32, #tpu.memory_space<vmem_shared>> -> memref<640xf32, #tpu.memory_space<vmem_shared>>
    tpu.enqueue_dma source(%dma_start3A_176 : memref<640xf32, #tpu.memory_space<vmem_shared>>) target(%dma_start3A_175 : memref<640xf32, #tpu.memory_space<vmem>>) target_semaphore(%arg16 : memref<!tpu.dma_semaphore, #tpu.memory_space<semaphore_mem>>)
    %mul3A_177 = arith.constant 640 : i32
    %mul3A_178 = arith.muli %arg1, %mul3A_177 : i32
    %add3A_179 = arith.constant 133120 : i32
    %add3A_180 = arith.addi %add3A_179, %mul3A_178 : i32
    %dma_start3A_181 = arith.constant 8320 : i32
    %dma_start3A_182 = tpu.memref_slice %arg10[%dma_start3A_181] : memref<20000xf32, #tpu.memory_space<vmem>> -> memref<640xf32, #tpu.memory_space<vmem>>
    %dma_start3A_183 = tpu.memref_slice %arg17[%add3A_180] : memref<163840xf32, #tpu.memory_space<vmem_shared>> -> memref<640xf32, #tpu.memory_space<vmem_shared>>
    %dma_start3A_184 = arith.constant 8320 : i32
    %dma_start3A_185 = tpu.memref_slice %arg10[%dma_start3A_184] : memref<20000xf32, #tpu.memory_space<vmem>> -> memref<640xf32, #tpu.memory_space<vmem>>
    %dma_start3A_186 = tpu.memref_slice %arg17[%add3A_180] : memref<163840xf32, #tpu.memory_space<vmem_shared>> -> memref<640xf32, #tpu.memory_space<vmem_shared>>
    tpu.enqueue_dma source(%dma_start3A_186 : memref<640xf32, #tpu.memory_space<vmem_shared>>) target(%dma_start3A_185 : memref<640xf32, #tpu.memory_space<vmem>>) target_semaphore(%arg16 : memref<!tpu.dma_semaphore, #tpu.memory_space<semaphore_mem>>)
    %mul3A_187 = arith.constant 640 : i32
    %mul3A_188 = arith.muli %arg1, %mul3A_187 : i32
    %add3A_189 = arith.constant 143360 : i32
    %add3A_190 = arith.addi %add3A_189, %mul3A_188 : i32
    %dma_start3A_191 = arith.constant 8960 : i32
    %dma_start3A_192 = tpu.memref_slice %arg10[%dma_start3A_191] : memref<20000xf32, #tpu.memory_space<vmem>> -> memref<640xf32, #tpu.memory_space<vmem>>
    %dma_start3A_193 = tpu.memref_slice %arg17[%add3A_190] : memref<163840xf32, #tpu.memory_space<vmem_shared>> -> memref<640xf32, #tpu.memory_space<vmem_shared>>
    %dma_start3A_194 = arith.constant 8960 : i32
    %dma_start3A_195 = tpu.memref_slice %arg10[%dma_start3A_194] : memref<20000xf32, #tpu.memory_space<vmem>> -> memref<640xf32, #tpu.memory_space<vmem>>
    %dma_start3A_196 = tpu.memref_slice %arg17[%add3A_190] : memref<163840xf32, #tpu.memory_space<vmem_shared>> -> memref<640xf32, #tpu.memory_space<vmem_shared>>
    tpu.enqueue_dma source(%dma_start3A_196 : memref<640xf32, #tpu.memory_space<vmem_shared>>) target(%dma_start3A_195 : memref<640xf32, #tpu.memory_space<vmem>>) target_semaphore(%arg16 : memref<!tpu.dma_semaphore, #tpu.memory_space<semaphore_mem>>)
    %mul3A_197 = arith.constant 640 : i32
    %mul3A_198 = arith.muli %arg1, %mul3A_197 : i32
    %add3A_199 = arith.constant 153600 : i32
    %add3A_200 = arith.addi %add3A_199, %mul3A_198 : i32
    %dma_start3A_201 = arith.constant 9600 : i32
    %dma_start3A_202 = tpu.memref_slice %arg10[%dma_start3A_201] : memref<20000xf32, #tpu.memory_space<vmem>> -> memref<640xf32, #tpu.memory_space<vmem>>
    %dma_start3A_203 = tpu.memref_slice %arg17[%add3A_200] : memref<163840xf32, #tpu.memory_space<vmem_shared>> -> memref<640xf32, #tpu.memory_space<vmem_shared>>
    %dma_start3A_204 = arith.constant 9600 : i32
    %dma_start3A_205 = tpu.memref_slice %arg10[%dma_start3A_204] : memref<20000xf32, #tpu.memory_space<vmem>> -> memref<640xf32, #tpu.memory_space<vmem>>
    %dma_start3A_206 = tpu.memref_slice %arg17[%add3A_200] : memref<163840xf32, #tpu.memory_space<vmem_shared>> -> memref<640xf32, #tpu.memory_space<vmem_shared>>
    tpu.enqueue_dma source(%dma_start3A_206 : memref<640xf32, #tpu.memory_space<vmem_shared>>) target(%dma_start3A_205 : memref<640xf32, #tpu.memory_space<vmem>>) target_semaphore(%arg16 : memref<!tpu.dma_semaphore, #tpu.memory_space<semaphore_mem>>)
    %dma_wait3A_207 = arith.constant 0 : i32
    %dma_wait3A_208 = tpu.memref_slice %arg10[%dma_wait3A_207] : memref<20000xf32, #tpu.memory_space<vmem>> -> memref<640xf32, #tpu.memory_space<vmem>>
    %dma_wait3A_209 = tpu.memref_slice %arg17[%add3A_50] : memref<163840xf32, #tpu.memory_space<vmem_shared>> -> memref<640xf32, #tpu.memory_space<vmem_shared>>
    %dma_wait3A_210 = arith.constant 0 : i32
    %dma_wait3A_211 = tpu.memref_slice %arg10[%dma_wait3A_210] : memref<20000xf32, #tpu.memory_space<vmem>> -> memref<640xf32, #tpu.memory_space<vmem>>
    %dma_wait3A_212 = tpu.memref_slice %arg17[%add3A_50] : memref<163840xf32, #tpu.memory_space<vmem_shared>> -> memref<640xf32, #tpu.memory_space<vmem_shared>>
    tpu.wait_dma2 semaphore(%arg16 : memref<!tpu.dma_semaphore, #tpu.memory_space<semaphore_mem>>) src(%dma_wait3A_212 : memref<640xf32, #tpu.memory_space<vmem_shared>>) dst(%dma_wait3A_211 : memref<640xf32, #tpu.memory_space<vmem>>)
    %dma_wait3A_213 = arith.constant 640 : i32
    %dma_wait3A_214 = tpu.memref_slice %arg10[%dma_wait3A_213] : memref<20000xf32, #tpu.memory_space<vmem>> -> memref<640xf32, #tpu.memory_space<vmem>>
    %dma_wait3A_215 = tpu.memref_slice %arg17[%add3A_60] : memref<163840xf32, #tpu.memory_space<vmem_shared>> -> memref<640xf32, #tpu.memory_space<vmem_shared>>
    %dma_wait3A_216 = arith.constant 640 : i32
    %dma_wait3A_217 = tpu.memref_slice %arg10[%dma_wait3A_216] : memref<20000xf32, #tpu.memory_space<vmem>> -> memref<640xf32, #tpu.memory_space<vmem>>
    %dma_wait3A_218 = tpu.memref_slice %arg17[%add3A_60] : memref<163840xf32, #tpu.memory_space<vmem_shared>> -> memref<640xf32, #tpu.memory_space<vmem_shared>>
    tpu.wait_dma2 semaphore(%arg16 : memref<!tpu.dma_semaphore, #tpu.memory_space<semaphore_mem>>) src(%dma_wait3A_218 : memref<640xf32, #tpu.memory_space<vmem_shared>>) dst(%dma_wait3A_217 : memref<640xf32, #tpu.memory_space<vmem>>)
    %dma_wait3A_219 = arith.constant 1280 : i32
    %dma_wait3A_220 = tpu.memref_slice %arg10[%dma_wait3A_219] : memref<20000xf32, #tpu.memory_space<vmem>> -> memref<640xf32, #tpu.memory_space<vmem>>
    %dma_wait3A_221 = tpu.memref_slice %arg17[%add3A_70] : memref<163840xf32, #tpu.memory_space<vmem_shared>> -> memref<640xf32, #tpu.memory_space<vmem_shared>>
    %dma_wait3A_222 = arith.constant 1280 : i32
    %dma_wait3A_223 = tpu.memref_slice %arg10[%dma_wait3A_222] : memref<20000xf32, #tpu.memory_space<vmem>> -> memref<640xf32, #tpu.memory_space<vmem>>
    %dma_wait3A_224 = tpu.memref_slice %arg17[%add3A_70] : memref<163840xf32, #tpu.memory_space<vmem_shared>> -> memref<640xf32, #tpu.memory_space<vmem_shared>>
    tpu.wait_dma2 semaphore(%arg16 : memref<!tpu.dma_semaphore, #tpu.memory_space<semaphore_mem>>) src(%dma_wait3A_224 : memref<640xf32, #tpu.memory_space<vmem_shared>>) dst(%dma_wait3A_223 : memref<640xf32, #tpu.memory_space<vmem>>)
    %dma_wait3A_225 = arith.constant 1920 : i32
    %dma_wait3A_226 = tpu.memref_slice %arg10[%dma_wait3A_225] : memref<20000xf32, #tpu.memory_space<vmem>> -> memref<640xf32, #tpu.memory_space<vmem>>
    %dma_wait3A_227 = tpu.memref_slice %arg17[%add3A_80] : memref<163840xf32, #tpu.memory_space<vmem_shared>> -> memref<640xf32, #tpu.memory_space<vmem_shared>>
    %dma_wait3A_228 = arith.constant 1920 : i32
    %dma_wait3A_229 = tpu.memref_slice %arg10[%dma_wait3A_228] : memref<20000xf32, #tpu.memory_space<vmem>> -> memref<640xf32, #tpu.memory_space<vmem>>
    %dma_wait3A_230 = tpu.memref_slice %arg17[%add3A_80] : memref<163840xf32, #tpu.memory_space<vmem_shared>> -> memref<640xf32, #tpu.memory_space<vmem_shared>>
    tpu.wait_dma2 semaphore(%arg16 : memref<!tpu.dma_semaphore, #tpu.memory_space<semaphore_mem>>) src(%dma_wait3A_230 : memref<640xf32, #tpu.memory_space<vmem_shared>>) dst(%dma_wait3A_229 : memref<640xf32, #tpu.memory_space<vmem>>)
    %dma_wait3A_231 = arith.constant 2560 : i32
    %dma_wait3A_232 = tpu.memref_slice %arg10[%dma_wait3A_231] : memref<20000xf32, #tpu.memory_space<vmem>> -> memref<640xf32, #tpu.memory_space<vmem>>
    %dma_wait3A_233 = tpu.memref_slice %arg17[%add3A_90] : memref<163840xf32, #tpu.memory_space<vmem_shared>> -> memref<640xf32, #tpu.memory_space<vmem_shared>>
    %dma_wait3A_234 = arith.constant 2560 : i32
    %dma_wait3A_235 = tpu.memref_slice %arg10[%dma_wait3A_234] : memref<20000xf32, #tpu.memory_space<vmem>> -> memref<640xf32, #tpu.memory_space<vmem>>
    %dma_wait3A_236 = tpu.memref_slice %arg17[%add3A_90] : memref<163840xf32, #tpu.memory_space<vmem_shared>> -> memref<640xf32, #tpu.memory_space<vmem_shared>>
    tpu.wait_dma2 semaphore(%arg16 : memref<!tpu.dma_semaphore, #tpu.memory_space<semaphore_mem>>) src(%dma_wait3A_236 : memref<640xf32, #tpu.memory_space<vmem_shared>>) dst(%dma_wait3A_235 : memref<640xf32, #tpu.memory_space<vmem>>)
    %dma_wait3A_237 = arith.constant 3200 : i32
    %dma_wait3A_238 = tpu.memref_slice %arg10[%dma_wait3A_237] : memref<20000xf32, #tpu.memory_space<vmem>> -> memref<640xf32, #tpu.memory_space<vmem>>
    %dma_wait3A_239 = tpu.memref_slice %arg17[%add3A_100] : memref<163840xf32, #tpu.memory_space<vmem_shared>> -> memref<640xf32, #tpu.memory_space<vmem_shared>>
    %dma_wait3A_240 = arith.constant 3200 : i32
    %dma_wait3A_241 = tpu.memref_slice %arg10[%dma_wait3A_240] : memref<20000xf32, #tpu.memory_space<vmem>> -> memref<640xf32, #tpu.memory_space<vmem>>
    %dma_wait3A_242 = tpu.memref_slice %arg17[%add3A_100] : memref<163840xf32, #tpu.memory_space<vmem_shared>> -> memref<640xf32, #tpu.memory_space<vmem_shared>>
    tpu.wait_dma2 semaphore(%arg16 : memref<!tpu.dma_semaphore, #tpu.memory_space<semaphore_mem>>) src(%dma_wait3A_242 : memref<640xf32, #tpu.memory_space<vmem_shared>>) dst(%dma_wait3A_241 : memref<640xf32, #tpu.memory_space<vmem>>)
    %dma_wait3A_243 = arith.constant 3840 : i32
    %dma_wait3A_244 = tpu.memref_slice %arg10[%dma_wait3A_243] : memref<20000xf32, #tpu.memory_space<vmem>> -> memref<640xf32, #tpu.memory_space<vmem>>
    %dma_wait3A_245 = tpu.memref_slice %arg17[%add3A_110] : memref<163840xf32, #tpu.memory_space<vmem_shared>> -> memref<640xf32, #tpu.memory_space<vmem_shared>>
    %dma_wait3A_246 = arith.constant 3840 : i32
    %dma_wait3A_247 = tpu.memref_slice %arg10[%dma_wait3A_246] : memref<20000xf32, #tpu.memory_space<vmem>> -> memref<640xf32, #tpu.memory_space<vmem>>
    %dma_wait3A_248 = tpu.memref_slice %arg17[%add3A_110] : memref<163840xf32, #tpu.memory_space<vmem_shared>> -> memref<640xf32, #tpu.memory_space<vmem_shared>>
    tpu.wait_dma2 semaphore(%arg16 : memref<!tpu.dma_semaphore, #tpu.memory_space<semaphore_mem>>) src(%dma_wait3A_248 : memref<640xf32, #tpu.memory_space<vmem_shared>>) dst(%dma_wait3A_247 : memref<640xf32, #tpu.memory_space<vmem>>)
    %dma_wait3A_249 = arith.constant 4480 : i32
    %dma_wait3A_250 = tpu.memref_slice %arg10[%dma_wait3A_249] : memref<20000xf32, #tpu.memory_space<vmem>> -> memref<640xf32, #tpu.memory_space<vmem>>
    %dma_wait3A_251 = tpu.memref_slice %arg17[%add3A_120] : memref<163840xf32, #tpu.memory_space<vmem_shared>> -> memref<640xf32, #tpu.memory_space<vmem_shared>>
    %dma_wait3A_252 = arith.constant 4480 : i32
    %dma_wait3A_253 = tpu.memref_slice %arg10[%dma_wait3A_252] : memref<20000xf32, #tpu.memory_space<vmem>> -> memref<640xf32, #tpu.memory_space<vmem>>
    %dma_wait3A_254 = tpu.memref_slice %arg17[%add3A_120] : memref<163840xf32, #tpu.memory_space<vmem_shared>> -> memref<640xf32, #tpu.memory_space<vmem_shared>>
    tpu.wait_dma2 semaphore(%arg16 : memref<!tpu.dma_semaphore, #tpu.memory_space<semaphore_mem>>) src(%dma_wait3A_254 : memref<640xf32, #tpu.memory_space<vmem_shared>>) dst(%dma_wait3A_253 : memref<640xf32, #tpu.memory_space<vmem>>)
    %dma_wait3A_255 = arith.constant 5120 : i32
    %dma_wait3A_256 = tpu.memref_slice %arg10[%dma_wait3A_255] : memref<20000xf32, #tpu.memory_space<vmem>> -> memref<640xf32, #tpu.memory_space<vmem>>
    %dma_wait3A_257 = tpu.memref_slice %arg17[%add3A_130] : memref<163840xf32, #tpu.memory_space<vmem_shared>> -> memref<640xf32, #tpu.memory_space<vmem_shared>>
    %dma_wait3A_258 = arith.constant 5120 : i32
    %dma_wait3A_259 = tpu.memref_slice %arg10[%dma_wait3A_258] : memref<20000xf32, #tpu.memory_space<vmem>> -> memref<640xf32, #tpu.memory_space<vmem>>
    %dma_wait3A_260 = tpu.memref_slice %arg17[%add3A_130] : memref<163840xf32, #tpu.memory_space<vmem_shared>> -> memref<640xf32, #tpu.memory_space<vmem_shared>>
    tpu.wait_dma2 semaphore(%arg16 : memref<!tpu.dma_semaphore, #tpu.memory_space<semaphore_mem>>) src(%dma_wait3A_260 : memref<640xf32, #tpu.memory_space<vmem_shared>>) dst(%dma_wait3A_259 : memref<640xf32, #tpu.memory_space<vmem>>)
    %dma_wait3A_261 = arith.constant 5760 : i32
    %dma_wait3A_262 = tpu.memref_slice %arg10[%dma_wait3A_261] : memref<20000xf32, #tpu.memory_space<vmem>> -> memref<640xf32, #tpu.memory_space<vmem>>
    %dma_wait3A_263 = tpu.memref_slice %arg17[%add3A_140] : memref<163840xf32, #tpu.memory_space<vmem_shared>> -> memref<640xf32, #tpu.memory_space<vmem_shared>>
    %dma_wait3A_264 = arith.constant 5760 : i32
    %dma_wait3A_265 = tpu.memref_slice %arg10[%dma_wait3A_264] : memref<20000xf32, #tpu.memory_space<vmem>> -> memref<640xf32, #tpu.memory_space<vmem>>
    %dma_wait3A_266 = tpu.memref_slice %arg17[%add3A_140] : memref<163840xf32, #tpu.memory_space<vmem_shared>> -> memref<640xf32, #tpu.memory_space<vmem_shared>>
    tpu.wait_dma2 semaphore(%arg16 : memref<!tpu.dma_semaphore, #tpu.memory_space<semaphore_mem>>) src(%dma_wait3A_266 : memref<640xf32, #tpu.memory_space<vmem_shared>>) dst(%dma_wait3A_265 : memref<640xf32, #tpu.memory_space<vmem>>)
    %dma_wait3A_267 = arith.constant 6400 : i32
    %dma_wait3A_268 = tpu.memref_slice %arg10[%dma_wait3A_267] : memref<20000xf32, #tpu.memory_space<vmem>> -> memref<640xf32, #tpu.memory_space<vmem>>
    %dma_wait3A_269 = tpu.memref_slice %arg17[%add3A_150] : memref<163840xf32, #tpu.memory_space<vmem_shared>> -> memref<640xf32, #tpu.memory_space<vmem_shared>>
    %dma_wait3A_270 = arith.constant 6400 : i32
    %dma_wait3A_271 = tpu.memref_slice %arg10[%dma_wait3A_270] : memref<20000xf32, #tpu.memory_space<vmem>> -> memref<640xf32, #tpu.memory_space<vmem>>
    %dma_wait3A_272 = tpu.memref_slice %arg17[%add3A_150] : memref<163840xf32, #tpu.memory_space<vmem_shared>> -> memref<640xf32, #tpu.memory_space<vmem_shared>>
    tpu.wait_dma2 semaphore(%arg16 : memref<!tpu.dma_semaphore, #tpu.memory_space<semaphore_mem>>) src(%dma_wait3A_272 : memref<640xf32, #tpu.memory_space<vmem_shared>>) dst(%dma_wait3A_271 : memref<640xf32, #tpu.memory_space<vmem>>)
    %dma_wait3A_273 = arith.constant 7040 : i32
    %dma_wait3A_274 = tpu.memref_slice %arg10[%dma_wait3A_273] : memref<20000xf32, #tpu.memory_space<vmem>> -> memref<640xf32, #tpu.memory_space<vmem>>
    %dma_wait3A_275 = tpu.memref_slice %arg17[%add3A_160] : memref<163840xf32, #tpu.memory_space<vmem_shared>> -> memref<640xf32, #tpu.memory_space<vmem_shared>>
    %dma_wait3A_276 = arith.constant 7040 : i32
    %dma_wait3A_277 = tpu.memref_slice %arg10[%dma_wait3A_276] : memref<20000xf32, #tpu.memory_space<vmem>> -> memref<640xf32, #tpu.memory_space<vmem>>
    %dma_wait3A_278 = tpu.memref_slice %arg17[%add3A_160] : memref<163840xf32, #tpu.memory_space<vmem_shared>> -> memref<640xf32, #tpu.memory_space<vmem_shared>>
    tpu.wait_dma2 semaphore(%arg16 : memref<!tpu.dma_semaphore, #tpu.memory_space<semaphore_mem>>) src(%dma_wait3A_278 : memref<640xf32, #tpu.memory_space<vmem_shared>>) dst(%dma_wait3A_277 : memref<640xf32, #tpu.memory_space<vmem>>)
    %dma_wait3A_279 = arith.constant 7680 : i32
    %dma_wait3A_280 = tpu.memref_slice %arg10[%dma_wait3A_279] : memref<20000xf32, #tpu.memory_space<vmem>> -> memref<640xf32, #tpu.memory_space<vmem>>
    %dma_wait3A_281 = tpu.memref_slice %arg17[%add3A_170] : memref<163840xf32, #tpu.memory_space<vmem_shared>> -> memref<640xf32, #tpu.memory_space<vmem_shared>>
    %dma_wait3A_282 = arith.constant 7680 : i32
    %dma_wait3A_283 = tpu.memref_slice %arg10[%dma_wait3A_282] : memref<20000xf32, #tpu.memory_space<vmem>> -> memref<640xf32, #tpu.memory_space<vmem>>
    %dma_wait3A_284 = tpu.memref_slice %arg17[%add3A_170] : memref<163840xf32, #tpu.memory_space<vmem_shared>> -> memref<640xf32, #tpu.memory_space<vmem_shared>>
    tpu.wait_dma2 semaphore(%arg16 : memref<!tpu.dma_semaphore, #tpu.memory_space<semaphore_mem>>) src(%dma_wait3A_284 : memref<640xf32, #tpu.memory_space<vmem_shared>>) dst(%dma_wait3A_283 : memref<640xf32, #tpu.memory_space<vmem>>)
    %dma_wait3A_285 = arith.constant 8320 : i32
    %dma_wait3A_286 = tpu.memref_slice %arg10[%dma_wait3A_285] : memref<20000xf32, #tpu.memory_space<vmem>> -> memref<640xf32, #tpu.memory_space<vmem>>
    %dma_wait3A_287 = tpu.memref_slice %arg17[%add3A_180] : memref<163840xf32, #tpu.memory_space<vmem_shared>> -> memref<640xf32, #tpu.memory_space<vmem_shared>>
    %dma_wait3A_288 = arith.constant 8320 : i32
    %dma_wait3A_289 = tpu.memref_slice %arg10[%dma_wait3A_288] : memref<20000xf32, #tpu.memory_space<vmem>> -> memref<640xf32, #tpu.memory_space<vmem>>
    %dma_wait3A_290 = tpu.memref_slice %arg17[%add3A_180] : memref<163840xf32, #tpu.memory_space<vmem_shared>> -> memref<640xf32, #tpu.memory_space<vmem_shared>>
    tpu.wait_dma2 semaphore(%arg16 : memref<!tpu.dma_semaphore, #tpu.memory_space<semaphore_mem>>) src(%dma_wait3A_290 : memref<640xf32, #tpu.memory_space<vmem_shared>>) dst(%dma_wait3A_289 : memref<640xf32, #tpu.memory_space<vmem>>)
    %dma_wait3A_291 = arith.constant 8960 : i32
    %dma_wait3A_292 = tpu.memref_slice %arg10[%dma_wait3A_291] : memref<20000xf32, #tpu.memory_space<vmem>> -> memref<640xf32, #tpu.memory_space<vmem>>
    %dma_wait3A_293 = tpu.memref_slice %arg17[%add3A_190] : memref<163840xf32, #tpu.memory_space<vmem_shared>> -> memref<640xf32, #tpu.memory_space<vmem_shared>>
    %dma_wait3A_294 = arith.constant 8960 : i32
    %dma_wait3A_295 = tpu.memref_slice %arg10[%dma_wait3A_294] : memref<20000xf32, #tpu.memory_space<vmem>> -> memref<640xf32, #tpu.memory_space<vmem>>
    %dma_wait3A_296 = tpu.memref_slice %arg17[%add3A_190] : memref<163840xf32, #tpu.memory_space<vmem_shared>> -> memref<640xf32, #tpu.memory_space<vmem_shared>>
    tpu.wait_dma2 semaphore(%arg16 : memref<!tpu.dma_semaphore, #tpu.memory_space<semaphore_mem>>) src(%dma_wait3A_296 : memref<640xf32, #tpu.memory_space<vmem_shared>>) dst(%dma_wait3A_295 : memref<640xf32, #tpu.memory_space<vmem>>)
    %dma_wait3A_297 = arith.constant 9600 : i32
    %dma_wait3A_298 = tpu.memref_slice %arg10[%dma_wait3A_297] : memref<20000xf32, #tpu.memory_space<vmem>> -> memref<640xf32, #tpu.memory_space<vmem>>
    %dma_wait3A_299 = tpu.memref_slice %arg17[%add3A_200] : memref<163840xf32, #tpu.memory_space<vmem_shared>> -> memref<640xf32, #tpu.memory_space<vmem_shared>>
    %dma_wait3A_300 = arith.constant 9600 : i32
    %dma_wait3A_301 = tpu.memref_slice %arg10[%dma_wait3A_300] : memref<20000xf32, #tpu.memory_space<vmem>> -> memref<640xf32, #tpu.memory_space<vmem>>
    %dma_wait3A_302 = tpu.memref_slice %arg17[%add3A_200] : memref<163840xf32, #tpu.memory_space<vmem_shared>> -> memref<640xf32, #tpu.memory_space<vmem_shared>>
    tpu.wait_dma2 semaphore(%arg16 : memref<!tpu.dma_semaphore, #tpu.memory_space<semaphore_mem>>) src(%dma_wait3A_302 : memref<640xf32, #tpu.memory_space<vmem_shared>>) dst(%dma_wait3A_301 : memref<640xf32, #tpu.memory_space<vmem>>)
    %parallel_loop3A_303 = arith.constant 0 : i32
    %parallel_loop3A_304 = arith.constant 640 : i32
    %parallel_loop3A_305 = arith.constant 16 : i32
    scf.for %parallel_loop3A_889 = %parallel_loop3A_303 to %parallel_loop3A_304 step %parallel_loop3A_305  : i32 {
      %parallel_loop3A_890 = tpu.assume_multiple %parallel_loop3A_889, 16 : i32
      %parallel_loop3A_891 = arith.index_cast %parallel_loop3A_890 : i32 to index
      %parallel_loop3A_892 = tpu.vector_load %arg10[%parallel_loop3A_891] {strides = array<i32>} : memref<20000xf32, #tpu.memory_space<vmem>>, vector<16xf32>,
      %parallel_loop3A_893 = arith.constant 640 : i32
      %parallel_loop3A_894 = arith.addi %parallel_loop3A_893, %parallel_loop3A_890 : i32
      %parallel_loop3A_895 = arith.index_cast %parallel_loop3A_894 : i32 to index
      %parallel_loop3A_896 = tpu.vector_load %arg10[%parallel_loop3A_895] {strides = array<i32>} : memref<20000xf32, #tpu.memory_space<vmem>>, vector<16xf32>,
      %parallel_loop3A_897 = arith.addf %parallel_loop3A_892, %parallel_loop3A_896 : vector<16xf32>
      %parallel_loop3A_898 = arith.constant 1280 : i32
      %parallel_loop3A_899 = arith.addi %parallel_loop3A_898, %parallel_loop3A_890 : i32
      %parallel_loop3A_900 = arith.index_cast %parallel_loop3A_899 : i32 to index
      %parallel_loop3A_901 = tpu.vector_load %arg10[%parallel_loop3A_900] {strides = array<i32>} : memref<20000xf32, #tpu.memory_space<vmem>>, vector<16xf32>,
      %parallel_loop3A_902 = arith.addf %parallel_loop3A_897, %parallel_loop3A_901 : vector<16xf32>
      %parallel_loop3A_903 = arith.constant 1920 : i32
      %parallel_loop3A_904 = arith.addi %parallel_loop3A_903, %parallel_loop3A_890 : i32
      %parallel_loop3A_905 = arith.index_cast %parallel_loop3A_904 : i32 to index
      %parallel_loop3A_906 = tpu.vector_load %arg10[%parallel_loop3A_905] {strides = array<i32>} : memref<20000xf32, #tpu.memory_space<vmem>>, vector<16xf32>,
      %parallel_loop3A_907 = arith.addf %parallel_loop3A_902, %parallel_loop3A_906 : vector<16xf32>
      %parallel_loop3A_908 = arith.constant 2560 : i32
      %parallel_loop3A_909 = arith.addi %parallel_loop3A_908, %parallel_loop3A_890 : i32
      %parallel_loop3A_910 = arith.index_cast %parallel_loop3A_909 : i32 to index
      %parallel_loop3A_911 = tpu.vector_load %arg10[%parallel_loop3A_910] {strides = array<i32>} : memref<20000xf32, #tpu.memory_space<vmem>>, vector<16xf32>,
      %parallel_loop3A_912 = arith.addf %parallel_loop3A_907, %parallel_loop3A_911 : vector<16xf32>
      %parallel_loop3A_913 = arith.constant 3200 : i32
      %parallel_loop3A_914 = arith.addi %parallel_loop3A_913, %parallel_loop3A_890 : i32
      %parallel_loop3A_915 = arith.index_cast %parallel_loop3A_914 : i32 to index
      %parallel_loop3A_916 = tpu.vector_load %arg10[%parallel_loop3A_915] {strides = array<i32>} : memref<20000xf32, #tpu.memory_space<vmem>>, vector<16xf32>,
      %parallel_loop3A_917 = arith.addf %parallel_loop3A_912, %parallel_loop3A_916 : vector<16xf32>
      %parallel_loop3A_918 = arith.constant 3840 : i32
      %parallel_loop3A_919 = arith.addi %parallel_loop3A_918, %parallel_loop3A_890 : i32
      %parallel_loop3A_920 = arith.index_cast %parallel_loop3A_919 : i32 to index
      %parallel_loop3A_921 = tpu.vector_load %arg10[%parallel_loop3A_920] {strides = array<i32>} : memref<20000xf32, #tpu.memory_space<vmem>>, vector<16xf32>,
      %parallel_loop3A_922 = arith.addf %parallel_loop3A_917, %parallel_loop3A_921 : vector<16xf32>
      %parallel_loop3A_923 = arith.constant 4480 : i32
      %parallel_loop3A_924 = arith.addi %parallel_loop3A_923, %parallel_loop3A_890 : i32
      %parallel_loop3A_925 = arith.index_cast %parallel_loop3A_924 : i32 to index
      %parallel_loop3A_926 = tpu.vector_load %arg10[%parallel_loop3A_925] {strides = array<i32>} : memref<20000xf32, #tpu.memory_space<vmem>>, vector<16xf32>,
      %parallel_loop3A_927 = arith.addf %parallel_loop3A_922, %parallel_loop3A_926 : vector<16xf32>
      %parallel_loop3A_928 = arith.constant 5120 : i32
      %parallel_loop3A_929 = arith.addi %parallel_loop3A_928, %parallel_loop3A_890 : i32
      %parallel_loop3A_930 = arith.index_cast %parallel_loop3A_929 : i32 to index
      %parallel_loop3A_931 = tpu.vector_load %arg10[%parallel_loop3A_930] {strides = array<i32>} : memref<20000xf32, #tpu.memory_space<vmem>>, vector<16xf32>,
      %parallel_loop3A_932 = arith.addf %parallel_loop3A_927, %parallel_loop3A_931 : vector<16xf32>
      %parallel_loop3A_933 = arith.constant 5760 : i32
      %parallel_loop3A_934 = arith.addi %parallel_loop3A_933, %parallel_loop3A_890 : i32
      %parallel_loop3A_935 = arith.index_cast %parallel_loop3A_934 : i32 to index
      %parallel_loop3A_936 = tpu.vector_load %arg10[%parallel_loop3A_935] {strides = array<i32>} : memref<20000xf32, #tpu.memory_space<vmem>>, vector<16xf32>,
      %parallel_loop3A_937 = arith.addf %parallel_loop3A_932, %parallel_loop3A_936 : vector<16xf32>
      %parallel_loop3A_938 = arith.constant 6400 : i32
      %parallel_loop3A_939 = arith.addi %parallel_loop3A_938, %parallel_loop3A_890 : i32
      %parallel_loop3A_940 = arith.index_cast %parallel_loop3A_939 : i32 to index
      %parallel_loop3A_941 = tpu.vector_load %arg10[%parallel_loop3A_940] {strides = array<i32>} : memref<20000xf32, #tpu.memory_space<vmem>>, vector<16xf32>,
      %parallel_loop3A_942 = arith.addf %parallel_loop3A_937, %parallel_loop3A_941 : vector<16xf32>
      %parallel_loop3A_943 = arith.constant 7040 : i32
      %parallel_loop3A_944 = arith.addi %parallel_loop3A_943, %parallel_loop3A_890 : i32
      %parallel_loop3A_945 = arith.index_cast %parallel_loop3A_944 : i32 to index
      %parallel_loop3A_946 = tpu.vector_load %arg10[%parallel_loop3A_945] {strides = array<i32>} : memref<20000xf32, #tpu.memory_space<vmem>>, vector<16xf32>,
      %parallel_loop3A_947 = arith.addf %parallel_loop3A_942, %parallel_loop3A_946 : vector<16xf32>
      %parallel_loop3A_948 = arith.constant 7680 : i32
      %parallel_loop3A_949 = arith.addi %parallel_loop3A_948, %parallel_loop3A_890 : i32
      %parallel_loop3A_950 = arith.index_cast %parallel_loop3A_949 : i32 to index
      %parallel_loop3A_951 = tpu.vector_load %arg10[%parallel_loop3A_950] {strides = array<i32>} : memref<20000xf32, #tpu.memory_space<vmem>>, vector<16xf32>,
      %parallel_loop3A_952 = arith.addf %parallel_loop3A_947, %parallel_loop3A_951 : vector<16xf32>
      %parallel_loop3A_953 = arith.constant 8320 : i32
      %parallel_loop3A_954 = arith.addi %parallel_loop3A_953, %parallel_loop3A_890 : i32
      %parallel_loop3A_955 = arith.index_cast %parallel_loop3A_954 : i32 to index
      %parallel_loop3A_956 = tpu.vector_load %arg10[%parallel_loop3A_955] {strides = array<i32>} : memref<20000xf32, #tpu.memory_space<vmem>>, vector<16xf32>,
      %parallel_loop3A_957 = arith.addf %parallel_loop3A_952, %parallel_loop3A_956 : vector<16xf32>
      %parallel_loop3A_958 = arith.constant 8960 : i32
      %parallel_loop3A_959 = arith.addi %parallel_loop3A_958, %parallel_loop3A_890 : i32
      %parallel_loop3A_960 = arith.index_cast %parallel_loop3A_959 : i32 to index
      %parallel_loop3A_961 = tpu.vector_load %arg10[%parallel_loop3A_960] {strides = array<i32>} : memref<20000xf32, #tpu.memory_space<vmem>>, vector<16xf32>,
      %parallel_loop3A_962 = arith.addf %parallel_loop3A_957, %parallel_loop3A_961 : vector<16xf32>
      %parallel_loop3A_963 = arith.constant 9600 : i32
      %parallel_loop3A_964 = arith.addi %parallel_loop3A_963, %parallel_loop3A_890 : i32
      %parallel_loop3A_965 = arith.index_cast %parallel_loop3A_964 : i32 to index
      %parallel_loop3A_966 = tpu.vector_load %arg10[%parallel_loop3A_965] {strides = array<i32>} : memref<20000xf32, #tpu.memory_space<vmem>>, vector<16xf32>,
      %parallel_loop3A_967 = arith.addf %parallel_loop3A_962, %parallel_loop3A_966 : vector<16xf32>
      %parallel_loop3A_968 = arith.index_cast %parallel_loop3A_890 : i32 to index
      %parallel_loop3A_969 = tpu.vector_load %arg10[%parallel_loop3A_968] {strides = array<i32>} : memref<20000xf32, #tpu.memory_space<vmem>>, vector<16xf32>,
      tpu.vector_store %arg10[%parallel_loop3A_968], %parallel_loop3A_967 {strides = array<i32>} : memref<20000xf32, #tpu.memory_space<vmem>>, vector<16xf32>,
    } {sc.loop_unroll_factor = 4 : i64, sc.parallel_access}
    %mul3A_306 = arith.constant 640 : i32
    %mul3A_307 = arith.muli %arg1, %mul3A_306 : i32
    "tpu.region"() ({
      %run_scoped3A = tpu.sem_alloc : memref<!tpu.dma_semaphore, #tpu.memory_space<semaphore_mem>>
      %dma_start3A_889 = arith.constant 0 : i32
      %dma_start3A_890 = tpu.memref_slice %arg10[%dma_start3A_889] : memref<20000xf32, #tpu.memory_space<vmem>> -> memref<640xf32, #tpu.memory_space<vmem>>
      %dma_start3A_891 = tpu.memref_slice %arg18[%mul3A_307] : memref<10240xf32, #tpu.memory_space<vmem_shared>> -> memref<640xf32, #tpu.memory_space<vmem_shared>>
      %dma_start3A_892 = tpu.memref_slice %arg18[%mul3A_307] : memref<10240xf32, #tpu.memory_space<vmem_shared>> -> memref<640xf32, #tpu.memory_space<vmem_shared>>
      %dma_start3A_893 = arith.constant 0 : i32
      %dma_start3A_894 = tpu.memref_slice %arg10[%dma_start3A_893] : memref<20000xf32, #tpu.memory_space<vmem>> -> memref<640xf32, #tpu.memory_space<vmem>>
      tpu.enqueue_dma source(%dma_start3A_894 : memref<640xf32, #tpu.memory_space<vmem>>) target(%dma_start3A_892 : memref<640xf32, #tpu.memory_space<vmem_shared>>) target_semaphore(%run_scoped3A : memref<!tpu.dma_semaphore, #tpu.memory_space<semaphore_mem>>)
      %dma_wait3A_895 = arith.constant 0 : i32
      %dma_wait3A_896 = tpu.memref_slice %arg10[%dma_wait3A_895] : memref<20000xf32, #tpu.memory_space<vmem>> -> memref<640xf32, #tpu.memory_space<vmem>>
      %dma_wait3A_897 = tpu.memref_slice %arg18[%mul3A_307] : memref<10240xf32, #tpu.memory_space<vmem_shared>> -> memref<640xf32, #tpu.memory_space<vmem_shared>>
      %dma_wait3A_898 = tpu.memref_slice %arg18[%mul3A_307] : memref<10240xf32, #tpu.memory_space<vmem_shared>> -> memref<640xf32, #tpu.memory_space<vmem_shared>>
      %dma_wait3A_899 = arith.constant 0 : i32
      %dma_wait3A_900 = tpu.memref_slice %arg10[%dma_wait3A_899] : memref<20000xf32, #tpu.memory_space<vmem>> -> memref<640xf32, #tpu.memory_space<vmem>>
      tpu.wait_dma2 semaphore(%run_scoped3A : memref<!tpu.dma_semaphore, #tpu.memory_space<semaphore_mem>>) src(%dma_wait3A_900 : memref<640xf32, #tpu.memory_space<vmem>>) dst(%dma_wait3A_898 : memref<640xf32, #tpu.memory_space<vmem_shared>>)
      tpu.yield
    }) : () -> ()
    %barrier3A_308 = arith.constant 0 : index
    tpu.barrier barrier_id(%barrier3A_308)
    "tpu.region"() ({
      %run_scoped3A = tpu.sem_alloc : memref<!tpu.dma_semaphore, #tpu.memory_space<semaphore_mem>>
      tpu.enqueue_dma source(%arg18 : memref<10240xf32, #tpu.memory_space<vmem_shared>>) target(%arg11 : memref<10240xf32, #tpu.memory_space<vmem>>) target_semaphore(%run_scoped3A : memref<!tpu.dma_semaphore, #tpu.memory_space<semaphore_mem>>)
      tpu.wait_dma2 semaphore(%run_scoped3A : memref<!tpu.dma_semaphore, #tpu.memory_space<semaphore_mem>>) src(%arg18 : memref<10240xf32, #tpu.memory_space<vmem_shared>>) dst(%arg11 : memref<10240xf32, #tpu.memory_space<vmem>>)
      tpu.yield
    }) : () -> ()
    %parallel_loop3A_309 = arith.constant 0 : i32
    %parallel_loop3A_310 = arith.constant 10240 : i32
    %parallel_loop3A_311 = arith.constant 16 : i32
    scf.for %parallel_loop3A_889 = %parallel_loop3A_309 to %parallel_loop3A_310 step %parallel_loop3A_311  : i32 {
      %parallel_loop3A_890 = tpu.assume_multiple %parallel_loop3A_889, 16 : i32
      %parallel_loop3A_891 = arith.index_cast %parallel_loop3A_890 : i32 to index
      %parallel_loop3A_892 = tpu.vector_load %arg13[%parallel_loop3A_891] {strides = array<i32>} : memref<10240xf32, #tpu.memory_space<vmem>>, vector<16xf32>,
      %parallel_loop3A_893 = arith.index_cast %parallel_loop3A_890 : i32 to index
      %parallel_loop3A_894 = tpu.vector_load %arg11[%parallel_loop3A_893] {strides = array<i32>} : memref<10240xf32, #tpu.memory_space<vmem>>, vector<16xf32>,
      %parallel_loop3A_895 = arith.addf %parallel_loop3A_892, %parallel_loop3A_894 : vector<16xf32>
      %parallel_loop3A_896 = arith.index_cast %parallel_loop3A_890 : i32 to index
      %parallel_loop3A_897 = tpu.vector_load %arg13[%parallel_loop3A_896] {strides = array<i32>} : memref<10240xf32, #tpu.memory_space<vmem>>, vector<16xf32>,
      tpu.vector_store %arg13[%parallel_loop3A_896], %parallel_loop3A_895 {strides = array<i32>} : memref<10240xf32, #tpu.memory_space<vmem>>, vector<16xf32>,
      %parallel_loop3A_898 = arith.index_cast %parallel_loop3A_890 : i32 to index
      %parallel_loop3A_899 = tpu.vector_load %arg12[%parallel_loop3A_898] {strides = array<i32>} : memref<10240xf32, #tpu.memory_space<vmem>>, vector<16xf32>,
      tpu.vector_store %arg12[%parallel_loop3A_898], %broadcast_in_dim3A_0 {strides = array<i32>} : memref<10240xf32, #tpu.memory_space<vmem>>, vector<16xf32>,
    } {sc.loop_unroll_factor = 8 : i64, sc.parallel_access}
    %parallel_loop3A_312 = arith.constant 0 : i32
    %parallel_loop3A_313 = arith.constant 20000 : i32
    %parallel_loop3A_314 = arith.constant 16 : i32
    scf.for %parallel_loop3A_889 = %parallel_loop3A_312 to %parallel_loop3A_313 step %parallel_loop3A_314  : i32 {
      %parallel_loop3A_890 = tpu.assume_multiple %parallel_loop3A_889, 16 : i32
      %parallel_loop3A_891 = arith.index_cast %parallel_loop3A_890 : i32 to index
      %parallel_loop3A_892 = tpu.vector_load %arg9[%parallel_loop3A_891] {strides = array<i32>} : memref<20000xi32, #tpu.memory_space<vmem>>, vector<16xi32>,
      %parallel_loop3A_893 = tpu.vector_load_idx %arg11[%parallel_loop3A_892] : memref<10240xf32, #tpu.memory_space<vmem>>[vector<16xi32>], vector<16xf32>,
      %parallel_loop3A_894 = arith.index_cast %parallel_loop3A_890 : i32 to index
      %parallel_loop3A_895 = tpu.vector_load %arg8[%parallel_loop3A_894] {strides = array<i32>} : memref<20000xi32, #tpu.memory_space<vmem>>, vector<16xi32>,
      %parallel_loop3A_896 = arith.constant 0.000000e+00 : f32
      %parallel_loop3A_897 = vector.broadcast %parallel_loop3A_896 : f32 to vector<16xf32>
      %parallel_loop3A_898 = arith.cmpf ogt, %parallel_loop3A_893, %parallel_loop3A_897 : vector<16xf32>
      tpu.vector_store_idx %arg12[%parallel_loop3A_895], %broadcast_in_dim3A_2 masked %parallel_loop3A_898 : memref<10240xf32, #tpu.memory_space<vmem>>[vector<16xi32>], vector<16xf32>, vector<16xi1>
    } {sc.loop_unroll_factor = 8 : i64, sc.parallel_access}
    %mul3A_315 = arith.constant 10240 : i32
    %mul3A_316 = arith.muli %arg1, %mul3A_315 : i32
    "tpu.region"() ({
      %run_scoped3A = tpu.sem_alloc : memref<!tpu.dma_semaphore, #tpu.memory_space<semaphore_mem>>
      %dma_start3A_889 = tpu.memref_slice %arg17[%mul3A_316] : memref<163840xf32, #tpu.memory_space<vmem_shared>> -> memref<10240xf32, #tpu.memory_space<vmem_shared>>
      %dma_start3A_890 = tpu.memref_slice %arg17[%mul3A_316] : memref<163840xf32, #tpu.memory_space<vmem_shared>> -> memref<10240xf32, #tpu.memory_space<vmem_shared>>
      tpu.enqueue_dma source(%arg12 : memref<10240xf32, #tpu.memory_space<vmem>>) target(%dma_start3A_890 : memref<10240xf32, #tpu.memory_space<vmem_shared>>) target_semaphore(%run_scoped3A : memref<!tpu.dma_semaphore, #tpu.memory_space<semaphore_mem>>)
      %dma_wait3A_891 = tpu.memref_slice %arg17[%mul3A_316] : memref<163840xf32, #tpu.memory_space<vmem_shared>> -> memref<10240xf32, #tpu.memory_space<vmem_shared>>
      %dma_wait3A_892 = tpu.memref_slice %arg17[%mul3A_316] : memref<163840xf32, #tpu.memory_space<vmem_shared>> -> memref<10240xf32, #tpu.memory_space<vmem_shared>>
      tpu.wait_dma2 semaphore(%run_scoped3A : memref<!tpu.dma_semaphore, #tpu.memory_space<semaphore_mem>>) src(%arg12 : memref<10240xf32, #tpu.memory_space<vmem>>) dst(%dma_wait3A_892 : memref<10240xf32, #tpu.memory_space<vmem_shared>>)
      tpu.yield
    }) : () -> ()
    %barrier3A_317 = arith.constant 0 : index
    tpu.barrier barrier_id(%barrier3A_317)
    %mul3A_318 = arith.constant 640 : i32
    %mul3A_319 = arith.muli %arg1, %mul3A_318 : i32
    %add3A_320 = arith.constant 0 : i32
    %add3A_321 = arith.addi %add3A_320, %mul3A_319 : i32
    %dma_start3A_322 = arith.constant 0 : i32
    %dma_start3A_323 = tpu.memref_slice %arg10[%dma_start3A_322] : memref<20000xf32, #tpu.memory_space<vmem>> -> memref<640xf32, #tpu.memory_space<vmem>>
    %dma_start3A_324 = tpu.memref_slice %arg17[%add3A_321] : memref<163840xf32, #tpu.memory_space<vmem_shared>> -> memref<640xf32, #tpu.memory_space<vmem_shared>>
    %dma_start3A_325 = arith.constant 0 : i32
    %dma_start3A_326 = tpu.memref_slice %arg10[%dma_start3A_325] : memref<20000xf32, #tpu.memory_space<vmem>> -> memref<640xf32, #tpu.memory_space<vmem>>
    %dma_start3A_327 = tpu.memref_slice %arg17[%add3A_321] : memref<163840xf32, #tpu.memory_space<vmem_shared>> -> memref<640xf32, #tpu.memory_space<vmem_shared>>
    tpu.enqueue_dma source(%dma_start3A_327 : memref<640xf32, #tpu.memory_space<vmem_shared>>) target(%dma_start3A_326 : memref<640xf32, #tpu.memory_space<vmem>>) target_semaphore(%arg16 : memref<!tpu.dma_semaphore, #tpu.memory_space<semaphore_mem>>)
    %mul3A_328 = arith.constant 640 : i32
    %mul3A_329 = arith.muli %arg1, %mul3A_328 : i32
    %add3A_330 = arith.constant 10240 : i32
    %add3A_331 = arith.addi %add3A_330, %mul3A_329 : i32
    %dma_start3A_332 = arith.constant 640 : i32
    %dma_start3A_333 = tpu.memref_slice %arg10[%dma_start3A_332] : memref<20000xf32, #tpu.memory_space<vmem>> -> memref<640xf32, #tpu.memory_space<vmem>>
    %dma_start3A_334 = tpu.memref_slice %arg17[%add3A_331] : memref<163840xf32, #tpu.memory_space<vmem_shared>> -> memref<640xf32, #tpu.memory_space<vmem_shared>>
    %dma_start3A_335 = arith.constant 640 : i32
    %dma_start3A_336 = tpu.memref_slice %arg10[%dma_start3A_335] : memref<20000xf32, #tpu.memory_space<vmem>> -> memref<640xf32, #tpu.memory_space<vmem>>
    %dma_start3A_337 = tpu.memref_slice %arg17[%add3A_331] : memref<163840xf32, #tpu.memory_space<vmem_shared>> -> memref<640xf32, #tpu.memory_space<vmem_shared>>
    tpu.enqueue_dma source(%dma_start3A_337 : memref<640xf32, #tpu.memory_space<vmem_shared>>) target(%dma_start3A_336 : memref<640xf32, #tpu.memory_space<vmem>>) target_semaphore(%arg16 : memref<!tpu.dma_semaphore, #tpu.memory_space<semaphore_mem>>)
    %mul3A_338 = arith.constant 640 : i32
    %mul3A_339 = arith.muli %arg1, %mul3A_338 : i32
    %add3A_340 = arith.constant 20480 : i32
    %add3A_341 = arith.addi %add3A_340, %mul3A_339 : i32
    %dma_start3A_342 = arith.constant 1280 : i32
    %dma_start3A_343 = tpu.memref_slice %arg10[%dma_start3A_342] : memref<20000xf32, #tpu.memory_space<vmem>> -> memref<640xf32, #tpu.memory_space<vmem>>
    %dma_start3A_344 = tpu.memref_slice %arg17[%add3A_341] : memref<163840xf32, #tpu.memory_space<vmem_shared>> -> memref<640xf32, #tpu.memory_space<vmem_shared>>
    %dma_start3A_345 = arith.constant 1280 : i32
    %dma_start3A_346 = tpu.memref_slice %arg10[%dma_start3A_345] : memref<20000xf32, #tpu.memory_space<vmem>> -> memref<640xf32, #tpu.memory_space<vmem>>
    %dma_start3A_347 = tpu.memref_slice %arg17[%add3A_341] : memref<163840xf32, #tpu.memory_space<vmem_shared>> -> memref<640xf32, #tpu.memory_space<vmem_shared>>
    tpu.enqueue_dma source(%dma_start3A_347 : memref<640xf32, #tpu.memory_space<vmem_shared>>) target(%dma_start3A_346 : memref<640xf32, #tpu.memory_space<vmem>>) target_semaphore(%arg16 : memref<!tpu.dma_semaphore, #tpu.memory_space<semaphore_mem>>)
    %mul3A_348 = arith.constant 640 : i32
    %mul3A_349 = arith.muli %arg1, %mul3A_348 : i32
    %add3A_350 = arith.constant 30720 : i32
    %add3A_351 = arith.addi %add3A_350, %mul3A_349 : i32
    %dma_start3A_352 = arith.constant 1920 : i32
    %dma_start3A_353 = tpu.memref_slice %arg10[%dma_start3A_352] : memref<20000xf32, #tpu.memory_space<vmem>> -> memref<640xf32, #tpu.memory_space<vmem>>
    %dma_start3A_354 = tpu.memref_slice %arg17[%add3A_351] : memref<163840xf32, #tpu.memory_space<vmem_shared>> -> memref<640xf32, #tpu.memory_space<vmem_shared>>
    %dma_start3A_355 = arith.constant 1920 : i32
    %dma_start3A_356 = tpu.memref_slice %arg10[%dma_start3A_355] : memref<20000xf32, #tpu.memory_space<vmem>> -> memref<640xf32, #tpu.memory_space<vmem>>
    %dma_start3A_357 = tpu.memref_slice %arg17[%add3A_351] : memref<163840xf32, #tpu.memory_space<vmem_shared>> -> memref<640xf32, #tpu.memory_space<vmem_shared>>
    tpu.enqueue_dma source(%dma_start3A_357 : memref<640xf32, #tpu.memory_space<vmem_shared>>) target(%dma_start3A_356 : memref<640xf32, #tpu.memory_space<vmem>>) target_semaphore(%arg16 : memref<!tpu.dma_semaphore, #tpu.memory_space<semaphore_mem>>)
    %mul3A_358 = arith.constant 640 : i32
    %mul3A_359 = arith.muli %arg1, %mul3A_358 : i32
    %add3A_360 = arith.constant 40960 : i32
    %add3A_361 = arith.addi %add3A_360, %mul3A_359 : i32
    %dma_start3A_362 = arith.constant 2560 : i32
    %dma_start3A_363 = tpu.memref_slice %arg10[%dma_start3A_362] : memref<20000xf32, #tpu.memory_space<vmem>> -> memref<640xf32, #tpu.memory_space<vmem>>
    %dma_start3A_364 = tpu.memref_slice %arg17[%add3A_361] : memref<163840xf32, #tpu.memory_space<vmem_shared>> -> memref<640xf32, #tpu.memory_space<vmem_shared>>
    %dma_start3A_365 = arith.constant 2560 : i32
    %dma_start3A_366 = tpu.memref_slice %arg10[%dma_start3A_365] : memref<20000xf32, #tpu.memory_space<vmem>> -> memref<640xf32, #tpu.memory_space<vmem>>
    %dma_start3A_367 = tpu.memref_slice %arg17[%add3A_361] : memref<163840xf32, #tpu.memory_space<vmem_shared>> -> memref<640xf32, #tpu.memory_space<vmem_shared>>
    tpu.enqueue_dma source(%dma_start3A_367 : memref<640xf32, #tpu.memory_space<vmem_shared>>) target(%dma_start3A_366 : memref<640xf32, #tpu.memory_space<vmem>>) target_semaphore(%arg16 : memref<!tpu.dma_semaphore, #tpu.memory_space<semaphore_mem>>)
    %mul3A_368 = arith.constant 640 : i32
    %mul3A_369 = arith.muli %arg1, %mul3A_368 : i32
    %add3A_370 = arith.constant 51200 : i32
    %add3A_371 = arith.addi %add3A_370, %mul3A_369 : i32
    %dma_start3A_372 = arith.constant 3200 : i32
    %dma_start3A_373 = tpu.memref_slice %arg10[%dma_start3A_372] : memref<20000xf32, #tpu.memory_space<vmem>> -> memref<640xf32, #tpu.memory_space<vmem>>
    %dma_start3A_374 = tpu.memref_slice %arg17[%add3A_371] : memref<163840xf32, #tpu.memory_space<vmem_shared>> -> memref<640xf32, #tpu.memory_space<vmem_shared>>
    %dma_start3A_375 = arith.constant 3200 : i32
    %dma_start3A_376 = tpu.memref_slice %arg10[%dma_start3A_375] : memref<20000xf32, #tpu.memory_space<vmem>> -> memref<640xf32, #tpu.memory_space<vmem>>
    %dma_start3A_377 = tpu.memref_slice %arg17[%add3A_371] : memref<163840xf32, #tpu.memory_space<vmem_shared>> -> memref<640xf32, #tpu.memory_space<vmem_shared>>
    tpu.enqueue_dma source(%dma_start3A_377 : memref<640xf32, #tpu.memory_space<vmem_shared>>) target(%dma_start3A_376 : memref<640xf32, #tpu.memory_space<vmem>>) target_semaphore(%arg16 : memref<!tpu.dma_semaphore, #tpu.memory_space<semaphore_mem>>)
    %mul3A_378 = arith.constant 640 : i32
    %mul3A_379 = arith.muli %arg1, %mul3A_378 : i32
    %add3A_380 = arith.constant 61440 : i32
    %add3A_381 = arith.addi %add3A_380, %mul3A_379 : i32
    %dma_start3A_382 = arith.constant 3840 : i32
    %dma_start3A_383 = tpu.memref_slice %arg10[%dma_start3A_382] : memref<20000xf32, #tpu.memory_space<vmem>> -> memref<640xf32, #tpu.memory_space<vmem>>
    %dma_start3A_384 = tpu.memref_slice %arg17[%add3A_381] : memref<163840xf32, #tpu.memory_space<vmem_shared>> -> memref<640xf32, #tpu.memory_space<vmem_shared>>
    %dma_start3A_385 = arith.constant 3840 : i32
    %dma_start3A_386 = tpu.memref_slice %arg10[%dma_start3A_385] : memref<20000xf32, #tpu.memory_space<vmem>> -> memref<640xf32, #tpu.memory_space<vmem>>
    %dma_start3A_387 = tpu.memref_slice %arg17[%add3A_381] : memref<163840xf32, #tpu.memory_space<vmem_shared>> -> memref<640xf32, #tpu.memory_space<vmem_shared>>
    tpu.enqueue_dma source(%dma_start3A_387 : memref<640xf32, #tpu.memory_space<vmem_shared>>) target(%dma_start3A_386 : memref<640xf32, #tpu.memory_space<vmem>>) target_semaphore(%arg16 : memref<!tpu.dma_semaphore, #tpu.memory_space<semaphore_mem>>)
    %mul3A_388 = arith.constant 640 : i32
    %mul3A_389 = arith.muli %arg1, %mul3A_388 : i32
    %add3A_390 = arith.constant 71680 : i32
    %add3A_391 = arith.addi %add3A_390, %mul3A_389 : i32
    %dma_start3A_392 = arith.constant 4480 : i32
    %dma_start3A_393 = tpu.memref_slice %arg10[%dma_start3A_392] : memref<20000xf32, #tpu.memory_space<vmem>> -> memref<640xf32, #tpu.memory_space<vmem>>
    %dma_start3A_394 = tpu.memref_slice %arg17[%add3A_391] : memref<163840xf32, #tpu.memory_space<vmem_shared>> -> memref<640xf32, #tpu.memory_space<vmem_shared>>
    %dma_start3A_395 = arith.constant 4480 : i32
    %dma_start3A_396 = tpu.memref_slice %arg10[%dma_start3A_395] : memref<20000xf32, #tpu.memory_space<vmem>> -> memref<640xf32, #tpu.memory_space<vmem>>
    %dma_start3A_397 = tpu.memref_slice %arg17[%add3A_391] : memref<163840xf32, #tpu.memory_space<vmem_shared>> -> memref<640xf32, #tpu.memory_space<vmem_shared>>
    tpu.enqueue_dma source(%dma_start3A_397 : memref<640xf32, #tpu.memory_space<vmem_shared>>) target(%dma_start3A_396 : memref<640xf32, #tpu.memory_space<vmem>>) target_semaphore(%arg16 : memref<!tpu.dma_semaphore, #tpu.memory_space<semaphore_mem>>)
    %mul3A_398 = arith.constant 640 : i32
    %mul3A_399 = arith.muli %arg1, %mul3A_398 : i32
    %add3A_400 = arith.constant 81920 : i32
    %add3A_401 = arith.addi %add3A_400, %mul3A_399 : i32
    %dma_start3A_402 = arith.constant 5120 : i32
    %dma_start3A_403 = tpu.memref_slice %arg10[%dma_start3A_402] : memref<20000xf32, #tpu.memory_space<vmem>> -> memref<640xf32, #tpu.memory_space<vmem>>
    %dma_start3A_404 = tpu.memref_slice %arg17[%add3A_401] : memref<163840xf32, #tpu.memory_space<vmem_shared>> -> memref<640xf32, #tpu.memory_space<vmem_shared>>
    %dma_start3A_405 = arith.constant 5120 : i32
    %dma_start3A_406 = tpu.memref_slice %arg10[%dma_start3A_405] : memref<20000xf32, #tpu.memory_space<vmem>> -> memref<640xf32, #tpu.memory_space<vmem>>
    %dma_start3A_407 = tpu.memref_slice %arg17[%add3A_401] : memref<163840xf32, #tpu.memory_space<vmem_shared>> -> memref<640xf32, #tpu.memory_space<vmem_shared>>
    tpu.enqueue_dma source(%dma_start3A_407 : memref<640xf32, #tpu.memory_space<vmem_shared>>) target(%dma_start3A_406 : memref<640xf32, #tpu.memory_space<vmem>>) target_semaphore(%arg16 : memref<!tpu.dma_semaphore, #tpu.memory_space<semaphore_mem>>)
    %mul3A_408 = arith.constant 640 : i32
    %mul3A_409 = arith.muli %arg1, %mul3A_408 : i32
    %add3A_410 = arith.constant 92160 : i32
    %add3A_411 = arith.addi %add3A_410, %mul3A_409 : i32
    %dma_start3A_412 = arith.constant 5760 : i32
    %dma_start3A_413 = tpu.memref_slice %arg10[%dma_start3A_412] : memref<20000xf32, #tpu.memory_space<vmem>> -> memref<640xf32, #tpu.memory_space<vmem>>
    %dma_start3A_414 = tpu.memref_slice %arg17[%add3A_411] : memref<163840xf32, #tpu.memory_space<vmem_shared>> -> memref<640xf32, #tpu.memory_space<vmem_shared>>
    %dma_start3A_415 = arith.constant 5760 : i32
    %dma_start3A_416 = tpu.memref_slice %arg10[%dma_start3A_415] : memref<20000xf32, #tpu.memory_space<vmem>> -> memref<640xf32, #tpu.memory_space<vmem>>
    %dma_start3A_417 = tpu.memref_slice %arg17[%add3A_411] : memref<163840xf32, #tpu.memory_space<vmem_shared>> -> memref<640xf32, #tpu.memory_space<vmem_shared>>
    tpu.enqueue_dma source(%dma_start3A_417 : memref<640xf32, #tpu.memory_space<vmem_shared>>) target(%dma_start3A_416 : memref<640xf32, #tpu.memory_space<vmem>>) target_semaphore(%arg16 : memref<!tpu.dma_semaphore, #tpu.memory_space<semaphore_mem>>)
    %mul3A_418 = arith.constant 640 : i32
    %mul3A_419 = arith.muli %arg1, %mul3A_418 : i32
    %add3A_420 = arith.constant 102400 : i32
    %add3A_421 = arith.addi %add3A_420, %mul3A_419 : i32
    %dma_start3A_422 = arith.constant 6400 : i32
    %dma_start3A_423 = tpu.memref_slice %arg10[%dma_start3A_422] : memref<20000xf32, #tpu.memory_space<vmem>> -> memref<640xf32, #tpu.memory_space<vmem>>
    %dma_start3A_424 = tpu.memref_slice %arg17[%add3A_421] : memref<163840xf32, #tpu.memory_space<vmem_shared>> -> memref<640xf32, #tpu.memory_space<vmem_shared>>
    %dma_start3A_425 = arith.constant 6400 : i32
    %dma_start3A_426 = tpu.memref_slice %arg10[%dma_start3A_425] : memref<20000xf32, #tpu.memory_space<vmem>> -> memref<640xf32, #tpu.memory_space<vmem>>
    %dma_start3A_427 = tpu.memref_slice %arg17[%add3A_421] : memref<163840xf32, #tpu.memory_space<vmem_shared>> -> memref<640xf32, #tpu.memory_space<vmem_shared>>
    tpu.enqueue_dma source(%dma_start3A_427 : memref<640xf32, #tpu.memory_space<vmem_shared>>) target(%dma_start3A_426 : memref<640xf32, #tpu.memory_space<vmem>>) target_semaphore(%arg16 : memref<!tpu.dma_semaphore, #tpu.memory_space<semaphore_mem>>)
    %mul3A_428 = arith.constant 640 : i32
    %mul3A_429 = arith.muli %arg1, %mul3A_428 : i32
    %add3A_430 = arith.constant 112640 : i32
    %add3A_431 = arith.addi %add3A_430, %mul3A_429 : i32
    %dma_start3A_432 = arith.constant 7040 : i32
    %dma_start3A_433 = tpu.memref_slice %arg10[%dma_start3A_432] : memref<20000xf32, #tpu.memory_space<vmem>> -> memref<640xf32, #tpu.memory_space<vmem>>
    %dma_start3A_434 = tpu.memref_slice %arg17[%add3A_431] : memref<163840xf32, #tpu.memory_space<vmem_shared>> -> memref<640xf32, #tpu.memory_space<vmem_shared>>
    %dma_start3A_435 = arith.constant 7040 : i32
    %dma_start3A_436 = tpu.memref_slice %arg10[%dma_start3A_435] : memref<20000xf32, #tpu.memory_space<vmem>> -> memref<640xf32, #tpu.memory_space<vmem>>
    %dma_start3A_437 = tpu.memref_slice %arg17[%add3A_431] : memref<163840xf32, #tpu.memory_space<vmem_shared>> -> memref<640xf32, #tpu.memory_space<vmem_shared>>
    tpu.enqueue_dma source(%dma_start3A_437 : memref<640xf32, #tpu.memory_space<vmem_shared>>) target(%dma_start3A_436 : memref<640xf32, #tpu.memory_space<vmem>>) target_semaphore(%arg16 : memref<!tpu.dma_semaphore, #tpu.memory_space<semaphore_mem>>)
    %mul3A_438 = arith.constant 640 : i32
    %mul3A_439 = arith.muli %arg1, %mul3A_438 : i32
    %add3A_440 = arith.constant 122880 : i32
    %add3A_441 = arith.addi %add3A_440, %mul3A_439 : i32
    %dma_start3A_442 = arith.constant 7680 : i32
    %dma_start3A_443 = tpu.memref_slice %arg10[%dma_start3A_442] : memref<20000xf32, #tpu.memory_space<vmem>> -> memref<640xf32, #tpu.memory_space<vmem>>
    %dma_start3A_444 = tpu.memref_slice %arg17[%add3A_441] : memref<163840xf32, #tpu.memory_space<vmem_shared>> -> memref<640xf32, #tpu.memory_space<vmem_shared>>
    %dma_start3A_445 = arith.constant 7680 : i32
    %dma_start3A_446 = tpu.memref_slice %arg10[%dma_start3A_445] : memref<20000xf32, #tpu.memory_space<vmem>> -> memref<640xf32, #tpu.memory_space<vmem>>
    %dma_start3A_447 = tpu.memref_slice %arg17[%add3A_441] : memref<163840xf32, #tpu.memory_space<vmem_shared>> -> memref<640xf32, #tpu.memory_space<vmem_shared>>
    tpu.enqueue_dma source(%dma_start3A_447 : memref<640xf32, #tpu.memory_space<vmem_shared>>) target(%dma_start3A_446 : memref<640xf32, #tpu.memory_space<vmem>>) target_semaphore(%arg16 : memref<!tpu.dma_semaphore, #tpu.memory_space<semaphore_mem>>)
    %mul3A_448 = arith.constant 640 : i32
    %mul3A_449 = arith.muli %arg1, %mul3A_448 : i32
    %add3A_450 = arith.constant 133120 : i32
    %add3A_451 = arith.addi %add3A_450, %mul3A_449 : i32
    %dma_start3A_452 = arith.constant 8320 : i32
    %dma_start3A_453 = tpu.memref_slice %arg10[%dma_start3A_452] : memref<20000xf32, #tpu.memory_space<vmem>> -> memref<640xf32, #tpu.memory_space<vmem>>
    %dma_start3A_454 = tpu.memref_slice %arg17[%add3A_451] : memref<163840xf32, #tpu.memory_space<vmem_shared>> -> memref<640xf32, #tpu.memory_space<vmem_shared>>
    %dma_start3A_455 = arith.constant 8320 : i32
    %dma_start3A_456 = tpu.memref_slice %arg10[%dma_start3A_455] : memref<20000xf32, #tpu.memory_space<vmem>> -> memref<640xf32, #tpu.memory_space<vmem>>
    %dma_start3A_457 = tpu.memref_slice %arg17[%add3A_451] : memref<163840xf32, #tpu.memory_space<vmem_shared>> -> memref<640xf32, #tpu.memory_space<vmem_shared>>
    tpu.enqueue_dma source(%dma_start3A_457 : memref<640xf32, #tpu.memory_space<vmem_shared>>) target(%dma_start3A_456 : memref<640xf32, #tpu.memory_space<vmem>>) target_semaphore(%arg16 : memref<!tpu.dma_semaphore, #tpu.memory_space<semaphore_mem>>)
    %mul3A_458 = arith.constant 640 : i32
    %mul3A_459 = arith.muli %arg1, %mul3A_458 : i32
    %add3A_460 = arith.constant 143360 : i32
    %add3A_461 = arith.addi %add3A_460, %mul3A_459 : i32
    %dma_start3A_462 = arith.constant 8960 : i32
    %dma_start3A_463 = tpu.memref_slice %arg10[%dma_start3A_462] : memref<20000xf32, #tpu.memory_space<vmem>> -> memref<640xf32, #tpu.memory_space<vmem>>
    %dma_start3A_464 = tpu.memref_slice %arg17[%add3A_461] : memref<163840xf32, #tpu.memory_space<vmem_shared>> -> memref<640xf32, #tpu.memory_space<vmem_shared>>
    %dma_start3A_465 = arith.constant 8960 : i32
    %dma_start3A_466 = tpu.memref_slice %arg10[%dma_start3A_465] : memref<20000xf32, #tpu.memory_space<vmem>> -> memref<640xf32, #tpu.memory_space<vmem>>
    %dma_start3A_467 = tpu.memref_slice %arg17[%add3A_461] : memref<163840xf32, #tpu.memory_space<vmem_shared>> -> memref<640xf32, #tpu.memory_space<vmem_shared>>
    tpu.enqueue_dma source(%dma_start3A_467 : memref<640xf32, #tpu.memory_space<vmem_shared>>) target(%dma_start3A_466 : memref<640xf32, #tpu.memory_space<vmem>>) target_semaphore(%arg16 : memref<!tpu.dma_semaphore, #tpu.memory_space<semaphore_mem>>)
    %mul3A_468 = arith.constant 640 : i32
    %mul3A_469 = arith.muli %arg1, %mul3A_468 : i32
    %add3A_470 = arith.constant 153600 : i32
    %add3A_471 = arith.addi %add3A_470, %mul3A_469 : i32
    %dma_start3A_472 = arith.constant 9600 : i32
    %dma_start3A_473 = tpu.memref_slice %arg10[%dma_start3A_472] : memref<20000xf32, #tpu.memory_space<vmem>> -> memref<640xf32, #tpu.memory_space<vmem>>
    %dma_start3A_474 = tpu.memref_slice %arg17[%add3A_471] : memref<163840xf32, #tpu.memory_space<vmem_shared>> -> memref<640xf32, #tpu.memory_space<vmem_shared>>
    %dma_start3A_475 = arith.constant 9600 : i32
    %dma_start3A_476 = tpu.memref_slice %arg10[%dma_start3A_475] : memref<20000xf32, #tpu.memory_space<vmem>> -> memref<640xf32, #tpu.memory_space<vmem>>
    %dma_start3A_477 = tpu.memref_slice %arg17[%add3A_471] : memref<163840xf32, #tpu.memory_space<vmem_shared>> -> memref<640xf32, #tpu.memory_space<vmem_shared>>
    tpu.enqueue_dma source(%dma_start3A_477 : memref<640xf32, #tpu.memory_space<vmem_shared>>) target(%dma_start3A_476 : memref<640xf32, #tpu.memory_space<vmem>>) target_semaphore(%arg16 : memref<!tpu.dma_semaphore, #tpu.memory_space<semaphore_mem>>)
    %dma_wait3A_478 = arith.constant 0 : i32
    %dma_wait3A_479 = tpu.memref_slice %arg10[%dma_wait3A_478] : memref<20000xf32, #tpu.memory_space<vmem>> -> memref<640xf32, #tpu.memory_space<vmem>>
    %dma_wait3A_480 = tpu.memref_slice %arg17[%add3A_321] : memref<163840xf32, #tpu.memory_space<vmem_shared>> -> memref<640xf32, #tpu.memory_space<vmem_shared>>
    %dma_wait3A_481 = arith.constant 0 : i32
    %dma_wait3A_482 = tpu.memref_slice %arg10[%dma_wait3A_481] : memref<20000xf32, #tpu.memory_space<vmem>> -> memref<640xf32, #tpu.memory_space<vmem>>
    %dma_wait3A_483 = tpu.memref_slice %arg17[%add3A_321] : memref<163840xf32, #tpu.memory_space<vmem_shared>> -> memref<640xf32, #tpu.memory_space<vmem_shared>>
    tpu.wait_dma2 semaphore(%arg16 : memref<!tpu.dma_semaphore, #tpu.memory_space<semaphore_mem>>) src(%dma_wait3A_483 : memref<640xf32, #tpu.memory_space<vmem_shared>>) dst(%dma_wait3A_482 : memref<640xf32, #tpu.memory_space<vmem>>)
    %dma_wait3A_484 = arith.constant 640 : i32
    %dma_wait3A_485 = tpu.memref_slice %arg10[%dma_wait3A_484] : memref<20000xf32, #tpu.memory_space<vmem>> -> memref<640xf32, #tpu.memory_space<vmem>>
    %dma_wait3A_486 = tpu.memref_slice %arg17[%add3A_331] : memref<163840xf32, #tpu.memory_space<vmem_shared>> -> memref<640xf32, #tpu.memory_space<vmem_shared>>
    %dma_wait3A_487 = arith.constant 640 : i32
    %dma_wait3A_488 = tpu.memref_slice %arg10[%dma_wait3A_487] : memref<20000xf32, #tpu.memory_space<vmem>> -> memref<640xf32, #tpu.memory_space<vmem>>
    %dma_wait3A_489 = tpu.memref_slice %arg17[%add3A_331] : memref<163840xf32, #tpu.memory_space<vmem_shared>> -> memref<640xf32, #tpu.memory_space<vmem_shared>>
    tpu.wait_dma2 semaphore(%arg16 : memref<!tpu.dma_semaphore, #tpu.memory_space<semaphore_mem>>) src(%dma_wait3A_489 : memref<640xf32, #tpu.memory_space<vmem_shared>>) dst(%dma_wait3A_488 : memref<640xf32, #tpu.memory_space<vmem>>)
    %dma_wait3A_490 = arith.constant 1280 : i32
    %dma_wait3A_491 = tpu.memref_slice %arg10[%dma_wait3A_490] : memref<20000xf32, #tpu.memory_space<vmem>> -> memref<640xf32, #tpu.memory_space<vmem>>
    %dma_wait3A_492 = tpu.memref_slice %arg17[%add3A_341] : memref<163840xf32, #tpu.memory_space<vmem_shared>> -> memref<640xf32, #tpu.memory_space<vmem_shared>>
    %dma_wait3A_493 = arith.constant 1280 : i32
    %dma_wait3A_494 = tpu.memref_slice %arg10[%dma_wait3A_493] : memref<20000xf32, #tpu.memory_space<vmem>> -> memref<640xf32, #tpu.memory_space<vmem>>
    %dma_wait3A_495 = tpu.memref_slice %arg17[%add3A_341] : memref<163840xf32, #tpu.memory_space<vmem_shared>> -> memref<640xf32, #tpu.memory_space<vmem_shared>>
    tpu.wait_dma2 semaphore(%arg16 : memref<!tpu.dma_semaphore, #tpu.memory_space<semaphore_mem>>) src(%dma_wait3A_495 : memref<640xf32, #tpu.memory_space<vmem_shared>>) dst(%dma_wait3A_494 : memref<640xf32, #tpu.memory_space<vmem>>)
    %dma_wait3A_496 = arith.constant 1920 : i32
    %dma_wait3A_497 = tpu.memref_slice %arg10[%dma_wait3A_496] : memref<20000xf32, #tpu.memory_space<vmem>> -> memref<640xf32, #tpu.memory_space<vmem>>
    %dma_wait3A_498 = tpu.memref_slice %arg17[%add3A_351] : memref<163840xf32, #tpu.memory_space<vmem_shared>> -> memref<640xf32, #tpu.memory_space<vmem_shared>>
    %dma_wait3A_499 = arith.constant 1920 : i32
    %dma_wait3A_500 = tpu.memref_slice %arg10[%dma_wait3A_499] : memref<20000xf32, #tpu.memory_space<vmem>> -> memref<640xf32, #tpu.memory_space<vmem>>
    %dma_wait3A_501 = tpu.memref_slice %arg17[%add3A_351] : memref<163840xf32, #tpu.memory_space<vmem_shared>> -> memref<640xf32, #tpu.memory_space<vmem_shared>>
    tpu.wait_dma2 semaphore(%arg16 : memref<!tpu.dma_semaphore, #tpu.memory_space<semaphore_mem>>) src(%dma_wait3A_501 : memref<640xf32, #tpu.memory_space<vmem_shared>>) dst(%dma_wait3A_500 : memref<640xf32, #tpu.memory_space<vmem>>)
    %dma_wait3A_502 = arith.constant 2560 : i32
    %dma_wait3A_503 = tpu.memref_slice %arg10[%dma_wait3A_502] : memref<20000xf32, #tpu.memory_space<vmem>> -> memref<640xf32, #tpu.memory_space<vmem>>
    %dma_wait3A_504 = tpu.memref_slice %arg17[%add3A_361] : memref<163840xf32, #tpu.memory_space<vmem_shared>> -> memref<640xf32, #tpu.memory_space<vmem_shared>>
    %dma_wait3A_505 = arith.constant 2560 : i32
    %dma_wait3A_506 = tpu.memref_slice %arg10[%dma_wait3A_505] : memref<20000xf32, #tpu.memory_space<vmem>> -> memref<640xf32, #tpu.memory_space<vmem>>
    %dma_wait3A_507 = tpu.memref_slice %arg17[%add3A_361] : memref<163840xf32, #tpu.memory_space<vmem_shared>> -> memref<640xf32, #tpu.memory_space<vmem_shared>>
    tpu.wait_dma2 semaphore(%arg16 : memref<!tpu.dma_semaphore, #tpu.memory_space<semaphore_mem>>) src(%dma_wait3A_507 : memref<640xf32, #tpu.memory_space<vmem_shared>>) dst(%dma_wait3A_506 : memref<640xf32, #tpu.memory_space<vmem>>)
    %dma_wait3A_508 = arith.constant 3200 : i32
    %dma_wait3A_509 = tpu.memref_slice %arg10[%dma_wait3A_508] : memref<20000xf32, #tpu.memory_space<vmem>> -> memref<640xf32, #tpu.memory_space<vmem>>
    %dma_wait3A_510 = tpu.memref_slice %arg17[%add3A_371] : memref<163840xf32, #tpu.memory_space<vmem_shared>> -> memref<640xf32, #tpu.memory_space<vmem_shared>>
    %dma_wait3A_511 = arith.constant 3200 : i32
    %dma_wait3A_512 = tpu.memref_slice %arg10[%dma_wait3A_511] : memref<20000xf32, #tpu.memory_space<vmem>> -> memref<640xf32, #tpu.memory_space<vmem>>
    %dma_wait3A_513 = tpu.memref_slice %arg17[%add3A_371] : memref<163840xf32, #tpu.memory_space<vmem_shared>> -> memref<640xf32, #tpu.memory_space<vmem_shared>>
    tpu.wait_dma2 semaphore(%arg16 : memref<!tpu.dma_semaphore, #tpu.memory_space<semaphore_mem>>) src(%dma_wait3A_513 : memref<640xf32, #tpu.memory_space<vmem_shared>>) dst(%dma_wait3A_512 : memref<640xf32, #tpu.memory_space<vmem>>)
    %dma_wait3A_514 = arith.constant 3840 : i32
    %dma_wait3A_515 = tpu.memref_slice %arg10[%dma_wait3A_514] : memref<20000xf32, #tpu.memory_space<vmem>> -> memref<640xf32, #tpu.memory_space<vmem>>
    %dma_wait3A_516 = tpu.memref_slice %arg17[%add3A_381] : memref<163840xf32, #tpu.memory_space<vmem_shared>> -> memref<640xf32, #tpu.memory_space<vmem_shared>>
    %dma_wait3A_517 = arith.constant 3840 : i32
    %dma_wait3A_518 = tpu.memref_slice %arg10[%dma_wait3A_517] : memref<20000xf32, #tpu.memory_space<vmem>> -> memref<640xf32, #tpu.memory_space<vmem>>
    %dma_wait3A_519 = tpu.memref_slice %arg17[%add3A_381] : memref<163840xf32, #tpu.memory_space<vmem_shared>> -> memref<640xf32, #tpu.memory_space<vmem_shared>>
    tpu.wait_dma2 semaphore(%arg16 : memref<!tpu.dma_semaphore, #tpu.memory_space<semaphore_mem>>) src(%dma_wait3A_519 : memref<640xf32, #tpu.memory_space<vmem_shared>>) dst(%dma_wait3A_518 : memref<640xf32, #tpu.memory_space<vmem>>)
    %dma_wait3A_520 = arith.constant 4480 : i32
    %dma_wait3A_521 = tpu.memref_slice %arg10[%dma_wait3A_520] : memref<20000xf32, #tpu.memory_space<vmem>> -> memref<640xf32, #tpu.memory_space<vmem>>
    %dma_wait3A_522 = tpu.memref_slice %arg17[%add3A_391] : memref<163840xf32, #tpu.memory_space<vmem_shared>> -> memref<640xf32, #tpu.memory_space<vmem_shared>>
    %dma_wait3A_523 = arith.constant 4480 : i32
    %dma_wait3A_524 = tpu.memref_slice %arg10[%dma_wait3A_523] : memref<20000xf32, #tpu.memory_space<vmem>> -> memref<640xf32, #tpu.memory_space<vmem>>
    %dma_wait3A_525 = tpu.memref_slice %arg17[%add3A_391] : memref<163840xf32, #tpu.memory_space<vmem_shared>> -> memref<640xf32, #tpu.memory_space<vmem_shared>>
    tpu.wait_dma2 semaphore(%arg16 : memref<!tpu.dma_semaphore, #tpu.memory_space<semaphore_mem>>) src(%dma_wait3A_525 : memref<640xf32, #tpu.memory_space<vmem_shared>>) dst(%dma_wait3A_524 : memref<640xf32, #tpu.memory_space<vmem>>)
    %dma_wait3A_526 = arith.constant 5120 : i32
    %dma_wait3A_527 = tpu.memref_slice %arg10[%dma_wait3A_526] : memref<20000xf32, #tpu.memory_space<vmem>> -> memref<640xf32, #tpu.memory_space<vmem>>
    %dma_wait3A_528 = tpu.memref_slice %arg17[%add3A_401] : memref<163840xf32, #tpu.memory_space<vmem_shared>> -> memref<640xf32, #tpu.memory_space<vmem_shared>>
    %dma_wait3A_529 = arith.constant 5120 : i32
    %dma_wait3A_530 = tpu.memref_slice %arg10[%dma_wait3A_529] : memref<20000xf32, #tpu.memory_space<vmem>> -> memref<640xf32, #tpu.memory_space<vmem>>
    %dma_wait3A_531 = tpu.memref_slice %arg17[%add3A_401] : memref<163840xf32, #tpu.memory_space<vmem_shared>> -> memref<640xf32, #tpu.memory_space<vmem_shared>>
    tpu.wait_dma2 semaphore(%arg16 : memref<!tpu.dma_semaphore, #tpu.memory_space<semaphore_mem>>) src(%dma_wait3A_531 : memref<640xf32, #tpu.memory_space<vmem_shared>>) dst(%dma_wait3A_530 : memref<640xf32, #tpu.memory_space<vmem>>)
    %dma_wait3A_532 = arith.constant 5760 : i32
    %dma_wait3A_533 = tpu.memref_slice %arg10[%dma_wait3A_532] : memref<20000xf32, #tpu.memory_space<vmem>> -> memref<640xf32, #tpu.memory_space<vmem>>
    %dma_wait3A_534 = tpu.memref_slice %arg17[%add3A_411] : memref<163840xf32, #tpu.memory_space<vmem_shared>> -> memref<640xf32, #tpu.memory_space<vmem_shared>>
    %dma_wait3A_535 = arith.constant 5760 : i32
    %dma_wait3A_536 = tpu.memref_slice %arg10[%dma_wait3A_535] : memref<20000xf32, #tpu.memory_space<vmem>> -> memref<640xf32, #tpu.memory_space<vmem>>
    %dma_wait3A_537 = tpu.memref_slice %arg17[%add3A_411] : memref<163840xf32, #tpu.memory_space<vmem_shared>> -> memref<640xf32, #tpu.memory_space<vmem_shared>>
    tpu.wait_dma2 semaphore(%arg16 : memref<!tpu.dma_semaphore, #tpu.memory_space<semaphore_mem>>) src(%dma_wait3A_537 : memref<640xf32, #tpu.memory_space<vmem_shared>>) dst(%dma_wait3A_536 : memref<640xf32, #tpu.memory_space<vmem>>)
    %dma_wait3A_538 = arith.constant 6400 : i32
    %dma_wait3A_539 = tpu.memref_slice %arg10[%dma_wait3A_538] : memref<20000xf32, #tpu.memory_space<vmem>> -> memref<640xf32, #tpu.memory_space<vmem>>
    %dma_wait3A_540 = tpu.memref_slice %arg17[%add3A_421] : memref<163840xf32, #tpu.memory_space<vmem_shared>> -> memref<640xf32, #tpu.memory_space<vmem_shared>>
    %dma_wait3A_541 = arith.constant 6400 : i32
    %dma_wait3A_542 = tpu.memref_slice %arg10[%dma_wait3A_541] : memref<20000xf32, #tpu.memory_space<vmem>> -> memref<640xf32, #tpu.memory_space<vmem>>
    %dma_wait3A_543 = tpu.memref_slice %arg17[%add3A_421] : memref<163840xf32, #tpu.memory_space<vmem_shared>> -> memref<640xf32, #tpu.memory_space<vmem_shared>>
    tpu.wait_dma2 semaphore(%arg16 : memref<!tpu.dma_semaphore, #tpu.memory_space<semaphore_mem>>) src(%dma_wait3A_543 : memref<640xf32, #tpu.memory_space<vmem_shared>>) dst(%dma_wait3A_542 : memref<640xf32, #tpu.memory_space<vmem>>)
    %dma_wait3A_544 = arith.constant 7040 : i32
    %dma_wait3A_545 = tpu.memref_slice %arg10[%dma_wait3A_544] : memref<20000xf32, #tpu.memory_space<vmem>> -> memref<640xf32, #tpu.memory_space<vmem>>
    %dma_wait3A_546 = tpu.memref_slice %arg17[%add3A_431] : memref<163840xf32, #tpu.memory_space<vmem_shared>> -> memref<640xf32, #tpu.memory_space<vmem_shared>>
    %dma_wait3A_547 = arith.constant 7040 : i32
    %dma_wait3A_548 = tpu.memref_slice %arg10[%dma_wait3A_547] : memref<20000xf32, #tpu.memory_space<vmem>> -> memref<640xf32, #tpu.memory_space<vmem>>
    %dma_wait3A_549 = tpu.memref_slice %arg17[%add3A_431] : memref<163840xf32, #tpu.memory_space<vmem_shared>> -> memref<640xf32, #tpu.memory_space<vmem_shared>>
    tpu.wait_dma2 semaphore(%arg16 : memref<!tpu.dma_semaphore, #tpu.memory_space<semaphore_mem>>) src(%dma_wait3A_549 : memref<640xf32, #tpu.memory_space<vmem_shared>>) dst(%dma_wait3A_548 : memref<640xf32, #tpu.memory_space<vmem>>)
    %dma_wait3A_550 = arith.constant 7680 : i32
    %dma_wait3A_551 = tpu.memref_slice %arg10[%dma_wait3A_550] : memref<20000xf32, #tpu.memory_space<vmem>> -> memref<640xf32, #tpu.memory_space<vmem>>
    %dma_wait3A_552 = tpu.memref_slice %arg17[%add3A_441] : memref<163840xf32, #tpu.memory_space<vmem_shared>> -> memref<640xf32, #tpu.memory_space<vmem_shared>>
    %dma_wait3A_553 = arith.constant 7680 : i32
    %dma_wait3A_554 = tpu.memref_slice %arg10[%dma_wait3A_553] : memref<20000xf32, #tpu.memory_space<vmem>> -> memref<640xf32, #tpu.memory_space<vmem>>
    %dma_wait3A_555 = tpu.memref_slice %arg17[%add3A_441] : memref<163840xf32, #tpu.memory_space<vmem_shared>> -> memref<640xf32, #tpu.memory_space<vmem_shared>>
    tpu.wait_dma2 semaphore(%arg16 : memref<!tpu.dma_semaphore, #tpu.memory_space<semaphore_mem>>) src(%dma_wait3A_555 : memref<640xf32, #tpu.memory_space<vmem_shared>>) dst(%dma_wait3A_554 : memref<640xf32, #tpu.memory_space<vmem>>)
    %dma_wait3A_556 = arith.constant 8320 : i32
    %dma_wait3A_557 = tpu.memref_slice %arg10[%dma_wait3A_556] : memref<20000xf32, #tpu.memory_space<vmem>> -> memref<640xf32, #tpu.memory_space<vmem>>
    %dma_wait3A_558 = tpu.memref_slice %arg17[%add3A_451] : memref<163840xf32, #tpu.memory_space<vmem_shared>> -> memref<640xf32, #tpu.memory_space<vmem_shared>>
    %dma_wait3A_559 = arith.constant 8320 : i32
    %dma_wait3A_560 = tpu.memref_slice %arg10[%dma_wait3A_559] : memref<20000xf32, #tpu.memory_space<vmem>> -> memref<640xf32, #tpu.memory_space<vmem>>
    %dma_wait3A_561 = tpu.memref_slice %arg17[%add3A_451] : memref<163840xf32, #tpu.memory_space<vmem_shared>> -> memref<640xf32, #tpu.memory_space<vmem_shared>>
    tpu.wait_dma2 semaphore(%arg16 : memref<!tpu.dma_semaphore, #tpu.memory_space<semaphore_mem>>) src(%dma_wait3A_561 : memref<640xf32, #tpu.memory_space<vmem_shared>>) dst(%dma_wait3A_560 : memref<640xf32, #tpu.memory_space<vmem>>)
    %dma_wait3A_562 = arith.constant 8960 : i32
    %dma_wait3A_563 = tpu.memref_slice %arg10[%dma_wait3A_562] : memref<20000xf32, #tpu.memory_space<vmem>> -> memref<640xf32, #tpu.memory_space<vmem>>
    %dma_wait3A_564 = tpu.memref_slice %arg17[%add3A_461] : memref<163840xf32, #tpu.memory_space<vmem_shared>> -> memref<640xf32, #tpu.memory_space<vmem_shared>>
    %dma_wait3A_565 = arith.constant 8960 : i32
    %dma_wait3A_566 = tpu.memref_slice %arg10[%dma_wait3A_565] : memref<20000xf32, #tpu.memory_space<vmem>> -> memref<640xf32, #tpu.memory_space<vmem>>
    %dma_wait3A_567 = tpu.memref_slice %arg17[%add3A_461] : memref<163840xf32, #tpu.memory_space<vmem_shared>> -> memref<640xf32, #tpu.memory_space<vmem_shared>>
    tpu.wait_dma2 semaphore(%arg16 : memref<!tpu.dma_semaphore, #tpu.memory_space<semaphore_mem>>) src(%dma_wait3A_567 : memref<640xf32, #tpu.memory_space<vmem_shared>>) dst(%dma_wait3A_566 : memref<640xf32, #tpu.memory_space<vmem>>)
    %dma_wait3A_568 = arith.constant 9600 : i32
    %dma_wait3A_569 = tpu.memref_slice %arg10[%dma_wait3A_568] : memref<20000xf32, #tpu.memory_space<vmem>> -> memref<640xf32, #tpu.memory_space<vmem>>
    %dma_wait3A_570 = tpu.memref_slice %arg17[%add3A_471] : memref<163840xf32, #tpu.memory_space<vmem_shared>> -> memref<640xf32, #tpu.memory_space<vmem_shared>>
    %dma_wait3A_571 = arith.constant 9600 : i32
    %dma_wait3A_572 = tpu.memref_slice %arg10[%dma_wait3A_571] : memref<20000xf32, #tpu.memory_space<vmem>> -> memref<640xf32, #tpu.memory_space<vmem>>
    %dma_wait3A_573 = tpu.memref_slice %arg17[%add3A_471] : memref<163840xf32, #tpu.memory_space<vmem_shared>> -> memref<640xf32, #tpu.memory_space<vmem_shared>>
    tpu.wait_dma2 semaphore(%arg16 : memref<!tpu.dma_semaphore, #tpu.memory_space<semaphore_mem>>) src(%dma_wait3A_573 : memref<640xf32, #tpu.memory_space<vmem_shared>>) dst(%dma_wait3A_572 : memref<640xf32, #tpu.memory_space<vmem>>)
    %parallel_loop3A_574 = arith.constant 0 : i32
    %parallel_loop3A_575 = arith.constant 640 : i32
    %parallel_loop3A_576 = arith.constant 16 : i32
    scf.for %parallel_loop3A_889 = %parallel_loop3A_574 to %parallel_loop3A_575 step %parallel_loop3A_576  : i32 {
      %parallel_loop3A_890 = tpu.assume_multiple %parallel_loop3A_889, 16 : i32
      %parallel_loop3A_891 = arith.index_cast %parallel_loop3A_890 : i32 to index
      %parallel_loop3A_892 = tpu.vector_load %arg10[%parallel_loop3A_891] {strides = array<i32>} : memref<20000xf32, #tpu.memory_space<vmem>>, vector<16xf32>,
      %parallel_loop3A_893 = arith.constant 640 : i32
      %parallel_loop3A_894 = arith.addi %parallel_loop3A_893, %parallel_loop3A_890 : i32
      %parallel_loop3A_895 = arith.index_cast %parallel_loop3A_894 : i32 to index
      %parallel_loop3A_896 = tpu.vector_load %arg10[%parallel_loop3A_895] {strides = array<i32>} : memref<20000xf32, #tpu.memory_space<vmem>>, vector<16xf32>,
      %parallel_loop3A_897 = arith.addf %parallel_loop3A_892, %parallel_loop3A_896 : vector<16xf32>
      %parallel_loop3A_898 = arith.constant 1280 : i32
      %parallel_loop3A_899 = arith.addi %parallel_loop3A_898, %parallel_loop3A_890 : i32
      %parallel_loop3A_900 = arith.index_cast %parallel_loop3A_899 : i32 to index
      %parallel_loop3A_901 = tpu.vector_load %arg10[%parallel_loop3A_900] {strides = array<i32>} : memref<20000xf32, #tpu.memory_space<vmem>>, vector<16xf32>,
      %parallel_loop3A_902 = arith.addf %parallel_loop3A_897, %parallel_loop3A_901 : vector<16xf32>
      %parallel_loop3A_903 = arith.constant 1920 : i32
      %parallel_loop3A_904 = arith.addi %parallel_loop3A_903, %parallel_loop3A_890 : i32
      %parallel_loop3A_905 = arith.index_cast %parallel_loop3A_904 : i32 to index
      %parallel_loop3A_906 = tpu.vector_load %arg10[%parallel_loop3A_905] {strides = array<i32>} : memref<20000xf32, #tpu.memory_space<vmem>>, vector<16xf32>,
      %parallel_loop3A_907 = arith.addf %parallel_loop3A_902, %parallel_loop3A_906 : vector<16xf32>
      %parallel_loop3A_908 = arith.constant 2560 : i32
      %parallel_loop3A_909 = arith.addi %parallel_loop3A_908, %parallel_loop3A_890 : i32
      %parallel_loop3A_910 = arith.index_cast %parallel_loop3A_909 : i32 to index
      %parallel_loop3A_911 = tpu.vector_load %arg10[%parallel_loop3A_910] {strides = array<i32>} : memref<20000xf32, #tpu.memory_space<vmem>>, vector<16xf32>,
      %parallel_loop3A_912 = arith.addf %parallel_loop3A_907, %parallel_loop3A_911 : vector<16xf32>
      %parallel_loop3A_913 = arith.constant 3200 : i32
      %parallel_loop3A_914 = arith.addi %parallel_loop3A_913, %parallel_loop3A_890 : i32
      %parallel_loop3A_915 = arith.index_cast %parallel_loop3A_914 : i32 to index
      %parallel_loop3A_916 = tpu.vector_load %arg10[%parallel_loop3A_915] {strides = array<i32>} : memref<20000xf32, #tpu.memory_space<vmem>>, vector<16xf32>,
      %parallel_loop3A_917 = arith.addf %parallel_loop3A_912, %parallel_loop3A_916 : vector<16xf32>
      %parallel_loop3A_918 = arith.constant 3840 : i32
      %parallel_loop3A_919 = arith.addi %parallel_loop3A_918, %parallel_loop3A_890 : i32
      %parallel_loop3A_920 = arith.index_cast %parallel_loop3A_919 : i32 to index
      %parallel_loop3A_921 = tpu.vector_load %arg10[%parallel_loop3A_920] {strides = array<i32>} : memref<20000xf32, #tpu.memory_space<vmem>>, vector<16xf32>,
      %parallel_loop3A_922 = arith.addf %parallel_loop3A_917, %parallel_loop3A_921 : vector<16xf32>
      %parallel_loop3A_923 = arith.constant 4480 : i32
      %parallel_loop3A_924 = arith.addi %parallel_loop3A_923, %parallel_loop3A_890 : i32
      %parallel_loop3A_925 = arith.index_cast %parallel_loop3A_924 : i32 to index
      %parallel_loop3A_926 = tpu.vector_load %arg10[%parallel_loop3A_925] {strides = array<i32>} : memref<20000xf32, #tpu.memory_space<vmem>>, vector<16xf32>,
      %parallel_loop3A_927 = arith.addf %parallel_loop3A_922, %parallel_loop3A_926 : vector<16xf32>
      %parallel_loop3A_928 = arith.constant 5120 : i32
      %parallel_loop3A_929 = arith.addi %parallel_loop3A_928, %parallel_loop3A_890 : i32
      %parallel_loop3A_930 = arith.index_cast %parallel_loop3A_929 : i32 to index
      %parallel_loop3A_931 = tpu.vector_load %arg10[%parallel_loop3A_930] {strides = array<i32>} : memref<20000xf32, #tpu.memory_space<vmem>>, vector<16xf32>,
      %parallel_loop3A_932 = arith.addf %parallel_loop3A_927, %parallel_loop3A_931 : vector<16xf32>
      %parallel_loop3A_933 = arith.constant 5760 : i32
      %parallel_loop3A_934 = arith.addi %parallel_loop3A_933, %parallel_loop3A_890 : i32
      %parallel_loop3A_935 = arith.index_cast %parallel_loop3A_934 : i32 to index
      %parallel_loop3A_936 = tpu.vector_load %arg10[%parallel_loop3A_935] {strides = array<i32>} : memref<20000xf32, #tpu.memory_space<vmem>>, vector<16xf32>,
      %parallel_loop3A_937 = arith.addf %parallel_loop3A_932, %parallel_loop3A_936 : vector<16xf32>
      %parallel_loop3A_938 = arith.constant 6400 : i32
      %parallel_loop3A_939 = arith.addi %parallel_loop3A_938, %parallel_loop3A_890 : i32
      %parallel_loop3A_940 = arith.index_cast %parallel_loop3A_939 : i32 to index
      %parallel_loop3A_941 = tpu.vector_load %arg10[%parallel_loop3A_940] {strides = array<i32>} : memref<20000xf32, #tpu.memory_space<vmem>>, vector<16xf32>,
      %parallel_loop3A_942 = arith.addf %parallel_loop3A_937, %parallel_loop3A_941 : vector<16xf32>
      %parallel_loop3A_943 = arith.constant 7040 : i32
      %parallel_loop3A_944 = arith.addi %parallel_loop3A_943, %parallel_loop3A_890 : i32
      %parallel_loop3A_945 = arith.index_cast %parallel_loop3A_944 : i32 to index
      %parallel_loop3A_946 = tpu.vector_load %arg10[%parallel_loop3A_945] {strides = array<i32>} : memref<20000xf32, #tpu.memory_space<vmem>>, vector<16xf32>,
      %parallel_loop3A_947 = arith.addf %parallel_loop3A_942, %parallel_loop3A_946 : vector<16xf32>
      %parallel_loop3A_948 = arith.constant 7680 : i32
      %parallel_loop3A_949 = arith.addi %parallel_loop3A_948, %parallel_loop3A_890 : i32
      %parallel_loop3A_950 = arith.index_cast %parallel_loop3A_949 : i32 to index
      %parallel_loop3A_951 = tpu.vector_load %arg10[%parallel_loop3A_950] {strides = array<i32>} : memref<20000xf32, #tpu.memory_space<vmem>>, vector<16xf32>,
      %parallel_loop3A_952 = arith.addf %parallel_loop3A_947, %parallel_loop3A_951 : vector<16xf32>
      %parallel_loop3A_953 = arith.constant 8320 : i32
      %parallel_loop3A_954 = arith.addi %parallel_loop3A_953, %parallel_loop3A_890 : i32
      %parallel_loop3A_955 = arith.index_cast %parallel_loop3A_954 : i32 to index
      %parallel_loop3A_956 = tpu.vector_load %arg10[%parallel_loop3A_955] {strides = array<i32>} : memref<20000xf32, #tpu.memory_space<vmem>>, vector<16xf32>,
      %parallel_loop3A_957 = arith.addf %parallel_loop3A_952, %parallel_loop3A_956 : vector<16xf32>
      %parallel_loop3A_958 = arith.constant 8960 : i32
      %parallel_loop3A_959 = arith.addi %parallel_loop3A_958, %parallel_loop3A_890 : i32
      %parallel_loop3A_960 = arith.index_cast %parallel_loop3A_959 : i32 to index
      %parallel_loop3A_961 = tpu.vector_load %arg10[%parallel_loop3A_960] {strides = array<i32>} : memref<20000xf32, #tpu.memory_space<vmem>>, vector<16xf32>,
      %parallel_loop3A_962 = arith.addf %parallel_loop3A_957, %parallel_loop3A_961 : vector<16xf32>
      %parallel_loop3A_963 = arith.constant 9600 : i32
      %parallel_loop3A_964 = arith.addi %parallel_loop3A_963, %parallel_loop3A_890 : i32
      %parallel_loop3A_965 = arith.index_cast %parallel_loop3A_964 : i32 to index
      %parallel_loop3A_966 = tpu.vector_load %arg10[%parallel_loop3A_965] {strides = array<i32>} : memref<20000xf32, #tpu.memory_space<vmem>>, vector<16xf32>,
      %parallel_loop3A_967 = arith.addf %parallel_loop3A_962, %parallel_loop3A_966 : vector<16xf32>
      %parallel_loop3A_968 = arith.index_cast %parallel_loop3A_890 : i32 to index
      %parallel_loop3A_969 = tpu.vector_load %arg10[%parallel_loop3A_968] {strides = array<i32>} : memref<20000xf32, #tpu.memory_space<vmem>>, vector<16xf32>,
      tpu.vector_store %arg10[%parallel_loop3A_968], %parallel_loop3A_967 {strides = array<i32>} : memref<20000xf32, #tpu.memory_space<vmem>>, vector<16xf32>,
    } {sc.loop_unroll_factor = 4 : i64, sc.parallel_access}
    %mul3A_577 = arith.constant 640 : i32
    %mul3A_578 = arith.muli %arg1, %mul3A_577 : i32
    "tpu.region"() ({
      %run_scoped3A = tpu.sem_alloc : memref<!tpu.dma_semaphore, #tpu.memory_space<semaphore_mem>>
      %dma_start3A_889 = arith.constant 0 : i32
      %dma_start3A_890 = tpu.memref_slice %arg10[%dma_start3A_889] : memref<20000xf32, #tpu.memory_space<vmem>> -> memref<640xf32, #tpu.memory_space<vmem>>
      %dma_start3A_891 = tpu.memref_slice %arg18[%mul3A_578] : memref<10240xf32, #tpu.memory_space<vmem_shared>> -> memref<640xf32, #tpu.memory_space<vmem_shared>>
      %dma_start3A_892 = tpu.memref_slice %arg18[%mul3A_578] : memref<10240xf32, #tpu.memory_space<vmem_shared>> -> memref<640xf32, #tpu.memory_space<vmem_shared>>
      %dma_start3A_893 = arith.constant 0 : i32
      %dma_start3A_894 = tpu.memref_slice %arg10[%dma_start3A_893] : memref<20000xf32, #tpu.memory_space<vmem>> -> memref<640xf32, #tpu.memory_space<vmem>>
      tpu.enqueue_dma source(%dma_start3A_894 : memref<640xf32, #tpu.memory_space<vmem>>) target(%dma_start3A_892 : memref<640xf32, #tpu.memory_space<vmem_shared>>) target_semaphore(%run_scoped3A : memref<!tpu.dma_semaphore, #tpu.memory_space<semaphore_mem>>)
      %dma_wait3A_895 = arith.constant 0 : i32
      %dma_wait3A_896 = tpu.memref_slice %arg10[%dma_wait3A_895] : memref<20000xf32, #tpu.memory_space<vmem>> -> memref<640xf32, #tpu.memory_space<vmem>>
      %dma_wait3A_897 = tpu.memref_slice %arg18[%mul3A_578] : memref<10240xf32, #tpu.memory_space<vmem_shared>> -> memref<640xf32, #tpu.memory_space<vmem_shared>>
      %dma_wait3A_898 = tpu.memref_slice %arg18[%mul3A_578] : memref<10240xf32, #tpu.memory_space<vmem_shared>> -> memref<640xf32, #tpu.memory_space<vmem_shared>>
      %dma_wait3A_899 = arith.constant 0 : i32
      %dma_wait3A_900 = tpu.memref_slice %arg10[%dma_wait3A_899] : memref<20000xf32, #tpu.memory_space<vmem>> -> memref<640xf32, #tpu.memory_space<vmem>>
      tpu.wait_dma2 semaphore(%run_scoped3A : memref<!tpu.dma_semaphore, #tpu.memory_space<semaphore_mem>>) src(%dma_wait3A_900 : memref<640xf32, #tpu.memory_space<vmem>>) dst(%dma_wait3A_898 : memref<640xf32, #tpu.memory_space<vmem_shared>>)
      tpu.yield
    }) : () -> ()
    %barrier3A_579 = arith.constant 0 : index
    tpu.barrier barrier_id(%barrier3A_579)
    "tpu.region"() ({
      %run_scoped3A = tpu.sem_alloc : memref<!tpu.dma_semaphore, #tpu.memory_space<semaphore_mem>>
      tpu.enqueue_dma source(%arg18 : memref<10240xf32, #tpu.memory_space<vmem_shared>>) target(%arg11 : memref<10240xf32, #tpu.memory_space<vmem>>) target_semaphore(%run_scoped3A : memref<!tpu.dma_semaphore, #tpu.memory_space<semaphore_mem>>)
      tpu.wait_dma2 semaphore(%run_scoped3A : memref<!tpu.dma_semaphore, #tpu.memory_space<semaphore_mem>>) src(%arg18 : memref<10240xf32, #tpu.memory_space<vmem_shared>>) dst(%arg11 : memref<10240xf32, #tpu.memory_space<vmem>>)
      tpu.yield
    }) : () -> ()
    %parallel_loop3A_580 = arith.constant 0 : i32
    %parallel_loop3A_581 = arith.constant 10240 : i32
    %parallel_loop3A_582 = arith.constant 16 : i32
    scf.for %parallel_loop3A_889 = %parallel_loop3A_580 to %parallel_loop3A_581 step %parallel_loop3A_582  : i32 {
      %parallel_loop3A_890 = tpu.assume_multiple %parallel_loop3A_889, 16 : i32
      %parallel_loop3A_891 = arith.index_cast %parallel_loop3A_890 : i32 to index
      %parallel_loop3A_892 = tpu.vector_load %arg13[%parallel_loop3A_891] {strides = array<i32>} : memref<10240xf32, #tpu.memory_space<vmem>>, vector<16xf32>,
      %parallel_loop3A_893 = arith.index_cast %parallel_loop3A_890 : i32 to index
      %parallel_loop3A_894 = tpu.vector_load %arg11[%parallel_loop3A_893] {strides = array<i32>} : memref<10240xf32, #tpu.memory_space<vmem>>, vector<16xf32>,
      %parallel_loop3A_895 = arith.addf %parallel_loop3A_892, %parallel_loop3A_894 : vector<16xf32>
      %parallel_loop3A_896 = arith.index_cast %parallel_loop3A_890 : i32 to index
      %parallel_loop3A_897 = tpu.vector_load %arg13[%parallel_loop3A_896] {strides = array<i32>} : memref<10240xf32, #tpu.memory_space<vmem>>, vector<16xf32>,
      tpu.vector_store %arg13[%parallel_loop3A_896], %parallel_loop3A_895 {strides = array<i32>} : memref<10240xf32, #tpu.memory_space<vmem>>, vector<16xf32>,
      %parallel_loop3A_898 = arith.index_cast %parallel_loop3A_890 : i32 to index
      %parallel_loop3A_899 = tpu.vector_load %arg12[%parallel_loop3A_898] {strides = array<i32>} : memref<10240xf32, #tpu.memory_space<vmem>>, vector<16xf32>,
      tpu.vector_store %arg12[%parallel_loop3A_898], %broadcast_in_dim3A_0 {strides = array<i32>} : memref<10240xf32, #tpu.memory_space<vmem>>, vector<16xf32>,
    } {sc.loop_unroll_factor = 8 : i64, sc.parallel_access}
    %mul3A_583 = arith.constant 10000 : i32
    %mul3A_584 = arith.muli %arg0, %mul3A_583 : i32
    %multiple_of3A = tpu.assume_multiple %mul3A_584, 16 : i32
    %sub3A = arith.constant 1 : i32
    %sub3A_585 = arith.subi %sub3A, %arg0 : i32
    %mul3A_586 = arith.constant 10000 : i32
    %mul3A_587 = arith.muli %sub3A_585, %mul3A_586 : i32
    %multiple_of3A_588 = tpu.assume_multiple %mul3A_587, 16 : i32
    %parallel_loop3A_589 = arith.constant 0 : i32
    %parallel_loop3A_590 = arith.constant 10000 : i32
    %parallel_loop3A_591 = arith.constant 16 : i32
    scf.for %parallel_loop3A_889 = %parallel_loop3A_589 to %parallel_loop3A_590 step %parallel_loop3A_591  : i32 {
      %parallel_loop3A_890 = tpu.assume_multiple %parallel_loop3A_889, 16 : i32
      %parallel_loop3A_891 = arith.addi %multiple_of3A, %parallel_loop3A_890 : i32
      %parallel_loop3A_892 = arith.index_cast %parallel_loop3A_891 : i32 to index
      %parallel_loop3A_893 = tpu.vector_load %arg8[%parallel_loop3A_892] {strides = array<i32>} : memref<20000xi32, #tpu.memory_space<vmem>>, vector<16xi32>,
      %parallel_loop3A_894 = arith.addi %multiple_of3A, %parallel_loop3A_890 : i32
      %parallel_loop3A_895 = arith.index_cast %parallel_loop3A_894 : i32 to index
      %parallel_loop3A_896 = tpu.vector_load %arg9[%parallel_loop3A_895] {strides = array<i32>} : memref<20000xi32, #tpu.memory_space<vmem>>, vector<16xi32>,
      %parallel_loop3A_897 = tpu.vector_load_idx %arg13[%parallel_loop3A_893] : memref<10240xf32, #tpu.memory_space<vmem>>[vector<16xi32>], vector<16xf32>,
      %parallel_loop3A_898 = tpu.vector_load_idx %arg13[%parallel_loop3A_896] : memref<10240xf32, #tpu.memory_space<vmem>>[vector<16xi32>], vector<16xf32>,
      %parallel_loop3A_899 = arith.constant 0.000000e+00 : f32
      %parallel_loop3A_900 = vector.broadcast %parallel_loop3A_899 : f32 to vector<16xf32>
      %parallel_loop3A_901 = arith.cmpf ogt, %parallel_loop3A_897, %parallel_loop3A_900 : vector<16xf32>
      %parallel_loop3A_902 = arith.constant 0.000000e+00 : f32
      %parallel_loop3A_903 = vector.broadcast %parallel_loop3A_902 : f32 to vector<16xf32>
      %parallel_loop3A_904 = arith.cmpf ogt, %parallel_loop3A_898, %parallel_loop3A_903 : vector<16xf32>
      %parallel_loop3A_905 = arith.andi %parallel_loop3A_901, %parallel_loop3A_904 : vector<16xi1>
      tpu.vector_store_idx %arg15[%parallel_loop3A_893], %broadcast_in_dim3A_2 masked %parallel_loop3A_905 : memref<10240xf32, #tpu.memory_space<vmem>>[vector<16xi32>], vector<16xf32>, vector<16xi1>
      tpu.vector_store_idx %arg15[%parallel_loop3A_896], %broadcast_in_dim3A_2 masked %parallel_loop3A_905 : memref<10240xf32, #tpu.memory_space<vmem>>[vector<16xi32>], vector<16xf32>, vector<16xi1>
      %parallel_loop3A_906 = tpu.vector_load_idx %arg14[%parallel_loop3A_893] : memref<10240xf32, #tpu.memory_space<vmem>>[vector<16xi32>], vector<16xf32>,
      %parallel_loop3A_907 = tpu.vector_load_idx %arg14[%parallel_loop3A_896] : memref<10240xf32, #tpu.memory_space<vmem>>[vector<16xi32>], vector<16xf32>,
      %parallel_loop3A_908 = arith.addf %parallel_loop3A_906, %parallel_loop3A_907 : vector<16xf32>
      %parallel_loop3A_909 = arith.constant 0.000000e+00 : f32
      %parallel_loop3A_910 = vector.broadcast %parallel_loop3A_909 : f32 to vector<16xf32>
      %parallel_loop3A_911 = arith.select %parallel_loop3A_905, %parallel_loop3A_908, %parallel_loop3A_910 : vector<16xi1>, vector<16xf32>
      %parallel_loop3A_912 = arith.index_cast %parallel_loop3A_890 : i32 to index
      %parallel_loop3A_913 = tpu.vector_load %arg10[%parallel_loop3A_912] {strides = array<i32>} : memref<20000xf32, #tpu.memory_space<vmem>>, vector<16xf32>,
      tpu.vector_store %arg10[%parallel_loop3A_912], %parallel_loop3A_911 {strides = array<i32>} : memref<20000xf32, #tpu.memory_space<vmem>>, vector<16xf32>,
      %parallel_loop3A_914 = arith.select %parallel_loop3A_905, %broadcast_in_dim3A_2, %broadcast_in_dim3A_0 : vector<16xi1>, vector<16xf32>
      %parallel_loop3A_915 = arith.constant 10000 : i32
      %parallel_loop3A_916 = arith.addi %parallel_loop3A_915, %parallel_loop3A_890 : i32
      %parallel_loop3A_917 = arith.index_cast %parallel_loop3A_916 : i32 to index
      %parallel_loop3A_918 = tpu.vector_load %arg10[%parallel_loop3A_917] {strides = array<i32>} : memref<20000xf32, #tpu.memory_space<vmem>>, vector<16xf32>,
      tpu.vector_store %arg10[%parallel_loop3A_917], %parallel_loop3A_914 {strides = array<i32>} : memref<20000xf32, #tpu.memory_space<vmem>>, vector<16xf32>,
    } {sc.loop_unroll_factor = 4 : i64, sc.parallel_access}
    %mul3A_592 = arith.constant 20000 : i32
    %mul3A_593 = arith.muli %arg1, %mul3A_592 : i32
    %add3A_594 = arith.addi %mul3A_593, %multiple_of3A : i32
    %dma_start3A_595 = arith.constant 0 : i32
    %dma_start3A_596 = tpu.memref_slice %arg10[%dma_start3A_595] : memref<20000xf32, #tpu.memory_space<vmem>> -> memref<10000xf32, #tpu.memory_space<vmem>>
    %dma_start3A_597 = tpu.memref_slice %arg5[%add3A_594] : memref<320000xf32, #tpu.memory_space<hbm>> -> memref<10000xf32, #tpu.memory_space<hbm>>
    %dma_start3A_598 = tpu.memref_slice %arg5[%add3A_594] : memref<320000xf32, #tpu.memory_space<hbm>> -> memref<10000xf32, #tpu.memory_space<hbm>>
    %dma_start3A_599 = arith.constant 0 : i32
    %dma_start3A_600 = tpu.memref_slice %arg10[%dma_start3A_599] : memref<20000xf32, #tpu.memory_space<vmem>> -> memref<10000xf32, #tpu.memory_space<vmem>>
    tpu.enqueue_dma source(%dma_start3A_600 : memref<10000xf32, #tpu.memory_space<vmem>>) target(%dma_start3A_598 : memref<10000xf32, #tpu.memory_space<hbm>>) target_semaphore(%arg16 : memref<!tpu.dma_semaphore, #tpu.memory_space<semaphore_mem>>)
    %mul3A_601 = arith.constant 20000 : i32
    %mul3A_602 = arith.muli %arg1, %mul3A_601 : i32
    %add3A_603 = arith.addi %mul3A_602, %multiple_of3A : i32
    %dma_start3A_604 = arith.constant 10000 : i32
    %dma_start3A_605 = tpu.memref_slice %arg10[%dma_start3A_604] : memref<20000xf32, #tpu.memory_space<vmem>> -> memref<10000xf32, #tpu.memory_space<vmem>>
    %dma_start3A_606 = tpu.memref_slice %arg6[%add3A_603] : memref<320000xf32, #tpu.memory_space<hbm>> -> memref<10000xf32, #tpu.memory_space<hbm>>
    %dma_start3A_607 = tpu.memref_slice %arg6[%add3A_603] : memref<320000xf32, #tpu.memory_space<hbm>> -> memref<10000xf32, #tpu.memory_space<hbm>>
    %dma_start3A_608 = arith.constant 10000 : i32
    %dma_start3A_609 = tpu.memref_slice %arg10[%dma_start3A_608] : memref<20000xf32, #tpu.memory_space<vmem>> -> memref<10000xf32, #tpu.memory_space<vmem>>
    tpu.enqueue_dma source(%dma_start3A_609 : memref<10000xf32, #tpu.memory_space<vmem>>) target(%dma_start3A_607 : memref<10000xf32, #tpu.memory_space<hbm>>) target_semaphore(%arg16 : memref<!tpu.dma_semaphore, #tpu.memory_space<semaphore_mem>>)
    %parallel_loop3A_610 = arith.constant 0 : i32
    %parallel_loop3A_611 = arith.constant 10000 : i32
    %parallel_loop3A_612 = arith.constant 16 : i32
    scf.for %parallel_loop3A_889 = %parallel_loop3A_610 to %parallel_loop3A_611 step %parallel_loop3A_612  : i32 {
      %parallel_loop3A_890 = tpu.assume_multiple %parallel_loop3A_889, 16 : i32
      %parallel_loop3A_891 = arith.addi %multiple_of3A_588, %parallel_loop3A_890 : i32
      %parallel_loop3A_892 = arith.index_cast %parallel_loop3A_891 : i32 to index
      %parallel_loop3A_893 = tpu.vector_load %arg8[%parallel_loop3A_892] {strides = array<i32>} : memref<20000xi32, #tpu.memory_space<vmem>>, vector<16xi32>,
      %parallel_loop3A_894 = arith.addi %multiple_of3A_588, %parallel_loop3A_890 : i32
      %parallel_loop3A_895 = arith.index_cast %parallel_loop3A_894 : i32 to index
      %parallel_loop3A_896 = tpu.vector_load %arg9[%parallel_loop3A_895] {strides = array<i32>} : memref<20000xi32, #tpu.memory_space<vmem>>, vector<16xi32>,
      %parallel_loop3A_897 = tpu.vector_load_idx %arg13[%parallel_loop3A_893] : memref<10240xf32, #tpu.memory_space<vmem>>[vector<16xi32>], vector<16xf32>,
      %parallel_loop3A_898 = tpu.vector_load_idx %arg13[%parallel_loop3A_896] : memref<10240xf32, #tpu.memory_space<vmem>>[vector<16xi32>], vector<16xf32>,
      %parallel_loop3A_899 = arith.constant 0.000000e+00 : f32
      %parallel_loop3A_900 = vector.broadcast %parallel_loop3A_899 : f32 to vector<16xf32>
      %parallel_loop3A_901 = arith.cmpf ogt, %parallel_loop3A_897, %parallel_loop3A_900 : vector<16xf32>
      %parallel_loop3A_902 = arith.constant 0.000000e+00 : f32
      %parallel_loop3A_903 = vector.broadcast %parallel_loop3A_902 : f32 to vector<16xf32>
      %parallel_loop3A_904 = arith.cmpf ogt, %parallel_loop3A_898, %parallel_loop3A_903 : vector<16xf32>
      %parallel_loop3A_905 = arith.andi %parallel_loop3A_901, %parallel_loop3A_904 : vector<16xi1>
      tpu.vector_store_idx %arg15[%parallel_loop3A_893], %broadcast_in_dim3A_2 masked %parallel_loop3A_905 : memref<10240xf32, #tpu.memory_space<vmem>>[vector<16xi32>], vector<16xf32>, vector<16xi1>
      tpu.vector_store_idx %arg15[%parallel_loop3A_896], %broadcast_in_dim3A_2 masked %parallel_loop3A_905 : memref<10240xf32, #tpu.memory_space<vmem>>[vector<16xi32>], vector<16xf32>, vector<16xi1>
    } {sc.loop_unroll_factor = 4 : i64, sc.parallel_access}
    %dma_wait3A_613 = arith.constant 0 : i32
    %dma_wait3A_614 = tpu.memref_slice %arg10[%dma_wait3A_613] : memref<20000xf32, #tpu.memory_space<vmem>> -> memref<10000xf32, #tpu.memory_space<vmem>>
    %dma_wait3A_615 = tpu.memref_slice %arg5[%add3A_594] : memref<320000xf32, #tpu.memory_space<hbm>> -> memref<10000xf32, #tpu.memory_space<hbm>>
    %dma_wait3A_616 = tpu.memref_slice %arg5[%add3A_594] : memref<320000xf32, #tpu.memory_space<hbm>> -> memref<10000xf32, #tpu.memory_space<hbm>>
    %dma_wait3A_617 = arith.constant 0 : i32
    %dma_wait3A_618 = tpu.memref_slice %arg10[%dma_wait3A_617] : memref<20000xf32, #tpu.memory_space<vmem>> -> memref<10000xf32, #tpu.memory_space<vmem>>
    tpu.wait_dma2 semaphore(%arg16 : memref<!tpu.dma_semaphore, #tpu.memory_space<semaphore_mem>>) src(%dma_wait3A_618 : memref<10000xf32, #tpu.memory_space<vmem>>) dst(%dma_wait3A_616 : memref<10000xf32, #tpu.memory_space<hbm>>)
    %dma_wait3A_619 = arith.constant 10000 : i32
    %dma_wait3A_620 = tpu.memref_slice %arg10[%dma_wait3A_619] : memref<20000xf32, #tpu.memory_space<vmem>> -> memref<10000xf32, #tpu.memory_space<vmem>>
    %dma_wait3A_621 = tpu.memref_slice %arg6[%add3A_603] : memref<320000xf32, #tpu.memory_space<hbm>> -> memref<10000xf32, #tpu.memory_space<hbm>>
    %dma_wait3A_622 = tpu.memref_slice %arg6[%add3A_603] : memref<320000xf32, #tpu.memory_space<hbm>> -> memref<10000xf32, #tpu.memory_space<hbm>>
    %dma_wait3A_623 = arith.constant 10000 : i32
    %dma_wait3A_624 = tpu.memref_slice %arg10[%dma_wait3A_623] : memref<20000xf32, #tpu.memory_space<vmem>> -> memref<10000xf32, #tpu.memory_space<vmem>>
    tpu.wait_dma2 semaphore(%arg16 : memref<!tpu.dma_semaphore, #tpu.memory_space<semaphore_mem>>) src(%dma_wait3A_624 : memref<10000xf32, #tpu.memory_space<vmem>>) dst(%dma_wait3A_622 : memref<10000xf32, #tpu.memory_space<hbm>>)
    %mul3A_625 = arith.constant 10240 : i32
    %mul3A_626 = arith.muli %arg1, %mul3A_625 : i32
    "tpu.region"() ({
      %run_scoped3A = tpu.sem_alloc : memref<!tpu.dma_semaphore, #tpu.memory_space<semaphore_mem>>
      %dma_start3A_889 = tpu.memref_slice %arg17[%mul3A_626] : memref<163840xf32, #tpu.memory_space<vmem_shared>> -> memref<10240xf32, #tpu.memory_space<vmem_shared>>
      %dma_start3A_890 = tpu.memref_slice %arg17[%mul3A_626] : memref<163840xf32, #tpu.memory_space<vmem_shared>> -> memref<10240xf32, #tpu.memory_space<vmem_shared>>
      tpu.enqueue_dma source(%arg15 : memref<10240xf32, #tpu.memory_space<vmem>>) target(%dma_start3A_890 : memref<10240xf32, #tpu.memory_space<vmem_shared>>) target_semaphore(%run_scoped3A : memref<!tpu.dma_semaphore, #tpu.memory_space<semaphore_mem>>)
      %dma_wait3A_891 = tpu.memref_slice %arg17[%mul3A_626] : memref<163840xf32, #tpu.memory_space<vmem_shared>> -> memref<10240xf32, #tpu.memory_space<vmem_shared>>
      %dma_wait3A_892 = tpu.memref_slice %arg17[%mul3A_626] : memref<163840xf32, #tpu.memory_space<vmem_shared>> -> memref<10240xf32, #tpu.memory_space<vmem_shared>>
      tpu.wait_dma2 semaphore(%run_scoped3A : memref<!tpu.dma_semaphore, #tpu.memory_space<semaphore_mem>>) src(%arg15 : memref<10240xf32, #tpu.memory_space<vmem>>) dst(%dma_wait3A_892 : memref<10240xf32, #tpu.memory_space<vmem_shared>>)
      tpu.yield
    }) : () -> ()
    %barrier3A_627 = arith.constant 0 : index
    tpu.barrier barrier_id(%barrier3A_627)
    %mul3A_628 = arith.constant 640 : i32
    %mul3A_629 = arith.muli %arg1, %mul3A_628 : i32
    %add3A_630 = arith.constant 0 : i32
    %add3A_631 = arith.addi %add3A_630, %mul3A_629 : i32
    %dma_start3A_632 = arith.constant 0 : i32
    %dma_start3A_633 = tpu.memref_slice %arg10[%dma_start3A_632] : memref<20000xf32, #tpu.memory_space<vmem>> -> memref<640xf32, #tpu.memory_space<vmem>>
    %dma_start3A_634 = tpu.memref_slice %arg17[%add3A_631] : memref<163840xf32, #tpu.memory_space<vmem_shared>> -> memref<640xf32, #tpu.memory_space<vmem_shared>>
    %dma_start3A_635 = arith.constant 0 : i32
    %dma_start3A_636 = tpu.memref_slice %arg10[%dma_start3A_635] : memref<20000xf32, #tpu.memory_space<vmem>> -> memref<640xf32, #tpu.memory_space<vmem>>
    %dma_start3A_637 = tpu.memref_slice %arg17[%add3A_631] : memref<163840xf32, #tpu.memory_space<vmem_shared>> -> memref<640xf32, #tpu.memory_space<vmem_shared>>
    tpu.enqueue_dma source(%dma_start3A_637 : memref<640xf32, #tpu.memory_space<vmem_shared>>) target(%dma_start3A_636 : memref<640xf32, #tpu.memory_space<vmem>>) target_semaphore(%arg16 : memref<!tpu.dma_semaphore, #tpu.memory_space<semaphore_mem>>)
    %mul3A_638 = arith.constant 640 : i32
    %mul3A_639 = arith.muli %arg1, %mul3A_638 : i32
    %add3A_640 = arith.constant 10240 : i32
    %add3A_641 = arith.addi %add3A_640, %mul3A_639 : i32
    %dma_start3A_642 = arith.constant 640 : i32
    %dma_start3A_643 = tpu.memref_slice %arg10[%dma_start3A_642] : memref<20000xf32, #tpu.memory_space<vmem>> -> memref<640xf32, #tpu.memory_space<vmem>>
    %dma_start3A_644 = tpu.memref_slice %arg17[%add3A_641] : memref<163840xf32, #tpu.memory_space<vmem_shared>> -> memref<640xf32, #tpu.memory_space<vmem_shared>>
    %dma_start3A_645 = arith.constant 640 : i32
    %dma_start3A_646 = tpu.memref_slice %arg10[%dma_start3A_645] : memref<20000xf32, #tpu.memory_space<vmem>> -> memref<640xf32, #tpu.memory_space<vmem>>
    %dma_start3A_647 = tpu.memref_slice %arg17[%add3A_641] : memref<163840xf32, #tpu.memory_space<vmem_shared>> -> memref<640xf32, #tpu.memory_space<vmem_shared>>
    tpu.enqueue_dma source(%dma_start3A_647 : memref<640xf32, #tpu.memory_space<vmem_shared>>) target(%dma_start3A_646 : memref<640xf32, #tpu.memory_space<vmem>>) target_semaphore(%arg16 : memref<!tpu.dma_semaphore, #tpu.memory_space<semaphore_mem>>)
    %mul3A_648 = arith.constant 640 : i32
    %mul3A_649 = arith.muli %arg1, %mul3A_648 : i32
    %add3A_650 = arith.constant 20480 : i32
    %add3A_651 = arith.addi %add3A_650, %mul3A_649 : i32
    %dma_start3A_652 = arith.constant 1280 : i32
    %dma_start3A_653 = tpu.memref_slice %arg10[%dma_start3A_652] : memref<20000xf32, #tpu.memory_space<vmem>> -> memref<640xf32, #tpu.memory_space<vmem>>
    %dma_start3A_654 = tpu.memref_slice %arg17[%add3A_651] : memref<163840xf32, #tpu.memory_space<vmem_shared>> -> memref<640xf32, #tpu.memory_space<vmem_shared>>
    %dma_start3A_655 = arith.constant 1280 : i32
    %dma_start3A_656 = tpu.memref_slice %arg10[%dma_start3A_655] : memref<20000xf32, #tpu.memory_space<vmem>> -> memref<640xf32, #tpu.memory_space<vmem>>
    %dma_start3A_657 = tpu.memref_slice %arg17[%add3A_651] : memref<163840xf32, #tpu.memory_space<vmem_shared>> -> memref<640xf32, #tpu.memory_space<vmem_shared>>
    tpu.enqueue_dma source(%dma_start3A_657 : memref<640xf32, #tpu.memory_space<vmem_shared>>) target(%dma_start3A_656 : memref<640xf32, #tpu.memory_space<vmem>>) target_semaphore(%arg16 : memref<!tpu.dma_semaphore, #tpu.memory_space<semaphore_mem>>)
    %mul3A_658 = arith.constant 640 : i32
    %mul3A_659 = arith.muli %arg1, %mul3A_658 : i32
    %add3A_660 = arith.constant 30720 : i32
    %add3A_661 = arith.addi %add3A_660, %mul3A_659 : i32
    %dma_start3A_662 = arith.constant 1920 : i32
    %dma_start3A_663 = tpu.memref_slice %arg10[%dma_start3A_662] : memref<20000xf32, #tpu.memory_space<vmem>> -> memref<640xf32, #tpu.memory_space<vmem>>
    %dma_start3A_664 = tpu.memref_slice %arg17[%add3A_661] : memref<163840xf32, #tpu.memory_space<vmem_shared>> -> memref<640xf32, #tpu.memory_space<vmem_shared>>
    %dma_start3A_665 = arith.constant 1920 : i32
    %dma_start3A_666 = tpu.memref_slice %arg10[%dma_start3A_665] : memref<20000xf32, #tpu.memory_space<vmem>> -> memref<640xf32, #tpu.memory_space<vmem>>
    %dma_start3A_667 = tpu.memref_slice %arg17[%add3A_661] : memref<163840xf32, #tpu.memory_space<vmem_shared>> -> memref<640xf32, #tpu.memory_space<vmem_shared>>
    tpu.enqueue_dma source(%dma_start3A_667 : memref<640xf32, #tpu.memory_space<vmem_shared>>) target(%dma_start3A_666 : memref<640xf32, #tpu.memory_space<vmem>>) target_semaphore(%arg16 : memref<!tpu.dma_semaphore, #tpu.memory_space<semaphore_mem>>)
    %mul3A_668 = arith.constant 640 : i32
    %mul3A_669 = arith.muli %arg1, %mul3A_668 : i32
    %add3A_670 = arith.constant 40960 : i32
    %add3A_671 = arith.addi %add3A_670, %mul3A_669 : i32
    %dma_start3A_672 = arith.constant 2560 : i32
    %dma_start3A_673 = tpu.memref_slice %arg10[%dma_start3A_672] : memref<20000xf32, #tpu.memory_space<vmem>> -> memref<640xf32, #tpu.memory_space<vmem>>
    %dma_start3A_674 = tpu.memref_slice %arg17[%add3A_671] : memref<163840xf32, #tpu.memory_space<vmem_shared>> -> memref<640xf32, #tpu.memory_space<vmem_shared>>
    %dma_start3A_675 = arith.constant 2560 : i32
    %dma_start3A_676 = tpu.memref_slice %arg10[%dma_start3A_675] : memref<20000xf32, #tpu.memory_space<vmem>> -> memref<640xf32, #tpu.memory_space<vmem>>
    %dma_start3A_677 = tpu.memref_slice %arg17[%add3A_671] : memref<163840xf32, #tpu.memory_space<vmem_shared>> -> memref<640xf32, #tpu.memory_space<vmem_shared>>
    tpu.enqueue_dma source(%dma_start3A_677 : memref<640xf32, #tpu.memory_space<vmem_shared>>) target(%dma_start3A_676 : memref<640xf32, #tpu.memory_space<vmem>>) target_semaphore(%arg16 : memref<!tpu.dma_semaphore, #tpu.memory_space<semaphore_mem>>)
    %mul3A_678 = arith.constant 640 : i32
    %mul3A_679 = arith.muli %arg1, %mul3A_678 : i32
    %add3A_680 = arith.constant 51200 : i32
    %add3A_681 = arith.addi %add3A_680, %mul3A_679 : i32
    %dma_start3A_682 = arith.constant 3200 : i32
    %dma_start3A_683 = tpu.memref_slice %arg10[%dma_start3A_682] : memref<20000xf32, #tpu.memory_space<vmem>> -> memref<640xf32, #tpu.memory_space<vmem>>
    %dma_start3A_684 = tpu.memref_slice %arg17[%add3A_681] : memref<163840xf32, #tpu.memory_space<vmem_shared>> -> memref<640xf32, #tpu.memory_space<vmem_shared>>
    %dma_start3A_685 = arith.constant 3200 : i32
    %dma_start3A_686 = tpu.memref_slice %arg10[%dma_start3A_685] : memref<20000xf32, #tpu.memory_space<vmem>> -> memref<640xf32, #tpu.memory_space<vmem>>
    %dma_start3A_687 = tpu.memref_slice %arg17[%add3A_681] : memref<163840xf32, #tpu.memory_space<vmem_shared>> -> memref<640xf32, #tpu.memory_space<vmem_shared>>
    tpu.enqueue_dma source(%dma_start3A_687 : memref<640xf32, #tpu.memory_space<vmem_shared>>) target(%dma_start3A_686 : memref<640xf32, #tpu.memory_space<vmem>>) target_semaphore(%arg16 : memref<!tpu.dma_semaphore, #tpu.memory_space<semaphore_mem>>)
    %mul3A_688 = arith.constant 640 : i32
    %mul3A_689 = arith.muli %arg1, %mul3A_688 : i32
    %add3A_690 = arith.constant 61440 : i32
    %add3A_691 = arith.addi %add3A_690, %mul3A_689 : i32
    %dma_start3A_692 = arith.constant 3840 : i32
    %dma_start3A_693 = tpu.memref_slice %arg10[%dma_start3A_692] : memref<20000xf32, #tpu.memory_space<vmem>> -> memref<640xf32, #tpu.memory_space<vmem>>
    %dma_start3A_694 = tpu.memref_slice %arg17[%add3A_691] : memref<163840xf32, #tpu.memory_space<vmem_shared>> -> memref<640xf32, #tpu.memory_space<vmem_shared>>
    %dma_start3A_695 = arith.constant 3840 : i32
    %dma_start3A_696 = tpu.memref_slice %arg10[%dma_start3A_695] : memref<20000xf32, #tpu.memory_space<vmem>> -> memref<640xf32, #tpu.memory_space<vmem>>
    %dma_start3A_697 = tpu.memref_slice %arg17[%add3A_691] : memref<163840xf32, #tpu.memory_space<vmem_shared>> -> memref<640xf32, #tpu.memory_space<vmem_shared>>
    tpu.enqueue_dma source(%dma_start3A_697 : memref<640xf32, #tpu.memory_space<vmem_shared>>) target(%dma_start3A_696 : memref<640xf32, #tpu.memory_space<vmem>>) target_semaphore(%arg16 : memref<!tpu.dma_semaphore, #tpu.memory_space<semaphore_mem>>)
    %mul3A_698 = arith.constant 640 : i32
    %mul3A_699 = arith.muli %arg1, %mul3A_698 : i32
    %add3A_700 = arith.constant 71680 : i32
    %add3A_701 = arith.addi %add3A_700, %mul3A_699 : i32
    %dma_start3A_702 = arith.constant 4480 : i32
    %dma_start3A_703 = tpu.memref_slice %arg10[%dma_start3A_702] : memref<20000xf32, #tpu.memory_space<vmem>> -> memref<640xf32, #tpu.memory_space<vmem>>
    %dma_start3A_704 = tpu.memref_slice %arg17[%add3A_701] : memref<163840xf32, #tpu.memory_space<vmem_shared>> -> memref<640xf32, #tpu.memory_space<vmem_shared>>
    %dma_start3A_705 = arith.constant 4480 : i32
    %dma_start3A_706 = tpu.memref_slice %arg10[%dma_start3A_705] : memref<20000xf32, #tpu.memory_space<vmem>> -> memref<640xf32, #tpu.memory_space<vmem>>
    %dma_start3A_707 = tpu.memref_slice %arg17[%add3A_701] : memref<163840xf32, #tpu.memory_space<vmem_shared>> -> memref<640xf32, #tpu.memory_space<vmem_shared>>
    tpu.enqueue_dma source(%dma_start3A_707 : memref<640xf32, #tpu.memory_space<vmem_shared>>) target(%dma_start3A_706 : memref<640xf32, #tpu.memory_space<vmem>>) target_semaphore(%arg16 : memref<!tpu.dma_semaphore, #tpu.memory_space<semaphore_mem>>)
    %mul3A_708 = arith.constant 640 : i32
    %mul3A_709 = arith.muli %arg1, %mul3A_708 : i32
    %add3A_710 = arith.constant 81920 : i32
    %add3A_711 = arith.addi %add3A_710, %mul3A_709 : i32
    %dma_start3A_712 = arith.constant 5120 : i32
    %dma_start3A_713 = tpu.memref_slice %arg10[%dma_start3A_712] : memref<20000xf32, #tpu.memory_space<vmem>> -> memref<640xf32, #tpu.memory_space<vmem>>
    %dma_start3A_714 = tpu.memref_slice %arg17[%add3A_711] : memref<163840xf32, #tpu.memory_space<vmem_shared>> -> memref<640xf32, #tpu.memory_space<vmem_shared>>
    %dma_start3A_715 = arith.constant 5120 : i32
    %dma_start3A_716 = tpu.memref_slice %arg10[%dma_start3A_715] : memref<20000xf32, #tpu.memory_space<vmem>> -> memref<640xf32, #tpu.memory_space<vmem>>
    %dma_start3A_717 = tpu.memref_slice %arg17[%add3A_711] : memref<163840xf32, #tpu.memory_space<vmem_shared>> -> memref<640xf32, #tpu.memory_space<vmem_shared>>
    tpu.enqueue_dma source(%dma_start3A_717 : memref<640xf32, #tpu.memory_space<vmem_shared>>) target(%dma_start3A_716 : memref<640xf32, #tpu.memory_space<vmem>>) target_semaphore(%arg16 : memref<!tpu.dma_semaphore, #tpu.memory_space<semaphore_mem>>)
    %mul3A_718 = arith.constant 640 : i32
    %mul3A_719 = arith.muli %arg1, %mul3A_718 : i32
    %add3A_720 = arith.constant 92160 : i32
    %add3A_721 = arith.addi %add3A_720, %mul3A_719 : i32
    %dma_start3A_722 = arith.constant 5760 : i32
    %dma_start3A_723 = tpu.memref_slice %arg10[%dma_start3A_722] : memref<20000xf32, #tpu.memory_space<vmem>> -> memref<640xf32, #tpu.memory_space<vmem>>
    %dma_start3A_724 = tpu.memref_slice %arg17[%add3A_721] : memref<163840xf32, #tpu.memory_space<vmem_shared>> -> memref<640xf32, #tpu.memory_space<vmem_shared>>
    %dma_start3A_725 = arith.constant 5760 : i32
    %dma_start3A_726 = tpu.memref_slice %arg10[%dma_start3A_725] : memref<20000xf32, #tpu.memory_space<vmem>> -> memref<640xf32, #tpu.memory_space<vmem>>
    %dma_start3A_727 = tpu.memref_slice %arg17[%add3A_721] : memref<163840xf32, #tpu.memory_space<vmem_shared>> -> memref<640xf32, #tpu.memory_space<vmem_shared>>
    tpu.enqueue_dma source(%dma_start3A_727 : memref<640xf32, #tpu.memory_space<vmem_shared>>) target(%dma_start3A_726 : memref<640xf32, #tpu.memory_space<vmem>>) target_semaphore(%arg16 : memref<!tpu.dma_semaphore, #tpu.memory_space<semaphore_mem>>)
    %mul3A_728 = arith.constant 640 : i32
    %mul3A_729 = arith.muli %arg1, %mul3A_728 : i32
    %add3A_730 = arith.constant 102400 : i32
    %add3A_731 = arith.addi %add3A_730, %mul3A_729 : i32
    %dma_start3A_732 = arith.constant 6400 : i32
    %dma_start3A_733 = tpu.memref_slice %arg10[%dma_start3A_732] : memref<20000xf32, #tpu.memory_space<vmem>> -> memref<640xf32, #tpu.memory_space<vmem>>
    %dma_start3A_734 = tpu.memref_slice %arg17[%add3A_731] : memref<163840xf32, #tpu.memory_space<vmem_shared>> -> memref<640xf32, #tpu.memory_space<vmem_shared>>
    %dma_start3A_735 = arith.constant 6400 : i32
    %dma_start3A_736 = tpu.memref_slice %arg10[%dma_start3A_735] : memref<20000xf32, #tpu.memory_space<vmem>> -> memref<640xf32, #tpu.memory_space<vmem>>
    %dma_start3A_737 = tpu.memref_slice %arg17[%add3A_731] : memref<163840xf32, #tpu.memory_space<vmem_shared>> -> memref<640xf32, #tpu.memory_space<vmem_shared>>
    tpu.enqueue_dma source(%dma_start3A_737 : memref<640xf32, #tpu.memory_space<vmem_shared>>) target(%dma_start3A_736 : memref<640xf32, #tpu.memory_space<vmem>>) target_semaphore(%arg16 : memref<!tpu.dma_semaphore, #tpu.memory_space<semaphore_mem>>)
    %mul3A_738 = arith.constant 640 : i32
    %mul3A_739 = arith.muli %arg1, %mul3A_738 : i32
    %add3A_740 = arith.constant 112640 : i32
    %add3A_741 = arith.addi %add3A_740, %mul3A_739 : i32
    %dma_start3A_742 = arith.constant 7040 : i32
    %dma_start3A_743 = tpu.memref_slice %arg10[%dma_start3A_742] : memref<20000xf32, #tpu.memory_space<vmem>> -> memref<640xf32, #tpu.memory_space<vmem>>
    %dma_start3A_744 = tpu.memref_slice %arg17[%add3A_741] : memref<163840xf32, #tpu.memory_space<vmem_shared>> -> memref<640xf32, #tpu.memory_space<vmem_shared>>
    %dma_start3A_745 = arith.constant 7040 : i32
    %dma_start3A_746 = tpu.memref_slice %arg10[%dma_start3A_745] : memref<20000xf32, #tpu.memory_space<vmem>> -> memref<640xf32, #tpu.memory_space<vmem>>
    %dma_start3A_747 = tpu.memref_slice %arg17[%add3A_741] : memref<163840xf32, #tpu.memory_space<vmem_shared>> -> memref<640xf32, #tpu.memory_space<vmem_shared>>
    tpu.enqueue_dma source(%dma_start3A_747 : memref<640xf32, #tpu.memory_space<vmem_shared>>) target(%dma_start3A_746 : memref<640xf32, #tpu.memory_space<vmem>>) target_semaphore(%arg16 : memref<!tpu.dma_semaphore, #tpu.memory_space<semaphore_mem>>)
    %mul3A_748 = arith.constant 640 : i32
    %mul3A_749 = arith.muli %arg1, %mul3A_748 : i32
    %add3A_750 = arith.constant 122880 : i32
    %add3A_751 = arith.addi %add3A_750, %mul3A_749 : i32
    %dma_start3A_752 = arith.constant 7680 : i32
    %dma_start3A_753 = tpu.memref_slice %arg10[%dma_start3A_752] : memref<20000xf32, #tpu.memory_space<vmem>> -> memref<640xf32, #tpu.memory_space<vmem>>
    %dma_start3A_754 = tpu.memref_slice %arg17[%add3A_751] : memref<163840xf32, #tpu.memory_space<vmem_shared>> -> memref<640xf32, #tpu.memory_space<vmem_shared>>
    %dma_start3A_755 = arith.constant 7680 : i32
    %dma_start3A_756 = tpu.memref_slice %arg10[%dma_start3A_755] : memref<20000xf32, #tpu.memory_space<vmem>> -> memref<640xf32, #tpu.memory_space<vmem>>
    %dma_start3A_757 = tpu.memref_slice %arg17[%add3A_751] : memref<163840xf32, #tpu.memory_space<vmem_shared>> -> memref<640xf32, #tpu.memory_space<vmem_shared>>
    tpu.enqueue_dma source(%dma_start3A_757 : memref<640xf32, #tpu.memory_space<vmem_shared>>) target(%dma_start3A_756 : memref<640xf32, #tpu.memory_space<vmem>>) target_semaphore(%arg16 : memref<!tpu.dma_semaphore, #tpu.memory_space<semaphore_mem>>)
    %mul3A_758 = arith.constant 640 : i32
    %mul3A_759 = arith.muli %arg1, %mul3A_758 : i32
    %add3A_760 = arith.constant 133120 : i32
    %add3A_761 = arith.addi %add3A_760, %mul3A_759 : i32
    %dma_start3A_762 = arith.constant 8320 : i32
    %dma_start3A_763 = tpu.memref_slice %arg10[%dma_start3A_762] : memref<20000xf32, #tpu.memory_space<vmem>> -> memref<640xf32, #tpu.memory_space<vmem>>
    %dma_start3A_764 = tpu.memref_slice %arg17[%add3A_761] : memref<163840xf32, #tpu.memory_space<vmem_shared>> -> memref<640xf32, #tpu.memory_space<vmem_shared>>
    %dma_start3A_765 = arith.constant 8320 : i32
    %dma_start3A_766 = tpu.memref_slice %arg10[%dma_start3A_765] : memref<20000xf32, #tpu.memory_space<vmem>> -> memref<640xf32, #tpu.memory_space<vmem>>
    %dma_start3A_767 = tpu.memref_slice %arg17[%add3A_761] : memref<163840xf32, #tpu.memory_space<vmem_shared>> -> memref<640xf32, #tpu.memory_space<vmem_shared>>
    tpu.enqueue_dma source(%dma_start3A_767 : memref<640xf32, #tpu.memory_space<vmem_shared>>) target(%dma_start3A_766 : memref<640xf32, #tpu.memory_space<vmem>>) target_semaphore(%arg16 : memref<!tpu.dma_semaphore, #tpu.memory_space<semaphore_mem>>)
    %mul3A_768 = arith.constant 640 : i32
    %mul3A_769 = arith.muli %arg1, %mul3A_768 : i32
    %add3A_770 = arith.constant 143360 : i32
    %add3A_771 = arith.addi %add3A_770, %mul3A_769 : i32
    %dma_start3A_772 = arith.constant 8960 : i32
    %dma_start3A_773 = tpu.memref_slice %arg10[%dma_start3A_772] : memref<20000xf32, #tpu.memory_space<vmem>> -> memref<640xf32, #tpu.memory_space<vmem>>
    %dma_start3A_774 = tpu.memref_slice %arg17[%add3A_771] : memref<163840xf32, #tpu.memory_space<vmem_shared>> -> memref<640xf32, #tpu.memory_space<vmem_shared>>
    %dma_start3A_775 = arith.constant 8960 : i32
    %dma_start3A_776 = tpu.memref_slice %arg10[%dma_start3A_775] : memref<20000xf32, #tpu.memory_space<vmem>> -> memref<640xf32, #tpu.memory_space<vmem>>
    %dma_start3A_777 = tpu.memref_slice %arg17[%add3A_771] : memref<163840xf32, #tpu.memory_space<vmem_shared>> -> memref<640xf32, #tpu.memory_space<vmem_shared>>
    tpu.enqueue_dma source(%dma_start3A_777 : memref<640xf32, #tpu.memory_space<vmem_shared>>) target(%dma_start3A_776 : memref<640xf32, #tpu.memory_space<vmem>>) target_semaphore(%arg16 : memref<!tpu.dma_semaphore, #tpu.memory_space<semaphore_mem>>)
    %mul3A_778 = arith.constant 640 : i32
    %mul3A_779 = arith.muli %arg1, %mul3A_778 : i32
    %add3A_780 = arith.constant 153600 : i32
    %add3A_781 = arith.addi %add3A_780, %mul3A_779 : i32
    %dma_start3A_782 = arith.constant 9600 : i32
    %dma_start3A_783 = tpu.memref_slice %arg10[%dma_start3A_782] : memref<20000xf32, #tpu.memory_space<vmem>> -> memref<640xf32, #tpu.memory_space<vmem>>
    %dma_start3A_784 = tpu.memref_slice %arg17[%add3A_781] : memref<163840xf32, #tpu.memory_space<vmem_shared>> -> memref<640xf32, #tpu.memory_space<vmem_shared>>
    %dma_start3A_785 = arith.constant 9600 : i32
    %dma_start3A_786 = tpu.memref_slice %arg10[%dma_start3A_785] : memref<20000xf32, #tpu.memory_space<vmem>> -> memref<640xf32, #tpu.memory_space<vmem>>
    %dma_start3A_787 = tpu.memref_slice %arg17[%add3A_781] : memref<163840xf32, #tpu.memory_space<vmem_shared>> -> memref<640xf32, #tpu.memory_space<vmem_shared>>
    tpu.enqueue_dma source(%dma_start3A_787 : memref<640xf32, #tpu.memory_space<vmem_shared>>) target(%dma_start3A_786 : memref<640xf32, #tpu.memory_space<vmem>>) target_semaphore(%arg16 : memref<!tpu.dma_semaphore, #tpu.memory_space<semaphore_mem>>)
    %dma_wait3A_788 = arith.constant 0 : i32
    %dma_wait3A_789 = tpu.memref_slice %arg10[%dma_wait3A_788] : memref<20000xf32, #tpu.memory_space<vmem>> -> memref<640xf32, #tpu.memory_space<vmem>>
    %dma_wait3A_790 = tpu.memref_slice %arg17[%add3A_631] : memref<163840xf32, #tpu.memory_space<vmem_shared>> -> memref<640xf32, #tpu.memory_space<vmem_shared>>
    %dma_wait3A_791 = arith.constant 0 : i32
    %dma_wait3A_792 = tpu.memref_slice %arg10[%dma_wait3A_791] : memref<20000xf32, #tpu.memory_space<vmem>> -> memref<640xf32, #tpu.memory_space<vmem>>
    %dma_wait3A_793 = tpu.memref_slice %arg17[%add3A_631] : memref<163840xf32, #tpu.memory_space<vmem_shared>> -> memref<640xf32, #tpu.memory_space<vmem_shared>>
    tpu.wait_dma2 semaphore(%arg16 : memref<!tpu.dma_semaphore, #tpu.memory_space<semaphore_mem>>) src(%dma_wait3A_793 : memref<640xf32, #tpu.memory_space<vmem_shared>>) dst(%dma_wait3A_792 : memref<640xf32, #tpu.memory_space<vmem>>)
    %dma_wait3A_794 = arith.constant 640 : i32
    %dma_wait3A_795 = tpu.memref_slice %arg10[%dma_wait3A_794] : memref<20000xf32, #tpu.memory_space<vmem>> -> memref<640xf32, #tpu.memory_space<vmem>>
    %dma_wait3A_796 = tpu.memref_slice %arg17[%add3A_641] : memref<163840xf32, #tpu.memory_space<vmem_shared>> -> memref<640xf32, #tpu.memory_space<vmem_shared>>
    %dma_wait3A_797 = arith.constant 640 : i32
    %dma_wait3A_798 = tpu.memref_slice %arg10[%dma_wait3A_797] : memref<20000xf32, #tpu.memory_space<vmem>> -> memref<640xf32, #tpu.memory_space<vmem>>
    %dma_wait3A_799 = tpu.memref_slice %arg17[%add3A_641] : memref<163840xf32, #tpu.memory_space<vmem_shared>> -> memref<640xf32, #tpu.memory_space<vmem_shared>>
    tpu.wait_dma2 semaphore(%arg16 : memref<!tpu.dma_semaphore, #tpu.memory_space<semaphore_mem>>) src(%dma_wait3A_799 : memref<640xf32, #tpu.memory_space<vmem_shared>>) dst(%dma_wait3A_798 : memref<640xf32, #tpu.memory_space<vmem>>)
    %dma_wait3A_800 = arith.constant 1280 : i32
    %dma_wait3A_801 = tpu.memref_slice %arg10[%dma_wait3A_800] : memref<20000xf32, #tpu.memory_space<vmem>> -> memref<640xf32, #tpu.memory_space<vmem>>
    %dma_wait3A_802 = tpu.memref_slice %arg17[%add3A_651] : memref<163840xf32, #tpu.memory_space<vmem_shared>> -> memref<640xf32, #tpu.memory_space<vmem_shared>>
    %dma_wait3A_803 = arith.constant 1280 : i32
    %dma_wait3A_804 = tpu.memref_slice %arg10[%dma_wait3A_803] : memref<20000xf32, #tpu.memory_space<vmem>> -> memref<640xf32, #tpu.memory_space<vmem>>
    %dma_wait3A_805 = tpu.memref_slice %arg17[%add3A_651] : memref<163840xf32, #tpu.memory_space<vmem_shared>> -> memref<640xf32, #tpu.memory_space<vmem_shared>>
    tpu.wait_dma2 semaphore(%arg16 : memref<!tpu.dma_semaphore, #tpu.memory_space<semaphore_mem>>) src(%dma_wait3A_805 : memref<640xf32, #tpu.memory_space<vmem_shared>>) dst(%dma_wait3A_804 : memref<640xf32, #tpu.memory_space<vmem>>)
    %dma_wait3A_806 = arith.constant 1920 : i32
    %dma_wait3A_807 = tpu.memref_slice %arg10[%dma_wait3A_806] : memref<20000xf32, #tpu.memory_space<vmem>> -> memref<640xf32, #tpu.memory_space<vmem>>
    %dma_wait3A_808 = tpu.memref_slice %arg17[%add3A_661] : memref<163840xf32, #tpu.memory_space<vmem_shared>> -> memref<640xf32, #tpu.memory_space<vmem_shared>>
    %dma_wait3A_809 = arith.constant 1920 : i32
    %dma_wait3A_810 = tpu.memref_slice %arg10[%dma_wait3A_809] : memref<20000xf32, #tpu.memory_space<vmem>> -> memref<640xf32, #tpu.memory_space<vmem>>
    %dma_wait3A_811 = tpu.memref_slice %arg17[%add3A_661] : memref<163840xf32, #tpu.memory_space<vmem_shared>> -> memref<640xf32, #tpu.memory_space<vmem_shared>>
    tpu.wait_dma2 semaphore(%arg16 : memref<!tpu.dma_semaphore, #tpu.memory_space<semaphore_mem>>) src(%dma_wait3A_811 : memref<640xf32, #tpu.memory_space<vmem_shared>>) dst(%dma_wait3A_810 : memref<640xf32, #tpu.memory_space<vmem>>)
    %dma_wait3A_812 = arith.constant 2560 : i32
    %dma_wait3A_813 = tpu.memref_slice %arg10[%dma_wait3A_812] : memref<20000xf32, #tpu.memory_space<vmem>> -> memref<640xf32, #tpu.memory_space<vmem>>
    %dma_wait3A_814 = tpu.memref_slice %arg17[%add3A_671] : memref<163840xf32, #tpu.memory_space<vmem_shared>> -> memref<640xf32, #tpu.memory_space<vmem_shared>>
    %dma_wait3A_815 = arith.constant 2560 : i32
    %dma_wait3A_816 = tpu.memref_slice %arg10[%dma_wait3A_815] : memref<20000xf32, #tpu.memory_space<vmem>> -> memref<640xf32, #tpu.memory_space<vmem>>
    %dma_wait3A_817 = tpu.memref_slice %arg17[%add3A_671] : memref<163840xf32, #tpu.memory_space<vmem_shared>> -> memref<640xf32, #tpu.memory_space<vmem_shared>>
    tpu.wait_dma2 semaphore(%arg16 : memref<!tpu.dma_semaphore, #tpu.memory_space<semaphore_mem>>) src(%dma_wait3A_817 : memref<640xf32, #tpu.memory_space<vmem_shared>>) dst(%dma_wait3A_816 : memref<640xf32, #tpu.memory_space<vmem>>)
    %dma_wait3A_818 = arith.constant 3200 : i32
    %dma_wait3A_819 = tpu.memref_slice %arg10[%dma_wait3A_818] : memref<20000xf32, #tpu.memory_space<vmem>> -> memref<640xf32, #tpu.memory_space<vmem>>
    %dma_wait3A_820 = tpu.memref_slice %arg17[%add3A_681] : memref<163840xf32, #tpu.memory_space<vmem_shared>> -> memref<640xf32, #tpu.memory_space<vmem_shared>>
    %dma_wait3A_821 = arith.constant 3200 : i32
    %dma_wait3A_822 = tpu.memref_slice %arg10[%dma_wait3A_821] : memref<20000xf32, #tpu.memory_space<vmem>> -> memref<640xf32, #tpu.memory_space<vmem>>
    %dma_wait3A_823 = tpu.memref_slice %arg17[%add3A_681] : memref<163840xf32, #tpu.memory_space<vmem_shared>> -> memref<640xf32, #tpu.memory_space<vmem_shared>>
    tpu.wait_dma2 semaphore(%arg16 : memref<!tpu.dma_semaphore, #tpu.memory_space<semaphore_mem>>) src(%dma_wait3A_823 : memref<640xf32, #tpu.memory_space<vmem_shared>>) dst(%dma_wait3A_822 : memref<640xf32, #tpu.memory_space<vmem>>)
    %dma_wait3A_824 = arith.constant 3840 : i32
    %dma_wait3A_825 = tpu.memref_slice %arg10[%dma_wait3A_824] : memref<20000xf32, #tpu.memory_space<vmem>> -> memref<640xf32, #tpu.memory_space<vmem>>
    %dma_wait3A_826 = tpu.memref_slice %arg17[%add3A_691] : memref<163840xf32, #tpu.memory_space<vmem_shared>> -> memref<640xf32, #tpu.memory_space<vmem_shared>>
    %dma_wait3A_827 = arith.constant 3840 : i32
    %dma_wait3A_828 = tpu.memref_slice %arg10[%dma_wait3A_827] : memref<20000xf32, #tpu.memory_space<vmem>> -> memref<640xf32, #tpu.memory_space<vmem>>
    %dma_wait3A_829 = tpu.memref_slice %arg17[%add3A_691] : memref<163840xf32, #tpu.memory_space<vmem_shared>> -> memref<640xf32, #tpu.memory_space<vmem_shared>>
    tpu.wait_dma2 semaphore(%arg16 : memref<!tpu.dma_semaphore, #tpu.memory_space<semaphore_mem>>) src(%dma_wait3A_829 : memref<640xf32, #tpu.memory_space<vmem_shared>>) dst(%dma_wait3A_828 : memref<640xf32, #tpu.memory_space<vmem>>)
    %dma_wait3A_830 = arith.constant 4480 : i32
    %dma_wait3A_831 = tpu.memref_slice %arg10[%dma_wait3A_830] : memref<20000xf32, #tpu.memory_space<vmem>> -> memref<640xf32, #tpu.memory_space<vmem>>
    %dma_wait3A_832 = tpu.memref_slice %arg17[%add3A_701] : memref<163840xf32, #tpu.memory_space<vmem_shared>> -> memref<640xf32, #tpu.memory_space<vmem_shared>>
    %dma_wait3A_833 = arith.constant 4480 : i32
    %dma_wait3A_834 = tpu.memref_slice %arg10[%dma_wait3A_833] : memref<20000xf32, #tpu.memory_space<vmem>> -> memref<640xf32, #tpu.memory_space<vmem>>
    %dma_wait3A_835 = tpu.memref_slice %arg17[%add3A_701] : memref<163840xf32, #tpu.memory_space<vmem_shared>> -> memref<640xf32, #tpu.memory_space<vmem_shared>>
    tpu.wait_dma2 semaphore(%arg16 : memref<!tpu.dma_semaphore, #tpu.memory_space<semaphore_mem>>) src(%dma_wait3A_835 : memref<640xf32, #tpu.memory_space<vmem_shared>>) dst(%dma_wait3A_834 : memref<640xf32, #tpu.memory_space<vmem>>)
    %dma_wait3A_836 = arith.constant 5120 : i32
    %dma_wait3A_837 = tpu.memref_slice %arg10[%dma_wait3A_836] : memref<20000xf32, #tpu.memory_space<vmem>> -> memref<640xf32, #tpu.memory_space<vmem>>
    %dma_wait3A_838 = tpu.memref_slice %arg17[%add3A_711] : memref<163840xf32, #tpu.memory_space<vmem_shared>> -> memref<640xf32, #tpu.memory_space<vmem_shared>>
    %dma_wait3A_839 = arith.constant 5120 : i32
    %dma_wait3A_840 = tpu.memref_slice %arg10[%dma_wait3A_839] : memref<20000xf32, #tpu.memory_space<vmem>> -> memref<640xf32, #tpu.memory_space<vmem>>
    %dma_wait3A_841 = tpu.memref_slice %arg17[%add3A_711] : memref<163840xf32, #tpu.memory_space<vmem_shared>> -> memref<640xf32, #tpu.memory_space<vmem_shared>>
    tpu.wait_dma2 semaphore(%arg16 : memref<!tpu.dma_semaphore, #tpu.memory_space<semaphore_mem>>) src(%dma_wait3A_841 : memref<640xf32, #tpu.memory_space<vmem_shared>>) dst(%dma_wait3A_840 : memref<640xf32, #tpu.memory_space<vmem>>)
    %dma_wait3A_842 = arith.constant 5760 : i32
    %dma_wait3A_843 = tpu.memref_slice %arg10[%dma_wait3A_842] : memref<20000xf32, #tpu.memory_space<vmem>> -> memref<640xf32, #tpu.memory_space<vmem>>
    %dma_wait3A_844 = tpu.memref_slice %arg17[%add3A_721] : memref<163840xf32, #tpu.memory_space<vmem_shared>> -> memref<640xf32, #tpu.memory_space<vmem_shared>>
    %dma_wait3A_845 = arith.constant 5760 : i32
    %dma_wait3A_846 = tpu.memref_slice %arg10[%dma_wait3A_845] : memref<20000xf32, #tpu.memory_space<vmem>> -> memref<640xf32, #tpu.memory_space<vmem>>
    %dma_wait3A_847 = tpu.memref_slice %arg17[%add3A_721] : memref<163840xf32, #tpu.memory_space<vmem_shared>> -> memref<640xf32, #tpu.memory_space<vmem_shared>>
    tpu.wait_dma2 semaphore(%arg16 : memref<!tpu.dma_semaphore, #tpu.memory_space<semaphore_mem>>) src(%dma_wait3A_847 : memref<640xf32, #tpu.memory_space<vmem_shared>>) dst(%dma_wait3A_846 : memref<640xf32, #tpu.memory_space<vmem>>)
    %dma_wait3A_848 = arith.constant 6400 : i32
    %dma_wait3A_849 = tpu.memref_slice %arg10[%dma_wait3A_848] : memref<20000xf32, #tpu.memory_space<vmem>> -> memref<640xf32, #tpu.memory_space<vmem>>
    %dma_wait3A_850 = tpu.memref_slice %arg17[%add3A_731] : memref<163840xf32, #tpu.memory_space<vmem_shared>> -> memref<640xf32, #tpu.memory_space<vmem_shared>>
    %dma_wait3A_851 = arith.constant 6400 : i32
    %dma_wait3A_852 = tpu.memref_slice %arg10[%dma_wait3A_851] : memref<20000xf32, #tpu.memory_space<vmem>> -> memref<640xf32, #tpu.memory_space<vmem>>
    %dma_wait3A_853 = tpu.memref_slice %arg17[%add3A_731] : memref<163840xf32, #tpu.memory_space<vmem_shared>> -> memref<640xf32, #tpu.memory_space<vmem_shared>>
    tpu.wait_dma2 semaphore(%arg16 : memref<!tpu.dma_semaphore, #tpu.memory_space<semaphore_mem>>) src(%dma_wait3A_853 : memref<640xf32, #tpu.memory_space<vmem_shared>>) dst(%dma_wait3A_852 : memref<640xf32, #tpu.memory_space<vmem>>)
    %dma_wait3A_854 = arith.constant 7040 : i32
    %dma_wait3A_855 = tpu.memref_slice %arg10[%dma_wait3A_854] : memref<20000xf32, #tpu.memory_space<vmem>> -> memref<640xf32, #tpu.memory_space<vmem>>
    %dma_wait3A_856 = tpu.memref_slice %arg17[%add3A_741] : memref<163840xf32, #tpu.memory_space<vmem_shared>> -> memref<640xf32, #tpu.memory_space<vmem_shared>>
    %dma_wait3A_857 = arith.constant 7040 : i32
    %dma_wait3A_858 = tpu.memref_slice %arg10[%dma_wait3A_857] : memref<20000xf32, #tpu.memory_space<vmem>> -> memref<640xf32, #tpu.memory_space<vmem>>
    %dma_wait3A_859 = tpu.memref_slice %arg17[%add3A_741] : memref<163840xf32, #tpu.memory_space<vmem_shared>> -> memref<640xf32, #tpu.memory_space<vmem_shared>>
    tpu.wait_dma2 semaphore(%arg16 : memref<!tpu.dma_semaphore, #tpu.memory_space<semaphore_mem>>) src(%dma_wait3A_859 : memref<640xf32, #tpu.memory_space<vmem_shared>>) dst(%dma_wait3A_858 : memref<640xf32, #tpu.memory_space<vmem>>)
    %dma_wait3A_860 = arith.constant 7680 : i32
    %dma_wait3A_861 = tpu.memref_slice %arg10[%dma_wait3A_860] : memref<20000xf32, #tpu.memory_space<vmem>> -> memref<640xf32, #tpu.memory_space<vmem>>
    %dma_wait3A_862 = tpu.memref_slice %arg17[%add3A_751] : memref<163840xf32, #tpu.memory_space<vmem_shared>> -> memref<640xf32, #tpu.memory_space<vmem_shared>>
    %dma_wait3A_863 = arith.constant 7680 : i32
    %dma_wait3A_864 = tpu.memref_slice %arg10[%dma_wait3A_863] : memref<20000xf32, #tpu.memory_space<vmem>> -> memref<640xf32, #tpu.memory_space<vmem>>
    %dma_wait3A_865 = tpu.memref_slice %arg17[%add3A_751] : memref<163840xf32, #tpu.memory_space<vmem_shared>> -> memref<640xf32, #tpu.memory_space<vmem_shared>>
    tpu.wait_dma2 semaphore(%arg16 : memref<!tpu.dma_semaphore, #tpu.memory_space<semaphore_mem>>) src(%dma_wait3A_865 : memref<640xf32, #tpu.memory_space<vmem_shared>>) dst(%dma_wait3A_864 : memref<640xf32, #tpu.memory_space<vmem>>)
    %dma_wait3A_866 = arith.constant 8320 : i32
    %dma_wait3A_867 = tpu.memref_slice %arg10[%dma_wait3A_866] : memref<20000xf32, #tpu.memory_space<vmem>> -> memref<640xf32, #tpu.memory_space<vmem>>
    %dma_wait3A_868 = tpu.memref_slice %arg17[%add3A_761] : memref<163840xf32, #tpu.memory_space<vmem_shared>> -> memref<640xf32, #tpu.memory_space<vmem_shared>>
    %dma_wait3A_869 = arith.constant 8320 : i32
    %dma_wait3A_870 = tpu.memref_slice %arg10[%dma_wait3A_869] : memref<20000xf32, #tpu.memory_space<vmem>> -> memref<640xf32, #tpu.memory_space<vmem>>
    %dma_wait3A_871 = tpu.memref_slice %arg17[%add3A_761] : memref<163840xf32, #tpu.memory_space<vmem_shared>> -> memref<640xf32, #tpu.memory_space<vmem_shared>>
    tpu.wait_dma2 semaphore(%arg16 : memref<!tpu.dma_semaphore, #tpu.memory_space<semaphore_mem>>) src(%dma_wait3A_871 : memref<640xf32, #tpu.memory_space<vmem_shared>>) dst(%dma_wait3A_870 : memref<640xf32, #tpu.memory_space<vmem>>)
    %dma_wait3A_872 = arith.constant 8960 : i32
    %dma_wait3A_873 = tpu.memref_slice %arg10[%dma_wait3A_872] : memref<20000xf32, #tpu.memory_space<vmem>> -> memref<640xf32, #tpu.memory_space<vmem>>
    %dma_wait3A_874 = tpu.memref_slice %arg17[%add3A_771] : memref<163840xf32, #tpu.memory_space<vmem_shared>> -> memref<640xf32, #tpu.memory_space<vmem_shared>>
    %dma_wait3A_875 = arith.constant 8960 : i32
    %dma_wait3A_876 = tpu.memref_slice %arg10[%dma_wait3A_875] : memref<20000xf32, #tpu.memory_space<vmem>> -> memref<640xf32, #tpu.memory_space<vmem>>
    %dma_wait3A_877 = tpu.memref_slice %arg17[%add3A_771] : memref<163840xf32, #tpu.memory_space<vmem_shared>> -> memref<640xf32, #tpu.memory_space<vmem_shared>>
    tpu.wait_dma2 semaphore(%arg16 : memref<!tpu.dma_semaphore, #tpu.memory_space<semaphore_mem>>) src(%dma_wait3A_877 : memref<640xf32, #tpu.memory_space<vmem_shared>>) dst(%dma_wait3A_876 : memref<640xf32, #tpu.memory_space<vmem>>)
    %dma_wait3A_878 = arith.constant 9600 : i32
    %dma_wait3A_879 = tpu.memref_slice %arg10[%dma_wait3A_878] : memref<20000xf32, #tpu.memory_space<vmem>> -> memref<640xf32, #tpu.memory_space<vmem>>
    %dma_wait3A_880 = tpu.memref_slice %arg17[%add3A_781] : memref<163840xf32, #tpu.memory_space<vmem_shared>> -> memref<640xf32, #tpu.memory_space<vmem_shared>>
    %dma_wait3A_881 = arith.constant 9600 : i32
    %dma_wait3A_882 = tpu.memref_slice %arg10[%dma_wait3A_881] : memref<20000xf32, #tpu.memory_space<vmem>> -> memref<640xf32, #tpu.memory_space<vmem>>
    %dma_wait3A_883 = tpu.memref_slice %arg17[%add3A_781] : memref<163840xf32, #tpu.memory_space<vmem_shared>> -> memref<640xf32, #tpu.memory_space<vmem_shared>>
    tpu.wait_dma2 semaphore(%arg16 : memref<!tpu.dma_semaphore, #tpu.memory_space<semaphore_mem>>) src(%dma_wait3A_883 : memref<640xf32, #tpu.memory_space<vmem_shared>>) dst(%dma_wait3A_882 : memref<640xf32, #tpu.memory_space<vmem>>)
    %parallel_loop3A_884 = arith.constant 0 : i32
    %parallel_loop3A_885 = arith.constant 640 : i32
    %parallel_loop3A_886 = arith.constant 16 : i32
    scf.for %parallel_loop3A_889 = %parallel_loop3A_884 to %parallel_loop3A_885 step %parallel_loop3A_886  : i32 {
      %parallel_loop3A_890 = tpu.assume_multiple %parallel_loop3A_889, 16 : i32
      %parallel_loop3A_891 = arith.index_cast %parallel_loop3A_890 : i32 to index
      %parallel_loop3A_892 = tpu.vector_load %arg10[%parallel_loop3A_891] {strides = array<i32>} : memref<20000xf32, #tpu.memory_space<vmem>>, vector<16xf32>,
      %parallel_loop3A_893 = arith.constant 640 : i32
      %parallel_loop3A_894 = arith.addi %parallel_loop3A_893, %parallel_loop3A_890 : i32
      %parallel_loop3A_895 = arith.index_cast %parallel_loop3A_894 : i32 to index
      %parallel_loop3A_896 = tpu.vector_load %arg10[%parallel_loop3A_895] {strides = array<i32>} : memref<20000xf32, #tpu.memory_space<vmem>>, vector<16xf32>,
      %parallel_loop3A_897 = arith.addf %parallel_loop3A_892, %parallel_loop3A_896 : vector<16xf32>
      %parallel_loop3A_898 = arith.constant 1280 : i32
      %parallel_loop3A_899 = arith.addi %parallel_loop3A_898, %parallel_loop3A_890 : i32
      %parallel_loop3A_900 = arith.index_cast %parallel_loop3A_899 : i32 to index
      %parallel_loop3A_901 = tpu.vector_load %arg10[%parallel_loop3A_900] {strides = array<i32>} : memref<20000xf32, #tpu.memory_space<vmem>>, vector<16xf32>,
      %parallel_loop3A_902 = arith.addf %parallel_loop3A_897, %parallel_loop3A_901 : vector<16xf32>
      %parallel_loop3A_903 = arith.constant 1920 : i32
      %parallel_loop3A_904 = arith.addi %parallel_loop3A_903, %parallel_loop3A_890 : i32
      %parallel_loop3A_905 = arith.index_cast %parallel_loop3A_904 : i32 to index
      %parallel_loop3A_906 = tpu.vector_load %arg10[%parallel_loop3A_905] {strides = array<i32>} : memref<20000xf32, #tpu.memory_space<vmem>>, vector<16xf32>,
      %parallel_loop3A_907 = arith.addf %parallel_loop3A_902, %parallel_loop3A_906 : vector<16xf32>
      %parallel_loop3A_908 = arith.constant 2560 : i32
      %parallel_loop3A_909 = arith.addi %parallel_loop3A_908, %parallel_loop3A_890 : i32
      %parallel_loop3A_910 = arith.index_cast %parallel_loop3A_909 : i32 to index
      %parallel_loop3A_911 = tpu.vector_load %arg10[%parallel_loop3A_910] {strides = array<i32>} : memref<20000xf32, #tpu.memory_space<vmem>>, vector<16xf32>,
      %parallel_loop3A_912 = arith.addf %parallel_loop3A_907, %parallel_loop3A_911 : vector<16xf32>
      %parallel_loop3A_913 = arith.constant 3200 : i32
      %parallel_loop3A_914 = arith.addi %parallel_loop3A_913, %parallel_loop3A_890 : i32
      %parallel_loop3A_915 = arith.index_cast %parallel_loop3A_914 : i32 to index
      %parallel_loop3A_916 = tpu.vector_load %arg10[%parallel_loop3A_915] {strides = array<i32>} : memref<20000xf32, #tpu.memory_space<vmem>>, vector<16xf32>,
      %parallel_loop3A_917 = arith.addf %parallel_loop3A_912, %parallel_loop3A_916 : vector<16xf32>
      %parallel_loop3A_918 = arith.constant 3840 : i32
      %parallel_loop3A_919 = arith.addi %parallel_loop3A_918, %parallel_loop3A_890 : i32
      %parallel_loop3A_920 = arith.index_cast %parallel_loop3A_919 : i32 to index
      %parallel_loop3A_921 = tpu.vector_load %arg10[%parallel_loop3A_920] {strides = array<i32>} : memref<20000xf32, #tpu.memory_space<vmem>>, vector<16xf32>,
      %parallel_loop3A_922 = arith.addf %parallel_loop3A_917, %parallel_loop3A_921 : vector<16xf32>
      %parallel_loop3A_923 = arith.constant 4480 : i32
      %parallel_loop3A_924 = arith.addi %parallel_loop3A_923, %parallel_loop3A_890 : i32
      %parallel_loop3A_925 = arith.index_cast %parallel_loop3A_924 : i32 to index
      %parallel_loop3A_926 = tpu.vector_load %arg10[%parallel_loop3A_925] {strides = array<i32>} : memref<20000xf32, #tpu.memory_space<vmem>>, vector<16xf32>,
      %parallel_loop3A_927 = arith.addf %parallel_loop3A_922, %parallel_loop3A_926 : vector<16xf32>
      %parallel_loop3A_928 = arith.constant 5120 : i32
      %parallel_loop3A_929 = arith.addi %parallel_loop3A_928, %parallel_loop3A_890 : i32
      %parallel_loop3A_930 = arith.index_cast %parallel_loop3A_929 : i32 to index
      %parallel_loop3A_931 = tpu.vector_load %arg10[%parallel_loop3A_930] {strides = array<i32>} : memref<20000xf32, #tpu.memory_space<vmem>>, vector<16xf32>,
      %parallel_loop3A_932 = arith.addf %parallel_loop3A_927, %parallel_loop3A_931 : vector<16xf32>
      %parallel_loop3A_933 = arith.constant 5760 : i32
      %parallel_loop3A_934 = arith.addi %parallel_loop3A_933, %parallel_loop3A_890 : i32
      %parallel_loop3A_935 = arith.index_cast %parallel_loop3A_934 : i32 to index
      %parallel_loop3A_936 = tpu.vector_load %arg10[%parallel_loop3A_935] {strides = array<i32>} : memref<20000xf32, #tpu.memory_space<vmem>>, vector<16xf32>,
      %parallel_loop3A_937 = arith.addf %parallel_loop3A_932, %parallel_loop3A_936 : vector<16xf32>
      %parallel_loop3A_938 = arith.constant 6400 : i32
      %parallel_loop3A_939 = arith.addi %parallel_loop3A_938, %parallel_loop3A_890 : i32
      %parallel_loop3A_940 = arith.index_cast %parallel_loop3A_939 : i32 to index
      %parallel_loop3A_941 = tpu.vector_load %arg10[%parallel_loop3A_940] {strides = array<i32>} : memref<20000xf32, #tpu.memory_space<vmem>>, vector<16xf32>,
      %parallel_loop3A_942 = arith.addf %parallel_loop3A_937, %parallel_loop3A_941 : vector<16xf32>
      %parallel_loop3A_943 = arith.constant 7040 : i32
      %parallel_loop3A_944 = arith.addi %parallel_loop3A_943, %parallel_loop3A_890 : i32
      %parallel_loop3A_945 = arith.index_cast %parallel_loop3A_944 : i32 to index
      %parallel_loop3A_946 = tpu.vector_load %arg10[%parallel_loop3A_945] {strides = array<i32>} : memref<20000xf32, #tpu.memory_space<vmem>>, vector<16xf32>,
      %parallel_loop3A_947 = arith.addf %parallel_loop3A_942, %parallel_loop3A_946 : vector<16xf32>
      %parallel_loop3A_948 = arith.constant 7680 : i32
      %parallel_loop3A_949 = arith.addi %parallel_loop3A_948, %parallel_loop3A_890 : i32
      %parallel_loop3A_950 = arith.index_cast %parallel_loop3A_949 : i32 to index
      %parallel_loop3A_951 = tpu.vector_load %arg10[%parallel_loop3A_950] {strides = array<i32>} : memref<20000xf32, #tpu.memory_space<vmem>>, vector<16xf32>,
      %parallel_loop3A_952 = arith.addf %parallel_loop3A_947, %parallel_loop3A_951 : vector<16xf32>
      %parallel_loop3A_953 = arith.constant 8320 : i32
      %parallel_loop3A_954 = arith.addi %parallel_loop3A_953, %parallel_loop3A_890 : i32
      %parallel_loop3A_955 = arith.index_cast %parallel_loop3A_954 : i32 to index
      %parallel_loop3A_956 = tpu.vector_load %arg10[%parallel_loop3A_955] {strides = array<i32>} : memref<20000xf32, #tpu.memory_space<vmem>>, vector<16xf32>,
      %parallel_loop3A_957 = arith.addf %parallel_loop3A_952, %parallel_loop3A_956 : vector<16xf32>
      %parallel_loop3A_958 = arith.constant 8960 : i32
      %parallel_loop3A_959 = arith.addi %parallel_loop3A_958, %parallel_loop3A_890 : i32
      %parallel_loop3A_960 = arith.index_cast %parallel_loop3A_959 : i32 to index
      %parallel_loop3A_961 = tpu.vector_load %arg10[%parallel_loop3A_960] {strides = array<i32>} : memref<20000xf32, #tpu.memory_space<vmem>>, vector<16xf32>,
      %parallel_loop3A_962 = arith.addf %parallel_loop3A_957, %parallel_loop3A_961 : vector<16xf32>
      %parallel_loop3A_963 = arith.constant 9600 : i32
      %parallel_loop3A_964 = arith.addi %parallel_loop3A_963, %parallel_loop3A_890 : i32
      %parallel_loop3A_965 = arith.index_cast %parallel_loop3A_964 : i32 to index
      %parallel_loop3A_966 = tpu.vector_load %arg10[%parallel_loop3A_965] {strides = array<i32>} : memref<20000xf32, #tpu.memory_space<vmem>>, vector<16xf32>,
      %parallel_loop3A_967 = arith.addf %parallel_loop3A_962, %parallel_loop3A_966 : vector<16xf32>
      %parallel_loop3A_968 = arith.index_cast %parallel_loop3A_890 : i32 to index
      %parallel_loop3A_969 = tpu.vector_load %arg10[%parallel_loop3A_968] {strides = array<i32>} : memref<20000xf32, #tpu.memory_space<vmem>>, vector<16xf32>,
      tpu.vector_store %arg10[%parallel_loop3A_968], %parallel_loop3A_967 {strides = array<i32>} : memref<20000xf32, #tpu.memory_space<vmem>>, vector<16xf32>,
    } {sc.loop_unroll_factor = 4 : i64, sc.parallel_access}
    %eq3A = arith.constant 0 : i32
    %eq3A_887 = arith.cmpi eq, %arg0, %eq3A : i32
    %convert_element_type3A = arith.extui %eq3A_887 : i1 to i32
    %cond3A = arith.constant 0 : i32
    %cond3A_888 = arith.cmpi ne, %convert_element_type3A, %cond3A : i32
    scf.if %cond3A_888 {
      %mul3A_889 = arith.constant 640 : i32
      %mul3A_890 = arith.muli %arg1, %mul3A_889 : i32
      "tpu.region"() ({
        %run_scoped3A = tpu.sem_alloc : memref<!tpu.dma_semaphore, #tpu.memory_space<semaphore_mem>>
        %dma_start3A_891 = arith.constant 0 : i32
        %dma_start3A_892 = tpu.memref_slice %arg10[%dma_start3A_891] : memref<20000xf32, #tpu.memory_space<vmem>> -> memref<640xf32, #tpu.memory_space<vmem>>
        %dma_start3A_893 = tpu.memref_slice %arg7[%mul3A_890] : memref<10240xf32, #tpu.memory_space<hbm>> -> memref<640xf32, #tpu.memory_space<hbm>>
        %dma_start3A_894 = tpu.memref_slice %arg7[%mul3A_890] : memref<10240xf32, #tpu.memory_space<hbm>> -> memref<640xf32, #tpu.memory_space<hbm>>
        %dma_start3A_895 = arith.constant 0 : i32
        %dma_start3A_896 = tpu.memref_slice %arg10[%dma_start3A_895] : memref<20000xf32, #tpu.memory_space<vmem>> -> memref<640xf32, #tpu.memory_space<vmem>>
        tpu.enqueue_dma source(%dma_start3A_896 : memref<640xf32, #tpu.memory_space<vmem>>) target(%dma_start3A_894 : memref<640xf32, #tpu.memory_space<hbm>>) target_semaphore(%run_scoped3A : memref<!tpu.dma_semaphore, #tpu.memory_space<semaphore_mem>>)
        %dma_wait3A_897 = arith.constant 0 : i32
        %dma_wait3A_898 = tpu.memref_slice %arg10[%dma_wait3A_897] : memref<20000xf32, #tpu.memory_space<vmem>> -> memref<640xf32, #tpu.memory_space<vmem>>
        %dma_wait3A_899 = tpu.memref_slice %arg7[%mul3A_890] : memref<10240xf32, #tpu.memory_space<hbm>> -> memref<640xf32, #tpu.memory_space<hbm>>
        %dma_wait3A_900 = tpu.memref_slice %arg7[%mul3A_890] : memref<10240xf32, #tpu.memory_space<hbm>> -> memref<640xf32, #tpu.memory_space<hbm>>
        %dma_wait3A_901 = arith.constant 0 : i32
        %dma_wait3A_902 = tpu.memref_slice %arg10[%dma_wait3A_901] : memref<20000xf32, #tpu.memory_space<vmem>> -> memref<640xf32, #tpu.memory_space<vmem>>
        tpu.wait_dma2 semaphore(%run_scoped3A : memref<!tpu.dma_semaphore, #tpu.memory_space<semaphore_mem>>) src(%dma_wait3A_902 : memref<640xf32, #tpu.memory_space<vmem>>) dst(%dma_wait3A_900 : memref<640xf32, #tpu.memory_space<hbm>>)
        tpu.yield
      }) : () -> ()
    } else {
    }
    return
  }
}

module attributes {stable_mosaic.version = 14 : i64} {
  func.func @_head_body(%arg0: i32, %arg1: memref<2000x128xf32, #tpu.memory_space<vmem>>, %arg2: memref<5x1x2000xi32, #tpu.memory_space<vmem>>, %arg3: memref<128x128xf32, #tpu.memory_space<vmem>>, %arg4: memref<128x256xf32, #tpu.memory_space<vmem>>, %arg5: memref<1x256xf32, #tpu.memory_space<vmem>>, %arg6: memref<1x256xf32, #tpu.memory_space<vmem>>, %arg7: memref<1x256xf32, #tpu.memory_space<vmem>>, %arg8: memref<1x256xf32, #tpu.memory_space<vmem>>, %arg9: memref<1x1xf32, #tpu.memory_space<vmem>>, %arg10: memref<5x1x2000xf32, #tpu.memory_space<vmem>>, %arg11: memref<5x1x2000xf32, #tpu.memory_space<vmem>>, %arg12: memref<5x1x2000xf32, #tpu.memory_space<vmem>>) attributes {dimension_semantics = [#tpu.dimension_semantics<arbitrary>], iteration_bounds = array<i64: 5>, scalar_prefetch = 0 : i64, scratch_operands = 0 : i64, tpu.core_type = #tpu.core_type<tc>, window_params = [{transform_indices = @transform_0, window_bounds = array<i64: 2000, 128>}, {pipeline_mode = #tpu.pipeline_mode<synchronous>, transform_indices = @transform_1, window_bounds = array<i64: 5, 1, 2000>}, {pipeline_mode = #tpu.pipeline_mode<synchronous>, transform_indices = @transform_2, window_bounds = array<i64: 128, 128>}, {pipeline_mode = #tpu.pipeline_mode<synchronous>, transform_indices = @transform_3, window_bounds = array<i64: 128, 256>}, {pipeline_mode = #tpu.pipeline_mode<synchronous>, transform_indices = @transform_4, window_bounds = array<i64: 1, 256>}, {pipeline_mode = #tpu.pipeline_mode<synchronous>, transform_indices = @transform_5, window_bounds = array<i64: 1, 256>}, {pipeline_mode = #tpu.pipeline_mode<synchronous>, transform_indices = @transform_6, window_bounds = array<i64: 1, 256>}, {pipeline_mode = #tpu.pipeline_mode<synchronous>, transform_indices = @transform_7, window_bounds = array<i64: 1, 256>}, {pipeline_mode = #tpu.pipeline_mode<synchronous>, transform_indices = @transform_8, window_bounds = array<i64: 1, 1>}, {pipeline_mode = #tpu.pipeline_mode<synchronous>, transform_indices = @transform_9, window_bounds = array<i64: 5, 1, 2000>}, {pipeline_mode = #tpu.pipeline_mode<synchronous>, transform_indices = @transform_10, window_bounds = array<i64: 5, 1, 2000>}, {pipeline_mode = #tpu.pipeline_mode<synchronous>, transform_indices = @transform_11, window_bounds = array<i64: 5, 1, 2000>}]} {
    %get3A = arith.index_cast %arg0 : i32 to index
    %get3A_0 = arith.constant 0 : index
    %get3A_1 = arith.constant 0 : index
    %get3A_2 = vector.load %arg2[%get3A, %get3A_0, %get3A_1] : memref<5x1x2000xi32, #tpu.memory_space<vmem>>, vector<1x1x2000xi32>
    %reshape3A = vector.shape_cast %get3A_2 : vector<1x1x2000xi32> to vector<1x2000xi32>
    %iota3A = tpu.iota {dimensions = array<i32: 0>} : vector<128x2000xi32>
    %eq3A = vector.broadcast %reshape3A : vector<1x2000xi32> to vector<128x2000xi32>
    %eq3A_3 = arith.cmpi eq, %eq3A, %iota3A : vector<128x2000xi32>
    %convert_element_type3A = arith.extui %eq3A_3 : vector<128x2000xi1> to vector<128x2000xi32>
    %convert_element_type3A_4 = arith.sitofp %convert_element_type3A : vector<128x2000xi32> to vector<128x2000xf32>
    %get3A_5 = arith.constant 0 : index
    %get3A_6 = arith.constant 0 : index
    %get3A_7 = vector.load %arg3[%get3A_5, %get3A_6] : memref<128x128xf32, #tpu.memory_space<vmem>>, vector<128x128xf32>
    %dot_general3A = arith.constant dense<0.000000e+00> : vector<2000x128xf32>
    %dot_general3A_8 = tpu.matmul %convert_element_type3A_4, %get3A_7, %dot_general3A {dimension_numbers = #tpu.dot_dimension_numbers<[0], [0], [1], [1], [0, 1, 1, 1], [], []>, transpose_lhs_hint = false} : vector<128x2000xf32>, vector<128x128xf32>, vector<2000x128xf32> -> vector<2000x128xf32>
    %get3A_9 = arith.constant 0 : index
    %get3A_10 = arith.constant 0 : index
    %get3A_11 = vector.load %arg1[%get3A_9, %get3A_10] : memref<2000x128xf32, #tpu.memory_space<vmem>>, vector<2000x128xf32>
    %add3A = arith.addf %get3A_11, %dot_general3A_8 : vector<2000x128xf32>
    %get3A_12 = arith.constant 0 : index
    %get3A_13 = arith.constant 0 : index
    %get3A_14 = vector.load %arg4[%get3A_12, %get3A_13] : memref<128x256xf32, #tpu.memory_space<vmem>>, vector<128x256xf32>
    %dot_general3A_15 = arith.constant dense<0.000000e+00> : vector<2000x256xf32>
    %dot_general3A_16 = tpu.matmul %add3A, %get3A_14, %dot_general3A_15 {dimension_numbers = #tpu.dot_dimension_numbers<[1], [0], [0], [1], [0, 0, 1, 1], [], []>, transpose_lhs_hint = false} : vector<2000x128xf32>, vector<128x256xf32>, vector<2000x256xf32> -> vector<2000x256xf32>
    %get3A_17 = arith.constant 0 : index
    %get3A_18 = arith.constant 0 : index
    %get3A_19 = vector.load %arg5[%get3A_17, %get3A_18] : memref<1x256xf32, #tpu.memory_space<vmem>>, vector<1x256xf32>
    %add3A_20 = vector.broadcast %get3A_19 : vector<1x256xf32> to vector<2000x256xf32>
    %add3A_21 = arith.addf %dot_general3A_16, %add3A_20 : vector<2000x256xf32>
    %reduce_sum3A = arith.constant dense<0.000000e+00> : vector<2000xf32>
    %reduce_sum3A_22 = vector.multi_reduction <add>, %add3A_21, %reduce_sum3A [1] : vector<2000x256xf32> to vector<2000xf32>
    %broadcast_in_dim3A = vector.shape_cast %reduce_sum3A_22 : vector<2000xf32> to vector<2000x1xf32>
    %mul3A = arith.constant 3.906250e-03 : f32
    %mul3A_23 = vector.broadcast %mul3A : f32 to vector<2000x1xf32>
    %mul3A_24 = arith.mulf %broadcast_in_dim3A, %mul3A_23 : vector<2000x1xf32>
    %sub3A = vector.broadcast %mul3A_24 : vector<2000x1xf32> to vector<2000x256xf32>
    %sub3A_25 = arith.subf %add3A_21, %sub3A : vector<2000x256xf32>
    %mul3A_26 = arith.mulf %sub3A_25, %sub3A_25 : vector<2000x256xf32>
    %reduce_sum3A_27 = arith.constant dense<0.000000e+00> : vector<2000xf32>
    %reduce_sum3A_28 = vector.multi_reduction <add>, %mul3A_26, %reduce_sum3A_27 [1] : vector<2000x256xf32> to vector<2000xf32>
    %broadcast_in_dim3A_29 = vector.shape_cast %reduce_sum3A_28 : vector<2000xf32> to vector<2000x1xf32>
    %mul3A_30 = arith.constant 3.906250e-03 : f32
    %mul3A_31 = vector.broadcast %mul3A_30 : f32 to vector<2000x1xf32>
    %mul3A_32 = arith.mulf %broadcast_in_dim3A_29, %mul3A_31 : vector<2000x1xf32>
    %add3A_33 = arith.constant 9.99999974E-6 : f32
    %add3A_34 = vector.broadcast %add3A_33 : f32 to vector<2000x1xf32>
    %add3A_35 = arith.addf %mul3A_32, %add3A_34 : vector<2000x1xf32>
    %rsqrt3A = math.rsqrt %add3A_35 : vector<2000x1xf32>
    %mul3A_36 = vector.broadcast %rsqrt3A : vector<2000x1xf32> to vector<2000x256xf32>
    %mul3A_37 = arith.mulf %sub3A_25, %mul3A_36 : vector<2000x256xf32>
    %get3A_38 = arith.constant 0 : index
    %get3A_39 = arith.constant 0 : index
    %get3A_40 = vector.load %arg6[%get3A_38, %get3A_39] : memref<1x256xf32, #tpu.memory_space<vmem>>, vector<1x256xf32>
    %mul3A_41 = vector.broadcast %get3A_40 : vector<1x256xf32> to vector<2000x256xf32>
    %mul3A_42 = arith.mulf %mul3A_37, %mul3A_41 : vector<2000x256xf32>
    %get3A_43 = arith.constant 0 : index
    %get3A_44 = arith.constant 0 : index
    %get3A_45 = vector.load %arg7[%get3A_43, %get3A_44] : memref<1x256xf32, #tpu.memory_space<vmem>>, vector<1x256xf32>
    %add3A_46 = vector.broadcast %get3A_45 : vector<1x256xf32> to vector<2000x256xf32>
    %add3A_47 = arith.addf %mul3A_42, %add3A_46 : vector<2000x256xf32>
    %max3A = arith.constant 0.000000e+00 : f32
    %max3A_48 = vector.broadcast %max3A : f32 to vector<2000x256xf32>
    %max3A_49 = arith.maximumf %add3A_47, %max3A_48 : vector<2000x256xf32>
    %get3A_50 = arith.constant 0 : index
    %get3A_51 = arith.constant 0 : index
    %get3A_52 = vector.load %arg8[%get3A_50, %get3A_51] : memref<1x256xf32, #tpu.memory_space<vmem>>, vector<1x256xf32>
    %dot_general3A_53 = arith.constant dense<0.000000e+00> : vector<1x2000xf32>
    %dot_general3A_54 = tpu.matmul %get3A_52, %max3A_49, %dot_general3A_53 {dimension_numbers = #tpu.dot_dimension_numbers<[1], [1], [0], [0], [0, 0, 1, 0], [], []>, transpose_lhs_hint = false} : vector<1x256xf32>, vector<2000x256xf32>, vector<1x2000xf32> -> vector<1x2000xf32>
    %get3A_55 = arith.constant 0 : index
    %get3A_56 = arith.constant 0 : index
    %get3A_57 = vector.load %arg9[%get3A_55, %get3A_56] : memref<1x1xf32, #tpu.memory_space<vmem>>, vector<1x1xf32>
    %add3A_58 = vector.broadcast %get3A_57 : vector<1x1xf32> to vector<1x2000xf32>
    %add3A_59 = arith.addf %dot_general3A_54, %add3A_58 : vector<1x2000xf32>
    %reshape3A_60 = vector.shape_cast %add3A_59 : vector<1x2000xf32> to vector<1x1x2000xf32>
    %swap3A = arith.index_cast %arg0 : i32 to index
    %swap3A_61 = arith.constant 0 : index
    %swap3A_62 = arith.constant 0 : index
    %swap3A_63 = vector.load %arg10[%swap3A, %swap3A_61, %swap3A_62] : memref<5x1x2000xf32, #tpu.memory_space<vmem>>, vector<1x1x2000xf32>
    tpu.vector_store %arg10[%swap3A, %swap3A_61, %swap3A_62], %reshape3A_60 {strides = array<i32>} : memref<5x1x2000xf32, #tpu.memory_space<vmem>>, vector<1x1x2000xf32>,
    %eq3A_64 = arith.constant 4 : i32
    %eq3A_65 = arith.cmpi eq, %arg0, %eq3A_64 : i32
    %convert_element_type3A_66 = arith.extui %eq3A_65 : i1 to i32
    %cond3A = arith.constant 0 : i32
    %cond3A_67 = arith.cmpi ne, %convert_element_type3A_66, %cond3A : i32
    scf.if %cond3A_67 {
      %broadcast_in_dim3A_68 = arith.constant -1.000000e+30 : f32
      %broadcast_in_dim3A_69 = vector.broadcast %broadcast_in_dim3A_68 : f32 to vector<128x1xf32>
      %get3A_70 = arith.constant 0 : index
      %get3A_71 = arith.constant 0 : index
      %get3A_72 = arith.constant 0 : index
      %get3A_73 = vector.load %arg10[%get3A_70, %get3A_71, %get3A_72] : memref<5x1x2000xf32, #tpu.memory_space<vmem>>, vector<1x1x2000xf32>
      %get3A_74 = vector.shape_cast %get3A_73 : vector<1x1x2000xf32> to vector<1x2000xf32>
      %get3A_75 = arith.constant 0 : index
      %get3A_76 = arith.constant 0 : index
      %get3A_77 = arith.constant 0 : index
      %get3A_78 = vector.load %arg2[%get3A_75, %get3A_76, %get3A_77] : memref<5x1x2000xi32, #tpu.memory_space<vmem>>, vector<1x1x2000xi32>
      %get3A_79 = vector.shape_cast %get3A_78 : vector<1x1x2000xi32> to vector<1x2000xi32>
      %iota3A_80 = tpu.iota {dimensions = array<i32: 0>} : vector<128x2000xi32>
      %eq3A_81 = vector.broadcast %get3A_79 : vector<1x2000xi32> to vector<128x2000xi32>
      %eq3A_82 = arith.cmpi eq, %eq3A_81, %iota3A_80 : vector<128x2000xi32>
      %jit3A = arith.constant -1.000000e+30 : f32
      %broadcast_in_dim3A_83 = vector.shape_cast %get3A_74 : vector<1x2000xf32> to vector<1x2000xf32>
      %broadcast_in_dim3A_84 = vector.broadcast %broadcast_in_dim3A_83 : vector<1x2000xf32> to vector<128x2000xf32>
      %broadcast_in_dim3A_85 = vector.broadcast %jit3A : f32 to vector<128x2000xf32>
      %select_n3A = arith.select %eq3A_82, %broadcast_in_dim3A_84, %broadcast_in_dim3A_85 : vector<128x2000xi1>, vector<128x2000xf32>
      %reduce_max3A = arith.constant dense<0xFF800000> : vector<128xf32>
      %reduce_max3A_86 = vector.multi_reduction <maximumf>, %select_n3A, %reduce_max3A [1] : vector<128x2000xf32> to vector<128xf32>
      %broadcast_in_dim3A_87 = vector.shape_cast %reduce_max3A_86 : vector<128xf32> to vector<128x1xf32>
      %max3A_88 = arith.maximumf %broadcast_in_dim3A_69, %broadcast_in_dim3A_87 : vector<128x1xf32>
      %get3A_89 = arith.constant 1 : index
      %get3A_90 = arith.constant 0 : index
      %get3A_91 = arith.constant 0 : index
      %get3A_92 = vector.load %arg10[%get3A_89, %get3A_90, %get3A_91] : memref<5x1x2000xf32, #tpu.memory_space<vmem>>, vector<1x1x2000xf32>
      %get3A_93 = vector.shape_cast %get3A_92 : vector<1x1x2000xf32> to vector<1x2000xf32>
      %get3A_94 = arith.constant 1 : index
      %get3A_95 = arith.constant 0 : index
      %get3A_96 = arith.constant 0 : index
      %get3A_97 = vector.load %arg2[%get3A_94, %get3A_95, %get3A_96] : memref<5x1x2000xi32, #tpu.memory_space<vmem>>, vector<1x1x2000xi32>
      %get3A_98 = vector.shape_cast %get3A_97 : vector<1x1x2000xi32> to vector<1x2000xi32>
      %iota3A_99 = tpu.iota {dimensions = array<i32: 0>} : vector<128x2000xi32>
      %eq3A_100 = vector.broadcast %get3A_98 : vector<1x2000xi32> to vector<128x2000xi32>
      %eq3A_101 = arith.cmpi eq, %eq3A_100, %iota3A_99 : vector<128x2000xi32>
      %jit3A_102 = arith.constant -1.000000e+30 : f32
      %broadcast_in_dim3A_103 = vector.shape_cast %get3A_93 : vector<1x2000xf32> to vector<1x2000xf32>
      %broadcast_in_dim3A_104 = vector.broadcast %broadcast_in_dim3A_103 : vector<1x2000xf32> to vector<128x2000xf32>
      %broadcast_in_dim3A_105 = vector.broadcast %jit3A_102 : f32 to vector<128x2000xf32>
      %select_n3A_106 = arith.select %eq3A_101, %broadcast_in_dim3A_104, %broadcast_in_dim3A_105 : vector<128x2000xi1>, vector<128x2000xf32>
      %reduce_max3A_107 = arith.constant dense<0xFF800000> : vector<128xf32>
      %reduce_max3A_108 = vector.multi_reduction <maximumf>, %select_n3A_106, %reduce_max3A_107 [1] : vector<128x2000xf32> to vector<128xf32>
      %broadcast_in_dim3A_109 = vector.shape_cast %reduce_max3A_108 : vector<128xf32> to vector<128x1xf32>
      %max3A_110 = arith.maximumf %max3A_88, %broadcast_in_dim3A_109 : vector<128x1xf32>
      %get3A_111 = arith.constant 2 : index
      %get3A_112 = arith.constant 0 : index
      %get3A_113 = arith.constant 0 : index
      %get3A_114 = vector.load %arg10[%get3A_111, %get3A_112, %get3A_113] : memref<5x1x2000xf32, #tpu.memory_space<vmem>>, vector<1x1x2000xf32>
      %get3A_115 = vector.shape_cast %get3A_114 : vector<1x1x2000xf32> to vector<1x2000xf32>
      %get3A_116 = arith.constant 2 : index
      %get3A_117 = arith.constant 0 : index
      %get3A_118 = arith.constant 0 : index
      %get3A_119 = vector.load %arg2[%get3A_116, %get3A_117, %get3A_118] : memref<5x1x2000xi32, #tpu.memory_space<vmem>>, vector<1x1x2000xi32>
      %get3A_120 = vector.shape_cast %get3A_119 : vector<1x1x2000xi32> to vector<1x2000xi32>
      %iota3A_121 = tpu.iota {dimensions = array<i32: 0>} : vector<128x2000xi32>
      %eq3A_122 = vector.broadcast %get3A_120 : vector<1x2000xi32> to vector<128x2000xi32>
      %eq3A_123 = arith.cmpi eq, %eq3A_122, %iota3A_121 : vector<128x2000xi32>
      %jit3A_124 = arith.constant -1.000000e+30 : f32
      %broadcast_in_dim3A_125 = vector.shape_cast %get3A_115 : vector<1x2000xf32> to vector<1x2000xf32>
      %broadcast_in_dim3A_126 = vector.broadcast %broadcast_in_dim3A_125 : vector<1x2000xf32> to vector<128x2000xf32>
      %broadcast_in_dim3A_127 = vector.broadcast %jit3A_124 : f32 to vector<128x2000xf32>
      %select_n3A_128 = arith.select %eq3A_123, %broadcast_in_dim3A_126, %broadcast_in_dim3A_127 : vector<128x2000xi1>, vector<128x2000xf32>
      %reduce_max3A_129 = arith.constant dense<0xFF800000> : vector<128xf32>
      %reduce_max3A_130 = vector.multi_reduction <maximumf>, %select_n3A_128, %reduce_max3A_129 [1] : vector<128x2000xf32> to vector<128xf32>
      %broadcast_in_dim3A_131 = vector.shape_cast %reduce_max3A_130 : vector<128xf32> to vector<128x1xf32>
      %max3A_132 = arith.maximumf %max3A_110, %broadcast_in_dim3A_131 : vector<128x1xf32>
      %get3A_133 = arith.constant 3 : index
      %get3A_134 = arith.constant 0 : index
      %get3A_135 = arith.constant 0 : index
      %get3A_136 = vector.load %arg10[%get3A_133, %get3A_134, %get3A_135] : memref<5x1x2000xf32, #tpu.memory_space<vmem>>, vector<1x1x2000xf32>
      %get3A_137 = vector.shape_cast %get3A_136 : vector<1x1x2000xf32> to vector<1x2000xf32>
      %get3A_138 = arith.constant 3 : index
      %get3A_139 = arith.constant 0 : index
      %get3A_140 = arith.constant 0 : index
      %get3A_141 = vector.load %arg2[%get3A_138, %get3A_139, %get3A_140] : memref<5x1x2000xi32, #tpu.memory_space<vmem>>, vector<1x1x2000xi32>
      %get3A_142 = vector.shape_cast %get3A_141 : vector<1x1x2000xi32> to vector<1x2000xi32>
      %iota3A_143 = tpu.iota {dimensions = array<i32: 0>} : vector<128x2000xi32>
      %eq3A_144 = vector.broadcast %get3A_142 : vector<1x2000xi32> to vector<128x2000xi32>
      %eq3A_145 = arith.cmpi eq, %eq3A_144, %iota3A_143 : vector<128x2000xi32>
      %jit3A_146 = arith.constant -1.000000e+30 : f32
      %broadcast_in_dim3A_147 = vector.shape_cast %get3A_137 : vector<1x2000xf32> to vector<1x2000xf32>
      %broadcast_in_dim3A_148 = vector.broadcast %broadcast_in_dim3A_147 : vector<1x2000xf32> to vector<128x2000xf32>
      %broadcast_in_dim3A_149 = vector.broadcast %jit3A_146 : f32 to vector<128x2000xf32>
      %select_n3A_150 = arith.select %eq3A_145, %broadcast_in_dim3A_148, %broadcast_in_dim3A_149 : vector<128x2000xi1>, vector<128x2000xf32>
      %reduce_max3A_151 = arith.constant dense<0xFF800000> : vector<128xf32>
      %reduce_max3A_152 = vector.multi_reduction <maximumf>, %select_n3A_150, %reduce_max3A_151 [1] : vector<128x2000xf32> to vector<128xf32>
      %broadcast_in_dim3A_153 = vector.shape_cast %reduce_max3A_152 : vector<128xf32> to vector<128x1xf32>
      %max3A_154 = arith.maximumf %max3A_132, %broadcast_in_dim3A_153 : vector<128x1xf32>
      %get3A_155 = arith.constant 4 : index
      %get3A_156 = arith.constant 0 : index
      %get3A_157 = arith.constant 0 : index
      %get3A_158 = vector.load %arg10[%get3A_155, %get3A_156, %get3A_157] : memref<5x1x2000xf32, #tpu.memory_space<vmem>>, vector<1x1x2000xf32>
      %get3A_159 = vector.shape_cast %get3A_158 : vector<1x1x2000xf32> to vector<1x2000xf32>
      %get3A_160 = arith.constant 4 : index
      %get3A_161 = arith.constant 0 : index
      %get3A_162 = arith.constant 0 : index
      %get3A_163 = vector.load %arg2[%get3A_160, %get3A_161, %get3A_162] : memref<5x1x2000xi32, #tpu.memory_space<vmem>>, vector<1x1x2000xi32>
      %get3A_164 = vector.shape_cast %get3A_163 : vector<1x1x2000xi32> to vector<1x2000xi32>
      %iota3A_165 = tpu.iota {dimensions = array<i32: 0>} : vector<128x2000xi32>
      %eq3A_166 = vector.broadcast %get3A_164 : vector<1x2000xi32> to vector<128x2000xi32>
      %eq3A_167 = arith.cmpi eq, %eq3A_166, %iota3A_165 : vector<128x2000xi32>
      %jit3A_168 = arith.constant -1.000000e+30 : f32
      %broadcast_in_dim3A_169 = vector.shape_cast %get3A_159 : vector<1x2000xf32> to vector<1x2000xf32>
      %broadcast_in_dim3A_170 = vector.broadcast %broadcast_in_dim3A_169 : vector<1x2000xf32> to vector<128x2000xf32>
      %broadcast_in_dim3A_171 = vector.broadcast %jit3A_168 : f32 to vector<128x2000xf32>
      %select_n3A_172 = arith.select %eq3A_167, %broadcast_in_dim3A_170, %broadcast_in_dim3A_171 : vector<128x2000xi1>, vector<128x2000xf32>
      %reduce_max3A_173 = arith.constant dense<0xFF800000> : vector<128xf32>
      %reduce_max3A_174 = vector.multi_reduction <maximumf>, %select_n3A_172, %reduce_max3A_173 [1] : vector<128x2000xf32> to vector<128xf32>
      %broadcast_in_dim3A_175 = vector.shape_cast %reduce_max3A_174 : vector<128xf32> to vector<128x1xf32>
      %max3A_176 = arith.maximumf %max3A_154, %broadcast_in_dim3A_175 : vector<128x1xf32>
      %broadcast_in_dim3A_177 = arith.constant 0.000000e+00 : f32
      %broadcast_in_dim3A_178 = vector.broadcast %broadcast_in_dim3A_177 : f32 to vector<128x1xf32>
      %get3A_179 = arith.constant 0 : index
      %get3A_180 = arith.constant 0 : index
      %get3A_181 = arith.constant 0 : index
      %get3A_182 = vector.load %arg10[%get3A_179, %get3A_180, %get3A_181] : memref<5x1x2000xf32, #tpu.memory_space<vmem>>, vector<1x1x2000xf32>
      %get3A_183 = vector.shape_cast %get3A_182 : vector<1x1x2000xf32> to vector<1x2000xf32>
      %get3A_184 = arith.constant 0 : index
      %get3A_185 = arith.constant 0 : index
      %get3A_186 = arith.constant 0 : index
      %get3A_187 = vector.load %arg2[%get3A_184, %get3A_185, %get3A_186] : memref<5x1x2000xi32, #tpu.memory_space<vmem>>, vector<1x1x2000xi32>
      %get3A_188 = vector.shape_cast %get3A_187 : vector<1x1x2000xi32> to vector<1x2000xi32>
      %iota3A_189 = tpu.iota {dimensions = array<i32: 0>} : vector<128x2000xi32>
      %eq3A_190 = vector.broadcast %get3A_188 : vector<1x2000xi32> to vector<128x2000xi32>
      %eq3A_191 = arith.cmpi eq, %eq3A_190, %iota3A_189 : vector<128x2000xi32>
      %convert_element_type3A_192 = arith.extui %eq3A_191 : vector<128x2000xi1> to vector<128x2000xi32>
      %convert_element_type3A_193 = arith.sitofp %convert_element_type3A_192 : vector<128x2000xi32> to vector<128x2000xf32>
      %dot_general3A_194 = arith.constant dense<0.000000e+00> : vector<1x2000xf32>
      %dot_general3A_195 = tpu.matmul %max3A_176, %convert_element_type3A_193, %dot_general3A_194 {dimension_numbers = #tpu.dot_dimension_numbers<[0], [0], [1], [1], [0, 1, 1, 1], [], []>, transpose_lhs_hint = false} : vector<128x1xf32>, vector<128x2000xf32>, vector<1x2000xf32> -> vector<1x2000xf32>
      %sub3A_196 = arith.subf %get3A_183, %dot_general3A_195 : vector<1x2000xf32>
      %exp3A = math.exp %sub3A_196 : vector<1x2000xf32>
      %jit3A_197 = arith.constant 0.000000e+00 : f32
      %broadcast_in_dim3A_198 = vector.shape_cast %exp3A : vector<1x2000xf32> to vector<1x2000xf32>
      %broadcast_in_dim3A_199 = vector.broadcast %broadcast_in_dim3A_198 : vector<1x2000xf32> to vector<128x2000xf32>
      %broadcast_in_dim3A_200 = vector.broadcast %jit3A_197 : f32 to vector<128x2000xf32>
      %select_n3A_201 = arith.select %eq3A_191, %broadcast_in_dim3A_199, %broadcast_in_dim3A_200 : vector<128x2000xi1>, vector<128x2000xf32>
      %reduce_sum3A_202 = arith.constant dense<0.000000e+00> : vector<128xf32>
      %reduce_sum3A_203 = vector.multi_reduction <add>, %select_n3A_201, %reduce_sum3A_202 [1] : vector<128x2000xf32> to vector<128xf32>
      %broadcast_in_dim3A_204 = vector.shape_cast %reduce_sum3A_203 : vector<128xf32> to vector<128x1xf32>
      %add3A_205 = arith.addf %broadcast_in_dim3A_178, %broadcast_in_dim3A_204 : vector<128x1xf32>
      %get3A_206 = arith.constant 1 : index
      %get3A_207 = arith.constant 0 : index
      %get3A_208 = arith.constant 0 : index
      %get3A_209 = vector.load %arg10[%get3A_206, %get3A_207, %get3A_208] : memref<5x1x2000xf32, #tpu.memory_space<vmem>>, vector<1x1x2000xf32>
      %get3A_210 = vector.shape_cast %get3A_209 : vector<1x1x2000xf32> to vector<1x2000xf32>
      %get3A_211 = arith.constant 1 : index
      %get3A_212 = arith.constant 0 : index
      %get3A_213 = arith.constant 0 : index
      %get3A_214 = vector.load %arg2[%get3A_211, %get3A_212, %get3A_213] : memref<5x1x2000xi32, #tpu.memory_space<vmem>>, vector<1x1x2000xi32>
      %get3A_215 = vector.shape_cast %get3A_214 : vector<1x1x2000xi32> to vector<1x2000xi32>
      %iota3A_216 = tpu.iota {dimensions = array<i32: 0>} : vector<128x2000xi32>
      %eq3A_217 = vector.broadcast %get3A_215 : vector<1x2000xi32> to vector<128x2000xi32>
      %eq3A_218 = arith.cmpi eq, %eq3A_217, %iota3A_216 : vector<128x2000xi32>
      %convert_element_type3A_219 = arith.extui %eq3A_218 : vector<128x2000xi1> to vector<128x2000xi32>
      %convert_element_type3A_220 = arith.sitofp %convert_element_type3A_219 : vector<128x2000xi32> to vector<128x2000xf32>
      %dot_general3A_221 = arith.constant dense<0.000000e+00> : vector<1x2000xf32>
      %dot_general3A_222 = tpu.matmul %max3A_176, %convert_element_type3A_220, %dot_general3A_221 {dimension_numbers = #tpu.dot_dimension_numbers<[0], [0], [1], [1], [0, 1, 1, 1], [], []>, transpose_lhs_hint = false} : vector<128x1xf32>, vector<128x2000xf32>, vector<1x2000xf32> -> vector<1x2000xf32>
      %sub3A_223 = arith.subf %get3A_210, %dot_general3A_222 : vector<1x2000xf32>
      %exp3A_224 = math.exp %sub3A_223 : vector<1x2000xf32>
      %jit3A_225 = arith.constant 0.000000e+00 : f32
      %broadcast_in_dim3A_226 = vector.shape_cast %exp3A_224 : vector<1x2000xf32> to vector<1x2000xf32>
      %broadcast_in_dim3A_227 = vector.broadcast %broadcast_in_dim3A_226 : vector<1x2000xf32> to vector<128x2000xf32>
      %broadcast_in_dim3A_228 = vector.broadcast %jit3A_225 : f32 to vector<128x2000xf32>
      %select_n3A_229 = arith.select %eq3A_218, %broadcast_in_dim3A_227, %broadcast_in_dim3A_228 : vector<128x2000xi1>, vector<128x2000xf32>
      %reduce_sum3A_230 = arith.constant dense<0.000000e+00> : vector<128xf32>
      %reduce_sum3A_231 = vector.multi_reduction <add>, %select_n3A_229, %reduce_sum3A_230 [1] : vector<128x2000xf32> to vector<128xf32>
      %broadcast_in_dim3A_232 = vector.shape_cast %reduce_sum3A_231 : vector<128xf32> to vector<128x1xf32>
      %add3A_233 = arith.addf %add3A_205, %broadcast_in_dim3A_232 : vector<128x1xf32>
      %get3A_234 = arith.constant 2 : index
      %get3A_235 = arith.constant 0 : index
      %get3A_236 = arith.constant 0 : index
      %get3A_237 = vector.load %arg10[%get3A_234, %get3A_235, %get3A_236] : memref<5x1x2000xf32, #tpu.memory_space<vmem>>, vector<1x1x2000xf32>
      %get3A_238 = vector.shape_cast %get3A_237 : vector<1x1x2000xf32> to vector<1x2000xf32>
      %get3A_239 = arith.constant 2 : index
      %get3A_240 = arith.constant 0 : index
      %get3A_241 = arith.constant 0 : index
      %get3A_242 = vector.load %arg2[%get3A_239, %get3A_240, %get3A_241] : memref<5x1x2000xi32, #tpu.memory_space<vmem>>, vector<1x1x2000xi32>
      %get3A_243 = vector.shape_cast %get3A_242 : vector<1x1x2000xi32> to vector<1x2000xi32>
      %iota3A_244 = tpu.iota {dimensions = array<i32: 0>} : vector<128x2000xi32>
      %eq3A_245 = vector.broadcast %get3A_243 : vector<1x2000xi32> to vector<128x2000xi32>
      %eq3A_246 = arith.cmpi eq, %eq3A_245, %iota3A_244 : vector<128x2000xi32>
      %convert_element_type3A_247 = arith.extui %eq3A_246 : vector<128x2000xi1> to vector<128x2000xi32>
      %convert_element_type3A_248 = arith.sitofp %convert_element_type3A_247 : vector<128x2000xi32> to vector<128x2000xf32>
      %dot_general3A_249 = arith.constant dense<0.000000e+00> : vector<1x2000xf32>
      %dot_general3A_250 = tpu.matmul %max3A_176, %convert_element_type3A_248, %dot_general3A_249 {dimension_numbers = #tpu.dot_dimension_numbers<[0], [0], [1], [1], [0, 1, 1, 1], [], []>, transpose_lhs_hint = false} : vector<128x1xf32>, vector<128x2000xf32>, vector<1x2000xf32> -> vector<1x2000xf32>
      %sub3A_251 = arith.subf %get3A_238, %dot_general3A_250 : vector<1x2000xf32>
      %exp3A_252 = math.exp %sub3A_251 : vector<1x2000xf32>
      %jit3A_253 = arith.constant 0.000000e+00 : f32
      %broadcast_in_dim3A_254 = vector.shape_cast %exp3A_252 : vector<1x2000xf32> to vector<1x2000xf32>
      %broadcast_in_dim3A_255 = vector.broadcast %broadcast_in_dim3A_254 : vector<1x2000xf32> to vector<128x2000xf32>
      %broadcast_in_dim3A_256 = vector.broadcast %jit3A_253 : f32 to vector<128x2000xf32>
      %select_n3A_257 = arith.select %eq3A_246, %broadcast_in_dim3A_255, %broadcast_in_dim3A_256 : vector<128x2000xi1>, vector<128x2000xf32>
      %reduce_sum3A_258 = arith.constant dense<0.000000e+00> : vector<128xf32>
      %reduce_sum3A_259 = vector.multi_reduction <add>, %select_n3A_257, %reduce_sum3A_258 [1] : vector<128x2000xf32> to vector<128xf32>
      %broadcast_in_dim3A_260 = vector.shape_cast %reduce_sum3A_259 : vector<128xf32> to vector<128x1xf32>
      %add3A_261 = arith.addf %add3A_233, %broadcast_in_dim3A_260 : vector<128x1xf32>
      %get3A_262 = arith.constant 3 : index
      %get3A_263 = arith.constant 0 : index
      %get3A_264 = arith.constant 0 : index
      %get3A_265 = vector.load %arg10[%get3A_262, %get3A_263, %get3A_264] : memref<5x1x2000xf32, #tpu.memory_space<vmem>>, vector<1x1x2000xf32>
      %get3A_266 = vector.shape_cast %get3A_265 : vector<1x1x2000xf32> to vector<1x2000xf32>
      %get3A_267 = arith.constant 3 : index
      %get3A_268 = arith.constant 0 : index
      %get3A_269 = arith.constant 0 : index
      %get3A_270 = vector.load %arg2[%get3A_267, %get3A_268, %get3A_269] : memref<5x1x2000xi32, #tpu.memory_space<vmem>>, vector<1x1x2000xi32>
      %get3A_271 = vector.shape_cast %get3A_270 : vector<1x1x2000xi32> to vector<1x2000xi32>
      %iota3A_272 = tpu.iota {dimensions = array<i32: 0>} : vector<128x2000xi32>
      %eq3A_273 = vector.broadcast %get3A_271 : vector<1x2000xi32> to vector<128x2000xi32>
      %eq3A_274 = arith.cmpi eq, %eq3A_273, %iota3A_272 : vector<128x2000xi32>
      %convert_element_type3A_275 = arith.extui %eq3A_274 : vector<128x2000xi1> to vector<128x2000xi32>
      %convert_element_type3A_276 = arith.sitofp %convert_element_type3A_275 : vector<128x2000xi32> to vector<128x2000xf32>
      %dot_general3A_277 = arith.constant dense<0.000000e+00> : vector<1x2000xf32>
      %dot_general3A_278 = tpu.matmul %max3A_176, %convert_element_type3A_276, %dot_general3A_277 {dimension_numbers = #tpu.dot_dimension_numbers<[0], [0], [1], [1], [0, 1, 1, 1], [], []>, transpose_lhs_hint = false} : vector<128x1xf32>, vector<128x2000xf32>, vector<1x2000xf32> -> vector<1x2000xf32>
      %sub3A_279 = arith.subf %get3A_266, %dot_general3A_278 : vector<1x2000xf32>
      %exp3A_280 = math.exp %sub3A_279 : vector<1x2000xf32>
      %jit3A_281 = arith.constant 0.000000e+00 : f32
      %broadcast_in_dim3A_282 = vector.shape_cast %exp3A_280 : vector<1x2000xf32> to vector<1x2000xf32>
      %broadcast_in_dim3A_283 = vector.broadcast %broadcast_in_dim3A_282 : vector<1x2000xf32> to vector<128x2000xf32>
      %broadcast_in_dim3A_284 = vector.broadcast %jit3A_281 : f32 to vector<128x2000xf32>
      %select_n3A_285 = arith.select %eq3A_274, %broadcast_in_dim3A_283, %broadcast_in_dim3A_284 : vector<128x2000xi1>, vector<128x2000xf32>
      %reduce_sum3A_286 = arith.constant dense<0.000000e+00> : vector<128xf32>
      %reduce_sum3A_287 = vector.multi_reduction <add>, %select_n3A_285, %reduce_sum3A_286 [1] : vector<128x2000xf32> to vector<128xf32>
      %broadcast_in_dim3A_288 = vector.shape_cast %reduce_sum3A_287 : vector<128xf32> to vector<128x1xf32>
      %add3A_289 = arith.addf %add3A_261, %broadcast_in_dim3A_288 : vector<128x1xf32>
      %get3A_290 = arith.constant 4 : index
      %get3A_291 = arith.constant 0 : index
      %get3A_292 = arith.constant 0 : index
      %get3A_293 = vector.load %arg10[%get3A_290, %get3A_291, %get3A_292] : memref<5x1x2000xf32, #tpu.memory_space<vmem>>, vector<1x1x2000xf32>
      %get3A_294 = vector.shape_cast %get3A_293 : vector<1x1x2000xf32> to vector<1x2000xf32>
      %get3A_295 = arith.constant 4 : index
      %get3A_296 = arith.constant 0 : index
      %get3A_297 = arith.constant 0 : index
      %get3A_298 = vector.load %arg2[%get3A_295, %get3A_296, %get3A_297] : memref<5x1x2000xi32, #tpu.memory_space<vmem>>, vector<1x1x2000xi32>
      %get3A_299 = vector.shape_cast %get3A_298 : vector<1x1x2000xi32> to vector<1x2000xi32>
      %iota3A_300 = tpu.iota {dimensions = array<i32: 0>} : vector<128x2000xi32>
      %eq3A_301 = vector.broadcast %get3A_299 : vector<1x2000xi32> to vector<128x2000xi32>
      %eq3A_302 = arith.cmpi eq, %eq3A_301, %iota3A_300 : vector<128x2000xi32>
      %convert_element_type3A_303 = arith.extui %eq3A_302 : vector<128x2000xi1> to vector<128x2000xi32>
      %convert_element_type3A_304 = arith.sitofp %convert_element_type3A_303 : vector<128x2000xi32> to vector<128x2000xf32>
      %dot_general3A_305 = arith.constant dense<0.000000e+00> : vector<1x2000xf32>
      %dot_general3A_306 = tpu.matmul %max3A_176, %convert_element_type3A_304, %dot_general3A_305 {dimension_numbers = #tpu.dot_dimension_numbers<[0], [0], [1], [1], [0, 1, 1, 1], [], []>, transpose_lhs_hint = false} : vector<128x1xf32>, vector<128x2000xf32>, vector<1x2000xf32> -> vector<1x2000xf32>
      %sub3A_307 = arith.subf %get3A_294, %dot_general3A_306 : vector<1x2000xf32>
      %exp3A_308 = math.exp %sub3A_307 : vector<1x2000xf32>
      %jit3A_309 = arith.constant 0.000000e+00 : f32
      %broadcast_in_dim3A_310 = vector.shape_cast %exp3A_308 : vector<1x2000xf32> to vector<1x2000xf32>
      %broadcast_in_dim3A_311 = vector.broadcast %broadcast_in_dim3A_310 : vector<1x2000xf32> to vector<128x2000xf32>
      %broadcast_in_dim3A_312 = vector.broadcast %jit3A_309 : f32 to vector<128x2000xf32>
      %select_n3A_313 = arith.select %eq3A_302, %broadcast_in_dim3A_311, %broadcast_in_dim3A_312 : vector<128x2000xi1>, vector<128x2000xf32>
      %reduce_sum3A_314 = arith.constant dense<0.000000e+00> : vector<128xf32>
      %reduce_sum3A_315 = vector.multi_reduction <add>, %select_n3A_313, %reduce_sum3A_314 [1] : vector<128x2000xf32> to vector<128xf32>
      %broadcast_in_dim3A_316 = vector.shape_cast %reduce_sum3A_315 : vector<128xf32> to vector<128x1xf32>
      %add3A_317 = arith.addf %add3A_289, %broadcast_in_dim3A_316 : vector<128x1xf32>
      %broadcast_in_dim3A_318 = arith.constant -1.000000e+30 : f32
      %broadcast_in_dim3A_319 = vector.broadcast %broadcast_in_dim3A_318 : f32 to vector<128x1xf32>
      %get3A_320 = arith.constant 0 : index
      %get3A_321 = arith.constant 0 : index
      %get3A_322 = arith.constant 0 : index
      %get3A_323 = vector.load %arg10[%get3A_320, %get3A_321, %get3A_322] : memref<5x1x2000xf32, #tpu.memory_space<vmem>>, vector<1x1x2000xf32>
      %get3A_324 = vector.shape_cast %get3A_323 : vector<1x1x2000xf32> to vector<1x2000xf32>
      %get3A_325 = arith.constant 0 : index
      %get3A_326 = arith.constant 0 : index
      %get3A_327 = arith.constant 0 : index
      %get3A_328 = vector.load %arg2[%get3A_325, %get3A_326, %get3A_327] : memref<5x1x2000xi32, #tpu.memory_space<vmem>>, vector<1x1x2000xi32>
      %get3A_329 = vector.shape_cast %get3A_328 : vector<1x1x2000xi32> to vector<1x2000xi32>
      %iota3A_330 = tpu.iota {dimensions = array<i32: 0>} : vector<128x2000xi32>
      %eq3A_331 = vector.broadcast %get3A_329 : vector<1x2000xi32> to vector<128x2000xi32>
      %eq3A_332 = arith.cmpi eq, %eq3A_331, %iota3A_330 : vector<128x2000xi32>
      %convert_element_type3A_333 = arith.extui %eq3A_332 : vector<128x2000xi1> to vector<128x2000xi32>
      %convert_element_type3A_334 = arith.sitofp %convert_element_type3A_333 : vector<128x2000xi32> to vector<128x2000xf32>
      %dot_general3A_335 = arith.constant dense<0.000000e+00> : vector<1x2000xf32>
      %dot_general3A_336 = tpu.matmul %max3A_176, %convert_element_type3A_334, %dot_general3A_335 {dimension_numbers = #tpu.dot_dimension_numbers<[0], [0], [1], [1], [0, 1, 1, 1], [], []>, transpose_lhs_hint = false} : vector<128x1xf32>, vector<128x2000xf32>, vector<1x2000xf32> -> vector<1x2000xf32>
      %dot_general3A_337 = arith.constant dense<0.000000e+00> : vector<1x2000xf32>
      %dot_general3A_338 = tpu.matmul %add3A_317, %convert_element_type3A_334, %dot_general3A_337 {dimension_numbers = #tpu.dot_dimension_numbers<[0], [0], [1], [1], [0, 1, 1, 1], [], []>, transpose_lhs_hint = false} : vector<128x1xf32>, vector<128x2000xf32>, vector<1x2000xf32> -> vector<1x2000xf32>
      %sub3A_339 = arith.subf %get3A_324, %dot_general3A_336 : vector<1x2000xf32>
      %exp3A_340 = math.exp %sub3A_339 : vector<1x2000xf32>
      %div3A = arith.divf %exp3A_340, %dot_general3A_338 : vector<1x2000xf32>
      %swap3A_341 = arith.constant 0 : index
      %swap3A_342 = arith.constant 0 : index
      %swap3A_343 = arith.constant 0 : index
      %swap3A_344 = vector.load %arg11[%swap3A_341, %swap3A_342, %swap3A_343] : memref<5x1x2000xf32, #tpu.memory_space<vmem>>, vector<1x1x2000xf32>
      %swap3A_345 = vector.shape_cast %swap3A_344 : vector<1x1x2000xf32> to vector<1x2000xf32>
      %swap3A_346 = vector.shape_cast %div3A : vector<1x2000xf32> to vector<1x1x2000xf32>
      tpu.vector_store %arg11[%swap3A_341, %swap3A_342, %swap3A_343], %swap3A_346 {strides = array<i32>} : memref<5x1x2000xf32, #tpu.memory_space<vmem>>, vector<1x1x2000xf32>,
      %jit3A_347 = arith.constant -1.000000e+30 : f32
      %broadcast_in_dim3A_348 = vector.shape_cast %div3A : vector<1x2000xf32> to vector<1x2000xf32>
      %broadcast_in_dim3A_349 = vector.broadcast %broadcast_in_dim3A_348 : vector<1x2000xf32> to vector<128x2000xf32>
      %broadcast_in_dim3A_350 = vector.broadcast %jit3A_347 : f32 to vector<128x2000xf32>
      %select_n3A_351 = arith.select %eq3A_332, %broadcast_in_dim3A_349, %broadcast_in_dim3A_350 : vector<128x2000xi1>, vector<128x2000xf32>
      %reduce_max3A_352 = arith.constant dense<0xFF800000> : vector<128xf32>
      %reduce_max3A_353 = vector.multi_reduction <maximumf>, %select_n3A_351, %reduce_max3A_352 [1] : vector<128x2000xf32> to vector<128xf32>
      %broadcast_in_dim3A_354 = vector.shape_cast %reduce_max3A_353 : vector<128xf32> to vector<128x1xf32>
      %max3A_355 = arith.maximumf %broadcast_in_dim3A_319, %broadcast_in_dim3A_354 : vector<128x1xf32>
      %get3A_356 = arith.constant 1 : index
      %get3A_357 = arith.constant 0 : index
      %get3A_358 = arith.constant 0 : index
      %get3A_359 = vector.load %arg10[%get3A_356, %get3A_357, %get3A_358] : memref<5x1x2000xf32, #tpu.memory_space<vmem>>, vector<1x1x2000xf32>
      %get3A_360 = vector.shape_cast %get3A_359 : vector<1x1x2000xf32> to vector<1x2000xf32>
      %get3A_361 = arith.constant 1 : index
      %get3A_362 = arith.constant 0 : index
      %get3A_363 = arith.constant 0 : index
      %get3A_364 = vector.load %arg2[%get3A_361, %get3A_362, %get3A_363] : memref<5x1x2000xi32, #tpu.memory_space<vmem>>, vector<1x1x2000xi32>
      %get3A_365 = vector.shape_cast %get3A_364 : vector<1x1x2000xi32> to vector<1x2000xi32>
      %iota3A_366 = tpu.iota {dimensions = array<i32: 0>} : vector<128x2000xi32>
      %eq3A_367 = vector.broadcast %get3A_365 : vector<1x2000xi32> to vector<128x2000xi32>
      %eq3A_368 = arith.cmpi eq, %eq3A_367, %iota3A_366 : vector<128x2000xi32>
      %convert_element_type3A_369 = arith.extui %eq3A_368 : vector<128x2000xi1> to vector<128x2000xi32>
      %convert_element_type3A_370 = arith.sitofp %convert_element_type3A_369 : vector<128x2000xi32> to vector<128x2000xf32>
      %dot_general3A_371 = arith.constant dense<0.000000e+00> : vector<1x2000xf32>
      %dot_general3A_372 = tpu.matmul %max3A_176, %convert_element_type3A_370, %dot_general3A_371 {dimension_numbers = #tpu.dot_dimension_numbers<[0], [0], [1], [1], [0, 1, 1, 1], [], []>, transpose_lhs_hint = false} : vector<128x1xf32>, vector<128x2000xf32>, vector<1x2000xf32> -> vector<1x2000xf32>
      %dot_general3A_373 = arith.constant dense<0.000000e+00> : vector<1x2000xf32>
      %dot_general3A_374 = tpu.matmul %add3A_317, %convert_element_type3A_370, %dot_general3A_373 {dimension_numbers = #tpu.dot_dimension_numbers<[0], [0], [1], [1], [0, 1, 1, 1], [], []>, transpose_lhs_hint = false} : vector<128x1xf32>, vector<128x2000xf32>, vector<1x2000xf32> -> vector<1x2000xf32>
      %sub3A_375 = arith.subf %get3A_360, %dot_general3A_372 : vector<1x2000xf32>
      %exp3A_376 = math.exp %sub3A_375 : vector<1x2000xf32>
      %div3A_377 = arith.divf %exp3A_376, %dot_general3A_374 : vector<1x2000xf32>
      %swap3A_378 = arith.constant 1 : index
      %swap3A_379 = arith.constant 0 : index
      %swap3A_380 = arith.constant 0 : index
      %swap3A_381 = vector.load %arg11[%swap3A_378, %swap3A_379, %swap3A_380] : memref<5x1x2000xf32, #tpu.memory_space<vmem>>, vector<1x1x2000xf32>
      %swap3A_382 = vector.shape_cast %swap3A_381 : vector<1x1x2000xf32> to vector<1x2000xf32>
      %swap3A_383 = vector.shape_cast %div3A_377 : vector<1x2000xf32> to vector<1x1x2000xf32>
      tpu.vector_store %arg11[%swap3A_378, %swap3A_379, %swap3A_380], %swap3A_383 {strides = array<i32>} : memref<5x1x2000xf32, #tpu.memory_space<vmem>>, vector<1x1x2000xf32>,
      %jit3A_384 = arith.constant -1.000000e+30 : f32
      %broadcast_in_dim3A_385 = vector.shape_cast %div3A_377 : vector<1x2000xf32> to vector<1x2000xf32>
      %broadcast_in_dim3A_386 = vector.broadcast %broadcast_in_dim3A_385 : vector<1x2000xf32> to vector<128x2000xf32>
      %broadcast_in_dim3A_387 = vector.broadcast %jit3A_384 : f32 to vector<128x2000xf32>
      %select_n3A_388 = arith.select %eq3A_368, %broadcast_in_dim3A_386, %broadcast_in_dim3A_387 : vector<128x2000xi1>, vector<128x2000xf32>
      %reduce_max3A_389 = arith.constant dense<0xFF800000> : vector<128xf32>
      %reduce_max3A_390 = vector.multi_reduction <maximumf>, %select_n3A_388, %reduce_max3A_389 [1] : vector<128x2000xf32> to vector<128xf32>
      %broadcast_in_dim3A_391 = vector.shape_cast %reduce_max3A_390 : vector<128xf32> to vector<128x1xf32>
      %max3A_392 = arith.maximumf %max3A_355, %broadcast_in_dim3A_391 : vector<128x1xf32>
      %get3A_393 = arith.constant 2 : index
      %get3A_394 = arith.constant 0 : index
      %get3A_395 = arith.constant 0 : index
      %get3A_396 = vector.load %arg10[%get3A_393, %get3A_394, %get3A_395] : memref<5x1x2000xf32, #tpu.memory_space<vmem>>, vector<1x1x2000xf32>
      %get3A_397 = vector.shape_cast %get3A_396 : vector<1x1x2000xf32> to vector<1x2000xf32>
      %get3A_398 = arith.constant 2 : index
      %get3A_399 = arith.constant 0 : index
      %get3A_400 = arith.constant 0 : index
      %get3A_401 = vector.load %arg2[%get3A_398, %get3A_399, %get3A_400] : memref<5x1x2000xi32, #tpu.memory_space<vmem>>, vector<1x1x2000xi32>
      %get3A_402 = vector.shape_cast %get3A_401 : vector<1x1x2000xi32> to vector<1x2000xi32>
      %iota3A_403 = tpu.iota {dimensions = array<i32: 0>} : vector<128x2000xi32>
      %eq3A_404 = vector.broadcast %get3A_402 : vector<1x2000xi32> to vector<128x2000xi32>
      %eq3A_405 = arith.cmpi eq, %eq3A_404, %iota3A_403 : vector<128x2000xi32>
      %convert_element_type3A_406 = arith.extui %eq3A_405 : vector<128x2000xi1> to vector<128x2000xi32>
      %convert_element_type3A_407 = arith.sitofp %convert_element_type3A_406 : vector<128x2000xi32> to vector<128x2000xf32>
      %dot_general3A_408 = arith.constant dense<0.000000e+00> : vector<1x2000xf32>
      %dot_general3A_409 = tpu.matmul %max3A_176, %convert_element_type3A_407, %dot_general3A_408 {dimension_numbers = #tpu.dot_dimension_numbers<[0], [0], [1], [1], [0, 1, 1, 1], [], []>, transpose_lhs_hint = false} : vector<128x1xf32>, vector<128x2000xf32>, vector<1x2000xf32> -> vector<1x2000xf32>
      %dot_general3A_410 = arith.constant dense<0.000000e+00> : vector<1x2000xf32>
      %dot_general3A_411 = tpu.matmul %add3A_317, %convert_element_type3A_407, %dot_general3A_410 {dimension_numbers = #tpu.dot_dimension_numbers<[0], [0], [1], [1], [0, 1, 1, 1], [], []>, transpose_lhs_hint = false} : vector<128x1xf32>, vector<128x2000xf32>, vector<1x2000xf32> -> vector<1x2000xf32>
      %sub3A_412 = arith.subf %get3A_397, %dot_general3A_409 : vector<1x2000xf32>
      %exp3A_413 = math.exp %sub3A_412 : vector<1x2000xf32>
      %div3A_414 = arith.divf %exp3A_413, %dot_general3A_411 : vector<1x2000xf32>
      %swap3A_415 = arith.constant 2 : index
      %swap3A_416 = arith.constant 0 : index
      %swap3A_417 = arith.constant 0 : index
      %swap3A_418 = vector.load %arg11[%swap3A_415, %swap3A_416, %swap3A_417] : memref<5x1x2000xf32, #tpu.memory_space<vmem>>, vector<1x1x2000xf32>
      %swap3A_419 = vector.shape_cast %swap3A_418 : vector<1x1x2000xf32> to vector<1x2000xf32>
      %swap3A_420 = vector.shape_cast %div3A_414 : vector<1x2000xf32> to vector<1x1x2000xf32>
      tpu.vector_store %arg11[%swap3A_415, %swap3A_416, %swap3A_417], %swap3A_420 {strides = array<i32>} : memref<5x1x2000xf32, #tpu.memory_space<vmem>>, vector<1x1x2000xf32>,
      %jit3A_421 = arith.constant -1.000000e+30 : f32
      %broadcast_in_dim3A_422 = vector.shape_cast %div3A_414 : vector<1x2000xf32> to vector<1x2000xf32>
      %broadcast_in_dim3A_423 = vector.broadcast %broadcast_in_dim3A_422 : vector<1x2000xf32> to vector<128x2000xf32>
      %broadcast_in_dim3A_424 = vector.broadcast %jit3A_421 : f32 to vector<128x2000xf32>
      %select_n3A_425 = arith.select %eq3A_405, %broadcast_in_dim3A_423, %broadcast_in_dim3A_424 : vector<128x2000xi1>, vector<128x2000xf32>
      %reduce_max3A_426 = arith.constant dense<0xFF800000> : vector<128xf32>
      %reduce_max3A_427 = vector.multi_reduction <maximumf>, %select_n3A_425, %reduce_max3A_426 [1] : vector<128x2000xf32> to vector<128xf32>
      %broadcast_in_dim3A_428 = vector.shape_cast %reduce_max3A_427 : vector<128xf32> to vector<128x1xf32>
      %max3A_429 = arith.maximumf %max3A_392, %broadcast_in_dim3A_428 : vector<128x1xf32>
      %get3A_430 = arith.constant 3 : index
      %get3A_431 = arith.constant 0 : index
      %get3A_432 = arith.constant 0 : index
      %get3A_433 = vector.load %arg10[%get3A_430, %get3A_431, %get3A_432] : memref<5x1x2000xf32, #tpu.memory_space<vmem>>, vector<1x1x2000xf32>
      %get3A_434 = vector.shape_cast %get3A_433 : vector<1x1x2000xf32> to vector<1x2000xf32>
      %get3A_435 = arith.constant 3 : index
      %get3A_436 = arith.constant 0 : index
      %get3A_437 = arith.constant 0 : index
      %get3A_438 = vector.load %arg2[%get3A_435, %get3A_436, %get3A_437] : memref<5x1x2000xi32, #tpu.memory_space<vmem>>, vector<1x1x2000xi32>
      %get3A_439 = vector.shape_cast %get3A_438 : vector<1x1x2000xi32> to vector<1x2000xi32>
      %iota3A_440 = tpu.iota {dimensions = array<i32: 0>} : vector<128x2000xi32>
      %eq3A_441 = vector.broadcast %get3A_439 : vector<1x2000xi32> to vector<128x2000xi32>
      %eq3A_442 = arith.cmpi eq, %eq3A_441, %iota3A_440 : vector<128x2000xi32>
      %convert_element_type3A_443 = arith.extui %eq3A_442 : vector<128x2000xi1> to vector<128x2000xi32>
      %convert_element_type3A_444 = arith.sitofp %convert_element_type3A_443 : vector<128x2000xi32> to vector<128x2000xf32>
      %dot_general3A_445 = arith.constant dense<0.000000e+00> : vector<1x2000xf32>
      %dot_general3A_446 = tpu.matmul %max3A_176, %convert_element_type3A_444, %dot_general3A_445 {dimension_numbers = #tpu.dot_dimension_numbers<[0], [0], [1], [1], [0, 1, 1, 1], [], []>, transpose_lhs_hint = false} : vector<128x1xf32>, vector<128x2000xf32>, vector<1x2000xf32> -> vector<1x2000xf32>
      %dot_general3A_447 = arith.constant dense<0.000000e+00> : vector<1x2000xf32>
      %dot_general3A_448 = tpu.matmul %add3A_317, %convert_element_type3A_444, %dot_general3A_447 {dimension_numbers = #tpu.dot_dimension_numbers<[0], [0], [1], [1], [0, 1, 1, 1], [], []>, transpose_lhs_hint = false} : vector<128x1xf32>, vector<128x2000xf32>, vector<1x2000xf32> -> vector<1x2000xf32>
      %sub3A_449 = arith.subf %get3A_434, %dot_general3A_446 : vector<1x2000xf32>
      %exp3A_450 = math.exp %sub3A_449 : vector<1x2000xf32>
      %div3A_451 = arith.divf %exp3A_450, %dot_general3A_448 : vector<1x2000xf32>
      %swap3A_452 = arith.constant 3 : index
      %swap3A_453 = arith.constant 0 : index
      %swap3A_454 = arith.constant 0 : index
      %swap3A_455 = vector.load %arg11[%swap3A_452, %swap3A_453, %swap3A_454] : memref<5x1x2000xf32, #tpu.memory_space<vmem>>, vector<1x1x2000xf32>
      %swap3A_456 = vector.shape_cast %swap3A_455 : vector<1x1x2000xf32> to vector<1x2000xf32>
      %swap3A_457 = vector.shape_cast %div3A_451 : vector<1x2000xf32> to vector<1x1x2000xf32>
      tpu.vector_store %arg11[%swap3A_452, %swap3A_453, %swap3A_454], %swap3A_457 {strides = array<i32>} : memref<5x1x2000xf32, #tpu.memory_space<vmem>>, vector<1x1x2000xf32>,
      %jit3A_458 = arith.constant -1.000000e+30 : f32
      %broadcast_in_dim3A_459 = vector.shape_cast %div3A_451 : vector<1x2000xf32> to vector<1x2000xf32>
      %broadcast_in_dim3A_460 = vector.broadcast %broadcast_in_dim3A_459 : vector<1x2000xf32> to vector<128x2000xf32>
      %broadcast_in_dim3A_461 = vector.broadcast %jit3A_458 : f32 to vector<128x2000xf32>
      %select_n3A_462 = arith.select %eq3A_442, %broadcast_in_dim3A_460, %broadcast_in_dim3A_461 : vector<128x2000xi1>, vector<128x2000xf32>
      %reduce_max3A_463 = arith.constant dense<0xFF800000> : vector<128xf32>
      %reduce_max3A_464 = vector.multi_reduction <maximumf>, %select_n3A_462, %reduce_max3A_463 [1] : vector<128x2000xf32> to vector<128xf32>
      %broadcast_in_dim3A_465 = vector.shape_cast %reduce_max3A_464 : vector<128xf32> to vector<128x1xf32>
      %max3A_466 = arith.maximumf %max3A_429, %broadcast_in_dim3A_465 : vector<128x1xf32>
      %get3A_467 = arith.constant 4 : index
      %get3A_468 = arith.constant 0 : index
      %get3A_469 = arith.constant 0 : index
      %get3A_470 = vector.load %arg10[%get3A_467, %get3A_468, %get3A_469] : memref<5x1x2000xf32, #tpu.memory_space<vmem>>, vector<1x1x2000xf32>
      %get3A_471 = vector.shape_cast %get3A_470 : vector<1x1x2000xf32> to vector<1x2000xf32>
      %get3A_472 = arith.constant 4 : index
      %get3A_473 = arith.constant 0 : index
      %get3A_474 = arith.constant 0 : index
      %get3A_475 = vector.load %arg2[%get3A_472, %get3A_473, %get3A_474] : memref<5x1x2000xi32, #tpu.memory_space<vmem>>, vector<1x1x2000xi32>
      %get3A_476 = vector.shape_cast %get3A_475 : vector<1x1x2000xi32> to vector<1x2000xi32>
      %iota3A_477 = tpu.iota {dimensions = array<i32: 0>} : vector<128x2000xi32>
      %eq3A_478 = vector.broadcast %get3A_476 : vector<1x2000xi32> to vector<128x2000xi32>
      %eq3A_479 = arith.cmpi eq, %eq3A_478, %iota3A_477 : vector<128x2000xi32>
      %convert_element_type3A_480 = arith.extui %eq3A_479 : vector<128x2000xi1> to vector<128x2000xi32>
      %convert_element_type3A_481 = arith.sitofp %convert_element_type3A_480 : vector<128x2000xi32> to vector<128x2000xf32>
      %dot_general3A_482 = arith.constant dense<0.000000e+00> : vector<1x2000xf32>
      %dot_general3A_483 = tpu.matmul %max3A_176, %convert_element_type3A_481, %dot_general3A_482 {dimension_numbers = #tpu.dot_dimension_numbers<[0], [0], [1], [1], [0, 1, 1, 1], [], []>, transpose_lhs_hint = false} : vector<128x1xf32>, vector<128x2000xf32>, vector<1x2000xf32> -> vector<1x2000xf32>
      %dot_general3A_484 = arith.constant dense<0.000000e+00> : vector<1x2000xf32>
      %dot_general3A_485 = tpu.matmul %add3A_317, %convert_element_type3A_481, %dot_general3A_484 {dimension_numbers = #tpu.dot_dimension_numbers<[0], [0], [1], [1], [0, 1, 1, 1], [], []>, transpose_lhs_hint = false} : vector<128x1xf32>, vector<128x2000xf32>, vector<1x2000xf32> -> vector<1x2000xf32>
      %sub3A_486 = arith.subf %get3A_471, %dot_general3A_483 : vector<1x2000xf32>
      %exp3A_487 = math.exp %sub3A_486 : vector<1x2000xf32>
      %div3A_488 = arith.divf %exp3A_487, %dot_general3A_485 : vector<1x2000xf32>
      %swap3A_489 = arith.constant 4 : index
      %swap3A_490 = arith.constant 0 : index
      %swap3A_491 = arith.constant 0 : index
      %swap3A_492 = vector.load %arg11[%swap3A_489, %swap3A_490, %swap3A_491] : memref<5x1x2000xf32, #tpu.memory_space<vmem>>, vector<1x1x2000xf32>
      %swap3A_493 = vector.shape_cast %swap3A_492 : vector<1x1x2000xf32> to vector<1x2000xf32>
      %swap3A_494 = vector.shape_cast %div3A_488 : vector<1x2000xf32> to vector<1x1x2000xf32>
      tpu.vector_store %arg11[%swap3A_489, %swap3A_490, %swap3A_491], %swap3A_494 {strides = array<i32>} : memref<5x1x2000xf32, #tpu.memory_space<vmem>>, vector<1x1x2000xf32>,
      %jit3A_495 = arith.constant -1.000000e+30 : f32
      %broadcast_in_dim3A_496 = vector.shape_cast %div3A_488 : vector<1x2000xf32> to vector<1x2000xf32>
      %broadcast_in_dim3A_497 = vector.broadcast %broadcast_in_dim3A_496 : vector<1x2000xf32> to vector<128x2000xf32>
      %broadcast_in_dim3A_498 = vector.broadcast %jit3A_495 : f32 to vector<128x2000xf32>
      %select_n3A_499 = arith.select %eq3A_479, %broadcast_in_dim3A_497, %broadcast_in_dim3A_498 : vector<128x2000xi1>, vector<128x2000xf32>
      %reduce_max3A_500 = arith.constant dense<0xFF800000> : vector<128xf32>
      %reduce_max3A_501 = vector.multi_reduction <maximumf>, %select_n3A_499, %reduce_max3A_500 [1] : vector<128x2000xf32> to vector<128xf32>
      %broadcast_in_dim3A_502 = vector.shape_cast %reduce_max3A_501 : vector<128xf32> to vector<128x1xf32>
      %max3A_503 = arith.maximumf %max3A_466, %broadcast_in_dim3A_502 : vector<128x1xf32>
      %broadcast_in_dim3A_504 = arith.constant 1073741824 : i32
      %broadcast_in_dim3A_505 = vector.broadcast %broadcast_in_dim3A_504 : i32 to vector<128x1xi32>
      %get3A_506 = arith.constant 0 : index
      %get3A_507 = arith.constant 0 : index
      %get3A_508 = arith.constant 0 : index
      %get3A_509 = vector.load %arg2[%get3A_506, %get3A_507, %get3A_508] : memref<5x1x2000xi32, #tpu.memory_space<vmem>>, vector<1x1x2000xi32>
      %get3A_510 = vector.shape_cast %get3A_509 : vector<1x1x2000xi32> to vector<1x2000xi32>
      %iota3A_511 = tpu.iota {dimensions = array<i32: 0>} : vector<128x2000xi32>
      %eq3A_512 = vector.broadcast %get3A_510 : vector<1x2000xi32> to vector<128x2000xi32>
      %eq3A_513 = arith.cmpi eq, %eq3A_512, %iota3A_511 : vector<128x2000xi32>
      %get3A_514 = arith.constant 0 : index
      %get3A_515 = arith.constant 0 : index
      %get3A_516 = arith.constant 0 : index
      %get3A_517 = vector.load %arg11[%get3A_514, %get3A_515, %get3A_516] : memref<5x1x2000xf32, #tpu.memory_space<vmem>>, vector<1x1x2000xf32>
      %get3A_518 = vector.shape_cast %get3A_517 : vector<1x1x2000xf32> to vector<1x2000xf32>
      %iota3A_519 = tpu.iota {dimensions = array<i32: 1>} : vector<1x2000xi32>
      %add3A_520 = arith.constant 0 : i32
      %add3A_521 = vector.broadcast %add3A_520 : i32 to vector<1x2000xi32>
      %add3A_522 = arith.addi %add3A_521, %iota3A_519 : vector<1x2000xi32>
      %eq3A_523 = vector.broadcast %get3A_518 : vector<1x2000xf32> to vector<128x2000xf32>
      %eq3A_524 = vector.broadcast %max3A_503 : vector<128x1xf32> to vector<128x2000xf32>
      %eq3A_525 = arith.cmpf oeq, %eq3A_523, %eq3A_524 : vector<128x2000xf32>
      %and3A = arith.andi %eq3A_513, %eq3A_525 : vector<128x2000xi1>
      %jit3A_526 = arith.constant 1073741824 : i32
      %broadcast_in_dim3A_527 = vector.shape_cast %add3A_522 : vector<1x2000xi32> to vector<1x2000xi32>
      %broadcast_in_dim3A_528 = vector.broadcast %broadcast_in_dim3A_527 : vector<1x2000xi32> to vector<128x2000xi32>
      %broadcast_in_dim3A_529 = vector.broadcast %jit3A_526 : i32 to vector<128x2000xi32>
      %select_n3A_530 = arith.select %and3A, %broadcast_in_dim3A_528, %broadcast_in_dim3A_529 : vector<128x2000xi1>, vector<128x2000xi32>
      %reduce_min3A = arith.constant dense<2147483647> : vector<128xi32>
      %reduce_min3A_531 = vector.multi_reduction <minsi>, %select_n3A_530, %reduce_min3A [1] : vector<128x2000xi32> to vector<128xi32>
      %broadcast_in_dim3A_532 = vector.shape_cast %reduce_min3A_531 : vector<128xi32> to vector<128x1xi32>
      %min3A = arith.minsi %broadcast_in_dim3A_505, %broadcast_in_dim3A_532 : vector<128x1xi32>
      %get3A_533 = arith.constant 1 : index
      %get3A_534 = arith.constant 0 : index
      %get3A_535 = arith.constant 0 : index
      %get3A_536 = vector.load %arg2[%get3A_533, %get3A_534, %get3A_535] : memref<5x1x2000xi32, #tpu.memory_space<vmem>>, vector<1x1x2000xi32>
      %get3A_537 = vector.shape_cast %get3A_536 : vector<1x1x2000xi32> to vector<1x2000xi32>
      %iota3A_538 = tpu.iota {dimensions = array<i32: 0>} : vector<128x2000xi32>
      %eq3A_539 = vector.broadcast %get3A_537 : vector<1x2000xi32> to vector<128x2000xi32>
      %eq3A_540 = arith.cmpi eq, %eq3A_539, %iota3A_538 : vector<128x2000xi32>
      %get3A_541 = arith.constant 1 : index
      %get3A_542 = arith.constant 0 : index
      %get3A_543 = arith.constant 0 : index
      %get3A_544 = vector.load %arg11[%get3A_541, %get3A_542, %get3A_543] : memref<5x1x2000xf32, #tpu.memory_space<vmem>>, vector<1x1x2000xf32>
      %get3A_545 = vector.shape_cast %get3A_544 : vector<1x1x2000xf32> to vector<1x2000xf32>
      %iota3A_546 = tpu.iota {dimensions = array<i32: 1>} : vector<1x2000xi32>
      %add3A_547 = arith.constant 2000 : i32
      %add3A_548 = vector.broadcast %add3A_547 : i32 to vector<1x2000xi32>
      %add3A_549 = arith.addi %add3A_548, %iota3A_546 : vector<1x2000xi32>
      %eq3A_550 = vector.broadcast %get3A_545 : vector<1x2000xf32> to vector<128x2000xf32>
      %eq3A_551 = vector.broadcast %max3A_503 : vector<128x1xf32> to vector<128x2000xf32>
      %eq3A_552 = arith.cmpf oeq, %eq3A_550, %eq3A_551 : vector<128x2000xf32>
      %and3A_553 = arith.andi %eq3A_540, %eq3A_552 : vector<128x2000xi1>
      %jit3A_554 = arith.constant 1073741824 : i32
      %broadcast_in_dim3A_555 = vector.shape_cast %add3A_549 : vector<1x2000xi32> to vector<1x2000xi32>
      %broadcast_in_dim3A_556 = vector.broadcast %broadcast_in_dim3A_555 : vector<1x2000xi32> to vector<128x2000xi32>
      %broadcast_in_dim3A_557 = vector.broadcast %jit3A_554 : i32 to vector<128x2000xi32>
      %select_n3A_558 = arith.select %and3A_553, %broadcast_in_dim3A_556, %broadcast_in_dim3A_557 : vector<128x2000xi1>, vector<128x2000xi32>
      %reduce_min3A_559 = arith.constant dense<2147483647> : vector<128xi32>
      %reduce_min3A_560 = vector.multi_reduction <minsi>, %select_n3A_558, %reduce_min3A_559 [1] : vector<128x2000xi32> to vector<128xi32>
      %broadcast_in_dim3A_561 = vector.shape_cast %reduce_min3A_560 : vector<128xi32> to vector<128x1xi32>
      %min3A_562 = arith.minsi %min3A, %broadcast_in_dim3A_561 : vector<128x1xi32>
      %get3A_563 = arith.constant 2 : index
      %get3A_564 = arith.constant 0 : index
      %get3A_565 = arith.constant 0 : index
      %get3A_566 = vector.load %arg2[%get3A_563, %get3A_564, %get3A_565] : memref<5x1x2000xi32, #tpu.memory_space<vmem>>, vector<1x1x2000xi32>
      %get3A_567 = vector.shape_cast %get3A_566 : vector<1x1x2000xi32> to vector<1x2000xi32>
      %iota3A_568 = tpu.iota {dimensions = array<i32: 0>} : vector<128x2000xi32>
      %eq3A_569 = vector.broadcast %get3A_567 : vector<1x2000xi32> to vector<128x2000xi32>
      %eq3A_570 = arith.cmpi eq, %eq3A_569, %iota3A_568 : vector<128x2000xi32>
      %get3A_571 = arith.constant 2 : index
      %get3A_572 = arith.constant 0 : index
      %get3A_573 = arith.constant 0 : index
      %get3A_574 = vector.load %arg11[%get3A_571, %get3A_572, %get3A_573] : memref<5x1x2000xf32, #tpu.memory_space<vmem>>, vector<1x1x2000xf32>
      %get3A_575 = vector.shape_cast %get3A_574 : vector<1x1x2000xf32> to vector<1x2000xf32>
      %iota3A_576 = tpu.iota {dimensions = array<i32: 1>} : vector<1x2000xi32>
      %add3A_577 = arith.constant 4000 : i32
      %add3A_578 = vector.broadcast %add3A_577 : i32 to vector<1x2000xi32>
      %add3A_579 = arith.addi %add3A_578, %iota3A_576 : vector<1x2000xi32>
      %eq3A_580 = vector.broadcast %get3A_575 : vector<1x2000xf32> to vector<128x2000xf32>
      %eq3A_581 = vector.broadcast %max3A_503 : vector<128x1xf32> to vector<128x2000xf32>
      %eq3A_582 = arith.cmpf oeq, %eq3A_580, %eq3A_581 : vector<128x2000xf32>
      %and3A_583 = arith.andi %eq3A_570, %eq3A_582 : vector<128x2000xi1>
      %jit3A_584 = arith.constant 1073741824 : i32
      %broadcast_in_dim3A_585 = vector.shape_cast %add3A_579 : vector<1x2000xi32> to vector<1x2000xi32>
      %broadcast_in_dim3A_586 = vector.broadcast %broadcast_in_dim3A_585 : vector<1x2000xi32> to vector<128x2000xi32>
      %broadcast_in_dim3A_587 = vector.broadcast %jit3A_584 : i32 to vector<128x2000xi32>
      %select_n3A_588 = arith.select %and3A_583, %broadcast_in_dim3A_586, %broadcast_in_dim3A_587 : vector<128x2000xi1>, vector<128x2000xi32>
      %reduce_min3A_589 = arith.constant dense<2147483647> : vector<128xi32>
      %reduce_min3A_590 = vector.multi_reduction <minsi>, %select_n3A_588, %reduce_min3A_589 [1] : vector<128x2000xi32> to vector<128xi32>
      %broadcast_in_dim3A_591 = vector.shape_cast %reduce_min3A_590 : vector<128xi32> to vector<128x1xi32>
      %min3A_592 = arith.minsi %min3A_562, %broadcast_in_dim3A_591 : vector<128x1xi32>
      %get3A_593 = arith.constant 3 : index
      %get3A_594 = arith.constant 0 : index
      %get3A_595 = arith.constant 0 : index
      %get3A_596 = vector.load %arg2[%get3A_593, %get3A_594, %get3A_595] : memref<5x1x2000xi32, #tpu.memory_space<vmem>>, vector<1x1x2000xi32>
      %get3A_597 = vector.shape_cast %get3A_596 : vector<1x1x2000xi32> to vector<1x2000xi32>
      %iota3A_598 = tpu.iota {dimensions = array<i32: 0>} : vector<128x2000xi32>
      %eq3A_599 = vector.broadcast %get3A_597 : vector<1x2000xi32> to vector<128x2000xi32>
      %eq3A_600 = arith.cmpi eq, %eq3A_599, %iota3A_598 : vector<128x2000xi32>
      %get3A_601 = arith.constant 3 : index
      %get3A_602 = arith.constant 0 : index
      %get3A_603 = arith.constant 0 : index
      %get3A_604 = vector.load %arg11[%get3A_601, %get3A_602, %get3A_603] : memref<5x1x2000xf32, #tpu.memory_space<vmem>>, vector<1x1x2000xf32>
      %get3A_605 = vector.shape_cast %get3A_604 : vector<1x1x2000xf32> to vector<1x2000xf32>
      %iota3A_606 = tpu.iota {dimensions = array<i32: 1>} : vector<1x2000xi32>
      %add3A_607 = arith.constant 6000 : i32
      %add3A_608 = vector.broadcast %add3A_607 : i32 to vector<1x2000xi32>
      %add3A_609 = arith.addi %add3A_608, %iota3A_606 : vector<1x2000xi32>
      %eq3A_610 = vector.broadcast %get3A_605 : vector<1x2000xf32> to vector<128x2000xf32>
      %eq3A_611 = vector.broadcast %max3A_503 : vector<128x1xf32> to vector<128x2000xf32>
      %eq3A_612 = arith.cmpf oeq, %eq3A_610, %eq3A_611 : vector<128x2000xf32>
      %and3A_613 = arith.andi %eq3A_600, %eq3A_612 : vector<128x2000xi1>
      %jit3A_614 = arith.constant 1073741824 : i32
      %broadcast_in_dim3A_615 = vector.shape_cast %add3A_609 : vector<1x2000xi32> to vector<1x2000xi32>
      %broadcast_in_dim3A_616 = vector.broadcast %broadcast_in_dim3A_615 : vector<1x2000xi32> to vector<128x2000xi32>
      %broadcast_in_dim3A_617 = vector.broadcast %jit3A_614 : i32 to vector<128x2000xi32>
      %select_n3A_618 = arith.select %and3A_613, %broadcast_in_dim3A_616, %broadcast_in_dim3A_617 : vector<128x2000xi1>, vector<128x2000xi32>
      %reduce_min3A_619 = arith.constant dense<2147483647> : vector<128xi32>
      %reduce_min3A_620 = vector.multi_reduction <minsi>, %select_n3A_618, %reduce_min3A_619 [1] : vector<128x2000xi32> to vector<128xi32>
      %broadcast_in_dim3A_621 = vector.shape_cast %reduce_min3A_620 : vector<128xi32> to vector<128x1xi32>
      %min3A_622 = arith.minsi %min3A_592, %broadcast_in_dim3A_621 : vector<128x1xi32>
      %get3A_623 = arith.constant 4 : index
      %get3A_624 = arith.constant 0 : index
      %get3A_625 = arith.constant 0 : index
      %get3A_626 = vector.load %arg2[%get3A_623, %get3A_624, %get3A_625] : memref<5x1x2000xi32, #tpu.memory_space<vmem>>, vector<1x1x2000xi32>
      %get3A_627 = vector.shape_cast %get3A_626 : vector<1x1x2000xi32> to vector<1x2000xi32>
      %iota3A_628 = tpu.iota {dimensions = array<i32: 0>} : vector<128x2000xi32>
      %eq3A_629 = vector.broadcast %get3A_627 : vector<1x2000xi32> to vector<128x2000xi32>
      %eq3A_630 = arith.cmpi eq, %eq3A_629, %iota3A_628 : vector<128x2000xi32>
      %get3A_631 = arith.constant 4 : index
      %get3A_632 = arith.constant 0 : index
      %get3A_633 = arith.constant 0 : index
      %get3A_634 = vector.load %arg11[%get3A_631, %get3A_632, %get3A_633] : memref<5x1x2000xf32, #tpu.memory_space<vmem>>, vector<1x1x2000xf32>
      %get3A_635 = vector.shape_cast %get3A_634 : vector<1x1x2000xf32> to vector<1x2000xf32>
      %iota3A_636 = tpu.iota {dimensions = array<i32: 1>} : vector<1x2000xi32>
      %add3A_637 = arith.constant 8000 : i32
      %add3A_638 = vector.broadcast %add3A_637 : i32 to vector<1x2000xi32>
      %add3A_639 = arith.addi %add3A_638, %iota3A_636 : vector<1x2000xi32>
      %eq3A_640 = vector.broadcast %get3A_635 : vector<1x2000xf32> to vector<128x2000xf32>
      %eq3A_641 = vector.broadcast %max3A_503 : vector<128x1xf32> to vector<128x2000xf32>
      %eq3A_642 = arith.cmpf oeq, %eq3A_640, %eq3A_641 : vector<128x2000xf32>
      %and3A_643 = arith.andi %eq3A_630, %eq3A_642 : vector<128x2000xi1>
      %jit3A_644 = arith.constant 1073741824 : i32
      %broadcast_in_dim3A_645 = vector.shape_cast %add3A_639 : vector<1x2000xi32> to vector<1x2000xi32>
      %broadcast_in_dim3A_646 = vector.broadcast %broadcast_in_dim3A_645 : vector<1x2000xi32> to vector<128x2000xi32>
      %broadcast_in_dim3A_647 = vector.broadcast %jit3A_644 : i32 to vector<128x2000xi32>
      %select_n3A_648 = arith.select %and3A_643, %broadcast_in_dim3A_646, %broadcast_in_dim3A_647 : vector<128x2000xi1>, vector<128x2000xi32>
      %reduce_min3A_649 = arith.constant dense<2147483647> : vector<128xi32>
      %reduce_min3A_650 = vector.multi_reduction <minsi>, %select_n3A_648, %reduce_min3A_649 [1] : vector<128x2000xi32> to vector<128xi32>
      %broadcast_in_dim3A_651 = vector.shape_cast %reduce_min3A_650 : vector<128xi32> to vector<128x1xi32>
      %min3A_652 = arith.minsi %min3A_622, %broadcast_in_dim3A_651 : vector<128x1xi32>
      %get3A_653 = arith.constant 0 : index
      %get3A_654 = arith.constant 0 : index
      %get3A_655 = arith.constant 0 : index
      %get3A_656 = vector.load %arg2[%get3A_653, %get3A_654, %get3A_655] : memref<5x1x2000xi32, #tpu.memory_space<vmem>>, vector<1x1x2000xi32>
      %get3A_657 = vector.shape_cast %get3A_656 : vector<1x1x2000xi32> to vector<1x2000xi32>
      %iota3A_658 = tpu.iota {dimensions = array<i32: 0>} : vector<128x2000xi32>
      %eq3A_659 = vector.broadcast %get3A_657 : vector<1x2000xi32> to vector<128x2000xi32>
      %eq3A_660 = arith.cmpi eq, %eq3A_659, %iota3A_658 : vector<128x2000xi32>
      %iota3A_661 = tpu.iota {dimensions = array<i32: 1>} : vector<1x2000xi32>
      %add3A_662 = arith.constant 0 : i32
      %add3A_663 = vector.broadcast %add3A_662 : i32 to vector<1x2000xi32>
      %add3A_664 = arith.addi %add3A_663, %iota3A_661 : vector<1x2000xi32>
      %eq3A_665 = vector.broadcast %add3A_664 : vector<1x2000xi32> to vector<128x2000xi32>
      %eq3A_666 = vector.broadcast %min3A_652 : vector<128x1xi32> to vector<128x2000xi32>
      %eq3A_667 = arith.cmpi eq, %eq3A_665, %eq3A_666 : vector<128x2000xi32>
      %and3A_668 = arith.andi %eq3A_660, %eq3A_667 : vector<128x2000xi1>
      %jit3A_669 = arith.constant 1.000000e+00 : f32
      %jit3A_670 = arith.constant 0.000000e+00 : f32
      %broadcast_in_dim3A_671 = vector.broadcast %jit3A_669 : f32 to vector<128x2000xf32>
      %broadcast_in_dim3A_672 = vector.broadcast %jit3A_670 : f32 to vector<128x2000xf32>
      %select_n3A_673 = arith.select %and3A_668, %broadcast_in_dim3A_671, %broadcast_in_dim3A_672 : vector<128x2000xi1>, vector<128x2000xf32>
      %reduce_max3A_674 = arith.constant dense<0xFF800000> : vector<2000xf32>
      %reduce_max3A_675 = vector.multi_reduction <maximumf>, %select_n3A_673, %reduce_max3A_674 [0] : vector<128x2000xf32> to vector<2000xf32>
      %broadcast_in_dim3A_676 = vector.shape_cast %reduce_max3A_675 : vector<2000xf32> to vector<1x2000xf32>
      %swap3A_677 = arith.constant 0 : index
      %swap3A_678 = arith.constant 0 : index
      %swap3A_679 = arith.constant 0 : index
      %swap3A_680 = vector.load %arg12[%swap3A_677, %swap3A_678, %swap3A_679] : memref<5x1x2000xf32, #tpu.memory_space<vmem>>, vector<1x1x2000xf32>
      %swap3A_681 = vector.shape_cast %swap3A_680 : vector<1x1x2000xf32> to vector<1x2000xf32>
      %swap3A_682 = vector.shape_cast %broadcast_in_dim3A_676 : vector<1x2000xf32> to vector<1x1x2000xf32>
      tpu.vector_store %arg12[%swap3A_677, %swap3A_678, %swap3A_679], %swap3A_682 {strides = array<i32>} : memref<5x1x2000xf32, #tpu.memory_space<vmem>>, vector<1x1x2000xf32>,
      %get3A_683 = arith.constant 1 : index
      %get3A_684 = arith.constant 0 : index
      %get3A_685 = arith.constant 0 : index
      %get3A_686 = vector.load %arg2[%get3A_683, %get3A_684, %get3A_685] : memref<5x1x2000xi32, #tpu.memory_space<vmem>>, vector<1x1x2000xi32>
      %get3A_687 = vector.shape_cast %get3A_686 : vector<1x1x2000xi32> to vector<1x2000xi32>
      %iota3A_688 = tpu.iota {dimensions = array<i32: 0>} : vector<128x2000xi32>
      %eq3A_689 = vector.broadcast %get3A_687 : vector<1x2000xi32> to vector<128x2000xi32>
      %eq3A_690 = arith.cmpi eq, %eq3A_689, %iota3A_688 : vector<128x2000xi32>
      %iota3A_691 = tpu.iota {dimensions = array<i32: 1>} : vector<1x2000xi32>
      %add3A_692 = arith.constant 2000 : i32
      %add3A_693 = vector.broadcast %add3A_692 : i32 to vector<1x2000xi32>
      %add3A_694 = arith.addi %add3A_693, %iota3A_691 : vector<1x2000xi32>
      %eq3A_695 = vector.broadcast %add3A_694 : vector<1x2000xi32> to vector<128x2000xi32>
      %eq3A_696 = vector.broadcast %min3A_652 : vector<128x1xi32> to vector<128x2000xi32>
      %eq3A_697 = arith.cmpi eq, %eq3A_695, %eq3A_696 : vector<128x2000xi32>
      %and3A_698 = arith.andi %eq3A_690, %eq3A_697 : vector<128x2000xi1>
      %jit3A_699 = arith.constant 1.000000e+00 : f32
      %jit3A_700 = arith.constant 0.000000e+00 : f32
      %broadcast_in_dim3A_701 = vector.broadcast %jit3A_699 : f32 to vector<128x2000xf32>
      %broadcast_in_dim3A_702 = vector.broadcast %jit3A_700 : f32 to vector<128x2000xf32>
      %select_n3A_703 = arith.select %and3A_698, %broadcast_in_dim3A_701, %broadcast_in_dim3A_702 : vector<128x2000xi1>, vector<128x2000xf32>
      %reduce_max3A_704 = arith.constant dense<0xFF800000> : vector<2000xf32>
      %reduce_max3A_705 = vector.multi_reduction <maximumf>, %select_n3A_703, %reduce_max3A_704 [0] : vector<128x2000xf32> to vector<2000xf32>
      %broadcast_in_dim3A_706 = vector.shape_cast %reduce_max3A_705 : vector<2000xf32> to vector<1x2000xf32>
      %swap3A_707 = arith.constant 1 : index
      %swap3A_708 = arith.constant 0 : index
      %swap3A_709 = arith.constant 0 : index
      %swap3A_710 = vector.load %arg12[%swap3A_707, %swap3A_708, %swap3A_709] : memref<5x1x2000xf32, #tpu.memory_space<vmem>>, vector<1x1x2000xf32>
      %swap3A_711 = vector.shape_cast %swap3A_710 : vector<1x1x2000xf32> to vector<1x2000xf32>
      %swap3A_712 = vector.shape_cast %broadcast_in_dim3A_706 : vector<1x2000xf32> to vector<1x1x2000xf32>
      tpu.vector_store %arg12[%swap3A_707, %swap3A_708, %swap3A_709], %swap3A_712 {strides = array<i32>} : memref<5x1x2000xf32, #tpu.memory_space<vmem>>, vector<1x1x2000xf32>,
      %get3A_713 = arith.constant 2 : index
      %get3A_714 = arith.constant 0 : index
      %get3A_715 = arith.constant 0 : index
      %get3A_716 = vector.load %arg2[%get3A_713, %get3A_714, %get3A_715] : memref<5x1x2000xi32, #tpu.memory_space<vmem>>, vector<1x1x2000xi32>
      %get3A_717 = vector.shape_cast %get3A_716 : vector<1x1x2000xi32> to vector<1x2000xi32>
      %iota3A_718 = tpu.iota {dimensions = array<i32: 0>} : vector<128x2000xi32>
      %eq3A_719 = vector.broadcast %get3A_717 : vector<1x2000xi32> to vector<128x2000xi32>
      %eq3A_720 = arith.cmpi eq, %eq3A_719, %iota3A_718 : vector<128x2000xi32>
      %iota3A_721 = tpu.iota {dimensions = array<i32: 1>} : vector<1x2000xi32>
      %add3A_722 = arith.constant 4000 : i32
      %add3A_723 = vector.broadcast %add3A_722 : i32 to vector<1x2000xi32>
      %add3A_724 = arith.addi %add3A_723, %iota3A_721 : vector<1x2000xi32>
      %eq3A_725 = vector.broadcast %add3A_724 : vector<1x2000xi32> to vector<128x2000xi32>
      %eq3A_726 = vector.broadcast %min3A_652 : vector<128x1xi32> to vector<128x2000xi32>
      %eq3A_727 = arith.cmpi eq, %eq3A_725, %eq3A_726 : vector<128x2000xi32>
      %and3A_728 = arith.andi %eq3A_720, %eq3A_727 : vector<128x2000xi1>
      %jit3A_729 = arith.constant 1.000000e+00 : f32
      %jit3A_730 = arith.constant 0.000000e+00 : f32
      %broadcast_in_dim3A_731 = vector.broadcast %jit3A_729 : f32 to vector<128x2000xf32>
      %broadcast_in_dim3A_732 = vector.broadcast %jit3A_730 : f32 to vector<128x2000xf32>
      %select_n3A_733 = arith.select %and3A_728, %broadcast_in_dim3A_731, %broadcast_in_dim3A_732 : vector<128x2000xi1>, vector<128x2000xf32>
      %reduce_max3A_734 = arith.constant dense<0xFF800000> : vector<2000xf32>
      %reduce_max3A_735 = vector.multi_reduction <maximumf>, %select_n3A_733, %reduce_max3A_734 [0] : vector<128x2000xf32> to vector<2000xf32>
      %broadcast_in_dim3A_736 = vector.shape_cast %reduce_max3A_735 : vector<2000xf32> to vector<1x2000xf32>
      %swap3A_737 = arith.constant 2 : index
      %swap3A_738 = arith.constant 0 : index
      %swap3A_739 = arith.constant 0 : index
      %swap3A_740 = vector.load %arg12[%swap3A_737, %swap3A_738, %swap3A_739] : memref<5x1x2000xf32, #tpu.memory_space<vmem>>, vector<1x1x2000xf32>
      %swap3A_741 = vector.shape_cast %swap3A_740 : vector<1x1x2000xf32> to vector<1x2000xf32>
      %swap3A_742 = vector.shape_cast %broadcast_in_dim3A_736 : vector<1x2000xf32> to vector<1x1x2000xf32>
      tpu.vector_store %arg12[%swap3A_737, %swap3A_738, %swap3A_739], %swap3A_742 {strides = array<i32>} : memref<5x1x2000xf32, #tpu.memory_space<vmem>>, vector<1x1x2000xf32>,
      %get3A_743 = arith.constant 3 : index
      %get3A_744 = arith.constant 0 : index
      %get3A_745 = arith.constant 0 : index
      %get3A_746 = vector.load %arg2[%get3A_743, %get3A_744, %get3A_745] : memref<5x1x2000xi32, #tpu.memory_space<vmem>>, vector<1x1x2000xi32>
      %get3A_747 = vector.shape_cast %get3A_746 : vector<1x1x2000xi32> to vector<1x2000xi32>
      %iota3A_748 = tpu.iota {dimensions = array<i32: 0>} : vector<128x2000xi32>
      %eq3A_749 = vector.broadcast %get3A_747 : vector<1x2000xi32> to vector<128x2000xi32>
      %eq3A_750 = arith.cmpi eq, %eq3A_749, %iota3A_748 : vector<128x2000xi32>
      %iota3A_751 = tpu.iota {dimensions = array<i32: 1>} : vector<1x2000xi32>
      %add3A_752 = arith.constant 6000 : i32
      %add3A_753 = vector.broadcast %add3A_752 : i32 to vector<1x2000xi32>
      %add3A_754 = arith.addi %add3A_753, %iota3A_751 : vector<1x2000xi32>
      %eq3A_755 = vector.broadcast %add3A_754 : vector<1x2000xi32> to vector<128x2000xi32>
      %eq3A_756 = vector.broadcast %min3A_652 : vector<128x1xi32> to vector<128x2000xi32>
      %eq3A_757 = arith.cmpi eq, %eq3A_755, %eq3A_756 : vector<128x2000xi32>
      %and3A_758 = arith.andi %eq3A_750, %eq3A_757 : vector<128x2000xi1>
      %jit3A_759 = arith.constant 1.000000e+00 : f32
      %jit3A_760 = arith.constant 0.000000e+00 : f32
      %broadcast_in_dim3A_761 = vector.broadcast %jit3A_759 : f32 to vector<128x2000xf32>
      %broadcast_in_dim3A_762 = vector.broadcast %jit3A_760 : f32 to vector<128x2000xf32>
      %select_n3A_763 = arith.select %and3A_758, %broadcast_in_dim3A_761, %broadcast_in_dim3A_762 : vector<128x2000xi1>, vector<128x2000xf32>
      %reduce_max3A_764 = arith.constant dense<0xFF800000> : vector<2000xf32>
      %reduce_max3A_765 = vector.multi_reduction <maximumf>, %select_n3A_763, %reduce_max3A_764 [0] : vector<128x2000xf32> to vector<2000xf32>
      %broadcast_in_dim3A_766 = vector.shape_cast %reduce_max3A_765 : vector<2000xf32> to vector<1x2000xf32>
      %swap3A_767 = arith.constant 3 : index
      %swap3A_768 = arith.constant 0 : index
      %swap3A_769 = arith.constant 0 : index
      %swap3A_770 = vector.load %arg12[%swap3A_767, %swap3A_768, %swap3A_769] : memref<5x1x2000xf32, #tpu.memory_space<vmem>>, vector<1x1x2000xf32>
      %swap3A_771 = vector.shape_cast %swap3A_770 : vector<1x1x2000xf32> to vector<1x2000xf32>
      %swap3A_772 = vector.shape_cast %broadcast_in_dim3A_766 : vector<1x2000xf32> to vector<1x1x2000xf32>
      tpu.vector_store %arg12[%swap3A_767, %swap3A_768, %swap3A_769], %swap3A_772 {strides = array<i32>} : memref<5x1x2000xf32, #tpu.memory_space<vmem>>, vector<1x1x2000xf32>,
      %get3A_773 = arith.constant 4 : index
      %get3A_774 = arith.constant 0 : index
      %get3A_775 = arith.constant 0 : index
      %get3A_776 = vector.load %arg2[%get3A_773, %get3A_774, %get3A_775] : memref<5x1x2000xi32, #tpu.memory_space<vmem>>, vector<1x1x2000xi32>
      %get3A_777 = vector.shape_cast %get3A_776 : vector<1x1x2000xi32> to vector<1x2000xi32>
      %iota3A_778 = tpu.iota {dimensions = array<i32: 0>} : vector<128x2000xi32>
      %eq3A_779 = vector.broadcast %get3A_777 : vector<1x2000xi32> to vector<128x2000xi32>
      %eq3A_780 = arith.cmpi eq, %eq3A_779, %iota3A_778 : vector<128x2000xi32>
      %iota3A_781 = tpu.iota {dimensions = array<i32: 1>} : vector<1x2000xi32>
      %add3A_782 = arith.constant 8000 : i32
      %add3A_783 = vector.broadcast %add3A_782 : i32 to vector<1x2000xi32>
      %add3A_784 = arith.addi %add3A_783, %iota3A_781 : vector<1x2000xi32>
      %eq3A_785 = vector.broadcast %add3A_784 : vector<1x2000xi32> to vector<128x2000xi32>
      %eq3A_786 = vector.broadcast %min3A_652 : vector<128x1xi32> to vector<128x2000xi32>
      %eq3A_787 = arith.cmpi eq, %eq3A_785, %eq3A_786 : vector<128x2000xi32>
      %and3A_788 = arith.andi %eq3A_780, %eq3A_787 : vector<128x2000xi1>
      %jit3A_789 = arith.constant 1.000000e+00 : f32
      %jit3A_790 = arith.constant 0.000000e+00 : f32
      %broadcast_in_dim3A_791 = vector.broadcast %jit3A_789 : f32 to vector<128x2000xf32>
      %broadcast_in_dim3A_792 = vector.broadcast %jit3A_790 : f32 to vector<128x2000xf32>
      %select_n3A_793 = arith.select %and3A_788, %broadcast_in_dim3A_791, %broadcast_in_dim3A_792 : vector<128x2000xi1>, vector<128x2000xf32>
      %reduce_max3A_794 = arith.constant dense<0xFF800000> : vector<2000xf32>
      %reduce_max3A_795 = vector.multi_reduction <maximumf>, %select_n3A_793, %reduce_max3A_794 [0] : vector<128x2000xf32> to vector<2000xf32>
      %broadcast_in_dim3A_796 = vector.shape_cast %reduce_max3A_795 : vector<2000xf32> to vector<1x2000xf32>
      %swap3A_797 = arith.constant 4 : index
      %swap3A_798 = arith.constant 0 : index
      %swap3A_799 = arith.constant 0 : index
      %swap3A_800 = vector.load %arg12[%swap3A_797, %swap3A_798, %swap3A_799] : memref<5x1x2000xf32, #tpu.memory_space<vmem>>, vector<1x1x2000xf32>
      %swap3A_801 = vector.shape_cast %swap3A_800 : vector<1x1x2000xf32> to vector<1x2000xf32>
      %swap3A_802 = vector.shape_cast %broadcast_in_dim3A_796 : vector<1x2000xf32> to vector<1x1x2000xf32>
      tpu.vector_store %arg12[%swap3A_797, %swap3A_798, %swap3A_799], %swap3A_802 {strides = array<i32>} : memref<5x1x2000xf32, #tpu.memory_space<vmem>>, vector<1x1x2000xf32>,
    } else {
    }
    return
  }
  func.func @transform_0(%arg0: i32) -> (i32, i32) {
    %c0_i32 = arith.constant 0 : i32
    %c0_i32_0 = arith.constant 0 : i32
    return %arg0, %c0_i32 : i32, i32
  }
  func.func @transform_1(%arg0: i32) -> (i32, i32, i32) {
    %c0_i32 = arith.constant 0 : i32
    %c0_i32_0 = arith.constant 0 : i32
    %c0_i32_1 = arith.constant 0 : i32
    %c0_i32_2 = arith.constant 0 : i32
    return %c0_i32, %c0_i32_0, %c0_i32_1 : i32, i32, i32
  }
  func.func @transform_2(%arg0: i32) -> (i32, i32) {
    %c0_i32 = arith.constant 0 : i32
    %c0_i32_0 = arith.constant 0 : i32
    %c0_i32_1 = arith.constant 0 : i32
    return %c0_i32, %c0_i32_0 : i32, i32
  }
  func.func @transform_3(%arg0: i32) -> (i32, i32) {
    %c0_i32 = arith.constant 0 : i32
    %c0_i32_0 = arith.constant 0 : i32
    %c0_i32_1 = arith.constant 0 : i32
    return %c0_i32, %c0_i32_0 : i32, i32
  }
  func.func @transform_4(%arg0: i32) -> (i32, i32) {
    %c0_i32 = arith.constant 0 : i32
    %c0_i32_0 = arith.constant 0 : i32
    %c0_i32_1 = arith.constant 0 : i32
    return %c0_i32, %c0_i32_0 : i32, i32
  }
  func.func @transform_5(%arg0: i32) -> (i32, i32) {
    %c0_i32 = arith.constant 0 : i32
    %c0_i32_0 = arith.constant 0 : i32
    %c0_i32_1 = arith.constant 0 : i32
    return %c0_i32, %c0_i32_0 : i32, i32
  }
  func.func @transform_6(%arg0: i32) -> (i32, i32) {
    %c0_i32 = arith.constant 0 : i32
    %c0_i32_0 = arith.constant 0 : i32
    %c0_i32_1 = arith.constant 0 : i32
    return %c0_i32, %c0_i32_0 : i32, i32
  }
  func.func @transform_7(%arg0: i32) -> (i32, i32) {
    %c0_i32 = arith.constant 0 : i32
    %c0_i32_0 = arith.constant 0 : i32
    %c0_i32_1 = arith.constant 0 : i32
    return %c0_i32, %c0_i32_0 : i32, i32
  }
  func.func @transform_8(%arg0: i32) -> (i32, i32) {
    %c0_i32 = arith.constant 0 : i32
    %c0_i32_0 = arith.constant 0 : i32
    %c0_i32_1 = arith.constant 0 : i32
    return %c0_i32, %c0_i32_0 : i32, i32
  }
  func.func @transform_9(%arg0: i32) -> (i32, i32, i32) {
    %c0_i32 = arith.constant 0 : i32
    %c0_i32_0 = arith.constant 0 : i32
    %c0_i32_1 = arith.constant 0 : i32
    %c0_i32_2 = arith.constant 0 : i32
    return %c0_i32, %c0_i32_0, %c0_i32_1 : i32, i32, i32
  }
  func.func @transform_10(%arg0: i32) -> (i32, i32, i32) {
    %c0_i32 = arith.constant 0 : i32
    %c0_i32_0 = arith.constant 0 : i32
    %c0_i32_1 = arith.constant 0 : i32
    %c0_i32_2 = arith.constant 0 : i32
    return %c0_i32, %c0_i32_0, %c0_i32_1 : i32, i32, i32
  }
  func.func @transform_11(%arg0: i32) -> (i32, i32, i32) {
    %c0_i32 = arith.constant 0 : i32
    %c0_i32_0 = arith.constant 0 : i32
    %c0_i32_1 = arith.constant 0 : i32
    %c0_i32_2 = arith.constant 0 : i32
    return %c0_i32, %c0_i32_0, %c0_i32_1 : i32, i32, i32
  }
}

</mosaic_0001>

<sc_bundles>
// kernel: kernel.4.cloned.1.call-start
scs
__scs_entry_jumppad:
0x0: {  	(pc) =	sbr.rel $0x88, $3  }
0x1: {  	(tag) =	ssettag $0x0;
	lr =	simm.s32 $0x1  }
0x2: {  	[smem:$0x3F97] =	sst lr;
	_ =	strace $0xD0000000  }
0x3: {  	_ = 	snop  }
0x4: {  	_ = 	snop  }
0x5: {  	_ = 	snop  }
0x6: {  	_ = 	snop  }
0x7: {  	_ = 	snop  }
__scs_overlays_trampoline_lowered:
0x8: {  	[smem:$0x3FA6] =	sst s0  }
0x9: {  	[smem:$0x3FA7] =	sst s1  }
0xa: {  	[smem:$0x3FA8] =	sst s2  }
0xb: {  	[smem:$0x3FA9] =	sst s3  }
0xc: {  	[smem:$0x3FAA] =	sst s4  }
0xd: {  	[smem:$0x3FAB] =	sst s5  }
0xe: {  	[smem:$0x3FAC] =	sst s6  }
0xf: {  	[smem:$0x3FAD] =	sst s7  }
0x10: {  	[smem:$0x3FAE] =	sst s8  }
0x11: {  	[smem:$0x3FAF] =	sst s9;
	s0 =	simm.s32 @!p0 $0x0  }
0x12: {  	s1 =	sld [smem:$0x3F95];
	s0 =	simm.s32 @p0 $0x1  }
0x13: {  	[smem:$0x3FB0] =	sst s0;
	s0 =	simm.s32 @!p1 $0x0  }
0x14: {  	s2 =	sld [smem:$0x3F94];
	s0 =	simm.s32 @p1 $0x1  }
0x15: {  	[smem:$0x3FB1] =	sst s0;
	s0 =	simm.s32 @!p2 $0x0  }
0x16: {  	s3 =	sld [smem:$0x3FDB];
	s0 =	simm.s32 @p2 $0x1  }
0x17: {  	s4 =	simm.s32 $0x1BF5;
	[smem:$0x3FB3] =	sst s0  }
0x18: {  	s0 =	sld [smem:$0x3F96];
	_ =	swait.ge [sflag:s4], $0x0  }
0x19: {  	s7 =	sld [smem:$0x3F97]  }
0x1a: {  	s8 =	sadd.s32 $0xFFFFE003, lr  }
0x1b: {  	s9 =	sadd.s32 $0xFFFFFEF7, lr;
	s5 =	simm.s32 $0xFFFFFFFF;
	p2 =	slt.u32 s8, $0xFFFFF086  }
0x1c: {  	p1 =	slt.u32 s9, $0xF7A;
	s5 =	simm.s32 @!p2 $0x0  }
0x1d: {  	s5 =	simm.s32 @p1 $0x1;
	p0 =	seq.s32 s7, s2  }
0x1e: {  	s7 =	smul.u32 @!p0 $0xF7A, s2;
	p2 =	seq.s32 @!p0 s5, $0x0  }
0x1f: {  	s9 =	smul.u32 $0xF7A, s1;
	s8 =	simm.s32 @!p0 $0x1BF5;
	p2 =	por !p2, p0  }
0x20: {  	[sflag:s8] =	ssyncset.s32 @!p0 $0xFFFFF086;
	s6 =	sadd.s32 @!p0 s3, s7;
	s7 =	simm.s32 @!p0 $0x108  }
0x21: {  	s3 =	sadd.s32 s3, s9;
	s6 =	sadd.s32 @!p0 $0x88, s6;
	s7 =	simm.s32 @p2 $0x1082  }
0x22: {  	[simem:s7], [sflag:s8] =	dma.local @!p0 [hbm:s6], $0xF7A  }
0x23: {  	s9 =	sor.u32 $0xD0000000, s2;
	s6 =	simm.s32 $0x108;
	_ =	swait.ge @!p0 [sflag:s8], $0x0  }
0x24: {  	s3 =	sadd.s32 $0x88, s3;
	s6 =	simm.s32 @!p1 $0x1082;
	[sflag:s4] =	ssyncset.s32 $0xFFFFF086  }
0x25: {  	[simem:s6], [sflag:s4] =	dma.local [hbm:s3], $0xF7A  }
0x26: {  	[smem:$0x3F97] =	sst s1;
	(tag) =	ssettag s2;
	_ =	strace s9  }
0x27: {  	s1 =	sld [smem:$0x3FA7]  }
0x28: {  	s2 =	sld [smem:$0x3FA8]  }
0x29: {  	s4 =	sld [smem:$0x3FAA]  }
0x2a: {  	p0 =	seq.s32 s5, $0x0;
	s5 =	sld [smem:$0x3FAB]  }
0x2b: {  	s6 =	sld [smem:$0x3FAC]  }
0x2c: {  	s7 =	sld [smem:$0x3FAD]  }
0x2d: {  	s3 =	simm.s32 $0x108;
	s8 =	sld [smem:$0x3FAE]  }
0x2e: {  	s3 =	simm.s32 @!p0 $0x1082;
	s9 =	sld [smem:$0x3FAF]  }
0x2f: {  	lr =	sadd.s32 s0, s3;
	s0 =	sld [smem:$0x3FA6]  }
0x30: {  	s3 =	sld [smem:$0x3FA9]  }
0x31: {  	[smem:$0x3FB2] =	sst s10  }
0x32: {  	s10 =	sld [smem:$0x3FB0];
	_ =	sdelay $0x3  }
0x33: {  	p0 =	seq.s32 s10, $0x1;
	s10 =	sld [smem:$0x3FB2];
	_ =	sdelay $0x3  }
0x34: {  	[smem:$0x3FB2] =	sst s10  }
0x35: {  	s10 =	sld [smem:$0x3FB1];
	_ =	sdelay $0x3  }
0x36: {  	p1 =	seq.s32 s10, $0x1;
	s10 =	sld [smem:$0x3FB2];
	_ =	sdelay $0x3  }
0x37: {  	[smem:$0x3FB2] =	sst s10  }
0x38: {  	s10 =	sld [smem:$0x3FB3]  }
0x39: {  	_ = 	snop;
	(pc) =	sbr.ind lr, $3  }
0x3a: {  	_ = 	snop  }
0x3b: {  	_ = 	snop  }
0x3c: {  	p2 =	seq.s32 s10, $0x1;
	s10 =	sld [smem:$0x3FB2]  }
0x3d: {  	_ =	shalt  }
0x3e: {  	_ =	shalt  }
0x3f: {  	_ =	shalt  }
0x40: {  	_ =	shalt  }
0x41: {  	_ =	shalt  }
0x42: {  	_ =	shalt  }
0x43: {  	_ =	shalt  }
0x44: {  	_ =	shalt  }
0x45: {  	_ =	shalt  }
0x46: {  	_ =	shalt  }
0x47: {  	_ =	shalt  }
0x48: {  	_ =	shalt  }
0x49: {  	_ =	shalt  }
0x4a: {  	_ =	shalt  }
0x4b: {  	_ =	shalt  }
0x4c: {  	_ =	shalt  }
0x4d: {  	_ =	shalt  }
0x4e: {  	_ =	shalt  }
0x4f: {  	_ =	shalt  }
0x50: {  	_ =	shalt  }
0x51: {  	_ =	shalt  }
0x52: {  	_ =	shalt  }
0x53: {  	_ =	shalt  }
0x54: {  	_ =	shalt  }
0x55: {  	_ =	shalt  }
0x56: {  	_ =	shalt  }
0x57: {  	_ =	shalt  }
0x58: {  	_ =	shalt  }
0x59: {  	_ =	shalt  }
0x5a: {  	_ =	shalt  }
0x5b: {  	_ =	shalt  }
0x5c: {  	_ =	shalt  }
0x5d: {  	_ =	shalt  }
0x5e: {  	_ =	shalt  }
0x5f: {  	_ =	shalt  }
0x60: {  	_ =	shalt  }
0x61: {  	_ =	shalt  }
0x62: {  	_ =	shalt  }
0x63: {  	_ =	shalt  }
0x64: {  	_ =	shalt  }
0x65: {  	_ =	shalt  }
0x66: {  	_ =	shalt  }
0x67: {  	_ =	shalt  }
0x68: {  	_ =	shalt  }
0x69: {  	_ =	shalt  }
0x6a: {  	_ =	shalt  }
0x6b: {  	_ =	shalt  }
0x6c: {  	_ =	shalt  }
0x6d: {  	_ =	shalt  }
0x6e: {  	_ =	shalt  }
0x6f: {  	_ =	shalt  }
0x70: {  	_ =	shalt  }
0x71: {  	_ =	shalt  }
0x72: {  	_ =	shalt  }
0x73: {  	_ =	shalt  }
0x74: {  	_ =	shalt  }
0x75: {  	_ =	shalt  }
0x76: {  	_ =	shalt  }
0x77: {  	_ =	shalt  }
0x78: {  	_ =	shalt  }
0x79: {  	_ =	shalt  }
0x7a: {  	_ =	shalt  }
0x7b: {  	_ =	shalt  }
0x7c: {  	_ =	shalt  }
0x7d: {  	_ =	shalt  }
0x7e: {  	_ =	shalt  }
0x7f: {  	_ =	shalt  }
0x80: {  	_ =	shalt  }
0x81: {  	_ =	shalt  }
0x82: {  	_ =	shalt  }
0x83: {  	_ =	shalt  }
0x84: {  	_ =	shalt  }
0x85: {  	_ =	shalt  }
0x86: {  	_ =	shalt  }
0x87: {  	_ =	shalt  }
.Lfunc_end0:
.L_simem_size_0:
called_computation_lowered:
.L_overlay_start_0:
0x88: {  	s2 =	sld [smem:$0x3FD9]  }
0x89: {  	s3 =	sld [smem:$0x3FFE];
	_ =	sdelay $0x1  }
0x8a: {  	s1 =	srdreg.scid  }
0x8b: {  	s0 =	sand.u32 $0x1, s1  }
0x8c: {  	s14 =	sshll.u32 s0, $0xA;
	s2 =	sadd.s32 s3, s2  }
0x8d: {  	s2 =	sadd.s32 s2, s14  }
0x8e: {  	[smem:$0x3FBE] =	sst s2  }
0x8f: {  	_ = 	snop  }
0x90: {  	s2 =	sld [smem:$0x3FD0];
	_ =	sdelay $0x2  }
0x91: {  	s15 =	simm.s32 $0xA;
	s4 =	simm.s32 $0x10  }
0x92: {  	[smem:s4], [sflag:s15] =	dma.local [hbm:s2], $0x1  }
0x93: {  	_ =	swait.eq [sflag:s15], $0x1  }
0x94: {  	[sflag:s15] =	ssyncset.done $0x0  }
0x95: {  	s16 =	sld [smem:$0x10];
	[sflag:s15] =	ssyncadd.s32 $0xFFFFFFFF  }
0x96: {  	s17 =	sld [smem:$0x12];
	(tm) =	ssettm $0x1  }
0x97: {  	s18 =	sld [smem:$0x3FFB];
	_ =	sdelay $0x3  }
0x98: {  	_ =	strace s18  }
0x99: {  	s4 =	sld [smem:$0x3FFC];
	_ =	sdelay $0x3  }
0x9a: {  	_ =	strace s4  }
0x9b: {  	s4 =	sld [smem:$0x3FFD];
	_ =	sdelay $0x3  }
0x9c: {  	_ =	strace s4  }
0x9d: {  	_ =	strace $0x8FFFFFFF  }
0x9e: {  	s19 =	sld [smem:$0x3FDB];
	_ =	sdelay $0x1  }
0x9f: {  	s5 =	simm.s32 $_scs_section_size  }
0xa0: {  	s6 =	simm.s32 $_size__tile_overlayer_lowered;
	s7 =	simm.s32 $_tile_overlayer_lowered  }
0xa1: {  	s22 =	simm.s32 $0x1BFF;
	s21 =	sshll.u32 s7, $0x1;
	s4 =	sadd.s32 s5, s19  }
0xa2: {  	s8 =	simm.s32 $0x0;
	s20 =	sshll.u32 s6, $0x1;
	s6 =	sadd.s32 s21, s4  }
0xa3: {  	[timem:s8], [sflag:s22] =	dma.local [hbm:s6], s20  }
0xa4: {  	_ =	swait.ge [sflag:s22], s20  }
0xa5: {  	s5 =	ssub.s32 $0x0, s20;
	[sflag:s22] =	ssyncset.done $0x0  }
0xa6: {  	[sflag:s22] =	ssyncadd.s32 s5;
	_ =	sdelay $0x1  }
0xa7: {  	s23 =	simm.s32 $0x1B8B  }
0xa8: {  	_ =	swait.ge [sflag:s23], $0x1  }
0xa9: {  	[sflag:s23] =	ssyncset.done $0x0  }
0xaa: {  	s25 =	simm.s32 $0x1B8E;
	s24 =	sld [smem:$0x3FFE];
	[sflag:s23] =	ssyncadd.s32 $0xFFFFFFFF  }
0xab: {  	s26 =	simm.s32 $execute0_lowered;
	[smem:$0x3FD2] =	sst s25  }
0xac: {  	s6 =	sshll.u32 s26, $0x1;
	_ =	strace $0x80000046;
	[dreg:$0x1] =	wrdreg $0xFFFFFFFF  }
0xad: {  	s28 =	simm.s32 $_size_execute0_lowered;
	s4 =	sadd.s32 s4, s6;
	[dreg:$0x0] =	wrdreg $0x0  }
0xae: {  	s6 =	sshll.u32 s28, $0x1;
	[dreg:$0x2] =	wrdreg s4  }
0xaf: {  	[dreg:$0x3] =	wrdreg s6  }
0xb0: {  	[dreg:$0x4] =	wrdreg $0xC0  }
0xb1: {  	_ =	task [dreg:s8], $0x5FFFF  }
0xb2: {  	[dreg:$0x1] =	wrdreg $0xFFFFFFFF  }
0xb3: {  	[dreg:$0x0] =	wrdreg $0x60  }
0xb4: {  	[dreg:$0x2] =	wrdreg s24  }
0xb5: {  	[dreg:$0x3] =	wrdreg s17  }
0xb6: {  	[dreg:$0x4] =	wrdreg s16  }
0xb7: {  	[dreg:$0x5] =	wrdreg $0x1B3800  }
0xb8: {  	[dreg:$0x6] =	wrdreg $0x1DB800  }
0xb9: {  	[dreg:$0x7] =	wrdreg $0x9  }
0xba: {  	_ =	task.clear_ibuf [dreg:s8], $0x8FFFF;
	_ =	strace $0x90000046  }
0xbb: {  	s29 =	simm.s32 $0x9;
	_ =	strace $0x80000048  }
0xbc: {  	_ =	swait.ge [sflag:s29], $0x1  }
0xbd: {  	[sflag:s29] =	ssyncadd.s32 $0xFFFFFFFF  }
0xbe: {  	_ =	strace $0x90000048  }
0xbf: {  	_ =	sfence  }
0xc0: {  	s30 =	sld [smem:$0x0];
	_ =	sdelay $0x2  }
0xc1: {  	s31 =	sshll.u32 s1, $0xD;
	s1 =	sshrl.u32 s1, $0x2  }
0xc2: {  	s3 =	sand.u32 $0x4000, s31;
	s1 =	sadd.s32 s1, s30  }
0xc3: {  	s0 =	sor.u32 s3, s0;
	s1 =	sshll.u32 s1, $0x11  }
0xc4: {  	s0 =	sor.u32 s1, s0  }
0xc5: {  	s0 =	sadd.s32 $0x8F2B, s0  }
0xc6: {  	[sflag:s0] =	ssyncadd.remote.s32 $0x1  }
0xc7: {  	_ =	sfence.sel $0xFFFF  }
0xc8: {  	[dreg:$0x0] =	wrdreg $0xFFFFFFFF;
	(pc) =	sbr.abs _section_cstart, $3  }
0xc9: {  	[dreg:$0x1] =	wrdreg $0xFFFFFFFF  }
0xca: {  	_ =	task.clear_ibuf [dreg:s8], $0x2FFFF;
	_ =	strace $0x9FFFFFFF  }
0xcb: {  	(tm) =	ssettm $0x7FFFFFFF  }
tec
execute0_lowered:
.L_overlay_start_1:
0x0: {  	(tag) =	ssettag $0x1  }
0x1: {  	s0 =	rddreg [dreg:$0x0]  }
0x2: {  	s1 =	rddreg [dreg:$0x2]  }
0x3: {  	s2 =	rddreg [dreg:$0x3]  }
0x4: {  	s12 =	stileid.u32;
	s3 =	srdreg.scid  }
0x5: {  	s26 =	rddreg [dreg:$0x4];
	s5 =	smul.u32 $0x4E20, s12  }
0x6: {  	s4 =	simm.s32 $0x0;
	s3 =	sand.u32 $0x1, s3;
	s7 =	smul.u32 $0x280, s12  }
0x7: {  	[smem:$0x7FF] =	sst s4;
	s8 =	sadd.s32 $0x800, s0;
	s12 =	smul.u32 $0xA000, s12  }
0x8: {  	s13 =	smul.u32 $0x2710, s3;
	_ =	strace $0x80000047;
	[dreg:$0x7] =	wrdreg s8  }
0x9: {  	s9 =	ssub.s32 $0x2, s3;
	s22 =	sxor.u32 $0x1, s3;
	p0 =	sne.s32 s3, $0x0  }
0xa: {  	s8 =	simm.s32 $0x2;
	s6 =	sshrl.u32 s5, $0x3;
	s10 =	sshrl.u32 s7, $0x3  }
0xb: {  	s11 =	sshrl.u32 s9, $0x1;
	s20 =	sshrl.u32 s12, $0x2;
	s12 =	smul.u32 $0x9C40, s3  }
0xc: {  	s28 =	sadd.s32 s7, s26;
	s14 =	smul.u32 $0x9C40, s22;
	s5 =	sadd.s32 s13, s5  }
0xd: {  	s6 =	sadd.s32 s6, s0;
	s18 =	ssub.s32 s9, s11;
	s9 =	sadd.s32 s7, s2  }
0xe: {  	s2 =	sadd.s32 s20, s2;
	s11 =	smul.u32 $0x2710, s22;
	[dreg:$0x6] =	wrdreg s13  }
0xf: {  	s7 =	simm.s32 $0x11380;
	s19 =	sadd.s32 $0xE00, s6;
	[dreg:$0xa] =	wrdreg s2  }
0x10: {  	s5 =	sshrl.u32 s5, $0x3;
	s6 =	sadd.s32 $0xAA40, s6;
	[dreg:$0x8] =	wrdreg s19  }
0x11: {  	s21 =	sadd.s32 $0x2800, s9;
	s23 =	sadd.s32 $0x5000, s9;
	[dreg:$0x9] =	wrdreg s6  }
0x12: {  	s24 =	sadd.s32 $0x7800, s9;
	s25 =	sadd.s32 $0xA000, s9;
	[dreg:$0xb] =	wrdreg s21  }
0x13: {  	s29 =	sadd.s32 $0xC800, s9;
	s16 =	sshrl.u32 s12, $0x2;
	[dreg:$0xc] =	wrdreg s23  }
0x14: {  	s20 =	sadd.s32 $0x14000, s9;
	s30 =	sadd.s32 $0x16800, s9;
	[dreg:$0xd] =	wrdreg s24  }
0x15: {  	s31 =	sadd.s32 $0x19000, s9;
	s2 =	sadd.s32 $0x1B800, s9;
	[dreg:$0xf] =	wrdreg s25  }
0x16: {  	s3 =	sadd.s32 $0x23000, s9;
	s17 =	sadd.s32 s5, s0;
	[dreg:$0x10] =	wrdreg s29  }
0x17: {  	s0 =	sadd.s32 s10, s0;
	s1 =	sadd.s32 s1, s5;
	[dreg:$0x17] =	wrdreg s20  }
0x18: {  	s22 =	sadd.s32 $0x20, s16;
	s23 =	sadd.s32 $0x4EA0, s16;
	[dreg:$0xe] =	wrdreg s11  }
0x19: {  	s19 =	sadd.s32 $0x11800, s9;
	s6 =	sadd.s32 $0x25800, s9;
	[dreg:$0x11] =	wrdreg s1  }
0x1a: {  	s21 =	sadd.s32 $0x2700, s13;
	s29 =	sadd.s32 $0x2700, s11;
	[dreg:$0x16] =	wrdreg s19  }
0x1b: {  	s20 =	simm.s32 $0x16380;
	s5 =	simm.s32 $0x0;
	[dreg:$0x18] =	wrdreg s21  }
0x1c: {  	s15 =	sadd.s32 $0x14E00, s17;
	s0 =	sadd.s32 $0x14800, s0;
	[dreg:$0x19] =	wrdreg s29  }
0x1d: {  	s17 =	smax.u32 s18, $0x1;
	s1 =	sshrl.u32 s14, $0x2;
	[dreg:$0x12] =	wrdreg s15  }
0x1e: {  	s18 =	sadd.s32 $0xF000, s9;
	s19 =	simm.s32 $0x13B80;
	[dreg:$0x13] =	wrdreg s0  }
0x1f: {  	s21 =	simm.s32 $0x1;
	s14 =	simm.s32 $0x18B80;
	[dreg:$0x14] =	wrdreg s17  }
0x20: {  	s24 =	sadd.s32 $0x20, s1;
	s25 =	sadd.s32 $0x4EA0, s1;
	[dreg:$0x15] =	wrdreg s18  }
0x21: {  	v0 =	vimm.f32 $0.0e+00;
	v1 =	vimm.f32 $1.000000000e+00;
	s0 =	sadd.s32 $0x1E000, s9;
	s1 =	sadd.s32 $0x20800, s9;
	s18 =	simm.s32 $0xEB80  }
.LBB2_1:
0x22: {  	s10 =	rddreg [dreg:$0x8]  }
0x23: {  	[tilespmem:s4], [sflag:$0x1] =	stream.linear.gather [hbm4b:s10+s4], $0x4E20, $0x38;
	[tilespmem:$0x1DE00] =	vst v63  }
0x24: {  	s16 =	rddreg [dreg:$0x9];
	s11 =	simm.s32 $0x4E80  }
0x25: {  	[tilespmem:s11], [sflag:$0x1] =	stream.linear.gather [hbm4b:s16+s4], $0x4E20, $0x38;
	[tilespmem:$0x1DE00] =	vst v63  }
0x26: {  	s17 =	rddreg [dreg:$0x1]  }
0x27: {  	[tilespmem:s18], [sflag:$0x1] =	stream.linear.gather [hbm4b:s17+s4], $0x2710, $0x38;
	[tilespmem:$0x1DE00] =	vst v63  }
0x28: {  	_ = 	snop  }
0x29: {  	[tilespmem:s19], [sflag:$0x1] =	stream.linear.gather [hbm4b:s17+s4], $0x2710, $0x38;
	[tilespmem:$0x1DE00] =	vst v63  }
0x2a: {  	s29 =	rddreg [dreg:$0x7];
	s11 =	simm.s32 $0x113C0  }
0x2b: {  	[tilespmem:s20], [sflag:$0x1] =	stream.linear.gather [hbm4b:s29+s4], $0x2710, $0x38;
	[tilespmem:$0x1DE00] =	vst v63  }
0x2c: {  	[tilespmem:s11+$0x30] =	vst v0  }
0x2d: {  	[tilespmem:s11+$0xFFFFFFF0] =	vst v0  }
0x2e: {  	[tilespmem:s11+$0xFFFFFFC0] =	vst v0  }
0x2f: {  	[tilespmem:s11+$0xFFFFFFE0] =	vst v0  }
0x30: {  	[tilespmem:s11+$0x10] =	vst v0  }
0x31: {  	[tilespmem:s11+$0x20] =	vst v0  }
0x32: {  	[tilespmem:s11+$0x0] =	vst v0  }
0x33: {  	s13 =	simm.s32 $0x18BC0;
	[tilespmem:s11+$0xFFFFFFD0] =	vst v0  }
0x34: {  	[tilespmem:s13+$0xFFFFFFC0] =	vst v0  }
0x35: {  	[tilespmem:s13+$0x30] =	vst v0  }
0x36: {  	[tilespmem:s13+$0x20] =	vst v0  }
0x37: {  	[tilespmem:s13+$0x10] =	vst v0  }
0x38: {  	[tilespmem:s13+$0xFFFFFFE0] =	vst v0  }
0x39: {  	[tilespmem:s13+$0x0] =	vst v0  }
0x3a: {  	s15 =	simm.s32 $0x0;
	s12 =	simm.s32 $0x11290;
	s10 =	simm.s32 $0x16290;
	[tilespmem:s13+$0xFFFFFFF0] =	vst v0  }
.LBB2_2:
0x3b: {  	s15 =	sadd.s32 $0x80, s15;
	[tilespmem:s13+$0xFFFFFFD0] =	vst v0;
	s11 =	sadd.s32 $0x80, s11;
	s13 =	sadd.s32 $0x80, s13  }
0x3c: {  	[tilespmem:s11+$0x30] =	vst v0;
	p1 =	slt.u32 s15, $0x2780  }
0x3d: {  	[tilespmem:s11+$0xFFFFFFF0] =	vst v0  }
0x3e: {  	[tilespmem:s11+$0xFFFFFFC0] =	vst v0  }
0x3f: {  	[tilespmem:s13+$0xFFFFFFC0] =	vst v0  }
0x40: {  	[tilespmem:s13+$0x30] =	vst v0  }
0x41: {  	[tilespmem:s11+$0xFFFFFFE0] =	vst v0  }
0x42: {  	[tilespmem:s11+$0x10] =	vst v0  }
0x43: {  	[tilespmem:s11+$0x20] =	vst v0  }
0x44: {  	[tilespmem:s13+$0x20] =	vst v0  }
0x45: {  	[tilespmem:s13+$0x10] =	vst v0  }
.Ltmp0:
0x46: {  	[tilespmem:s13+$0xFFFFFFE0] =	vst v0;
	(pc) =	sbr.rel @p1 .LBB2_2-.Ltmp0, $4  }
0x47: {  	[tilespmem:s11+$0x0] =	vst v0  }
0x48: {  	[tilespmem:s13+$0x0] =	vst v0  }
0x49: {  	[tilespmem:s13+$0xFFFFFFF0] =	vst v0  }
0x4a: {  	[tilespmem:s11+$0xFFFFFFD0] =	vst v0  }
0x4b: {  	[tilespmem:s13+$0xFFFFFFD0] =	vst v0  }
0x4c: {  	s11 =	simm.s32 $0x2710;
	[tilespmem:s12+$0x0] =	vst v0  }
.LBB2_4:
0x4d: {  	s11 =	sadd.s32 $0x10, s11  }
0x4e: {  	[tilespmem:s10+$0x0] =	vst v0;
	s10 =	sadd.s32 $0x10, s10;
	s12 =	sadd.s32 $0x10, s12;
	p1 =	slt.u32 s11, $0x27F0  }
.Ltmp1:
0x4f: {  	(pc) =	sbr.rel @p1 .LBB2_4-.Ltmp1, $2  }
0x50: {  	_ =	sdelay $0x2  }
0x51: {  	[tilespmem:s12+$0x0] =	vst v0  }
0x52: {  	[tilespmem:s10+$0x0] =	vst v0  }
0x53: {  	_ =	swait.ge [sflag:s21], $0x4E20  }
0x54: {  	[sflag:s21] =	ssyncset.done $0x0  }
0x55: {  	[sflag:s21] =	ssyncadd.s32 $0xFFFFB1E0  }
0x56: {  	_ =	swait.ge [sflag:s21], $0x4E20  }
0x57: {  	[sflag:s21] =	ssyncset.done $0x0  }
0x58: {  	[sflag:s21] =	ssyncadd.s32 $0xFFFFB1E0  }
0x59: {  	_ =	swait.ge [sflag:s21], $0x2710  }
0x5a: {  	[sflag:s21] =	ssyncset.done $0x0  }
0x5b: {  	[sflag:s21] =	ssyncadd.s32 $0xFFFFD8F0  }
0x5c: {  	_ =	swait.ge [sflag:s21], $0x2710  }
0x5d: {  	[sflag:s21] =	ssyncset.done $0x0  }
0x5e: {  	[sflag:s21] =	ssyncadd.s32 $0xFFFFD8F0  }
0x5f: {  	_ =	swait.ge [sflag:s21], $0x2710  }
0x60: {  	[sflag:s21] =	ssyncset.done $0x0  }
0x61: {  	s29 =	simm.s32 $0x4EC0;
	[sflag:s21] =	ssyncadd.s32 $0xFFFFD8F0  }
0x62: {  	v2 =	vld [tilespmem:s29+$0x30]  }
0x63: {  	v3 =	vld [tilespmem:s29+$0xFFFFFFD0]  }
0x64: {  	v4 =	vld [tilespmem:s29+$0xFFFFFFE0]  }
0x65: {  	v5 =	vld [tilespmem:s29+$0xFFFFFFF0]  }
0x66: {  	v6 =	vld [tilespmem:s29+$0x0]  }
0x67: {  	v7 =	vld [tilespmem:s29+$0x10]  }
0x68: {  	v8 =	vld [tilespmem:s29+$0x20]  }
0x69: {  	s11 =	simm.s32 $0x40;
	v9 =	vld [tilespmem:s29+$0xFFFFFFC0]  }
0x6a: {  	v13 =	vld [tilespmem:s11+$0x30]  }
0x6b: {  	v2 =	vld.idx.msk [tilespmem:v2+s18+$0x0], $0xffff  }
0x6c: {  	v10 =	vld.idx.msk [tilespmem:v3+s18+$0x0], $0xffff  }
0x6d: {  	v11 =	vld.idx.msk [tilespmem:v4+s18+$0x0], $0xffff  }
0x6e: {  	v12 =	vld.idx.msk [tilespmem:v5+s18+$0x0], $0xffff  }
0x6f: {  	v14 =	vld.idx.msk [tilespmem:v6+s18+$0x0], $0xffff  }
0x70: {  	v15 =	vld.idx.msk [tilespmem:v7+s18+$0x0], $0xffff  }
0x71: {  	v9 =	vld.idx.msk [tilespmem:v9+s18+$0x0], $0xffff  }
0x72: {  	v8 =	vld.idx.msk [tilespmem:v8+s18+$0x0], $0xffff  }
0x73: {  	v6 =	vld [tilespmem:s11+$0xFFFFFFD0];
	vm4 =	vgt.f32 v2, $0.0e+00  }
0x74: {  	v3 =	vld [tilespmem:s11+$0xFFFFFFE0]  }
0x75: {  	v2 =	vld [tilespmem:s11+$0xFFFFFFC0]  }
0x76: {  	v4 =	vld [tilespmem:s11+$0xFFFFFFF0];
	vm2 =	vgt.f32 v10, $0.0e+00  }
0x77: {  	v5 =	vld [tilespmem:s11+$0x0];
	vm6 =	vgt.f32 v9, $0.0e+00  }
0x78: {  	s13 =	simm.s32 $0x0;
	s10 =	simm.s32 $0x4DF0;
	v7 =	vld [tilespmem:s11+$0x10];
	vm0 =	vgt.f32 v11, $0.0e+00;
	vm1 =	vgt.f32 v12, $0.0e+00  }
0x79: {  	s12 =	simm.s32 $0x4E00;
	s17 =	simm.s32 $0x9C80;
	s15 =	simm.s32 $0x4F40;
	vm3 =	vgt.f32 v14, $0.0e+00;
	vm5 =	vgt.f32 v8, $0.0e+00;
	v8 =	vld [tilespmem:s11+$0x20];
	[tilespmem:v13+s7+$0x0] =	vst.idx.msk vm4, v1;
	vm4 =	vgt.f32 v15, $0.0e+00  }
.LBB2_6:
0x7a: {  	v9 =	vld [tilespmem:s15+$0x30];
	s13 =	sadd.s32 $0x80, s13  }
0x7b: {  	v10 =	vld [tilespmem:s15+$0xFFFFFFD0];
	p1 =	slt.u32 s13, $0x4D80  }
0x7c: {  	v11 =	vld [tilespmem:s15+$0xFFFFFFE0];
	[tilespmem:v6+s7+$0x0] =	vst.idx.msk vm2, v1  }
0x7d: {  	v6 =	vld [tilespmem:s15+$0xFFFFFFF0];
	[tilespmem:v2+s7+$0x0] =	vst.idx.msk vm6, v1  }
0x7e: {  	v2 =	vld [tilespmem:s15+$0x0];
	[tilespmem:v3+s7+$0x0] =	vst.idx.msk vm0, v1  }
0x7f: {  	v3 =	vld [tilespmem:s15+$0x10];
	[tilespmem:v4+s7+$0x0] =	vst.idx.msk vm1, v1  }
0x80: {  	v4 =	vld [tilespmem:s15+$0x20];
	[tilespmem:v5+s7+$0x0] =	vst.idx.msk vm3, v1  }
0x81: {  	v5 =	vld [tilespmem:s15+$0xFFFFFFC0];
	[tilespmem:v7+s7+$0x0] =	vst.idx.msk vm4, v1  }
0x82: {  	v7 =	vld.idx.msk [tilespmem:v9+s18+$0x0], $0xffff;
	[tilespmem:v8+s7+$0x0] =	vst.idx.msk vm5, v1  }
0x83: {  	v8 =	vld.idx.msk [tilespmem:v10+s18+$0x0], $0xffff  }
0x84: {  	v9 =	vld.idx.msk [tilespmem:v11+s18+$0x0], $0xffff  }
0x85: {  	s11 =	sadd.s32 $0x80, s11;
	v6 =	vld.idx.msk [tilespmem:v6+s18+$0x0], $0xffff  }
0x86: {  	v10 =	vld [tilespmem:s11+$0x30]  }
0x87: {  	v11 =	vld.idx.msk [tilespmem:v2+s18+$0x0], $0xffff  }
0x88: {  	vm5 =	vgt.f32 v7, $0.0e+00;
	v12 =	vld.idx.msk [tilespmem:v3+s18+$0x0], $0xffff  }
0x89: {  	vm2 =	vgt.f32 v8, $0.0e+00;
	v5 =	vld.idx.msk [tilespmem:v5+s18+$0x0], $0xffff  }
0x8a: {  	vm0 =	vgt.f32 v9, $0.0e+00;
	v8 =	vld.idx.msk [tilespmem:v4+s18+$0x0], $0xffff  }
0x8b: {  	vm1 =	vgt.f32 v6, $0.0e+00;
	v2 =	vld [tilespmem:s11+$0xFFFFFFC0]  }
0x8c: {  	v6 =	vld [tilespmem:s11+$0xFFFFFFD0]  }
.Ltmp2:
0x8d: {  	vm3 =	vgt.f32 v11, $0.0e+00;
	v3 =	vld [tilespmem:s11+$0xFFFFFFE0];
	(pc) =	sbr.rel @p1 .LBB2_6-.Ltmp2, $4  }
0x8e: {  	vm4 =	vgt.f32 v12, $0.0e+00;
	v4 =	vld [tilespmem:s11+$0xFFFFFFF0];
	[tilespmem:v10+s7+$0x0] =	vst.idx.msk vm5, v1  }
0x8f: {  	vm6 =	vgt.f32 v5, $0.0e+00;
	v5 =	vld [tilespmem:s11+$0x0]  }
0x90: {  	vm5 =	vgt.f32 v8, $0.0e+00;
	v7 =	vld [tilespmem:s11+$0x10]  }
0x91: {  	s15 =	sadd.s32 $0x80, s15;
	v8 =	vld [tilespmem:s11+$0x20]  }
0x92: {  	_ =	sdelay $0x4  }
0x93: {  	[tilespmem:v6+s7+$0x0] =	vst.idx.msk vm2, v1  }
0x94: {  	[tilespmem:v2+s7+$0x0] =	vst.idx.msk vm6, v1  }
0x95: {  	[tilespmem:v3+s7+$0x0] =	vst.idx.msk vm0, v1  }
0x96: {  	[tilespmem:v4+s7+$0x0] =	vst.idx.msk vm1, v1  }
0x97: {  	[tilespmem:v5+s7+$0x0] =	vst.idx.msk vm3, v1  }
0x98: {  	[tilespmem:v7+s7+$0x0] =	vst.idx.msk vm4, v1  }
0x99: {  	[tilespmem:v8+s7+$0x0] =	vst.idx.msk vm5, v1  }
.LBB2_8:
0x9a: {  	v2 =	vld [tilespmem:s17+$0x0];
	_ =	sdelay $0x7  }
0x9b: {  	v2 =	vld.idx.msk [tilespmem:v2+s18+$0x0], $0xffff;
	_ =	sdelay $0x2  }
0x9c: {  	v3 =	vld [tilespmem:s12+$0x0];
	_ =	sdelay $0x1  }
0x9d: {  	s10 =	sadd.s32 $0x10, s10;
	vm0 =	vgt.f32 v2, $0.0e+00  }
0x9e: {  	p1 =	slt.u32 s10, $0x4E10  }
.Ltmp3:
0x9f: {  	_ = 	snop;
	(pc) =	sbr.rel @p1 .LBB2_8-.Ltmp3, $2  }
0xa0: {  	_ =	sdelay $0x2  }
0xa1: {  	s12 =	sadd.s32 $0x10, s12;
	s17 =	sadd.s32 $0x10, s17;
	[tilespmem:v3+s7+$0x0] =	vst.idx.msk vm0, v1  }
0xa2: {  	s10 =	rddreg [dreg:$0xa]  }
0xa3: {  	[spmem:s10] =	stream.linear.scatter [tilespmem:s7], [sflag:$0x2], $0x2800, $0x38;
	[tilespmem:$0x1DE00] =	vst v63  }
0xa4: {  	_ =	swait.ge [sflag:s8], $0x2800  }
0xa5: {  	[sflag:s8] =	ssyncset.done $0x0  }
0xa6: {  	[sflag:s8] =	ssyncadd.s32 $0xFFFFD800  }
0xa7: {  	s17 =	simm.s32 $0x9D00;
	[bflag:$0x0] =	sbarrier.arrive $0xFFFF  }
0xa8: {  	[tilespmem:s17], [sflag:$0x1] =	stream.linear.gather [spmem:s9], $0x280, $0x38;
	[tilespmem:$0x1DE00] =	vst v63  }
0xa9: {  	s11 =	simm.s32 $0x9F80;
	s12 =	rddreg [dreg:$0xb]  }
0xaa: {  	[tilespmem:s11], [sflag:$0x1] =	stream.linear.gather [spmem:s12], $0x280, $0x38;
	[tilespmem:$0x1DE00] =	vst v63  }
0xab: {  	s15 =	simm.s32 $0xA200;
	s13 =	rddreg [dreg:$0xc]  }
0xac: {  	[tilespmem:s15], [sflag:$0x1] =	stream.linear.gather [spmem:s13], $0x280, $0x38;
	[tilespmem:$0x1DE00] =	vst v63  }
0xad: {  	s29 =	simm.s32 $0xA480;
	s16 =	rddreg [dreg:$0xd]  }
0xae: {  	[tilespmem:s29], [sflag:$0x1] =	stream.linear.gather [spmem:s16], $0x280, $0x38;
	[tilespmem:$0x1DE00] =	vst v63  }
0xaf: {  	s11 =	rddreg [dreg:$0xf];
	s12 =	simm.s32 $0xA700  }
0xb0: {  	[tilespmem:s12], [sflag:$0x1] =	stream.linear.gather [spmem:s11], $0x280, $0x38;
	[tilespmem:$0x1DE00] =	vst v63  }
0xb1: {  	s13 =	rddreg [dreg:$0x10];
	s15 =	simm.s32 $0xA980  }
0xb2: {  	[tilespmem:s15], [sflag:$0x1] =	stream.linear.gather [spmem:s13], $0x280, $0x38;
	[tilespmem:$0x1DE00] =	vst v63  }
0xb3: {  	s16 =	rddreg [dreg:$0x15];
	s29 =	simm.s32 $0xAC00  }
0xb4: {  	[tilespmem:s29], [sflag:$0x1] =	stream.linear.gather [spmem:s16], $0x280, $0x38;
	[tilespmem:$0x1DE00] =	vst v63  }
0xb5: {  	s11 =	rddreg [dreg:$0x16];
	s12 =	simm.s32 $0xAE80  }
0xb6: {  	[tilespmem:s12], [sflag:$0x1] =	stream.linear.gather [spmem:s11], $0x280, $0x38;
	[tilespmem:$0x1DE00] =	vst v63  }
0xb7: {  	s13 =	rddreg [dreg:$0x17];
	s15 =	simm.s32 $0xB100  }
0xb8: {  	[tilespmem:s15], [sflag:$0x1] =	stream.linear.gather [spmem:s13], $0x280, $0x38;
	[tilespmem:$0x1DE00] =	vst v63  }
0xb9: {  	s16 =	simm.s32 $0xB380  }
0xba: {  	[tilespmem:s16], [sflag:$0x1] =	stream.linear.gather [spmem:s30], $0x280, $0x38;
	[tilespmem:$0x1DE00] =	vst v63  }
0xbb: {  	s29 =	simm.s32 $0xB600  }
0xbc: {  	[tilespmem:s29], [sflag:$0x1] =	stream.linear.gather [spmem:s31], $0x280, $0x38;
	[tilespmem:$0x1DE00] =	vst v63  }
0xbd: {  	s11 =	simm.s32 $0xB880  }
0xbe: {  	[tilespmem:s11], [sflag:$0x1] =	stream.linear.gather [spmem:s2], $0x280, $0x38;
	[tilespmem:$0x1DE00] =	vst v63  }
0xbf: {  	s12 =	simm.s32 $0xBB00  }
0xc0: {  	[tilespmem:s12], [sflag:$0x1] =	stream.linear.gather [spmem:s0], $0x280, $0x38;
	[tilespmem:$0x1DE00] =	vst v63  }
0xc1: {  	s13 =	simm.s32 $0xBD80  }
0xc2: {  	[tilespmem:s13], [sflag:$0x1] =	stream.linear.gather [spmem:s1], $0x280, $0x38;
	[tilespmem:$0x1DE00] =	vst v63  }
0xc3: {  	s15 =	simm.s32 $0xC000  }
0xc4: {  	[tilespmem:s15], [sflag:$0x1] =	stream.linear.gather [spmem:s3], $0x280, $0x38;
	[tilespmem:$0x1DE00] =	vst v63  }
0xc5: {  	s16 =	simm.s32 $0xC280  }
0xc6: {  	[tilespmem:s16], [sflag:$0x1] =	stream.linear.gather [spmem:s6], $0x280, $0x38;
	[tilespmem:$0x1DE00] =	vst v63  }
0xc7: {  	_ =	swait.ge [sflag:s21], $0x280  }
0xc8: {  	[sflag:s21] =	ssyncset.done $0x0  }
0xc9: {  	[sflag:s21] =	ssyncadd.s32 $0xFFFFFD80  }
0xca: {  	_ =	swait.ge [sflag:s21], $0x280  }
0xcb: {  	[sflag:s21] =	ssyncset.done $0x0  }
0xcc: {  	[sflag:s21] =	ssyncadd.s32 $0xFFFFFD80  }
0xcd: {  	_ =	swait.ge [sflag:s21], $0x280  }
0xce: {  	[sflag:s21] =	ssyncset.done $0x0  }
0xcf: {  	[sflag:s21] =	ssyncadd.s32 $0xFFFFFD80  }
0xd0: {  	_ =	swait.ge [sflag:s21], $0x280  }
0xd1: {  	[sflag:s21] =	ssyncset.done $0x0  }
0xd2: {  	[sflag:s21] =	ssyncadd.s32 $0xFFFFFD80  }
0xd3: {  	_ =	swait.ge [sflag:s21], $0x280  }
0xd4: {  	[sflag:s21] =	ssyncset.done $0x0  }
0xd5: {  	[sflag:s21] =	ssyncadd.s32 $0xFFFFFD80  }
0xd6: {  	_ =	swait.ge [sflag:s21], $0x280  }
0xd7: {  	[sflag:s21] =	ssyncset.done $0x0  }
0xd8: {  	[sflag:s21] =	ssyncadd.s32 $0xFFFFFD80  }
0xd9: {  	_ =	swait.ge [sflag:s21], $0x280  }
0xda: {  	[sflag:s21] =	ssyncset.done $0x0  }
0xdb: {  	[sflag:s21] =	ssyncadd.s32 $0xFFFFFD80  }
0xdc: {  	_ =	swait.ge [sflag:s21], $0x280  }
0xdd: {  	[sflag:s21] =	ssyncset.done $0x0  }
0xde: {  	[sflag:s21] =	ssyncadd.s32 $0xFFFFFD80  }
0xdf: {  	_ =	swait.ge [sflag:s21], $0x280  }
0xe0: {  	[sflag:s21] =	ssyncset.done $0x0  }
0xe1: {  	[sflag:s21] =	ssyncadd.s32 $0xFFFFFD80  }
0xe2: {  	_ =	swait.ge [sflag:s21], $0x280  }
0xe3: {  	[sflag:s21] =	ssyncset.done $0x0  }
0xe4: {  	[sflag:s21] =	ssyncadd.s32 $0xFFFFFD80  }
0xe5: {  	_ =	swait.ge [sflag:s21], $0x280  }
0xe6: {  	[sflag:s21] =	ssyncset.done $0x0  }
0xe7: {  	[sflag:s21] =	ssyncadd.s32 $0xFFFFFD80  }
0xe8: {  	_ =	swait.ge [sflag:s21], $0x280  }
0xe9: {  	[sflag:s21] =	ssyncset.done $0x0  }
0xea: {  	[sflag:s21] =	ssyncadd.s32 $0xFFFFFD80  }
0xeb: {  	_ =	swait.ge [sflag:s21], $0x280  }
0xec: {  	[sflag:s21] =	ssyncset.done $0x0  }
0xed: {  	[sflag:s21] =	ssyncadd.s32 $0xFFFFFD80  }
0xee: {  	_ =	swait.ge [sflag:s21], $0x280  }
0xef: {  	[sflag:s21] =	ssyncset.done $0x0  }
0xf0: {  	[sflag:s21] =	ssyncadd.s32 $0xFFFFFD80  }
0xf1: {  	_ =	swait.ge [sflag:s21], $0x280  }
0xf2: {  	[sflag:s21] =	ssyncset.done $0x0  }
0xf3: {  	[sflag:s21] =	ssyncadd.s32 $0xFFFFFD80  }
0xf4: {  	_ =	swait.ge [sflag:s21], $0x280  }
0xf5: {  	[sflag:s21] =	ssyncset.done $0x0  }
0xf6: {  	s10 =	simm.s32 $0x0;
	[sflag:s21] =	ssyncadd.s32 $0xFFFFFD80  }
0xf7: {  	s29 =	sand.u32 $0x3C0, s10;
	v2 =	vld [tilespmem:s17+$0x0]  }
0xf8: {  	v3 =	vld [tilespmem:s29+$0x9F80]  }
0xf9: {  	v4 =	vld [tilespmem:s17+$0x10]  }
0xfa: {  	v5 =	vld [tilespmem:s29+$0xA200]  }
0xfb: {  	v6 =	vld [tilespmem:s17+$0x290]  }
0xfc: {  	v7 =	vld [tilespmem:s29+$0xA480]  }
0xfd: {  	v8 =	vld [tilespmem:s17+$0x20]  }
0xfe: {  	v9 =	vld [tilespmem:s29+$0xA700]  }
0xff: {  	v10 =	vld [tilespmem:s17+$0x2A0]  }
0x100: {  	v11 =	vld [tilespmem:s29+$0xA980]  }
0x101: {  	v12 =	vld [tilespmem:s17+$0x30]  }
0x102: {  	v13 =	vld [tilespmem:s29+$0xAC00]  }
0x103: {  	v14 =	vld [tilespmem:s17+$0x2B0]  }
0x104: {  	v15 =	vld [tilespmem:s29+$0xAE80]  }
0x105: {  	v16 =	vld [tilespmem:s17+$0x510]  }
0x106: {  	v17 =	vld [tilespmem:s29+$0xB100]  }
0x107: {  	v18 =	vld [tilespmem:s17+$0x520]  }
0x108: {  	v19 =	vld [tilespmem:s29+$0xB380]  }
0x109: {  	v20 =	vld [tilespmem:s17+$0x530]  }
0x10a: {  	v21 =	vld [tilespmem:s29+$0xB600]  }
0x10b: {  	v22 =	vld [tilespmem:s17+$0x790]  }
0x10c: {  	v23 =	vld [tilespmem:s29+$0xB880]  }
0x10d: {  	v24 =	vld [tilespmem:s17+$0x7A0]  }
0x10e: {  	v25 =	vld [tilespmem:s29+$0xBB00]  }
0x10f: {  	v26 =	vld [tilespmem:s17+$0x7B0]  }
0x110: {  	v27 =	vld [tilespmem:s29+$0xBD80]  }
0x111: {  	v28 =	vld [tilespmem:s17+$0xA10]  }
0x112: {  	v29 =	vld [tilespmem:s29+$0xC000]  }
0x113: {  	v30 =	vld [tilespmem:s17+$0xA20]  }
0x114: {  	v31 =	vld [tilespmem:s29+$0xC280]  }
0x115: {  	v32 =	vld [tilespmem:s17+$0xA30]  }
0x116: {  	v33 =	vld [tilespmem:s17+$0xCA0];
	v2 =	vadd.f32 v3, v2  }
0x117: {  	v34 =	vld [tilespmem:s17+$0xF10]  }
0x118: {  	v35 =	vld [tilespmem:s17+$0xF30];
	v2 =	vadd.f32 v5, v2  }
0x119: {  	v54 =	vld [tilespmem:s17+$0x1410]  }
0x11a: {  	v55 =	vld [tilespmem:s17+$0x1420];
	v2 =	vadd.f32 v7, v2  }
0x11b: {  	v56 =	vld [tilespmem:s17+$0x1430]  }
0x11c: {  	v57 =	vld [tilespmem:s17+$0x1690];
	v4 =	vadd.f32 v6, v4;
	v2 =	vadd.f32 v9, v2  }
0x11d: {  	v58 =	vld [tilespmem:s17+$0x16A0];
	v8 =	vadd.f32 v10, v8;
	v9 =	vadd.f32 v14, v12  }
0x11e: {  	v59 =	vld [tilespmem:s17+$0x1920];
	v4 =	vadd.f32 v16, v4;
	v2 =	vadd.f32 v11, v2  }
0x11f: {  	v3 =	vld [tilespmem:s17+$0xC90];
	v8 =	vadd.f32 v18, v8;
	v9 =	vadd.f32 v20, v9  }
0x120: {  	v5 =	vld [tilespmem:s17+$0xCB0];
	v4 =	vadd.f32 v22, v4;
	v2 =	vadd.f32 v13, v2  }
0x121: {  	v6 =	vld [tilespmem:s17+$0x1190];
	v8 =	vadd.f32 v24, v8;
	v9 =	vadd.f32 v26, v9  }
0x122: {  	v7 =	vld [tilespmem:s17+$0xF20];
	v4 =	vadd.f32 v28, v4;
	v2 =	vadd.f32 v15, v2  }
0x123: {  	v10 =	vld [tilespmem:s17+$0x11A0];
	v8 =	vadd.f32 v30, v8;
	v9 =	vadd.f32 v32, v9  }
0x124: {  	v11 =	vld [tilespmem:s17+$0x11B0];
	v3 =	vadd.f32 v3, v4;
	v2 =	vadd.f32 v17, v2  }
0x125: {  	v60 =	vld [tilespmem:s17+$0x1E10];
	v8 =	vadd.f32 v33, v8;
	v5 =	vadd.f32 v5, v9  }
0x126: {  	v61 =	vld [tilespmem:s17+$0x1E20];
	v3 =	vadd.f32 v34, v3;
	v2 =	vadd.f32 v19, v2  }
0x127: {  	v4 =	vld [tilespmem:s17+$0x16B0];
	v7 =	vadd.f32 v7, v8;
	v5 =	vadd.f32 v35, v5  }
0x128: {  	v8 =	vld [tilespmem:s17+$0x1930];
	v3 =	vadd.f32 v6, v3;
	v2 =	vadd.f32 v21, v2  }
0x129: {  	v7 =	vadd.f32 v10, v7;
	v9 =	vld [tilespmem:s17+$0x1910];
	v5 =	vadd.f32 v11, v5  }
0x12a: {  	v6 =	vld [tilespmem:s17+$0x1B90];
	v3 =	vadd.f32 v54, v3;
	v2 =	vadd.f32 v23, v2  }
0x12b: {  	v10 =	vld [tilespmem:s17+$0x1BA0];
	v7 =	vadd.f32 v55, v7;
	v5 =	vadd.f32 v56, v5  }
0x12c: {  	v3 =	vadd.f32 v57, v3;
	v11 =	vld [tilespmem:s17+$0x1BB0];
	v2 =	vadd.f32 v25, v2  }
0x12d: {  	v62 =	vld [tilespmem:s17+$0x20A0];
	v7 =	vadd.f32 v58, v7;
	v4 =	vadd.f32 v4, v5  }
0x12e: {  	v3 =	vadd.f32 v9, v3;
	v5 =	vld [tilespmem:s17+$0x1E30];
	v2 =	vadd.f32 v27, v2  }
0x12f: {  	v7 =	vadd.f32 v59, v7;
	v9 =	vld [tilespmem:s17+$0x2090];
	v4 =	vadd.f32 v8, v4  }
0x130: {  	v63 =	vld [tilespmem:s17+$0x20B0];
	v6 =	vadd.f32 v6, v3;
	v2 =	vadd.f32 v29, v2  }
0x131: {  	v7 =	vadd.f32 v10, v7;
	v3 =	vld [tilespmem:s17+$0x2310];
	v4 =	vadd.f32 v11, v4  }
0x132: {  	v6 =	vadd.f32 v60, v6;
	v10 =	vadd.f32 v31, v2;
	v2 =	vld [tilespmem:s17+$0x2320]  }
0x133: {  	v7 =	vadd.f32 v61, v7;
	v11 =	vadd.f32 v5, v4;
	v4 =	vld [tilespmem:s17+$0x2330]  }
0x134: {  	v8 =	vadd.f32 v9, v6;
	v5 =	vld [tilespmem:s17+$0x2590]  }
0x135: {  	s11 =	simm.s32 $0x9D00;
	v7 =	vadd.f32 v62, v7;
	v6 =	vld [tilespmem:s17+$0x25A0];
	[tilespmem:s17+$0x0] =	vst v10;
	v9 =	vadd.f32 v63, v11  }
.LBB2_10:
0x136: {  	s10 =	sadd.s32 $0x40, s10;
	v3 =	vadd.f32 v3, v8;
	v8 =	vld [tilespmem:s17+$0x25B0];
	s11 =	sadd.s32 $0x40, s11  }
0x137: {  	v10 =	vld [tilespmem:s11+$0x0];
	s12 =	sand.u32 $0x3C0, s10;
	p1 =	slt.u32 s10, $0x240;
	v2 =	vadd.f32 v2, v7  }
0x138: {  	v7 =	vld [tilespmem:s12+$0x9F80];
	v4 =	vadd.f32 v4, v9  }
0x139: {  	v9 =	vld [tilespmem:s11+$0x10];
	v3 =	vadd.f32 v5, v3  }
0x13a: {  	v5 =	vld [tilespmem:s12+$0xA200];
	v2 =	vadd.f32 v6, v2  }
0x13b: {  	v6 =	vld [tilespmem:s11+$0x290];
	[tilespmem:s17+$0x10] =	vst v3;
	v3 =	vadd.f32 v8, v4  }
0x13c: {  	v4 =	vld [tilespmem:s12+$0xA480];
	[tilespmem:s17+$0x20] =	vst v2  }
0x13d: {  	v2 =	vadd.f32 v7, v10;
	v7 =	vld [tilespmem:s11+$0x20];
	[tilespmem:s17+$0x30] =	vst v3;
	s17 =	smov.u32 s11  }
0x13e: {  	v3 =	vld [tilespmem:s12+$0xA700]  }
0x13f: {  	v2 =	vadd.f32 v5, v2;
	v5 =	vld [tilespmem:s11+$0x2A0]  }
0x140: {  	v8 =	vld [tilespmem:s12+$0xA980];
	v6 =	vadd.f32 v6, v9  }
0x141: {  	v2 =	vadd.f32 v4, v2;
	v4 =	vld [tilespmem:s11+$0x30]  }
0x142: {  	v9 =	vld [tilespmem:s12+$0xAC00]  }
0x143: {  	v2 =	vadd.f32 v3, v2;
	v3 =	vld [tilespmem:s11+$0x2B0]  }
0x144: {  	v10 =	vld [tilespmem:s12+$0xAE80];
	v5 =	vadd.f32 v5, v7  }
0x145: {  	v2 =	vadd.f32 v8, v2;
	v7 =	vld [tilespmem:s11+$0x510]  }
0x146: {  	v8 =	vld [tilespmem:s12+$0xB100]  }
0x147: {  	v2 =	vadd.f32 v9, v2;
	v9 =	vld [tilespmem:s11+$0x520]  }
0x148: {  	v11 =	vld [tilespmem:s12+$0xB380];
	v3 =	vadd.f32 v3, v4  }
0x149: {  	v2 =	vadd.f32 v10, v2;
	v4 =	vld [tilespmem:s11+$0x530]  }
0x14a: {  	v10 =	vld [tilespmem:s12+$0xB600];
	v6 =	vadd.f32 v7, v6  }
0x14b: {  	v2 =	vadd.f32 v8, v2;
	v7 =	vld [tilespmem:s11+$0x790]  }
0x14c: {  	v8 =	vld [tilespmem:s12+$0xB880];
	v5 =	vadd.f32 v9, v5  }
0x14d: {  	v2 =	vadd.f32 v11, v2;
	v9 =	vld [tilespmem:s11+$0x7A0]  }
0x14e: {  	v11 =	vld [tilespmem:s12+$0xBB00];
	v3 =	vadd.f32 v4, v3  }
0x14f: {  	v2 =	vadd.f32 v10, v2;
	v4 =	vld [tilespmem:s11+$0x7B0]  }
0x150: {  	v10 =	vld [tilespmem:s12+$0xBD80];
	v6 =	vadd.f32 v7, v6  }
0x151: {  	v2 =	vadd.f32 v8, v2;
	v7 =	vld [tilespmem:s11+$0xA10]  }
0x152: {  	v8 =	vld [tilespmem:s12+$0xC000];
	v5 =	vadd.f32 v9, v5  }
0x153: {  	v2 =	vadd.f32 v11, v2;
	v9 =	vld [tilespmem:s11+$0xA20]  }
0x154: {  	v11 =	vld [tilespmem:s12+$0xC280];
	v3 =	vadd.f32 v4, v3  }
0x155: {  	v2 =	vadd.f32 v10, v2;
	v4 =	vld [tilespmem:s11+$0xA30]  }
0x156: {  	v6 =	vadd.f32 v7, v6;
	v7 =	vld [tilespmem:s11+$0xC90]  }
0x157: {  	v2 =	vadd.f32 v8, v2;
	v8 =	vld [tilespmem:s11+$0xCA0]  }
0x158: {  	v5 =	vadd.f32 v9, v5;
	v9 =	vld [tilespmem:s11+$0xCB0]  }
0x159: {  	v2 =	vadd.f32 v11, v2;
	v10 =	vld [tilespmem:s11+$0xF10]  }
0x15a: {  	v11 =	vld [tilespmem:s11+$0xF20];
	v3 =	vadd.f32 v4, v3  }
0x15b: {  	[tilespmem:s11+$0x0] =	vst v2;
	v2 =	vadd.f32 v7, v6;
	v4 =	vld [tilespmem:s11+$0xF30]  }
0x15c: {  	v6 =	vld [tilespmem:s11+$0x1190];
	v5 =	vadd.f32 v8, v5  }
0x15d: {  	v7 =	vld [tilespmem:s11+$0x11A0];
	v3 =	vadd.f32 v9, v3  }
0x15e: {  	v2 =	vadd.f32 v10, v2;
	v8 =	vld [tilespmem:s11+$0x11B0]  }
0x15f: {  	v9 =	vld [tilespmem:s11+$0x1410];
	v5 =	vadd.f32 v11, v5  }
0x160: {  	v10 =	vld [tilespmem:s11+$0x1420];
	v3 =	vadd.f32 v4, v3  }
0x161: {  	v2 =	vadd.f32 v6, v2;
	v4 =	vld [tilespmem:s11+$0x1430]  }
0x162: {  	v6 =	vld [tilespmem:s11+$0x1690];
	v5 =	vadd.f32 v7, v5  }
0x163: {  	v7 =	vld [tilespmem:s11+$0x16A0];
	v3 =	vadd.f32 v8, v3  }
0x164: {  	v2 =	vadd.f32 v9, v2;
	v8 =	vld [tilespmem:s11+$0x16B0]  }
0x165: {  	v9 =	vld [tilespmem:s11+$0x1910];
	v5 =	vadd.f32 v10, v5  }
0x166: {  	v10 =	vld [tilespmem:s11+$0x1920];
	v3 =	vadd.f32 v4, v3  }
0x167: {  	v2 =	vadd.f32 v6, v2;
	v4 =	vld [tilespmem:s11+$0x1930]  }
0x168: {  	v6 =	vld [tilespmem:s11+$0x1B90];
	v5 =	vadd.f32 v7, v5  }
0x169: {  	v7 =	vld [tilespmem:s11+$0x1BA0];
	v3 =	vadd.f32 v8, v3  }
0x16a: {  	v2 =	vadd.f32 v9, v2;
	v8 =	vld [tilespmem:s11+$0x1BB0]  }
0x16b: {  	v9 =	vld [tilespmem:s11+$0x1E10];
	v5 =	vadd.f32 v10, v5  }
0x16c: {  	v10 =	vld [tilespmem:s11+$0x1E20];
	v3 =	vadd.f32 v4, v3  }
0x16d: {  	v2 =	vadd.f32 v6, v2;
	v4 =	vld [tilespmem:s11+$0x1E30]  }
0x16e: {  	v6 =	vld [tilespmem:s11+$0x2090];
	v5 =	vadd.f32 v7, v5  }
0x16f: {  	v7 =	vld [tilespmem:s11+$0x20A0];
	v8 =	vadd.f32 v8, v3  }
0x170: {  	v9 =	vadd.f32 v9, v2;
	v11 =	vld [tilespmem:s11+$0x20B0]  }
.Ltmp4:
0x171: {  	v3 =	vld [tilespmem:s11+$0x2310];
	v10 =	vadd.f32 v10, v5;
	(pc) =	sbr.rel @p1 .LBB2_10-.Ltmp4, $4  }
0x172: {  	v2 =	vld [tilespmem:s11+$0x2320];
	v12 =	vadd.f32 v4, v8  }
0x173: {  	v8 =	vadd.f32 v6, v9;
	v4 =	vld [tilespmem:s11+$0x2330]  }
0x174: {  	v5 =	vld [tilespmem:s11+$0x2590];
	v7 =	vadd.f32 v7, v10  }
0x175: {  	v6 =	vld [tilespmem:s11+$0x25A0];
	v9 =	vadd.f32 v11, v12  }
0x176: {  	v10 =	vld [tilespmem:s17+$0x25B0]  }
0x177: {  	v3 =	vadd.f32 v3, v8  }
0x178: {  	v2 =	vadd.f32 v2, v7  }
0x179: {  	v4 =	vadd.f32 v4, v9;
	v3 =	vadd.f32 v5, v3  }
0x17a: {  	v2 =	vadd.f32 v6, v2  }
0x17b: {  	[tilespmem:s17+$0x10] =	vst v3;
	v3 =	vadd.f32 v10, v4  }
0x17c: {  	[tilespmem:s17+$0x20] =	vst v2  }
0x17d: {  	s10 =	simm.s32 $0x9D00;
	[tilespmem:s17+$0x30] =	vst v3  }
0x17e: {  	[spmem:s28] =	stream.linear.scatter [tilespmem:s10], [sflag:$0x2], $0x280, $0x38;
	[tilespmem:$0x1DE00] =	vst v63  }
0x17f: {  	_ =	swait.ge [sflag:s8], $0x280  }
0x180: {  	[sflag:s8] =	ssyncset.done $0x0  }
0x181: {  	[sflag:s8] =	ssyncadd.s32 $0xFFFFFD80  }
0x182: {  	[bflag:$0x0] =	sbarrier.arrive $0xFFFF  }
0x183: {  	[tilespmem:s18], [sflag:$0x2] =	stream.linear.gather [spmem:s26], $0x2800, $0x38;
	[tilespmem:$0x1DE00] =	vst v63  }
0x184: {  	_ =	swait.ge [sflag:s8], $0x2800  }
0x185: {  	[sflag:s8] =	ssyncset.done $0x0  }
0x186: {  	s11 =	simm.s32 $0x13BC0;
	[sflag:s8] =	ssyncadd.s32 $0xFFFFD800  }
0x187: {  	s17 =	simm.s32 $0xEBC0;
	v3 =	vld [tilespmem:s11+$0x30]  }
0x188: {  	v4 =	vld [tilespmem:s17+$0x30]  }
0x189: {  	v5 =	vld [tilespmem:s11+$0xFFFFFFD0]  }
0x18a: {  	v6 =	vld [tilespmem:s17+$0xFFFFFFD0]  }
0x18b: {  	v7 =	vld [tilespmem:s11+$0xFFFFFFE0]  }
0x18c: {  	v8 =	vld [tilespmem:s17+$0xFFFFFFE0]  }
0x18d: {  	v2 =	vld [tilespmem:s17+$0xFFFFFFC0]  }
0x18e: {  	v9 =	vld [tilespmem:s17+$0xFFFFFFF0];
	v3 =	vadd.f32 v4, v3  }
0x18f: {  	v4 =	vld [tilespmem:s11+$0xFFFFFFF0]  }
0x190: {  	s12 =	simm.s32 $0x113C0;
	v10 =	vld [tilespmem:s11+$0x0];
	[tilespmem:s11+$0x30] =	vst v3;
	v3 =	vadd.f32 v6, v5  }
0x191: {  	v11 =	vld [tilespmem:s17+$0x0];
	v6 =	vadd.f32 v8, v7;
	[tilespmem:s12+$0x30] =	vst v0  }
0x192: {  	v5 =	vld [tilespmem:s17+$0x10];
	[tilespmem:s11+$0xFFFFFFD0] =	vst v3  }
0x193: {  	v3 =	vld [tilespmem:s11+$0x10];
	[tilespmem:s11+$0xFFFFFFE0] =	vst v6  }
0x194: {  	v6 =	vld [tilespmem:s17+$0x20];
	[tilespmem:s12+$0xFFFFFFD0] =	vst v0;
	v8 =	vadd.f32 v9, v4  }
0x195: {  	s29 =	smov.u32 s28;
	s15 =	simm.s32 $0x0;
	v4 =	vld [tilespmem:s11+$0x20];
	[tilespmem:s12+$0xFFFFFFE0] =	vst v0  }
0x196: {  	s16 =	simm.s32 $0x13C40;
	s13 =	simm.s32 $0x113C0;
	s28 =	smov.u32 s26;
	v7 =	vld [tilespmem:s11+$0xFFFFFFC0];
	[tilespmem:s11+$0xFFFFFFF0] =	vst v8;
	v8 =	vadd.f32 v11, v10  }
.LBB2_12:
0x197: {  	v9 =	vld [tilespmem:s16+$0x30];
	[tilespmem:s12+$0xFFFFFFF0] =	vst v0;
	s17 =	sadd.s32 $0x80, s17  }
0x198: {  	v10 =	vld [tilespmem:s17+$0x30];
	[tilespmem:s11+$0x0] =	vst v8;
	v3 =	vadd.f32 v5, v3  }
0x199: {  	s15 =	sadd.s32 $0x80, s15;
	v5 =	vld [tilespmem:s17+$0xFFFFFFC0];
	[tilespmem:s12+$0x0] =	vst v0  }
0x19a: {  	p1 =	slt.u32 s15, $0x2780;
	v8 =	vld [tilespmem:s16+$0xFFFFFFD0];
	[tilespmem:s11+$0x10] =	vst v3;
	v3 =	vadd.f32 v6, v4  }
0x19b: {  	v4 =	vld [tilespmem:s17+$0xFFFFFFD0];
	v11 =	vadd.f32 v2, v7;
	[tilespmem:s12+$0x10] =	vst v0  }
0x19c: {  	v6 =	vld [tilespmem:s16+$0xFFFFFFE0];
	[tilespmem:s11+$0x20] =	vst v3  }
0x19d: {  	v3 =	vld [tilespmem:s17+$0xFFFFFFE0];
	v7 =	vadd.f32 v10, v9;
	[tilespmem:s11+$0xFFFFFFC0] =	vst v11;
	s11 =	smov.u32 s16  }
0x19e: {  	v9 =	vld [tilespmem:s16+$0xFFFFFFF0];
	[tilespmem:s12+$0xFFFFFFC0] =	vst v0;
	v2 =	vmov v5  }
0x19f: {  	s12 =	sadd.s32 $0x80, s12;
	v10 =	vld [tilespmem:s17+$0xFFFFFFF0];
	[tilespmem:s16+$0x30] =	vst v7  }
0x1a0: {  	s26 =	simm.s32 $0x4EC0;
	s10 =	simm.s32 $0x40;
	v4 =	vadd.f32 v4, v8;
	v8 =	vld [tilespmem:s16+$0x0];
	[tilespmem:s12+$0x30] =	vst v0  }
0x1a1: {  	v11 =	vld [tilespmem:s17+$0x0];
	[tilespmem:s13+$0x20] =	vst v0;
	s13 =	smov.u32 s12  }
.Ltmp5:
0x1a2: {  	[tilespmem:s16+$0xFFFFFFD0] =	vst v4;
	v4 =	vadd.f32 v3, v6;
	v3 =	vld [tilespmem:s16+$0x10];
	(pc) =	sbr.rel @p1 .LBB2_12-.Ltmp5, $4  }
0x1a3: {  	[tilespmem:s12+$0xFFFFFFD0] =	vst v0;
	v5 =	vld [tilespmem:s17+$0x10]  }
0x1a4: {  	[tilespmem:s16+$0xFFFFFFE0] =	vst v4;
	v9 =	vadd.f32 v10, v9;
	v4 =	vld [tilespmem:s16+$0x20]  }
0x1a5: {  	[tilespmem:s12+$0xFFFFFFE0] =	vst v0;
	v6 =	vld [tilespmem:s17+$0x20]  }
0x1a6: {  	s16 =	sadd.s32 $0x80, s16;
	v7 =	vld [tilespmem:s11+$0xFFFFFFC0];
	[tilespmem:s11+$0xFFFFFFF0] =	vst v9;
	v8 =	vadd.f32 v11, v8  }
0x1a7: {  	[tilespmem:s12+$0xFFFFFFF0] =	vst v0  }
0x1a8: {  	[tilespmem:s11+$0x0] =	vst v8;
	v3 =	vadd.f32 v5, v3  }
0x1a9: {  	[tilespmem:s12+$0x0] =	vst v0  }
0x1aa: {  	[tilespmem:s11+$0x10] =	vst v3;
	v3 =	vadd.f32 v6, v4  }
0x1ab: {  	v2 =	vadd.f32 v2, v7;
	[tilespmem:s12+$0x10] =	vst v0  }
0x1ac: {  	[tilespmem:s11+$0x20] =	vst v3  }
0x1ad: {  	[tilespmem:s11+$0xFFFFFFC0] =	vst v2  }
0x1ae: {  	[tilespmem:s13+$0x20] =	vst v0  }
0x1af: {  	[tilespmem:s12+$0xFFFFFFC0] =	vst v0  }
0x1b0: {  	v2 =	vld [tilespmem:s26+$0x30]  }
0x1b1: {  	v3 =	vld [tilespmem:s26+$0xFFFFFFD0]  }
0x1b2: {  	v4 =	vld [tilespmem:s26+$0xFFFFFFE0]  }
0x1b3: {  	v5 =	vld [tilespmem:s26+$0xFFFFFFF0]  }
0x1b4: {  	v6 =	vld [tilespmem:s26+$0x0]  }
0x1b5: {  	v7 =	vld [tilespmem:s26+$0x10]  }
0x1b6: {  	v8 =	vld [tilespmem:s26+$0x20]  }
0x1b7: {  	v9 =	vld [tilespmem:s26+$0xFFFFFFC0]  }
0x1b8: {  	v13 =	vld [tilespmem:s10+$0x30]  }
0x1b9: {  	v2 =	vld.idx.msk [tilespmem:v2+s18+$0x0], $0xffff  }
0x1ba: {  	v10 =	vld.idx.msk [tilespmem:v3+s18+$0x0], $0xffff  }
0x1bb: {  	v11 =	vld.idx.msk [tilespmem:v4+s18+$0x0], $0xffff  }
0x1bc: {  	v12 =	vld.idx.msk [tilespmem:v5+s18+$0x0], $0xffff  }
0x1bd: {  	v14 =	vld.idx.msk [tilespmem:v6+s18+$0x0], $0xffff  }
0x1be: {  	v15 =	vld.idx.msk [tilespmem:v7+s18+$0x0], $0xffff  }
0x1bf: {  	v9 =	vld.idx.msk [tilespmem:v9+s18+$0x0], $0xffff  }
0x1c0: {  	v8 =	vld.idx.msk [tilespmem:v8+s18+$0x0], $0xffff  }
0x1c1: {  	v5 =	vld [tilespmem:s10+$0xFFFFFFD0];
	vm4 =	vgt.f32 v2, $0.0e+00  }
0x1c2: {  	v3 =	vld [tilespmem:s10+$0xFFFFFFE0]  }
0x1c3: {  	v2 =	vld [tilespmem:s10+$0xFFFFFFC0]  }
0x1c4: {  	v4 =	vld [tilespmem:s10+$0xFFFFFFF0];
	vm3 =	vgt.f32 v10, $0.0e+00  }
0x1c5: {  	v6 =	vld [tilespmem:s10+$0x0];
	vm6 =	vgt.f32 v9, $0.0e+00  }
0x1c6: {  	v7 =	vld [tilespmem:s10+$0x10];
	vm0 =	vgt.f32 v11, $0.0e+00;
	vm1 =	vgt.f32 v12, $0.0e+00  }
0x1c7: {  	s11 =	simm.s32 $0x0;
	s12 =	simm.s32 $0x4F40;
	vm2 =	vgt.f32 v14, $0.0e+00;
	vm5 =	vgt.f32 v8, $0.0e+00;
	v8 =	vld [tilespmem:s10+$0x20];
	[tilespmem:v13+s7+$0x0] =	vst.idx.msk vm4, v1;
	vm4 =	vgt.f32 v15, $0.0e+00  }
.LBB2_14:
0x1c8: {  	v9 =	vld [tilespmem:s12+$0x30];
	s11 =	sadd.s32 $0x80, s11  }
0x1c9: {  	v10 =	vld [tilespmem:s12+$0xFFFFFFD0];
	p1 =	slt.u32 s11, $0x4D80  }
0x1ca: {  	v11 =	vld [tilespmem:s12+$0xFFFFFFE0];
	[tilespmem:v5+s7+$0x0] =	vst.idx.msk vm3, v1  }
0x1cb: {  	v5 =	vld [tilespmem:s12+$0xFFFFFFF0];
	[tilespmem:v2+s7+$0x0] =	vst.idx.msk vm6, v1  }
0x1cc: {  	v2 =	vld [tilespmem:s12+$0x0];
	[tilespmem:v3+s7+$0x0] =	vst.idx.msk vm0, v1  }
0x1cd: {  	v3 =	vld [tilespmem:s12+$0x10];
	[tilespmem:v4+s7+$0x0] =	vst.idx.msk vm1, v1  }
0x1ce: {  	v4 =	vld [tilespmem:s12+$0x20];
	[tilespmem:v6+s7+$0x0] =	vst.idx.msk vm2, v1  }
0x1cf: {  	v6 =	vld [tilespmem:s12+$0xFFFFFFC0];
	[tilespmem:v7+s7+$0x0] =	vst.idx.msk vm4, v1  }
0x1d0: {  	v7 =	vld.idx.msk [tilespmem:v9+s18+$0x0], $0xffff;
	[tilespmem:v8+s7+$0x0] =	vst.idx.msk vm5, v1  }
0x1d1: {  	v8 =	vld.idx.msk [tilespmem:v10+s18+$0x0], $0xffff  }
0x1d2: {  	v9 =	vld.idx.msk [tilespmem:v11+s18+$0x0], $0xffff  }
0x1d3: {  	s10 =	sadd.s32 $0x80, s10;
	v5 =	vld.idx.msk [tilespmem:v5+s18+$0x0], $0xffff  }
0x1d4: {  	v10 =	vld [tilespmem:s10+$0x30]  }
0x1d5: {  	v11 =	vld.idx.msk [tilespmem:v2+s18+$0x0], $0xffff  }
0x1d6: {  	vm5 =	vgt.f32 v7, $0.0e+00;
	v12 =	vld.idx.msk [tilespmem:v3+s18+$0x0], $0xffff  }
0x1d7: {  	vm3 =	vgt.f32 v8, $0.0e+00;
	v6 =	vld.idx.msk [tilespmem:v6+s18+$0x0], $0xffff  }
0x1d8: {  	vm0 =	vgt.f32 v9, $0.0e+00;
	v8 =	vld.idx.msk [tilespmem:v4+s18+$0x0], $0xffff  }
0x1d9: {  	vm1 =	vgt.f32 v5, $0.0e+00;
	v2 =	vld [tilespmem:s10+$0xFFFFFFC0]  }
0x1da: {  	v5 =	vld [tilespmem:s10+$0xFFFFFFD0]  }
.Ltmp6:
0x1db: {  	vm2 =	vgt.f32 v11, $0.0e+00;
	v3 =	vld [tilespmem:s10+$0xFFFFFFE0];
	(pc) =	sbr.rel @p1 .LBB2_14-.Ltmp6, $4  }
0x1dc: {  	s13 =	simm.s32 $0x4DF0;
	s15 =	simm.s32 $0x4E00;
	s16 =	simm.s32 $0x9C80;
	vm4 =	vgt.f32 v12, $0.0e+00;
	v4 =	vld [tilespmem:s10+$0xFFFFFFF0];
	[tilespmem:v10+s7+$0x0] =	vst.idx.msk vm5, v1  }
0x1dd: {  	vm6 =	vgt.f32 v6, $0.0e+00;
	v6 =	vld [tilespmem:s10+$0x0]  }
0x1de: {  	vm5 =	vgt.f32 v8, $0.0e+00;
	v7 =	vld [tilespmem:s10+$0x10]  }
0x1df: {  	s12 =	sadd.s32 $0x80, s12;
	v8 =	vld [tilespmem:s10+$0x20]  }
0x1e0: {  	_ =	sdelay $0x4  }
0x1e1: {  	[tilespmem:v5+s7+$0x0] =	vst.idx.msk vm3, v1  }
0x1e2: {  	[tilespmem:v2+s7+$0x0] =	vst.idx.msk vm6, v1  }
0x1e3: {  	[tilespmem:v3+s7+$0x0] =	vst.idx.msk vm0, v1  }
0x1e4: {  	[tilespmem:v4+s7+$0x0] =	vst.idx.msk vm1, v1  }
0x1e5: {  	[tilespmem:v6+s7+$0x0] =	vst.idx.msk vm2, v1  }
0x1e6: {  	[tilespmem:v7+s7+$0x0] =	vst.idx.msk vm4, v1  }
0x1e7: {  	[tilespmem:v8+s7+$0x0] =	vst.idx.msk vm5, v1  }
.LBB2_16:
0x1e8: {  	v2 =	vld [tilespmem:s16+$0x0];
	_ =	sdelay $0x7  }
0x1e9: {  	v2 =	vld.idx.msk [tilespmem:v2+s18+$0x0], $0xffff;
	_ =	sdelay $0x2  }
0x1ea: {  	v3 =	vld [tilespmem:s15+$0x0];
	_ =	sdelay $0x1  }
0x1eb: {  	s13 =	sadd.s32 $0x10, s13;
	vm0 =	vgt.f32 v2, $0.0e+00  }
0x1ec: {  	p1 =	slt.u32 s13, $0x4E10  }
.Ltmp7:
0x1ed: {  	_ = 	snop;
	(pc) =	sbr.rel @p1 .LBB2_16-.Ltmp7, $2  }
0x1ee: {  	_ =	sdelay $0x2  }
0x1ef: {  	s15 =	sadd.s32 $0x10, s15;
	s16 =	sadd.s32 $0x10, s16;
	[tilespmem:v3+s7+$0x0] =	vst.idx.msk vm0, v1  }
0x1f0: {  	s10 =	rddreg [dreg:$0xa]  }
0x1f1: {  	[spmem:s10] =	stream.linear.scatter [tilespmem:s7], [sflag:$0x2], $0x2800, $0x38;
	[tilespmem:$0x1DE00] =	vst v63  }
0x1f2: {  	_ =	swait.ge [sflag:s8], $0x2800  }
0x1f3: {  	[sflag:s8] =	ssyncset.done $0x0  }
0x1f4: {  	[sflag:s8] =	ssyncadd.s32 $0xFFFFD800  }
0x1f5: {  	s17 =	simm.s32 $0x9D00;
	[bflag:$0x0] =	sbarrier.arrive $0xFFFF  }
0x1f6: {  	[tilespmem:s17], [sflag:$0x1] =	stream.linear.gather [spmem:s9], $0x280, $0x38;
	[tilespmem:$0x1DE00] =	vst v63  }
0x1f7: {  	s11 =	simm.s32 $0x9F80;
	s12 =	rddreg [dreg:$0xb]  }
0x1f8: {  	[tilespmem:s11], [sflag:$0x1] =	stream.linear.gather [spmem:s12], $0x280, $0x38;
	[tilespmem:$0x1DE00] =	vst v63  }
0x1f9: {  	s15 =	simm.s32 $0xA200;
	s13 =	rddreg [dreg:$0xc]  }
0x1fa: {  	[tilespmem:s15], [sflag:$0x1] =	stream.linear.gather [spmem:s13], $0x280, $0x38;
	[tilespmem:$0x1DE00] =	vst v63  }
0x1fb: {  	s26 =	simm.s32 $0xA480;
	s16 =	rddreg [dreg:$0xd]  }
0x1fc: {  	[tilespmem:s26], [sflag:$0x1] =	stream.linear.gather [spmem:s16], $0x280, $0x38;
	[tilespmem:$0x1DE00] =	vst v63  }
0x1fd: {  	s11 =	rddreg [dreg:$0xf];
	s12 =	simm.s32 $0xA700  }
0x1fe: {  	[tilespmem:s12], [sflag:$0x1] =	stream.linear.gather [spmem:s11], $0x280, $0x38;
	[tilespmem:$0x1DE00] =	vst v63  }
0x1ff: {  	s13 =	rddreg [dreg:$0x10];
	s15 =	simm.s32 $0xA980  }
0x200: {  	[tilespmem:s15], [sflag:$0x1] =	stream.linear.gather [spmem:s13], $0x280, $0x38;
	[tilespmem:$0x1DE00] =	vst v63  }
0x201: {  	s16 =	rddreg [dreg:$0x15];
	s26 =	simm.s32 $0xAC00  }
0x202: {  	[tilespmem:s26], [sflag:$0x1] =	stream.linear.gather [spmem:s16], $0x280, $0x38;
	[tilespmem:$0x1DE00] =	vst v63  }
0x203: {  	s11 =	rddreg [dreg:$0x16];
	s12 =	simm.s32 $0xAE80  }
0x204: {  	[tilespmem:s12], [sflag:$0x1] =	stream.linear.gather [spmem:s11], $0x280, $0x38;
	[tilespmem:$0x1DE00] =	vst v63  }
0x205: {  	s13 =	rddreg [dreg:$0x17];
	s15 =	simm.s32 $0xB100  }
0x206: {  	[tilespmem:s15], [sflag:$0x1] =	stream.linear.gather [spmem:s13], $0x280, $0x38;
	[tilespmem:$0x1DE00] =	vst v63  }
0x207: {  	s16 =	simm.s32 $0xB380  }
0x208: {  	[tilespmem:s16], [sflag:$0x1] =	stream.linear.gather [spmem:s30], $0x280, $0x38;
	[tilespmem:$0x1DE00] =	vst v63  }
0x209: {  	s26 =	simm.s32 $0xB600  }
0x20a: {  	[tilespmem:s26], [sflag:$0x1] =	stream.linear.gather [spmem:s31], $0x280, $0x38;
	[tilespmem:$0x1DE00] =	vst v63  }
0x20b: {  	s11 =	simm.s32 $0xB880  }
0x20c: {  	[tilespmem:s11], [sflag:$0x1] =	stream.linear.gather [spmem:s2], $0x280, $0x38;
	[tilespmem:$0x1DE00] =	vst v63  }
0x20d: {  	s12 =	simm.s32 $0xBB00  }
0x20e: {  	[tilespmem:s12], [sflag:$0x1] =	stream.linear.gather [spmem:s0], $0x280, $0x38;
	[tilespmem:$0x1DE00] =	vst v63  }
0x20f: {  	s13 =	simm.s32 $0xBD80  }
0x210: {  	[tilespmem:s13], [sflag:$0x1] =	stream.linear.gather [spmem:s1], $0x280, $0x38;
	[tilespmem:$0x1DE00] =	vst v63  }
0x211: {  	s15 =	simm.s32 $0xC000  }
0x212: {  	[tilespmem:s15], [sflag:$0x1] =	stream.linear.gather [spmem:s3], $0x280, $0x38;
	[tilespmem:$0x1DE00] =	vst v63  }
0x213: {  	s16 =	simm.s32 $0xC280  }
0x214: {  	[tilespmem:s16], [sflag:$0x1] =	stream.linear.gather [spmem:s6], $0x280, $0x38;
	[tilespmem:$0x1DE00] =	vst v63  }
0x215: {  	_ =	swait.ge [sflag:s21], $0x280  }
0x216: {  	[sflag:s21] =	ssyncset.done $0x0  }
0x217: {  	[sflag:s21] =	ssyncadd.s32 $0xFFFFFD80  }
0x218: {  	_ =	swait.ge [sflag:s21], $0x280  }
0x219: {  	[sflag:s21] =	ssyncset.done $0x0  }
0x21a: {  	[sflag:s21] =	ssyncadd.s32 $0xFFFFFD80  }
0x21b: {  	_ =	swait.ge [sflag:s21], $0x280  }
0x21c: {  	[sflag:s21] =	ssyncset.done $0x0  }
0x21d: {  	[sflag:s21] =	ssyncadd.s32 $0xFFFFFD80  }
0x21e: {  	_ =	swait.ge [sflag:s21], $0x280  }
0x21f: {  	[sflag:s21] =	ssyncset.done $0x0  }
0x220: {  	[sflag:s21] =	ssyncadd.s32 $0xFFFFFD80  }
0x221: {  	_ =	swait.ge [sflag:s21], $0x280  }
0x222: {  	[sflag:s21] =	ssyncset.done $0x0  }
0x223: {  	[sflag:s21] =	ssyncadd.s32 $0xFFFFFD80  }
0x224: {  	_ =	swait.ge [sflag:s21], $0x280  }
0x225: {  	[sflag:s21] =	ssyncset.done $0x0  }
0x226: {  	[sflag:s21] =	ssyncadd.s32 $0xFFFFFD80  }
0x227: {  	_ =	swait.ge [sflag:s21], $0x280  }
0x228: {  	[sflag:s21] =	ssyncset.done $0x0  }
0x229: {  	[sflag:s21] =	ssyncadd.s32 $0xFFFFFD80  }
0x22a: {  	_ =	swait.ge [sflag:s21], $0x280  }
0x22b: {  	[sflag:s21] =	ssyncset.done $0x0  }
0x22c: {  	[sflag:s21] =	ssyncadd.s32 $0xFFFFFD80  }
0x22d: {  	_ =	swait.ge [sflag:s21], $0x280  }
0x22e: {  	[sflag:s21] =	ssyncset.done $0x0  }
0x22f: {  	[sflag:s21] =	ssyncadd.s32 $0xFFFFFD80  }
0x230: {  	_ =	swait.ge [sflag:s21], $0x280  }
0x231: {  	[sflag:s21] =	ssyncset.done $0x0  }
0x232: {  	[sflag:s21] =	ssyncadd.s32 $0xFFFFFD80  }
0x233: {  	_ =	swait.ge [sflag:s21], $0x280  }
0x234: {  	[sflag:s21] =	ssyncset.done $0x0  }
0x235: {  	[sflag:s21] =	ssyncadd.s32 $0xFFFFFD80  }
0x236: {  	_ =	swait.ge [sflag:s21], $0x280  }
0x237: {  	[sflag:s21] =	ssyncset.done $0x0  }
0x238: {  	[sflag:s21] =	ssyncadd.s32 $0xFFFFFD80  }
0x239: {  	_ =	swait.ge [sflag:s21], $0x280  }
0x23a: {  	[sflag:s21] =	ssyncset.done $0x0  }
0x23b: {  	[sflag:s21] =	ssyncadd.s32 $0xFFFFFD80  }
0x23c: {  	_ =	swait.ge [sflag:s21], $0x280  }
0x23d: {  	[sflag:s21] =	ssyncset.done $0x0  }
0x23e: {  	[sflag:s21] =	ssyncadd.s32 $0xFFFFFD80  }
0x23f: {  	_ =	swait.ge [sflag:s21], $0x280  }
0x240: {  	[sflag:s21] =	ssyncset.done $0x0  }
0x241: {  	[sflag:s21] =	ssyncadd.s32 $0xFFFFFD80  }
0x242: {  	_ =	swait.ge [sflag:s21], $0x280  }
0x243: {  	[sflag:s21] =	ssyncset.done $0x0  }
0x244: {  	s10 =	simm.s32 $0x0;
	[sflag:s21] =	ssyncadd.s32 $0xFFFFFD80  }
0x245: {  	s26 =	sand.u32 $0x3C0, s10;
	v2 =	vld [tilespmem:s17+$0x0]  }
0x246: {  	v3 =	vld [tilespmem:s26+$0x9F80]  }
0x247: {  	v4 =	vld [tilespmem:s17+$0x10]  }
0x248: {  	v5 =	vld [tilespmem:s26+$0xA200]  }
0x249: {  	v6 =	vld [tilespmem:s17+$0x290]  }
0x24a: {  	v7 =	vld [tilespmem:s26+$0xA480]  }
0x24b: {  	v8 =	vld [tilespmem:s17+$0x20]  }
0x24c: {  	v9 =	vld [tilespmem:s26+$0xA700]  }
0x24d: {  	v10 =	vld [tilespmem:s17+$0x2A0]  }
0x24e: {  	v11 =	vld [tilespmem:s26+$0xA980]  }
0x24f: {  	v12 =	vld [tilespmem:s17+$0x30]  }
0x250: {  	v13 =	vld [tilespmem:s26+$0xAC00]  }
0x251: {  	v14 =	vld [tilespmem:s17+$0x2B0]  }
0x252: {  	v15 =	vld [tilespmem:s26+$0xAE80]  }
0x253: {  	v16 =	vld [tilespmem:s17+$0x510]  }
0x254: {  	v17 =	vld [tilespmem:s26+$0xB100]  }
0x255: {  	v18 =	vld [tilespmem:s17+$0x520]  }
0x256: {  	v19 =	vld [tilespmem:s26+$0xB380]  }
0x257: {  	v20 =	vld [tilespmem:s17+$0x530]  }
0x258: {  	v21 =	vld [tilespmem:s26+$0xB600]  }
0x259: {  	v22 =	vld [tilespmem:s17+$0x790]  }
0x25a: {  	v23 =	vld [tilespmem:s26+$0xB880]  }
0x25b: {  	v24 =	vld [tilespmem:s17+$0x7A0]  }
0x25c: {  	v25 =	vld [tilespmem:s26+$0xBB00]  }
0x25d: {  	v26 =	vld [tilespmem:s17+$0x7B0]  }
0x25e: {  	v27 =	vld [tilespmem:s26+$0xBD80]  }
0x25f: {  	v28 =	vld [tilespmem:s17+$0xA10]  }
0x260: {  	v29 =	vld [tilespmem:s26+$0xC000]  }
0x261: {  	v30 =	vld [tilespmem:s17+$0xA20]  }
0x262: {  	v31 =	vld [tilespmem:s26+$0xC280]  }
0x263: {  	v32 =	vld [tilespmem:s17+$0xA30]  }
0x264: {  	v33 =	vld [tilespmem:s17+$0xCA0];
	v2 =	vadd.f32 v3, v2  }
0x265: {  	v34 =	vld [tilespmem:s17+$0xF10]  }
0x266: {  	v35 =	vld [tilespmem:s17+$0xF30];
	v2 =	vadd.f32 v5, v2  }
0x267: {  	v54 =	vld [tilespmem:s17+$0x1410]  }
0x268: {  	v55 =	vld [tilespmem:s17+$0x1420];
	v2 =	vadd.f32 v7, v2  }
0x269: {  	v56 =	vld [tilespmem:s17+$0x1430]  }
0x26a: {  	v57 =	vld [tilespmem:s17+$0x1690];
	v4 =	vadd.f32 v6, v4;
	v2 =	vadd.f32 v9, v2  }
0x26b: {  	v58 =	vld [tilespmem:s17+$0x16A0];
	v8 =	vadd.f32 v10, v8;
	v9 =	vadd.f32 v14, v12  }
0x26c: {  	v59 =	vld [tilespmem:s17+$0x1920];
	v4 =	vadd.f32 v16, v4;
	v2 =	vadd.f32 v11, v2  }
0x26d: {  	v3 =	vld [tilespmem:s17+$0xC90];
	v8 =	vadd.f32 v18, v8;
	v9 =	vadd.f32 v20, v9  }
0x26e: {  	v5 =	vld [tilespmem:s17+$0xCB0];
	v4 =	vadd.f32 v22, v4;
	v2 =	vadd.f32 v13, v2  }
0x26f: {  	v6 =	vld [tilespmem:s17+$0x1190];
	v8 =	vadd.f32 v24, v8;
	v9 =	vadd.f32 v26, v9  }
0x270: {  	v7 =	vld [tilespmem:s17+$0xF20];
	v4 =	vadd.f32 v28, v4;
	v2 =	vadd.f32 v15, v2  }
0x271: {  	v10 =	vld [tilespmem:s17+$0x11A0];
	v8 =	vadd.f32 v30, v8;
	v9 =	vadd.f32 v32, v9  }
0x272: {  	v11 =	vld [tilespmem:s17+$0x11B0];
	v3 =	vadd.f32 v3, v4;
	v2 =	vadd.f32 v17, v2  }
0x273: {  	v60 =	vld [tilespmem:s17+$0x1E10];
	v8 =	vadd.f32 v33, v8;
	v5 =	vadd.f32 v5, v9  }
0x274: {  	v61 =	vld [tilespmem:s17+$0x1E20];
	v3 =	vadd.f32 v34, v3;
	v2 =	vadd.f32 v19, v2  }
0x275: {  	v4 =	vld [tilespmem:s17+$0x16B0];
	v7 =	vadd.f32 v7, v8;
	v5 =	vadd.f32 v35, v5  }
0x276: {  	v8 =	vld [tilespmem:s17+$0x1930];
	v3 =	vadd.f32 v6, v3;
	v2 =	vadd.f32 v21, v2  }
0x277: {  	v7 =	vadd.f32 v10, v7;
	v9 =	vld [tilespmem:s17+$0x1910];
	v5 =	vadd.f32 v11, v5  }
0x278: {  	v6 =	vld [tilespmem:s17+$0x1B90];
	v3 =	vadd.f32 v54, v3;
	v2 =	vadd.f32 v23, v2  }
0x279: {  	v10 =	vld [tilespmem:s17+$0x1BA0];
	v7 =	vadd.f32 v55, v7;
	v5 =	vadd.f32 v56, v5  }
0x27a: {  	v3 =	vadd.f32 v57, v3;
	v11 =	vld [tilespmem:s17+$0x1BB0];
	v2 =	vadd.f32 v25, v2  }
0x27b: {  	v62 =	vld [tilespmem:s17+$0x20A0];
	v7 =	vadd.f32 v58, v7;
	v4 =	vadd.f32 v4, v5  }
0x27c: {  	v3 =	vadd.f32 v9, v3;
	v5 =	vld [tilespmem:s17+$0x1E30];
	v2 =	vadd.f32 v27, v2  }
0x27d: {  	v7 =	vadd.f32 v59, v7;
	v9 =	vld [tilespmem:s17+$0x2090];
	v4 =	vadd.f32 v8, v4  }
0x27e: {  	v63 =	vld [tilespmem:s17+$0x20B0];
	v6 =	vadd.f32 v6, v3;
	v2 =	vadd.f32 v29, v2  }
0x27f: {  	v7 =	vadd.f32 v10, v7;
	v3 =	vld [tilespmem:s17+$0x2310];
	v4 =	vadd.f32 v11, v4  }
0x280: {  	v6 =	vadd.f32 v60, v6;
	v10 =	vadd.f32 v31, v2;
	v2 =	vld [tilespmem:s17+$0x2320]  }
0x281: {  	v7 =	vadd.f32 v61, v7;
	v11 =	vadd.f32 v5, v4;
	v4 =	vld [tilespmem:s17+$0x2330]  }
0x282: {  	v8 =	vadd.f32 v9, v6;
	v5 =	vld [tilespmem:s17+$0x2590]  }
0x283: {  	s11 =	simm.s32 $0x9D00;
	s26 =	smov.u32 s28;
	v7 =	vadd.f32 v62, v7;
	v6 =	vld [tilespmem:s17+$0x25A0];
	[tilespmem:s17+$0x0] =	vst v10;
	v9 =	vadd.f32 v63, v11  }
.LBB2_18:
0x284: {  	s10 =	sadd.s32 $0x40, s10;
	v3 =	vadd.f32 v3, v8;
	v8 =	vld [tilespmem:s17+$0x25B0];
	s11 =	sadd.s32 $0x40, s11  }
0x285: {  	v10 =	vld [tilespmem:s11+$0x0];
	s12 =	sand.u32 $0x3C0, s10;
	p1 =	slt.u32 s10, $0x240;
	v2 =	vadd.f32 v2, v7  }
0x286: {  	v7 =	vld [tilespmem:s12+$0x9F80];
	v4 =	vadd.f32 v4, v9  }
0x287: {  	v9 =	vld [tilespmem:s11+$0x10];
	v3 =	vadd.f32 v5, v3  }
0x288: {  	v5 =	vld [tilespmem:s12+$0xA200];
	v2 =	vadd.f32 v6, v2  }
0x289: {  	v6 =	vld [tilespmem:s11+$0x290];
	[tilespmem:s17+$0x10] =	vst v3;
	v3 =	vadd.f32 v8, v4  }
0x28a: {  	v4 =	vld [tilespmem:s12+$0xA480];
	[tilespmem:s17+$0x20] =	vst v2  }
0x28b: {  	v2 =	vadd.f32 v7, v10;
	v7 =	vld [tilespmem:s11+$0x20];
	[tilespmem:s17+$0x30] =	vst v3;
	s17 =	smov.u32 s11  }
0x28c: {  	v3 =	vld [tilespmem:s12+$0xA700]  }
0x28d: {  	v2 =	vadd.f32 v5, v2;
	v5 =	vld [tilespmem:s11+$0x2A0]  }
0x28e: {  	v8 =	vld [tilespmem:s12+$0xA980];
	v6 =	vadd.f32 v6, v9  }
0x28f: {  	v2 =	vadd.f32 v4, v2;
	v4 =	vld [tilespmem:s11+$0x30]  }
0x290: {  	v9 =	vld [tilespmem:s12+$0xAC00]  }
0x291: {  	v2 =	vadd.f32 v3, v2;
	v3 =	vld [tilespmem:s11+$0x2B0]  }
0x292: {  	v10 =	vld [tilespmem:s12+$0xAE80];
	v5 =	vadd.f32 v5, v7  }
0x293: {  	v2 =	vadd.f32 v8, v2;
	v7 =	vld [tilespmem:s11+$0x510]  }
0x294: {  	v8 =	vld [tilespmem:s12+$0xB100]  }
0x295: {  	v2 =	vadd.f32 v9, v2;
	v9 =	vld [tilespmem:s11+$0x520]  }
0x296: {  	v11 =	vld [tilespmem:s12+$0xB380];
	v3 =	vadd.f32 v3, v4  }
0x297: {  	v2 =	vadd.f32 v10, v2;
	v4 =	vld [tilespmem:s11+$0x530]  }
0x298: {  	v10 =	vld [tilespmem:s12+$0xB600];
	v6 =	vadd.f32 v7, v6  }
0x299: {  	v2 =	vadd.f32 v8, v2;
	v7 =	vld [tilespmem:s11+$0x790]  }
0x29a: {  	v8 =	vld [tilespmem:s12+$0xB880];
	v5 =	vadd.f32 v9, v5  }
0x29b: {  	v2 =	vadd.f32 v11, v2;
	v9 =	vld [tilespmem:s11+$0x7A0]  }
0x29c: {  	v11 =	vld [tilespmem:s12+$0xBB00];
	v3 =	vadd.f32 v4, v3  }
0x29d: {  	v2 =	vadd.f32 v10, v2;
	v4 =	vld [tilespmem:s11+$0x7B0]  }
0x29e: {  	v10 =	vld [tilespmem:s12+$0xBD80];
	v6 =	vadd.f32 v7, v6  }
0x29f: {  	v2 =	vadd.f32 v8, v2;
	v7 =	vld [tilespmem:s11+$0xA10]  }
0x2a0: {  	v8 =	vld [tilespmem:s12+$0xC000];
	v5 =	vadd.f32 v9, v5  }
0x2a1: {  	v2 =	vadd.f32 v11, v2;
	v9 =	vld [tilespmem:s11+$0xA20]  }
0x2a2: {  	v11 =	vld [tilespmem:s12+$0xC280];
	v3 =	vadd.f32 v4, v3  }
0x2a3: {  	v2 =	vadd.f32 v10, v2;
	v4 =	vld [tilespmem:s11+$0xA30]  }
0x2a4: {  	v6 =	vadd.f32 v7, v6;
	v7 =	vld [tilespmem:s11+$0xC90]  }
0x2a5: {  	v2 =	vadd.f32 v8, v2;
	v8 =	vld [tilespmem:s11+$0xCA0]  }
0x2a6: {  	v5 =	vadd.f32 v9, v5;
	v9 =	vld [tilespmem:s11+$0xCB0]  }
0x2a7: {  	v2 =	vadd.f32 v11, v2;
	v10 =	vld [tilespmem:s11+$0xF10]  }
0x2a8: {  	v11 =	vld [tilespmem:s11+$0xF20];
	v3 =	vadd.f32 v4, v3  }
0x2a9: {  	[tilespmem:s11+$0x0] =	vst v2;
	v2 =	vadd.f32 v7, v6;
	v4 =	vld [tilespmem:s11+$0xF30]  }
0x2aa: {  	v6 =	vld [tilespmem:s11+$0x1190];
	v5 =	vadd.f32 v8, v5  }
0x2ab: {  	v7 =	vld [tilespmem:s11+$0x11A0];
	v3 =	vadd.f32 v9, v3  }
0x2ac: {  	v2 =	vadd.f32 v10, v2;
	v8 =	vld [tilespmem:s11+$0x11B0]  }
0x2ad: {  	v9 =	vld [tilespmem:s11+$0x1410];
	v5 =	vadd.f32 v11, v5  }
0x2ae: {  	v10 =	vld [tilespmem:s11+$0x1420];
	v3 =	vadd.f32 v4, v3  }
0x2af: {  	v2 =	vadd.f32 v6, v2;
	v4 =	vld [tilespmem:s11+$0x1430]  }
0x2b0: {  	v6 =	vld [tilespmem:s11+$0x1690];
	v5 =	vadd.f32 v7, v5  }
0x2b1: {  	v7 =	vld [tilespmem:s11+$0x16A0];
	v3 =	vadd.f32 v8, v3  }
0x2b2: {  	v2 =	vadd.f32 v9, v2;
	v8 =	vld [tilespmem:s11+$0x16B0]  }
0x2b3: {  	v9 =	vld [tilespmem:s11+$0x1910];
	v5 =	vadd.f32 v10, v5  }
0x2b4: {  	v10 =	vld [tilespmem:s11+$0x1920];
	v3 =	vadd.f32 v4, v3  }
0x2b5: {  	v2 =	vadd.f32 v6, v2;
	v4 =	vld [tilespmem:s11+$0x1930]  }
0x2b6: {  	v6 =	vld [tilespmem:s11+$0x1B90];
	v5 =	vadd.f32 v7, v5  }
0x2b7: {  	v7 =	vld [tilespmem:s11+$0x1BA0];
	v3 =	vadd.f32 v8, v3  }
0x2b8: {  	v2 =	vadd.f32 v9, v2;
	v8 =	vld [tilespmem:s11+$0x1BB0]  }
0x2b9: {  	v9 =	vld [tilespmem:s11+$0x1E10];
	v5 =	vadd.f32 v10, v5  }
0x2ba: {  	v10 =	vld [tilespmem:s11+$0x1E20];
	v3 =	vadd.f32 v4, v3  }
0x2bb: {  	v2 =	vadd.f32 v6, v2;
	v4 =	vld [tilespmem:s11+$0x1E30]  }
0x2bc: {  	v6 =	vld [tilespmem:s11+$0x2090];
	v5 =	vadd.f32 v7, v5  }
0x2bd: {  	v7 =	vld [tilespmem:s11+$0x20A0];
	v8 =	vadd.f32 v8, v3  }
0x2be: {  	v9 =	vadd.f32 v9, v2;
	v11 =	vld [tilespmem:s11+$0x20B0]  }
.Ltmp8:
0x2bf: {  	v3 =	vld [tilespmem:s11+$0x2310];
	v10 =	vadd.f32 v10, v5;
	(pc) =	sbr.rel @p1 .LBB2_18-.Ltmp8, $4  }
0x2c0: {  	v2 =	vld [tilespmem:s11+$0x2320];
	v12 =	vadd.f32 v4, v8  }
0x2c1: {  	v8 =	vadd.f32 v6, v9;
	v4 =	vld [tilespmem:s11+$0x2330]  }
0x2c2: {  	v5 =	vld [tilespmem:s11+$0x2590];
	v7 =	vadd.f32 v7, v10  }
0x2c3: {  	v6 =	vld [tilespmem:s11+$0x25A0];
	v9 =	vadd.f32 v11, v12  }
0x2c4: {  	v10 =	vld [tilespmem:s17+$0x25B0]  }
0x2c5: {  	v3 =	vadd.f32 v3, v8  }
0x2c6: {  	v2 =	vadd.f32 v2, v7  }
0x2c7: {  	v4 =	vadd.f32 v4, v9;
	v3 =	vadd.f32 v5, v3  }
0x2c8: {  	v2 =	vadd.f32 v6, v2  }
0x2c9: {  	[tilespmem:s17+$0x10] =	vst v3;
	v3 =	vadd.f32 v10, v4  }
0x2ca: {  	[tilespmem:s17+$0x20] =	vst v2  }
0x2cb: {  	s10 =	simm.s32 $0x9D00;
	[tilespmem:s17+$0x30] =	vst v3  }
0x2cc: {  	[spmem:s29] =	stream.linear.scatter [tilespmem:s10], [sflag:$0x2], $0x280, $0x38;
	[tilespmem:$0x1DE00] =	vst v63  }
0x2cd: {  	_ =	swait.ge [sflag:s8], $0x280  }
0x2ce: {  	[sflag:s8] =	ssyncset.done $0x0  }
0x2cf: {  	[sflag:s8] =	ssyncadd.s32 $0xFFFFFD80  }
0x2d0: {  	[bflag:$0x0] =	sbarrier.arrive $0xFFFF  }
0x2d1: {  	[tilespmem:s18], [sflag:$0x2] =	stream.linear.gather [spmem:s26], $0x2800, $0x38;
	[tilespmem:$0x1DE00] =	vst v63  }
0x2d2: {  	_ =	swait.ge [sflag:s8], $0x2800  }
0x2d3: {  	[sflag:s8] =	ssyncset.done $0x0  }
0x2d4: {  	s11 =	simm.s32 $0x13BC0;
	[sflag:s8] =	ssyncadd.s32 $0xFFFFD800  }
0x2d5: {  	s17 =	simm.s32 $0xEBC0;
	v3 =	vld [tilespmem:s11+$0x30]  }
0x2d6: {  	v4 =	vld [tilespmem:s17+$0x30]  }
0x2d7: {  	v5 =	vld [tilespmem:s11+$0xFFFFFFD0]  }
0x2d8: {  	v6 =	vld [tilespmem:s17+$0xFFFFFFD0]  }
0x2d9: {  	v7 =	vld [tilespmem:s11+$0xFFFFFFE0]  }
0x2da: {  	v8 =	vld [tilespmem:s17+$0xFFFFFFE0]  }
0x2db: {  	v2 =	vld [tilespmem:s17+$0xFFFFFFC0]  }
0x2dc: {  	v9 =	vld [tilespmem:s17+$0xFFFFFFF0];
	v3 =	vadd.f32 v4, v3  }
0x2dd: {  	v4 =	vld [tilespmem:s11+$0xFFFFFFF0]  }
0x2de: {  	s12 =	simm.s32 $0x113C0;
	v10 =	vld [tilespmem:s11+$0x0];
	[tilespmem:s11+$0x30] =	vst v3;
	v3 =	vadd.f32 v6, v5  }
0x2df: {  	v11 =	vld [tilespmem:s17+$0x0];
	v6 =	vadd.f32 v8, v7;
	[tilespmem:s12+$0x30] =	vst v0  }
0x2e0: {  	v5 =	vld [tilespmem:s17+$0x10];
	[tilespmem:s11+$0xFFFFFFD0] =	vst v3  }
0x2e1: {  	v3 =	vld [tilespmem:s11+$0x10];
	[tilespmem:s11+$0xFFFFFFE0] =	vst v6  }
0x2e2: {  	v6 =	vld [tilespmem:s17+$0x20];
	[tilespmem:s12+$0xFFFFFFD0] =	vst v0;
	v8 =	vadd.f32 v9, v4  }
0x2e3: {  	s28 =	smov.u32 s29;
	s15 =	simm.s32 $0x0;
	v4 =	vld [tilespmem:s11+$0x20];
	[tilespmem:s12+$0xFFFFFFE0] =	vst v0  }
0x2e4: {  	s16 =	simm.s32 $0x13C40;
	s13 =	simm.s32 $0x113C0;
	s10 =	simm.s32 $0xC440;
	v7 =	vld [tilespmem:s11+$0xFFFFFFC0];
	[tilespmem:s11+$0xFFFFFFF0] =	vst v8;
	v8 =	vadd.f32 v11, v10  }
.LBB2_20:
0x2e5: {  	v9 =	vld [tilespmem:s16+$0x30];
	[tilespmem:s12+$0xFFFFFFF0] =	vst v0;
	s17 =	sadd.s32 $0x80, s17  }
0x2e6: {  	v10 =	vld [tilespmem:s17+$0x30];
	[tilespmem:s11+$0x0] =	vst v8;
	v3 =	vadd.f32 v5, v3  }
0x2e7: {  	s15 =	sadd.s32 $0x80, s15;
	v5 =	vld [tilespmem:s17+$0xFFFFFFC0];
	[tilespmem:s12+$0x0] =	vst v0  }
0x2e8: {  	p1 =	slt.u32 s15, $0x2780;
	v8 =	vld [tilespmem:s16+$0xFFFFFFD0];
	[tilespmem:s11+$0x10] =	vst v3;
	v3 =	vadd.f32 v6, v4  }
0x2e9: {  	v4 =	vld [tilespmem:s17+$0xFFFFFFD0];
	v11 =	vadd.f32 v2, v7;
	[tilespmem:s12+$0x10] =	vst v0  }
0x2ea: {  	v6 =	vld [tilespmem:s16+$0xFFFFFFE0];
	[tilespmem:s11+$0x20] =	vst v3  }
0x2eb: {  	v3 =	vld [tilespmem:s17+$0xFFFFFFE0];
	v7 =	vadd.f32 v10, v9;
	[tilespmem:s11+$0xFFFFFFC0] =	vst v11;
	s11 =	smov.u32 s16  }
0x2ec: {  	v9 =	vld [tilespmem:s16+$0xFFFFFFF0];
	[tilespmem:s12+$0xFFFFFFC0] =	vst v0;
	v2 =	vmov v5  }
0x2ed: {  	s12 =	sadd.s32 $0x80, s12;
	v10 =	vld [tilespmem:s17+$0xFFFFFFF0];
	[tilespmem:s16+$0x30] =	vst v7  }
0x2ee: {  	v4 =	vadd.f32 v4, v8;
	v8 =	vld [tilespmem:s16+$0x0];
	[tilespmem:s12+$0x30] =	vst v0  }
0x2ef: {  	v11 =	vld [tilespmem:s17+$0x0];
	[tilespmem:s13+$0x20] =	vst v0;
	s13 =	smov.u32 s12  }
.Ltmp9:
0x2f0: {  	[tilespmem:s16+$0xFFFFFFD0] =	vst v4;
	v4 =	vadd.f32 v3, v6;
	v3 =	vld [tilespmem:s16+$0x10];
	(pc) =	sbr.rel @p1 .LBB2_20-.Ltmp9, $4  }
0x2f1: {  	[tilespmem:s12+$0xFFFFFFD0] =	vst v0;
	v5 =	vld [tilespmem:s17+$0x10]  }
0x2f2: {  	[tilespmem:s16+$0xFFFFFFE0] =	vst v4;
	v9 =	vadd.f32 v10, v9;
	v4 =	vld [tilespmem:s16+$0x20]  }
0x2f3: {  	[tilespmem:s12+$0xFFFFFFE0] =	vst v0;
	v6 =	vld [tilespmem:s17+$0x20]  }
0x2f4: {  	s16 =	sadd.s32 $0x80, s16;
	v7 =	vld [tilespmem:s11+$0xFFFFFFC0];
	[tilespmem:s11+$0xFFFFFFF0] =	vst v9;
	v8 =	vadd.f32 v11, v8  }
0x2f5: {  	[tilespmem:s12+$0xFFFFFFF0] =	vst v0  }
0x2f6: {  	[tilespmem:s11+$0x0] =	vst v8;
	v3 =	vadd.f32 v5, v3  }
0x2f7: {  	[tilespmem:s12+$0x0] =	vst v0  }
0x2f8: {  	[tilespmem:s11+$0x10] =	vst v3;
	v3 =	vadd.f32 v6, v4  }
0x2f9: {  	v2 =	vadd.f32 v2, v7;
	[tilespmem:s12+$0x10] =	vst v0  }
0x2fa: {  	[tilespmem:s11+$0x20] =	vst v3  }
0x2fb: {  	[tilespmem:s11+$0xFFFFFFC0] =	vst v2  }
0x2fc: {  	[tilespmem:s13+$0x20] =	vst v0  }
0x2fd: {  	[tilespmem:s12+$0xFFFFFFC0] =	vst v0  }
0x2fe: {  	v2 =	vld [tilespmem:s22+$0x10]  }
0x2ff: {  	v3 =	vld [tilespmem:s23+$0x10]  }
0x300: {  	v10 =	vld [tilespmem:s23+$0xFFFFFFE0]  }
0x301: {  	v11 =	vld [tilespmem:s22+$0xFFFFFFF0]  }
0x302: {  	v15 =	vld [tilespmem:s23+$0xFFFFFFF0]  }
0x303: {  	v17 =	vld [tilespmem:s22+$0x0]  }
0x304: {  	v18 =	vld [tilespmem:s23+$0x0]  }
0x305: {  	v12 =	vld [tilespmem:s22+$0xFFFFFFE0]  }
0x306: {  	v4 =	vld.idx.msk [tilespmem:v2+s19+$0x0], $0xffff  }
0x307: {  	s29 =	sadd.s32 $0x40, s22;
	v5 =	vld.idx.msk [tilespmem:v3+s19+$0x0], $0xffff  }
0x308: {  	s11 =	sadd.s32 $0x40, s23;
	v8 =	vld [tilespmem:s29+$0x10]  }
0x309: {  	v9 =	vld [tilespmem:s11+$0x10]  }
0x30a: {  	v6 =	vld [tilespmem:s11+$0xFFFFFFE0]  }
0x30b: {  	v7 =	vld.idx.msk [tilespmem:v11+s19+$0x0], $0xffff  }
0x30c: {  	v13 =	vld.idx.msk [tilespmem:v15+s19+$0x0], $0xffff;
	vm0 =	vgt.f32 v4, $0.0e+00;
	vm1 =	vgt.f32 v5, $0.0e+00  }
0x30d: {  	v14 =	vld.idx.msk [tilespmem:v17+s19+$0x0], $0xffff;
	vm0 =	vmand vm0, vm1  }
0x30e: {  	v16 =	vld.idx.msk [tilespmem:v18+s19+$0x0], $0xffff  }
0x30f: {  	v4 =	vld.idx.msk [tilespmem:v10+s19+$0x0], $0xffff  }
0x310: {  	v19 =	vld.idx.msk [tilespmem:v12+s19+$0x0], $0xffff  }
0x311: {  	v22 =	vld.idx.msk [tilespmem:v9+s19+$0x0], $0xffff  }
0x312: {  	v5 =	vld [tilespmem:s29+$0xFFFFFFF0]  }
0x313: {  	vm1 =	vgt.f32 v7, $0.0e+00;
	v7 =	vld [tilespmem:s29+$0xFFFFFFE0];
	[tilespmem:v2+s14+$0x0] =	vst.idx.msk vm0, v1  }
0x314: {  	vm2 =	vgt.f32 v13, $0.0e+00;
	vm3 =	vgt.f32 v4, $0.0e+00;
	v4 =	vld [tilespmem:s11+$0x0];
	[tilespmem:v3+s14+$0x0] =	vst.idx.msk vm0, v1  }
0x315: {  	vm1 =	vmand vm1, vm2;
	v21 =	vld.idx.msk [tilespmem:v3+s20+$0x0], $0xffff  }
0x316: {  	v3 =	vld [tilespmem:s11+$0xFFFFFFF0]  }
0x317: {  	vm2 =	vgt.f32 v19, $0.0e+00;
	v20 =	vld.idx.msk [tilespmem:v2+s20+$0x0], $0xffff  }
0x318: {  	vm2 =	vmand vm2, vm3;
	v2 =	vld [tilespmem:s29+$0x0]  }
0x319: {  	v23 =	vld.idx.msk [tilespmem:v6+s19+$0x0], $0xffff;
	vm4 =	vgt.f32 v16, $0.0e+00;
	vm3 =	vgt.f32 v14, $0.0e+00  }
0x31a: {  	v19 =	vld.idx.msk [tilespmem:v8+s19+$0x0], $0xffff;
	vm3 =	vmand vm3, vm4  }
0x31b: {  	v24 =	vld.idx.msk [tilespmem:v5+s19+$0x0], $0xffff;
	[tilespmem:v11+s14+$0x0] =	vst.idx.msk vm1, v1  }
0x31c: {  	v14 =	vsel vm0, $0x3F800000, v0;
	v26 =	vld.idx.msk [tilespmem:v7+s19+$0x0], $0xffff;
	[tilespmem:v15+s14+$0x0] =	vst.idx.msk vm1, v1  }
0x31d: {  	[tilespmem:s10+$0x0] =	vst v14;
	v14 =	vld.idx.msk [tilespmem:v11+s20+$0x0], $0xffff  }
0x31e: {  	vm5 =	vgt.f32 v22, $0.0e+00;
	[tilespmem:v12+s14+$0x0] =	vst.idx.msk vm2, v1;
	v13 =	vadd.f32 v21, v20;
	v62 =	vld.idx.msk [tilespmem:v3+s19+$0x0], $0xffff  }
0x31f: {  	v27 =	vsel vm1, $0x3F800000, v0;
	v29 =	vsel vm2, $0x3F800000, v0;
	vm4 =	vgt.f32 v19, $0.0e+00;
	[tilespmem:v10+s14+$0x0] =	vst.idx.msk vm2, v1;
	v25 =	vld.idx.msk [tilespmem:v4+s19+$0x0], $0xffff  }
0x320: {  	v28 =	vsel vm3, $0x3F800000, v0;
	[tilespmem:v17+s14+$0x0] =	vst.idx.msk vm3, v1;
	v13 =	vnsel vm0, $0x0, v13;
	vm0 =	vmmov vm2;
	v63 =	vld.idx.msk [tilespmem:v2+s19+$0x0], $0xffff  }
0x321: {  	v16 =	vld.idx.msk [tilespmem:v15+s20+$0x0], $0xffff;
	[tilespmem:v18+s14+$0x0] =	vst.idx.msk vm3, v1;
	vm2 =	vmmov vm1;
	vm1 =	vmmov vm3;
	vm3 =	vmand vm4, vm5  }
0x322: {  	v12 =	vld.idx.msk [tilespmem:v12+s20+$0x0], $0xffff  }
0x323: {  	vm4 =	vgt.f32 v24, $0.0e+00;
	[tilespmem:s10+$0xFFFFD8F0] =	vst v13;
	v13 =	vld.idx.msk [tilespmem:v10+s20+$0x0], $0xffff;
	vm5 =	vgt.f32 v62, $0.0e+00  }
0x324: {  	vm6 =	vgt.f32 v23, $0.0e+00;
	[tilespmem:s10+$0xFFFFFFE0] =	vst v27;
	v15 =	vld.idx.msk [tilespmem:v17+s20+$0x0], $0xffff;
	vm4 =	vmand vm4, vm5  }
0x325: {  	vm7 =	vgt.f32 v26, $0.0e+00;
	v17 =	vld.idx.msk [tilespmem:v18+s20+$0x0], $0xffff;
	[tilespmem:s10+$0xFFFFFFF0] =	vst v28;
	vm8 =	vgt.f32 v25, $0.0e+00;
	vm5 =	vgt.f32 v63, $0.0e+00  }
0x326: {  	s17 =	simm.s32 $0x40;
	s12 =	sadd.s32 $0x40, s29;
	v11 =	vsel vm3, $0x3F800000, v0;
	[tilespmem:s10+$0xFFFFFFD0] =	vst v29;
	v10 =	vsel vm4, $0x3F800000, v0;
	vm5 =	vmand vm5, vm8  }
.LBB2_22:
0x327: {  	v18 =	vld [tilespmem:s12+$0x10];
	vm6 =	vmand vm7, vm6;
	v19 =	vsel vm5, $0x3F800000, v0;
	[tilespmem:v8+s14+$0x0] =	vst.idx.msk vm3, v1;
	s11 =	sadd.s32 $0x40, s11  }
0x328: {  	v12 =	vadd.f32 v13, v12;
	v20 =	vld [tilespmem:s11+$0x10];
	v21 =	vsel vm6, $0x3F800000, v0;
	[tilespmem:v9+s14+$0x0] =	vst.idx.msk vm3, v1  }
0x329: {  	v13 =	vld.idx.msk [tilespmem:v8+s20+$0x0], $0xffff  }
0x32a: {  	v12 =	vnsel vm0, $0x0, v12;
	v24 =	vadd.f32 v16, v14;
	vm0 =	vmmov vm6;
	[tilespmem:v5+s14+$0x0] =	vst.idx.msk vm4, v1;
	v22 =	vld.idx.msk [tilespmem:v9+s20+$0x0], $0xffff  }
0x32b: {  	v14 =	vld [tilespmem:s11+$0xFFFFFFE0];
	[tilespmem:v3+s14+$0x0] =	vst.idx.msk vm4, v1  }
0x32c: {  	s17 =	sadd.s32 $0x40, s17;
	v23 =	vnsel vm2, $0x0, v24;
	v15 =	vadd.f32 v17, v15;
	vm2 =	vmmov vm4;
	v16 =	vld [tilespmem:s12+$0xFFFFFFF0];
	[tilespmem:v2+s14+$0x0] =	vst.idx.msk vm5, v1;
	v8 =	vmovc v18  }
0x32d: {  	p1 =	slt.u32 s17, $0x26C0;
	v17 =	vld [tilespmem:s11+$0xFFFFFFF0];
	[tilespmem:v7+s14+$0x0] =	vst.idx.msk vm6, v1;
	v9 =	vmov v20  }
0x32e: {  	v15 =	vnsel vm1, $0x0, v15;
	vm1 =	vmmov vm5;
	v18 =	vld [tilespmem:s12+$0x0];
	[tilespmem:v6+s14+$0x0] =	vst.idx.msk vm6, v1  }
0x32f: {  	v20 =	vld [tilespmem:s11+$0x0];
	[tilespmem:v4+s14+$0x0] =	vst.idx.msk vm5, v1  }
0x330: {  	v13 =	vadd.f32 v22, v13;
	v24 =	vld [tilespmem:s12+$0xFFFFFFE0];
	[tilespmem:s10+$0xFFFFD8C0] =	vst v12  }
0x331: {  	v12 =	vld.idx.msk [tilespmem:v8+s19+$0x0], $0xffff;
	[tilespmem:s10+$0xFFFFD8D0] =	vst v23  }
0x332: {  	v13 =	vnsel vm3, $0x0, v13;
	v22 =	vld.idx.msk [tilespmem:v9+s19+$0x0], $0xffff;
	[tilespmem:s10+$0xFFFFD8E0] =	vst v15;
	s10 =	sadd.s32 $0x40, s10  }
0x333: {  	v15 =	vld.idx.msk [tilespmem:v14+s19+$0x0], $0xffff;
	[tilespmem:s10+$0xFFFFD8F0] =	vst v13  }
0x334: {  	v13 =	vld.idx.msk [tilespmem:v16+s19+$0x0], $0xffff;
	[tilespmem:s10+$0x0] =	vst v11  }
0x335: {  	v23 =	vld.idx.msk [tilespmem:v17+s19+$0x0], $0xffff  }
0x336: {  	v25 =	vld.idx.msk [tilespmem:v18+s19+$0x0], $0xffff  }
0x337: {  	v26 =	vld.idx.msk [tilespmem:v20+s19+$0x0], $0xffff  }
0x338: {  	vm3 =	vgt.f32 v12, $0.0e+00;
	vm4 =	vgt.f32 v22, $0.0e+00;
	v27 =	vld.idx.msk [tilespmem:v24+s19+$0x0], $0xffff  }
0x339: {  	vm6 =	vgt.f32 v15, $0.0e+00;
	vm3 =	vmand vm3, vm4;
	v12 =	vld.idx.msk [tilespmem:v7+s20+$0x0], $0xffff;
	v7 =	vmov v24  }
.Ltmp10:
0x33a: {  	vm4 =	vgt.f32 v13, $0.0e+00;
	v11 =	vsel vm3, $0x3F800000, v0;
	v13 =	vld.idx.msk [tilespmem:v6+s20+$0x0], $0xffff;
	[tilespmem:s10+$0xFFFFFFD0] =	vst v21;
	v6 =	vmov v14;
	(pc) =	sbr.rel @p1 .LBB2_22-.Ltmp10, $4  }
0x33b: {  	vm5 =	vgt.f32 v23, $0.0e+00;
	v14 =	vld.idx.msk [tilespmem:v5+s20+$0x0], $0xffff;
	v5 =	vmov v16  }
0x33c: {  	vm4 =	vmand vm4, vm5;
	vm5 =	vgt.f32 v25, $0.0e+00;
	v16 =	vld.idx.msk [tilespmem:v3+s20+$0x0], $0xffff;
	[tilespmem:s10+$0xFFFFFFE0] =	vst v10;
	v3 =	vmov v17  }
0x33d: {  	v10 =	vsel vm4, $0x3F800000, v0;
	vm8 =	vgt.f32 v26, $0.0e+00;
	v15 =	vld.idx.msk [tilespmem:v2+s20+$0x0], $0xffff;
	v2 =	vmov v18  }
0x33e: {  	s12 =	sadd.s32 $0x40, s12;
	vm7 =	vgt.f32 v27, $0.0e+00;
	vm5 =	vmand vm5, vm8;
	v17 =	vld.idx.msk [tilespmem:v4+s20+$0x0], $0xffff;
	[tilespmem:s10+$0xFFFFFFF0] =	vst v19;
	v4 =	vmov v20  }
0x33f: {  	_ =	sdelay $0x4  }
0x340: {  	vm6 =	vmand vm7, vm6;
	[tilespmem:v8+s14+$0x0] =	vst.idx.msk vm3, v1  }
0x341: {  	[tilespmem:v5+s14+$0x0] =	vst.idx.msk vm4, v1  }
0x342: {  	[tilespmem:v9+s14+$0x0] =	vst.idx.msk vm3, v1  }
0x343: {  	[tilespmem:v2+s14+$0x0] =	vst.idx.msk vm5, v1;
	v8 =	vld.idx.msk [tilespmem:v8+s20+$0x0], $0xffff  }
0x344: {  	[tilespmem:v3+s14+$0x0] =	vst.idx.msk vm4, v1;
	v9 =	vld.idx.msk [tilespmem:v9+s20+$0x0], $0xffff  }
0x345: {  	[tilespmem:v4+s14+$0x0] =	vst.idx.msk vm5, v1;
	v5 =	vld.idx.msk [tilespmem:v5+s20+$0x0], $0xffff  }
0x346: {  	v3 =	vld.idx.msk [tilespmem:v3+s20+$0x0], $0xffff;
	[tilespmem:v7+s14+$0x0] =	vst.idx.msk vm6, v1  }
0x347: {  	v12 =	vadd.f32 v13, v12;
	s13 =	sadd.s32 $0x40, s10;
	v2 =	vld.idx.msk [tilespmem:v2+s20+$0x0], $0xffff;
	[tilespmem:v6+s14+$0x0] =	vst.idx.msk vm6, v1  }
0x348: {  	v13 =	vadd.f32 v16, v14;
	[tilespmem:s13+$0x0] =	vst v11;
	v7 =	vld.idx.msk [tilespmem:v7+s20+$0x0], $0xffff  }
0x349: {  	v12 =	vnsel vm0, $0x0, v12;
	[tilespmem:s13+$0xFFFFFFE0] =	vst v10;
	v14 =	vadd.f32 v17, v15;
	v6 =	vld.idx.msk [tilespmem:v6+s20+$0x0], $0xffff  }
0x34a: {  	v4 =	vld.idx.msk [tilespmem:v4+s20+$0x0], $0xffff;
	[tilespmem:s10+$0xFFFFD8C0] =	vst v12;
	v13 =	vnsel vm2, $0x0, v13;
	v8 =	vadd.f32 v9, v8  }
0x34b: {  	[tilespmem:s10+$0xFFFFD8D0] =	vst v13;
	v9 =	vnsel vm1, $0x0, v14;
	v3 =	vadd.f32 v3, v5  }
0x34c: {  	vm1 =	vmmov vm4;
	[tilespmem:s10+$0xFFFFD8E0] =	vst v9;
	v8 =	vnsel vm3, $0x0, v8  }
0x34d: {  	v3 =	vnsel vm1, $0x0, v3;
	[tilespmem:s13+$0xFFFFD8F0] =	vst v8  }
0x34e: {  	v8 =	vsel vm6, $0x3F800000, v0;
	[tilespmem:s13+$0xFFFFD8D0] =	vst v3;
	v6 =	vadd.f32 v6, v7  }
0x34f: {  	vm0 =	vmmov vm6;
	v2 =	vadd.f32 v4, v2;
	[tilespmem:s13+$0xFFFFFFD0] =	vst v8;
	v7 =	vsel vm5, $0x3F800000, v0  }
0x350: {  	[tilespmem:s13+$0xFFFFFFF0] =	vst v7;
	v5 =	vnsel vm0, $0x0, v6;
	vm0 =	vmmov vm5  }
0x351: {  	[tilespmem:s13+$0xFFFFD8C0] =	vst v5;
	v2 =	vnsel vm0, $0x0, v2  }
0x352: {  	[tilespmem:s13+$0xFFFFD8E0] =	vst v2  }
0x353: {  	s10 =	rddreg [dreg:$0x6]  }
0x354: {  	s15 =	rddreg [dreg:$0x18];
	v2 =	vld [tilespmem:s10+$0x2700]  }
0x355: {  	v3 =	vld [tilespmem:s15+$0x4E80];
	_ =	sdelay $0x6  }
0x356: {  	v4 =	vld.idx.msk [tilespmem:v2+s19+$0x0], $0xffff  }
0x357: {  	v5 =	vld.idx.msk [tilespmem:v3+s19+$0x0], $0xffff;
	_ =	sdelay $0x4  }
0x358: {  	vm0 =	vgt.f32 v4, $0.0e+00;
	vm1 =	vgt.f32 v5, $0.0e+00  }
0x359: {  	vm0 =	vmand vm0, vm1;
	_ =	sdelay $0x5  }
0x35a: {  	[tilespmem:v2+s14+$0x0] =	vst.idx.msk vm0, v1  }
0x35b: {  	[tilespmem:v3+s14+$0x0] =	vst.idx.msk vm0, v1  }
0x35c: {  	v2 =	vld.idx.msk [tilespmem:v2+s20+$0x0], $0xffff  }
0x35d: {  	v3 =	vld.idx.msk [tilespmem:v3+s20+$0x0], $0xffff;
	_ =	sdelay $0x4  }
0x35e: {  	v2 =	vadd.f32 v3, v2;
	_ =	sdelay $0x1  }
0x35f: {  	v2 =	vnsel vm0, $0x0, v2  }
0x360: {  	[tilespmem:$0xC400] =	vst v2;
	v2 =	vsel vm0, $0x3F800000, v0  }
0x361: {  	s11 =	simm.s32 $0x9D00;
	s16 =	rddreg [dreg:$0x11];
	[tilespmem:$0xEB10] =	vst v2  }
0x362: {  	[hbm4b:s16+s4] =	stream.linear.scatter [tilespmem:s11], [sflag:$0x1], $0x2710, $0x38;
	[tilespmem:$0x1DE00] =	vst v63  }
0x363: {  	s29 =	simm.s32 $0xC410;
	s17 =	rddreg [dreg:$0x12]  }
0x364: {  	[hbm4b:s17+s4] =	stream.linear.scatter [tilespmem:s29], [sflag:$0x1], $0x2710, $0x38;
	[tilespmem:$0x1DE00] =	vst v63  }
0x365: {  	v4 =	vld [tilespmem:s24+$0x10]  }
0x366: {  	v5 =	vld [tilespmem:s25+$0x10]  }
0x367: {  	v2 =	vld [tilespmem:s25+$0xFFFFFFE0]  }
0x368: {  	v6 =	vld [tilespmem:s24+$0xFFFFFFF0]  }
0x369: {  	v7 =	vld [tilespmem:s25+$0xFFFFFFF0]  }
0x36a: {  	v8 =	vld [tilespmem:s24+$0x0]  }
0x36b: {  	v3 =	vld [tilespmem:s25+$0x0]  }
0x36c: {  	v9 =	vld [tilespmem:s24+$0xFFFFFFE0]  }
0x36d: {  	v16 =	vld.idx.msk [tilespmem:v4+s19+$0x0], $0xffff  }
0x36e: {  	v17 =	vld.idx.msk [tilespmem:v5+s19+$0x0], $0xffff  }
0x36f: {  	v10 =	vld.idx.msk [tilespmem:v2+s19+$0x0], $0xffff  }
0x370: {  	v13 =	vld.idx.msk [tilespmem:v6+s19+$0x0], $0xffff  }
0x371: {  	v14 =	vld.idx.msk [tilespmem:v7+s19+$0x0], $0xffff  }
0x372: {  	v11 =	vld.idx.msk [tilespmem:v8+s19+$0x0], $0xffff  }
0x373: {  	v12 =	vld.idx.msk [tilespmem:v3+s19+$0x0], $0xffff  }
0x374: {  	s12 =	smov.u32 s25;
	s10 =	simm.s32 $0x0;
	s11 =	sadd.s32 $0x40, s24;
	v15 =	vld.idx.msk [tilespmem:v9+s19+$0x0], $0xffff;
	vm0 =	vgt.f32 v16, $0.0e+00;
	vm1 =	vgt.f32 v17, $0.0e+00  }
.LBB2_24:
0x375: {  	v16 =	vld [tilespmem:s11+$0x10];
	vm2 =	vgt.f32 v10, $0.0e+00;
	vm1 =	vmand vm0, vm1;
	s12 =	sadd.s32 $0x40, s12  }
0x376: {  	vm0 =	vgt.f32 v13, $0.0e+00;
	v10 =	vld [tilespmem:s12+$0x10]  }
0x377: {  	s10 =	sadd.s32 $0x40, s10;
	vm3 =	vgt.f32 v14, $0.0e+00;
	v17 =	vld [tilespmem:s12+$0xFFFFFFE0]  }
0x378: {  	p1 =	slt.u32 s10, $0x26C0;
	vm3 =	vmand vm0, vm3;
	vm0 =	vgt.f32 v11, $0.0e+00;
	v13 =	vld [tilespmem:s11+$0xFFFFFFF0]  }
0x379: {  	vm4 =	vgt.f32 v12, $0.0e+00;
	v11 =	vld [tilespmem:s12+$0xFFFFFFF0]  }
0x37a: {  	vm5 =	vgt.f32 v15, $0.0e+00;
	vm0 =	vmand vm0, vm4;
	v12 =	vld [tilespmem:s11+$0x0]  }
0x37b: {  	vm2 =	vmand vm5, vm2;
	v15 =	vld [tilespmem:s12+$0x0];
	[tilespmem:v4+s14+$0x0] =	vst.idx.msk vm1, v1;
	v4 =	vmov v16  }
0x37c: {  	v18 =	vld [tilespmem:s11+$0xFFFFFFE0];
	[tilespmem:v5+s14+$0x0] =	vst.idx.msk vm1, v1;
	v5 =	vmov v10  }
0x37d: {  	v16 =	vld.idx.msk [tilespmem:v16+s19+$0x0], $0xffff  }
0x37e: {  	v19 =	vld.idx.msk [tilespmem:v10+s19+$0x0], $0xffff;
	[tilespmem:v6+s14+$0x0] =	vst.idx.msk vm3, v1;
	v6 =	vmov v13  }
0x37f: {  	v10 =	vld.idx.msk [tilespmem:v17+s19+$0x0], $0xffff;
	[tilespmem:v7+s14+$0x0] =	vst.idx.msk vm3, v1;
	v7 =	vmov v11  }
.Ltmp11:
0x380: {  	v13 =	vld.idx.msk [tilespmem:v13+s19+$0x0], $0xffff;
	[tilespmem:v8+s14+$0x0] =	vst.idx.msk vm0, v1;
	v8 =	vmov v12;
	(pc) =	sbr.rel @p1 .LBB2_24-.Ltmp11, $4  }
0x381: {  	v14 =	vld.idx.msk [tilespmem:v11+s19+$0x0], $0xffff;
	[tilespmem:v9+s14+$0x0] =	vst.idx.msk vm2, v1;
	v9 =	vmov v18  }
0x382: {  	v11 =	vld.idx.msk [tilespmem:v12+s19+$0x0], $0xffff;
	[tilespmem:v2+s14+$0x0] =	vst.idx.msk vm2, v1;
	v2 =	vmov v17  }
0x383: {  	v12 =	vld.idx.msk [tilespmem:v15+s19+$0x0], $0xffff;
	[tilespmem:v3+s14+$0x0] =	vst.idx.msk vm0, v1;
	v3 =	vmov v15  }
0x384: {  	s11 =	sadd.s32 $0x40, s11;
	vm0 =	vgt.f32 v16, $0.0e+00;
	vm1 =	vgt.f32 v19, $0.0e+00;
	v15 =	vld.idx.msk [tilespmem:v18+s19+$0x0], $0xffff  }
0x385: {  	vm0 =	vmand vm0, vm1  }
0x386: {  	vm11 =	vgt.f32 v13, $0.0e+00;
	vm2 =	vgt.f32 v14, $0.0e+00  }
0x387: {  	vm1 =	vmand vm11, vm2  }
0x388: {  	vm12 =	vgt.f32 v11, $0.0e+00;
	vm3 =	vgt.f32 v12, $0.0e+00  }
0x389: {  	vm4 =	vgt.f32 v10, $0.0e+00;
	vm5 =	vgt.f32 v15, $0.0e+00;
	vm2 =	vmand vm12, vm3  }
0x38a: {  	vm13 =	vmand vm5, vm4  }
0x38b: {  	[tilespmem:v4+s14+$0x0] =	vst.idx.msk vm0, v1  }
0x38c: {  	[tilespmem:v5+s14+$0x0] =	vst.idx.msk vm0, v1  }
0x38d: {  	[tilespmem:v6+s14+$0x0] =	vst.idx.msk vm1, v1  }
0x38e: {  	[tilespmem:v7+s14+$0x0] =	vst.idx.msk vm1, v1  }
0x38f: {  	[tilespmem:v8+s14+$0x0] =	vst.idx.msk vm2, v1  }
0x390: {  	[tilespmem:v9+s14+$0x0] =	vst.idx.msk vm13, v1  }
0x391: {  	[tilespmem:v3+s14+$0x0] =	vst.idx.msk vm2, v1  }
0x392: {  	[tilespmem:v2+s14+$0x0] =	vst.idx.msk vm13, v1  }
0x393: {  	s10 =	rddreg [dreg:$0xe]  }
0x394: {  	s29 =	rddreg [dreg:$0x19];
	v2 =	vld [tilespmem:s10+$0x2700]  }
0x395: {  	v3 =	vld [tilespmem:s29+$0x4E80];
	_ =	sdelay $0x6  }
0x396: {  	v4 =	vld.idx.msk [tilespmem:v2+s19+$0x0], $0xffff  }
0x397: {  	v5 =	vld.idx.msk [tilespmem:v3+s19+$0x0], $0xffff;
	_ =	sdelay $0x4  }
0x398: {  	vm14 =	vgt.f32 v4, $0.0e+00;
	vm15 =	vgt.f32 v5, $0.0e+00  }
0x399: {  	vm0 =	vmand vm14, vm15;
	_ =	sdelay $0x5  }
0x39a: {  	[tilespmem:v2+s14+$0x0] =	vst.idx.msk vm0, v1  }
0x39b: {  	[tilespmem:v3+s14+$0x0] =	vst.idx.msk vm0, v1  }
0x39c: {  	_ =	swait.ge [sflag:s21], $0x2710  }
0x39d: {  	[sflag:s21] =	ssyncset.done $0x0  }
0x39e: {  	[sflag:s21] =	ssyncadd.s32 $0xFFFFD8F0  }
0x39f: {  	_ =	swait.ge [sflag:s21], $0x2710  }
0x3a0: {  	[sflag:s21] =	ssyncset.done $0x0  }
0x3a1: {  	s11 =	rddreg [dreg:$0xa];
	[sflag:s21] =	ssyncadd.s32 $0xFFFFD8F0  }
0x3a2: {  	[spmem:s11] =	stream.linear.scatter [tilespmem:s14], [sflag:$0x2], $0x2800, $0x38;
	[tilespmem:$0x1DE00] =	vst v63  }
0x3a3: {  	_ =	swait.ge [sflag:s8], $0x2800  }
0x3a4: {  	[sflag:s8] =	ssyncset.done $0x0  }
0x3a5: {  	[sflag:s8] =	ssyncadd.s32 $0xFFFFD800  }
0x3a6: {  	s17 =	simm.s32 $0x9D00;
	[bflag:$0x0] =	sbarrier.arrive $0xFFFF  }
0x3a7: {  	[tilespmem:s17], [sflag:$0x1] =	stream.linear.gather [spmem:s9], $0x280, $0x38;
	[tilespmem:$0x1DE00] =	vst v63  }
0x3a8: {  	s11 =	simm.s32 $0x9F80;
	s12 =	rddreg [dreg:$0xb]  }
0x3a9: {  	[tilespmem:s11], [sflag:$0x1] =	stream.linear.gather [spmem:s12], $0x280, $0x38;
	[tilespmem:$0x1DE00] =	vst v63  }
0x3aa: {  	s15 =	simm.s32 $0xA200;
	s13 =	rddreg [dreg:$0xc]  }
0x3ab: {  	[tilespmem:s15], [sflag:$0x1] =	stream.linear.gather [spmem:s13], $0x280, $0x38;
	[tilespmem:$0x1DE00] =	vst v63  }
0x3ac: {  	s29 =	simm.s32 $0xA480;
	s16 =	rddreg [dreg:$0xd]  }
0x3ad: {  	[tilespmem:s29], [sflag:$0x1] =	stream.linear.gather [spmem:s16], $0x280, $0x38;
	[tilespmem:$0x1DE00] =	vst v63  }
0x3ae: {  	s11 =	rddreg [dreg:$0xf];
	s12 =	simm.s32 $0xA700  }
0x3af: {  	[tilespmem:s12], [sflag:$0x1] =	stream.linear.gather [spmem:s11], $0x280, $0x38;
	[tilespmem:$0x1DE00] =	vst v63  }
0x3b0: {  	s13 =	rddreg [dreg:$0x10];
	s15 =	simm.s32 $0xA980  }
0x3b1: {  	[tilespmem:s15], [sflag:$0x1] =	stream.linear.gather [spmem:s13], $0x280, $0x38;
	[tilespmem:$0x1DE00] =	vst v63  }
0x3b2: {  	s16 =	rddreg [dreg:$0x15];
	s29 =	simm.s32 $0xAC00  }
0x3b3: {  	[tilespmem:s29], [sflag:$0x1] =	stream.linear.gather [spmem:s16], $0x280, $0x38;
	[tilespmem:$0x1DE00] =	vst v63  }
0x3b4: {  	s11 =	rddreg [dreg:$0x16];
	s12 =	simm.s32 $0xAE80  }
0x3b5: {  	[tilespmem:s12], [sflag:$0x1] =	stream.linear.gather [spmem:s11], $0x280, $0x38;
	[tilespmem:$0x1DE00] =	vst v63  }
0x3b6: {  	s13 =	rddreg [dreg:$0x17];
	s15 =	simm.s32 $0xB100  }
0x3b7: {  	[tilespmem:s15], [sflag:$0x1] =	stream.linear.gather [spmem:s13], $0x280, $0x38;
	[tilespmem:$0x1DE00] =	vst v63  }
0x3b8: {  	s16 =	simm.s32 $0xB380  }
0x3b9: {  	[tilespmem:s16], [sflag:$0x1] =	stream.linear.gather [spmem:s30], $0x280, $0x38;
	[tilespmem:$0x1DE00] =	vst v63  }
0x3ba: {  	s29 =	simm.s32 $0xB600  }
0x3bb: {  	[tilespmem:s29], [sflag:$0x1] =	stream.linear.gather [spmem:s31], $0x280, $0x38;
	[tilespmem:$0x1DE00] =	vst v63  }
0x3bc: {  	s11 =	simm.s32 $0xB880  }
0x3bd: {  	[tilespmem:s11], [sflag:$0x1] =	stream.linear.gather [spmem:s2], $0x280, $0x38;
	[tilespmem:$0x1DE00] =	vst v63  }
0x3be: {  	s12 =	simm.s32 $0xBB00  }
0x3bf: {  	[tilespmem:s12], [sflag:$0x1] =	stream.linear.gather [spmem:s0], $0x280, $0x38;
	[tilespmem:$0x1DE00] =	vst v63  }
0x3c0: {  	s13 =	simm.s32 $0xBD80  }
0x3c1: {  	[tilespmem:s13], [sflag:$0x1] =	stream.linear.gather [spmem:s1], $0x280, $0x38;
	[tilespmem:$0x1DE00] =	vst v63  }
0x3c2: {  	s15 =	simm.s32 $0xC000  }
0x3c3: {  	[tilespmem:s15], [sflag:$0x1] =	stream.linear.gather [spmem:s3], $0x280, $0x38;
	[tilespmem:$0x1DE00] =	vst v63  }
0x3c4: {  	s16 =	simm.s32 $0xC280  }
0x3c5: {  	[tilespmem:s16], [sflag:$0x1] =	stream.linear.gather [spmem:s6], $0x280, $0x38;
	[tilespmem:$0x1DE00] =	vst v63  }
0x3c6: {  	_ =	swait.ge [sflag:s21], $0x280  }
0x3c7: {  	[sflag:s21] =	ssyncset.done $0x0  }
0x3c8: {  	[sflag:s21] =	ssyncadd.s32 $0xFFFFFD80  }
0x3c9: {  	_ =	swait.ge [sflag:s21], $0x280  }
0x3ca: {  	[sflag:s21] =	ssyncset.done $0x0  }
0x3cb: {  	[sflag:s21] =	ssyncadd.s32 $0xFFFFFD80  }
0x3cc: {  	_ =	swait.ge [sflag:s21], $0x280  }
0x3cd: {  	[sflag:s21] =	ssyncset.done $0x0  }
0x3ce: {  	[sflag:s21] =	ssyncadd.s32 $0xFFFFFD80  }
0x3cf: {  	_ =	swait.ge [sflag:s21], $0x280  }
0x3d0: {  	[sflag:s21] =	ssyncset.done $0x0  }
0x3d1: {  	[sflag:s21] =	ssyncadd.s32 $0xFFFFFD80  }
0x3d2: {  	_ =	swait.ge [sflag:s21], $0x280  }
0x3d3: {  	[sflag:s21] =	ssyncset.done $0x0  }
0x3d4: {  	[sflag:s21] =	ssyncadd.s32 $0xFFFFFD80  }
0x3d5: {  	_ =	swait.ge [sflag:s21], $0x280  }
0x3d6: {  	[sflag:s21] =	ssyncset.done $0x0  }
0x3d7: {  	[sflag:s21] =	ssyncadd.s32 $0xFFFFFD80  }
0x3d8: {  	_ =	swait.ge [sflag:s21], $0x280  }
0x3d9: {  	[sflag:s21] =	ssyncset.done $0x0  }
0x3da: {  	[sflag:s21] =	ssyncadd.s32 $0xFFFFFD80  }
0x3db: {  	_ =	swait.ge [sflag:s21], $0x280  }
0x3dc: {  	[sflag:s21] =	ssyncset.done $0x0  }
0x3dd: {  	[sflag:s21] =	ssyncadd.s32 $0xFFFFFD80  }
0x3de: {  	_ =	swait.ge [sflag:s21], $0x280  }
0x3df: {  	[sflag:s21] =	ssyncset.done $0x0  }
0x3e0: {  	[sflag:s21] =	ssyncadd.s32 $0xFFFFFD80  }
0x3e1: {  	_ =	swait.ge [sflag:s21], $0x280  }
0x3e2: {  	[sflag:s21] =	ssyncset.done $0x0  }
0x3e3: {  	[sflag:s21] =	ssyncadd.s32 $0xFFFFFD80  }
0x3e4: {  	_ =	swait.ge [sflag:s21], $0x280  }
0x3e5: {  	[sflag:s21] =	ssyncset.done $0x0  }
0x3e6: {  	[sflag:s21] =	ssyncadd.s32 $0xFFFFFD80  }
0x3e7: {  	_ =	swait.ge [sflag:s21], $0x280  }
0x3e8: {  	[sflag:s21] =	ssyncset.done $0x0  }
0x3e9: {  	[sflag:s21] =	ssyncadd.s32 $0xFFFFFD80  }
0x3ea: {  	_ =	swait.ge [sflag:s21], $0x280  }
0x3eb: {  	[sflag:s21] =	ssyncset.done $0x0  }
0x3ec: {  	[sflag:s21] =	ssyncadd.s32 $0xFFFFFD80  }
0x3ed: {  	_ =	swait.ge [sflag:s21], $0x280  }
0x3ee: {  	[sflag:s21] =	ssyncset.done $0x0  }
0x3ef: {  	[sflag:s21] =	ssyncadd.s32 $0xFFFFFD80  }
0x3f0: {  	_ =	swait.ge [sflag:s21], $0x280  }
0x3f1: {  	[sflag:s21] =	ssyncset.done $0x0  }
0x3f2: {  	[sflag:s21] =	ssyncadd.s32 $0xFFFFFD80  }
0x3f3: {  	_ =	swait.ge [sflag:s21], $0x280  }
0x3f4: {  	[sflag:s21] =	ssyncset.done $0x0  }
0x3f5: {  	s10 =	simm.s32 $0x0;
	[sflag:s21] =	ssyncadd.s32 $0xFFFFFD80  }
0x3f6: {  	s29 =	sand.u32 $0x3C0, s10;
	v2 =	vld [tilespmem:s17+$0x0]  }
0x3f7: {  	v3 =	vld [tilespmem:s29+$0x9F80]  }
0x3f8: {  	v4 =	vld [tilespmem:s17+$0x10]  }
0x3f9: {  	v5 =	vld [tilespmem:s29+$0xA200]  }
0x3fa: {  	v6 =	vld [tilespmem:s17+$0x290]  }
0x3fb: {  	v7 =	vld [tilespmem:s29+$0xA480]  }
0x3fc: {  	v8 =	vld [tilespmem:s17+$0x20]  }
0x3fd: {  	v9 =	vld [tilespmem:s29+$0xA700]  }
0x3fe: {  	v10 =	vld [tilespmem:s17+$0x2A0]  }
0x3ff: {  	v11 =	vld [tilespmem:s29+$0xA980]  }
0x400: {  	v50 =	vld [tilespmem:s17+$0x30]  }
0x401: {  	v51 =	vld [tilespmem:s29+$0xAC00]  }
0x402: {  	v52 =	vld [tilespmem:s17+$0x2B0]  }
0x403: {  	v53 =	vld [tilespmem:s29+$0xAE80]  }
0x404: {  	v16 =	vld [tilespmem:s17+$0x510]  }
0x405: {  	v17 =	vld [tilespmem:s29+$0xB100]  }
0x406: {  	v18 =	vld [tilespmem:s17+$0x520]  }
0x407: {  	v19 =	vld [tilespmem:s29+$0xB380]  }
0x408: {  	v20 =	vld [tilespmem:s17+$0x530]  }
0x409: {  	v21 =	vld [tilespmem:s29+$0xB600]  }
0x40a: {  	v22 =	vld [tilespmem:s17+$0x790]  }
0x40b: {  	v23 =	vld [tilespmem:s29+$0xB880]  }
0x40c: {  	v24 =	vld [tilespmem:s17+$0x7A0]  }
0x40d: {  	v25 =	vld [tilespmem:s29+$0xBB00]  }
0x40e: {  	v26 =	vld [tilespmem:s17+$0x7B0]  }
0x40f: {  	v27 =	vld [tilespmem:s29+$0xBD80]  }
0x410: {  	v28 =	vld [tilespmem:s17+$0xA10]  }
0x411: {  	v29 =	vld [tilespmem:s29+$0xC000]  }
0x412: {  	v30 =	vld [tilespmem:s17+$0xA20]  }
0x413: {  	v31 =	vld [tilespmem:s29+$0xC280]  }
0x414: {  	v32 =	vld [tilespmem:s17+$0xA30]  }
0x415: {  	v33 =	vld [tilespmem:s17+$0xCA0];
	v2 =	vadd.f32 v3, v2  }
0x416: {  	v34 =	vld [tilespmem:s17+$0xF10]  }
0x417: {  	v35 =	vld [tilespmem:s17+$0xF30];
	v2 =	vadd.f32 v5, v2  }
0x418: {  	v54 =	vld [tilespmem:s17+$0x1410]  }
0x419: {  	v55 =	vld [tilespmem:s17+$0x1420];
	v2 =	vadd.f32 v7, v2  }
0x41a: {  	v56 =	vld [tilespmem:s17+$0x1430]  }
0x41b: {  	v57 =	vld [tilespmem:s17+$0x1690];
	v4 =	vadd.f32 v6, v4;
	v2 =	vadd.f32 v9, v2  }
0x41c: {  	v58 =	vld [tilespmem:s17+$0x16A0];
	v8 =	vadd.f32 v10, v8;
	v9 =	vadd.f32 v52, v50  }
0x41d: {  	v59 =	vld [tilespmem:s17+$0x1920];
	v4 =	vadd.f32 v16, v4;
	v2 =	vadd.f32 v11, v2  }
0x41e: {  	v3 =	vld [tilespmem:s17+$0xC90];
	v8 =	vadd.f32 v18, v8;
	v9 =	vadd.f32 v20, v9  }
0x41f: {  	v5 =	vld [tilespmem:s17+$0xCB0];
	v4 =	vadd.f32 v22, v4;
	v2 =	vadd.f32 v51, v2  }
0x420: {  	v6 =	vld [tilespmem:s17+$0x1190];
	v8 =	vadd.f32 v24, v8;
	v9 =	vadd.f32 v26, v9  }
0x421: {  	v7 =	vld [tilespmem:s17+$0xF20];
	v4 =	vadd.f32 v28, v4;
	v2 =	vadd.f32 v53, v2  }
0x422: {  	v10 =	vld [tilespmem:s17+$0x11A0];
	v8 =	vadd.f32 v30, v8;
	v9 =	vadd.f32 v32, v9  }
0x423: {  	v11 =	vld [tilespmem:s17+$0x11B0];
	v3 =	vadd.f32 v3, v4;
	v2 =	vadd.f32 v17, v2  }
0x424: {  	v60 =	vld [tilespmem:s17+$0x1E10];
	v8 =	vadd.f32 v33, v8;
	v5 =	vadd.f32 v5, v9  }
0x425: {  	v61 =	vld [tilespmem:s17+$0x1E20];
	v3 =	vadd.f32 v34, v3;
	v2 =	vadd.f32 v19, v2  }
0x426: {  	v4 =	vld [tilespmem:s17+$0x16B0];
	v7 =	vadd.f32 v7, v8;
	v5 =	vadd.f32 v35, v5  }
0x427: {  	v8 =	vld [tilespmem:s17+$0x1930];
	v3 =	vadd.f32 v6, v3;
	v2 =	vadd.f32 v21, v2  }
0x428: {  	v7 =	vadd.f32 v10, v7;
	v9 =	vld [tilespmem:s17+$0x1910];
	v5 =	vadd.f32 v11, v5  }
0x429: {  	v6 =	vld [tilespmem:s17+$0x1B90];
	v3 =	vadd.f32 v54, v3;
	v2 =	vadd.f32 v23, v2  }
0x42a: {  	v10 =	vld [tilespmem:s17+$0x1BA0];
	v7 =	vadd.f32 v55, v7;
	v5 =	vadd.f32 v56, v5  }
0x42b: {  	v3 =	vadd.f32 v57, v3;
	v11 =	vld [tilespmem:s17+$0x1BB0];
	v2 =	vadd.f32 v25, v2  }
0x42c: {  	v62 =	vld [tilespmem:s17+$0x20A0];
	v7 =	vadd.f32 v58, v7;
	v4 =	vadd.f32 v4, v5  }
0x42d: {  	v3 =	vadd.f32 v9, v3;
	v5 =	vld [tilespmem:s17+$0x1E30];
	v2 =	vadd.f32 v27, v2  }
0x42e: {  	v7 =	vadd.f32 v59, v7;
	v9 =	vld [tilespmem:s17+$0x2090];
	v4 =	vadd.f32 v8, v4  }
0x42f: {  	v63 =	vld [tilespmem:s17+$0x20B0];
	v6 =	vadd.f32 v6, v3;
	v2 =	vadd.f32 v29, v2  }
0x430: {  	v7 =	vadd.f32 v10, v7;
	v3 =	vld [tilespmem:s17+$0x2310];
	v4 =	vadd.f32 v11, v4  }
0x431: {  	v6 =	vadd.f32 v60, v6;
	v10 =	vadd.f32 v31, v2;
	v2 =	vld [tilespmem:s17+$0x2320]  }
0x432: {  	v7 =	vadd.f32 v61, v7;
	v11 =	vadd.f32 v5, v4;
	v4 =	vld [tilespmem:s17+$0x2330]  }
0x433: {  	v8 =	vadd.f32 v9, v6;
	v5 =	vld [tilespmem:s17+$0x2590]  }
0x434: {  	s11 =	simm.s32 $0x9D00;
	v7 =	vadd.f32 v62, v7;
	v6 =	vld [tilespmem:s17+$0x25A0];
	[tilespmem:s17+$0x0] =	vst v10;
	v9 =	vadd.f32 v63, v11  }
.LBB2_26:
0x435: {  	s10 =	sadd.s32 $0x40, s10;
	v3 =	vadd.f32 v3, v8;
	v8 =	vld [tilespmem:s17+$0x25B0];
	s11 =	sadd.s32 $0x40, s11  }
0x436: {  	v10 =	vld [tilespmem:s11+$0x0];
	s12 =	sand.u32 $0x3C0, s10;
	p1 =	slt.u32 s10, $0x240;
	v2 =	vadd.f32 v2, v7  }
0x437: {  	v7 =	vld [tilespmem:s12+$0x9F80];
	v4 =	vadd.f32 v4, v9  }
0x438: {  	v9 =	vld [tilespmem:s11+$0x10];
	v3 =	vadd.f32 v5, v3  }
0x439: {  	v5 =	vld [tilespmem:s12+$0xA200];
	v2 =	vadd.f32 v6, v2  }
0x43a: {  	v6 =	vld [tilespmem:s11+$0x290];
	[tilespmem:s17+$0x10] =	vst v3;
	v3 =	vadd.f32 v8, v4  }
0x43b: {  	v4 =	vld [tilespmem:s12+$0xA480];
	[tilespmem:s17+$0x20] =	vst v2  }
0x43c: {  	v2 =	vadd.f32 v7, v10;
	v7 =	vld [tilespmem:s11+$0x20];
	[tilespmem:s17+$0x30] =	vst v3;
	s17 =	smov.u32 s11  }
0x43d: {  	v3 =	vld [tilespmem:s12+$0xA700]  }
0x43e: {  	v2 =	vadd.f32 v5, v2;
	v5 =	vld [tilespmem:s11+$0x2A0]  }
0x43f: {  	v8 =	vld [tilespmem:s12+$0xA980];
	v6 =	vadd.f32 v6, v9  }
0x440: {  	v2 =	vadd.f32 v4, v2;
	v4 =	vld [tilespmem:s11+$0x30]  }
0x441: {  	v9 =	vld [tilespmem:s12+$0xAC00]  }
0x442: {  	v2 =	vadd.f32 v3, v2;
	v3 =	vld [tilespmem:s11+$0x2B0]  }
0x443: {  	v10 =	vld [tilespmem:s12+$0xAE80];
	v5 =	vadd.f32 v5, v7  }
0x444: {  	v2 =	vadd.f32 v8, v2;
	v7 =	vld [tilespmem:s11+$0x510]  }
0x445: {  	v8 =	vld [tilespmem:s12+$0xB100]  }
0x446: {  	v2 =	vadd.f32 v9, v2;
	v9 =	vld [tilespmem:s11+$0x520]  }
0x447: {  	v11 =	vld [tilespmem:s12+$0xB380];
	v3 =	vadd.f32 v3, v4  }
0x448: {  	v2 =	vadd.f32 v10, v2;
	v4 =	vld [tilespmem:s11+$0x530]  }
0x449: {  	v10 =	vld [tilespmem:s12+$0xB600];
	v6 =	vadd.f32 v7, v6  }
0x44a: {  	v2 =	vadd.f32 v8, v2;
	v7 =	vld [tilespmem:s11+$0x790]  }
0x44b: {  	v8 =	vld [tilespmem:s12+$0xB880];
	v5 =	vadd.f32 v9, v5  }
0x44c: {  	v2 =	vadd.f32 v11, v2;
	v9 =	vld [tilespmem:s11+$0x7A0]  }
0x44d: {  	v11 =	vld [tilespmem:s12+$0xBB00];
	v3 =	vadd.f32 v4, v3  }
0x44e: {  	v2 =	vadd.f32 v10, v2;
	v4 =	vld [tilespmem:s11+$0x7B0]  }
0x44f: {  	v10 =	vld [tilespmem:s12+$0xBD80];
	v6 =	vadd.f32 v7, v6  }
0x450: {  	v2 =	vadd.f32 v8, v2;
	v7 =	vld [tilespmem:s11+$0xA10]  }
0x451: {  	v8 =	vld [tilespmem:s12+$0xC000];
	v5 =	vadd.f32 v9, v5  }
0x452: {  	v2 =	vadd.f32 v11, v2;
	v9 =	vld [tilespmem:s11+$0xA20]  }
0x453: {  	v11 =	vld [tilespmem:s12+$0xC280];
	v3 =	vadd.f32 v4, v3  }
0x454: {  	v2 =	vadd.f32 v10, v2;
	v4 =	vld [tilespmem:s11+$0xA30]  }
0x455: {  	v6 =	vadd.f32 v7, v6;
	v7 =	vld [tilespmem:s11+$0xC90]  }
0x456: {  	v2 =	vadd.f32 v8, v2;
	v8 =	vld [tilespmem:s11+$0xCA0]  }
0x457: {  	v5 =	vadd.f32 v9, v5;
	v9 =	vld [tilespmem:s11+$0xCB0]  }
0x458: {  	v2 =	vadd.f32 v11, v2;
	v10 =	vld [tilespmem:s11+$0xF10]  }
0x459: {  	v11 =	vld [tilespmem:s11+$0xF20];
	v3 =	vadd.f32 v4, v3  }
0x45a: {  	[tilespmem:s11+$0x0] =	vst v2;
	v2 =	vadd.f32 v7, v6;
	v4 =	vld [tilespmem:s11+$0xF30]  }
0x45b: {  	v6 =	vld [tilespmem:s11+$0x1190];
	v5 =	vadd.f32 v8, v5  }
0x45c: {  	v7 =	vld [tilespmem:s11+$0x11A0];
	v3 =	vadd.f32 v9, v3  }
0x45d: {  	v2 =	vadd.f32 v10, v2;
	v8 =	vld [tilespmem:s11+$0x11B0]  }
0x45e: {  	v9 =	vld [tilespmem:s11+$0x1410];
	v5 =	vadd.f32 v11, v5  }
0x45f: {  	v10 =	vld [tilespmem:s11+$0x1420];
	v3 =	vadd.f32 v4, v3  }
0x460: {  	v2 =	vadd.f32 v6, v2;
	v4 =	vld [tilespmem:s11+$0x1430]  }
0x461: {  	v6 =	vld [tilespmem:s11+$0x1690];
	v5 =	vadd.f32 v7, v5  }
0x462: {  	v7 =	vld [tilespmem:s11+$0x16A0];
	v3 =	vadd.f32 v8, v3  }
0x463: {  	v2 =	vadd.f32 v9, v2;
	v8 =	vld [tilespmem:s11+$0x16B0]  }
0x464: {  	v9 =	vld [tilespmem:s11+$0x1910];
	v5 =	vadd.f32 v10, v5  }
0x465: {  	v10 =	vld [tilespmem:s11+$0x1920];
	v3 =	vadd.f32 v4, v3  }
0x466: {  	v2 =	vadd.f32 v6, v2;
	v4 =	vld [tilespmem:s11+$0x1930]  }
0x467: {  	v6 =	vld [tilespmem:s11+$0x1B90];
	v5 =	vadd.f32 v7, v5  }
0x468: {  	v7 =	vld [tilespmem:s11+$0x1BA0];
	v3 =	vadd.f32 v8, v3  }
0x469: {  	v2 =	vadd.f32 v9, v2;
	v8 =	vld [tilespmem:s11+$0x1BB0]  }
0x46a: {  	v9 =	vld [tilespmem:s11+$0x1E10];
	v5 =	vadd.f32 v10, v5  }
0x46b: {  	v10 =	vld [tilespmem:s11+$0x1E20];
	v3 =	vadd.f32 v4, v3  }
0x46c: {  	v2 =	vadd.f32 v6, v2;
	v4 =	vld [tilespmem:s11+$0x1E30]  }
0x46d: {  	v6 =	vld [tilespmem:s11+$0x2090];
	v5 =	vadd.f32 v7, v5  }
0x46e: {  	v7 =	vld [tilespmem:s11+$0x20A0];
	v8 =	vadd.f32 v8, v3  }
0x46f: {  	v9 =	vadd.f32 v9, v2;
	v11 =	vld [tilespmem:s11+$0x20B0]  }
.Ltmp12:
0x470: {  	v3 =	vld [tilespmem:s11+$0x2310];
	v10 =	vadd.f32 v10, v5;
	(pc) =	sbr.rel @p1 .LBB2_26-.Ltmp12, $4  }
0x471: {  	v2 =	vld [tilespmem:s11+$0x2320];
	v12 =	vadd.f32 v4, v8  }
0x472: {  	v8 =	vadd.f32 v6, v9;
	v4 =	vld [tilespmem:s11+$0x2330]  }
0x473: {  	v5 =	vld [tilespmem:s11+$0x2590];
	v7 =	vadd.f32 v7, v10  }
0x474: {  	v6 =	vld [tilespmem:s11+$0x25A0];
	v9 =	vadd.f32 v11, v12  }
0x475: {  	v10 =	vld [tilespmem:s17+$0x25B0]  }
0x476: {  	v3 =	vadd.f32 v3, v8  }
0x477: {  	v2 =	vadd.f32 v2, v7  }
0x478: {  	v4 =	vadd.f32 v4, v9;
	v3 =	vadd.f32 v5, v3  }
0x479: {  	v2 =	vadd.f32 v6, v2  }
0x47a: {  	[tilespmem:s17+$0x10] =	vst v3;
	v3 =	vadd.f32 v10, v4  }
0x47b: {  	[tilespmem:s17+$0x20] =	vst v2  }
0x47c: {  	[tilespmem:s17+$0x30] =	vst v3  }
0x47d: {  	s10 =	simm.s32 @!p0 $0x0;
	s11 =	simm.s32 @!p0 $0x9D00;
	s12 =	rddreg [dreg:$0x13]  }
0x47e: {  	[hbm4b:s12+s10] =	stream.linear.scatter @!p0 [tilespmem:s11], [sflag:$0x2], $0x280, $0x38;
	[tilespmem:$0x1DE00] =	vst v63  }
0x47f: {  	s10 =	simm.s32 @!p0 $0x2  }
0x480: {  	_ =	swait.ge @!p0 [sflag:s10], $0x280  }
0x481: {  	s5 =	sadd.s32 $0x1, s5;
	s29 =	rddreg [dreg:$0x14]  }
0x482: {  	p1 =	sne.s32 s5, s29  }
.Ltmp13:
0x483: {  	_ = 	snop;
	(pc) =	sbr.rel @p1 .LBB2_1-.Ltmp13, $3  }
0x484: {  	_ =	sdelay $0x1  }
0x485: {  	[sflag:s10] =	ssyncset.done @!p0 $0x0  }
0x486: {  	[sflag:s10] =	ssyncadd.s32 @!p0 $0xFFFFFD80  }
0x487: {  	_ =	sfence.sel $0x180000  }
0x488: {  	[bflag:$0x0] =	sbarrier.arrive $0xFFFF  }
0x489: {  	_ =	strace $0x90000047  }
0x48a: {  	s0 =	stileid.u32;
	[bflag:$0x2] =	sbarrier.arrive $0xFFFF  }
0x48b: {  	p0 =	sne.s32 s0, $0x0;
	s0 =	rddreg [dreg:$0x5]  }
0x48c: {  	s0 =	sadd.s32 @!p0 $0x100000, s0  }
0x48d: {  	[sflag:s0] =	ssyncadd.tile.s32 @!p0 $0x1;
	_ =	shalt  }
.Lfunc_end2:
_tile_overlayer_lowered:
.L_overlay_start_2:
0x48e: {  	(tag) =	ssettag $0x2  }
0x48f: {  	s0 =	rddreg [dreg:$0x0];
	s2 =	stileid.u32  }
0x490: {  	s1 =	rddreg [dreg:$0x1];
	p0 =	sne.s32 s2, $0x0  }
0x491: {  	s3 =	rddreg [dreg:$0x2];
	[bflag:$0x3] =	sbarrier.arrive $0xFFFF;
	s2 =	simm.s32 @!p0 $0x1C02  }
0x492: {  	[timem:s3], [sflag:s2] =	dma.local @!p0 [hbm:s0], s1  }
0x493: {  	s0 =	simm.s32 @!p0 $0x2  }
0x494: {  	_ =	swait.ge @!p0 [sflag:s0], s1  }
0x495: {  	s1 =	ssub.s32 @!p0 $0x0, s1;
	[sflag:s0] =	ssyncset.done @!p0 $0x0  }
0x496: {  	[sflag:s0] =	ssyncadd.s32 @!p0 s1  }
0x497: {  	[bflag:$0x3] =	sbarrier.arrive $0xFFFF  }
0x498: {  	_ =	shalt  }

</sc_bundles>
